<compile_context>
chip_gen: v7x
topology: tpu7x:2x2x1
jax: 0.10.2.dev20260603
libtpu: 0.0.44.dev20260713+nightly
codegen_flags: <defaults>
</compile_context>

<pallas_src>
import functools

import jax
import jax.numpy as jnp
from jax import lax
from jax.experimental import pallas as pl
from jax.experimental.pallas import tpu as pltpu
from jax.experimental.pallas import tpu_sc as plsc

N = 10000
NP = 10240
E = 320000
D = 128
H = 256
HH = H // 2

NTILE = 16
ROWS_PER_TILE = NP // NTILE
CH = 128
WPT = 160
EPT = CH * WPT
CH_PAD = EPT - E // NTILE
ICH = 2560
IWIN = ICH // CH
NCHUNK = EPT // ICH

DEG_PER_TILE = NP // NTILE
DEG_EDGES_PER_TILE = EPT // 2
DEG_NWIN = DEG_EDGES_PER_TILE // CH

R = 1280
GB = NP // R

_sc_mesh = plsc.VectorSubcoreMesh(core_axis_name="c", subcore_axis_name="s")



@functools.partial(
    pl.kernel,
    out_type=jax.ShapeDtypeStruct((2 * NP,), jnp.float32),
    mesh=_sc_mesh,
    scratch_types=[
        pltpu.VMEM_SHARED((NP,), jnp.float32),
        pltpu.VMEM((DEG_EDGES_PER_TILE,), jnp.int32),
        pltpu.VMEM((CH,), jnp.float32),
        pltpu.VMEM((DEG_PER_TILE,), jnp.float32),
        pltpu.SemaphoreType.DMA,
    ],
)
def _deg_sc(dst_ref, part_ref, acc, idxb, ones_b, zbuf, ssem):
    c = lax.axis_index("c")
    sid = lax.axis_index("s")

    def fill_z(i, _):
        zbuf[pl.ds(i * 16, 16)] = jnp.zeros((16,), jnp.float32)
        return 0

    lax.fori_loop(0, DEG_PER_TILE // 16, fill_z, 0)

    def fill_o(i, _):
        ones_b[pl.ds(i * 16, 16)] = jnp.ones((16,), jnp.float32)
        return 0

    lax.fori_loop(0, CH // 16, fill_o, 0)

    base = pl.multiple_of(sid * EPT + c * DEG_EDGES_PER_TILE, 8)
    pltpu.sync_copy(dst_ref.at[pl.ds(base, DEG_EDGES_PER_TILE)], idxb)

    my0 = pl.multiple_of(sid * DEG_PER_TILE, 8)
    pltpu.sync_copy(zbuf, acc.at[pl.ds(my0, DEG_PER_TILE)])
    plsc.subcore_barrier()

    def win(w, _):
        idx = idxb.at[pl.ds(pl.multiple_of(w * CH, 8), CH)]
        pltpu.async_copy(ones_b, acc.at[idx], ssem, add=True)
        return 0

    lax.fori_loop(0, DEG_NWIN, win, 0)

    def drain(w, _):
        idx = idxb.at[pl.ds(0, CH)]
        pltpu.make_async_copy(ones_b, acc.at[idx], ssem).wait()
        return 0

    lax.fori_loop(0, DEG_NWIN, drain, 0)
    plsc.subcore_barrier()
    out0 = pl.multiple_of(c * NP + sid * DEG_PER_TILE, 8)
    pltpu.sync_copy(acc.at[pl.ds(my0, DEG_PER_TILE)],
                    part_ref.at[pl.ds(out0, DEG_PER_TILE)])


@functools.partial(
    pl.kernel,
    out_type=jax.ShapeDtypeStruct((2 * NP, HH), jnp.float32),
    mesh=_sc_mesh,
    scratch_types=[
        pltpu.VMEM_SHARED((NP, HH), jnp.float32),
        pltpu.VMEM((ICH,), jnp.int32),
        pltpu.VMEM((ICH,), jnp.int32),
        pltpu.VMEM((ICH,), jnp.int32),
        pltpu.VMEM((ICH,), jnp.int32),
        pltpu.VMEM((CH, HH), jnp.float32),
        pltpu.VMEM((CH, HH), jnp.float32),
        pltpu.SemaphoreType.DMA,
        pltpu.SemaphoreType.DMA,
        pltpu.SemaphoreType.DMA,
        pltpu.SemaphoreType.DMA,
        pltpu.SemaphoreType.DMA,
    ],
)
def _conv_sc(gcat_ref, src2_ref, dst2_ref, scat_ref, acc, sbuf0, dbuf0,
             sbuf1, dbuf1, buf0, buf1, sem0, sem1, ssem0, ssem1, isem):
    c = lax.axis_index("c")
    sid = lax.axis_index("s")

    r0 = pl.multiple_of(sid * ROWS_PER_TILE, 8)
    grow0 = pl.multiple_of(c * NP + sid * ROWS_PER_TILE, 8)
    ebase = pl.multiple_of((c * NTILE + sid) * EPT, 8)

    pltpu.sync_copy(gcat_ref.at[pl.ds(grow0, ROWS_PER_TILE)],
                    acc.at[pl.ds(r0, ROWS_PER_TILE)])
    plsc.subcore_barrier()

    def prefetch(k, sb, db):
        eoff = pl.multiple_of(ebase + k * ICH, 8)
        pltpu.async_copy(src2_ref.at[pl.ds(eoff, ICH)], sb, isem)
        pltpu.async_copy(dst2_ref.at[pl.ds(eoff, ICH)], db, isem)

    def iwait(sb, db):
        pltpu.make_async_copy(src2_ref.at[pl.ds(ebase, ICH)], sb, isem).wait()
        pltpu.make_async_copy(dst2_ref.at[pl.ds(ebase, ICH)], db, isem).wait()

    def run_windows(sbuf, dbuf):
        def gather(w, buf, sem):
            idx = sbuf.at[pl.ds(pl.multiple_of(w * CH, 8), CH)]
            pltpu.async_copy(gcat_ref.at[idx], buf, sem)

        def scat_add(w, buf, sem):
            idx = dbuf.at[pl.ds(pl.multiple_of(w * CH, 8), CH)]
            pltpu.async_copy(buf, acc.at[idx], sem, add=True)

        def gwait(buf, sem):
            pltpu.make_async_copy(gcat_ref.at[sbuf.at[pl.ds(0, CH)]],
                                  buf, sem).wait()

        def swait(buf, sem):
            pltpu.make_async_copy(buf, acc.at[dbuf.at[pl.ds(0, CH)]],
                                  sem).wait()

        gather(0, buf0, sem0)
        gather(1, buf1, sem1)

        def win2(i, _):
            w = i * 2
            gwait(buf0, sem0)
            scat_add(w, buf0, ssem0)
            gwait(buf1, sem1)
            scat_add(w + 1, buf1, ssem1)

            @pl.when(w + 2 < IWIN)
            def _():
                swait(buf0, ssem0)
                gather(w + 2, buf0, sem0)
                swait(buf1, ssem1)
                gather(w + 3, buf1, sem1)

            return 0

        lax.fori_loop(0, IWIN // 2, win2, 0)
        swait(buf0, ssem0)
        swait(buf1, ssem1)

    pltpu.sync_copy(src2_ref.at[pl.ds(ebase, ICH)], sbuf0)
    pltpu.sync_copy(dst2_ref.at[pl.ds(ebase, ICH)], dbuf0)

    def chunk2(k2, _):
        k = k2 * 2
        prefetch(k + 1, sbuf1, dbuf1)
        run_windows(sbuf0, dbuf0)
        iwait(sbuf1, dbuf1)

        @pl.when(k + 2 < NCHUNK)
        def _():
            prefetch(k + 2, sbuf0, dbuf0)

        run_windows(sbuf1, dbuf1)

        @pl.when(k + 2 < NCHUNK)
        def _():
            iwait(sbuf0, dbuf0)

        return 0

    lax.fori_loop(0, NCHUNK // 2, chunk2, 0)
    plsc.subcore_barrier()
    pltpu.sync_copy(acc.at[pl.ds(r0, ROWS_PER_TILE)],
                    scat_ref.at[pl.ds(grow0, ROWS_PER_TILE)])



def _t1a_body(x_ref, nu_ref, wga_ref, bga_ref, wgb_ref,
              bgb_ref, w1_ref, b1_ref, u_ref):
    nu = nu_ref[0, 0]
    t = jnp.maximum(nu * wga_ref[...] + bga_ref[...], 0.0)
    logits = jnp.dot(t, wgb_ref[...], preferred_element_type=jnp.float32)
    logits = logits + bgb_ref[...]
    m = jnp.max(logits, axis=-1, keepdims=True)
    ex = jnp.exp(logits - m)
    fw = ex / jnp.sum(ex, axis=-1, keepdims=True)
    h0 = x_ref[...] * fw
    u = jnp.dot(h0, w1_ref[...], preferred_element_type=jnp.float32)
    u_ref[...] = u + b1_ref[...]


def _t1b_body(u_ref, d0_ref, d1_ref, g_ref, dis_ref):
    deg = d0_ref[...] + d1_ref[...] + 1.0
    dis = lax.rsqrt(jnp.maximum(deg, 1.0))
    dis_ref[...] = dis
    g = u_ref[...] * dis
    g_ref[0] = g[:, :HH]
    g_ref[1] = g[:, HH:]


def _t23_body(s_ref, dis_ref, w_ref, b_ref, g_ref):
    dis = dis_ref[...]
    s_full = jnp.concatenate([s_ref[0], s_ref[1]], axis=1)
    h = jnp.maximum(s_full * dis, 0.0)
    u = jnp.dot(h, w_ref[...], preferred_element_type=jnp.float32)
    u = u + b_ref[...]
    g = u * dis
    g_ref[0] = g[:, :HH]
    g_ref[1] = g[:, HH:]


def _t4_body(s_ref, dis_ref, nu_ref, wa1h_ref, wa1nu_ref, ba1_ref, wa2_ref,
             ba2_ref, wo1_ref, bo1_ref, wo2_ref, bo2_ref, out_ref):
    dis = dis_ref[...]
    h3 = jnp.concatenate([s_ref[0], s_ref[1]], axis=1) * dis
    nu = nu_ref[0, 0]
    a = jnp.dot(h3, wa1h_ref[...], preferred_element_type=jnp.float32)
    a = jnp.maximum(a + nu * wa1nu_ref[...] + ba1_ref[...], 0.0)
    att_l = jnp.dot(a, wa2_ref[...], preferred_element_type=jnp.float32)
    att = jax.nn.sigmoid(att_l + ba2_ref[...])
    ah = h3 * att
    z = jnp.dot(ah, wo1_ref[...], preferred_element_type=jnp.float32)
    z = jnp.maximum(z + bo1_ref[...], 0.0)
    o = jnp.dot(z, wo2_ref[...], preferred_element_type=jnp.float32)
    out_ref[...] = jax.nn.sigmoid(o + bo2_ref[...])


def _full(shape):
    return pl.BlockSpec(shape, lambda i: tuple(0 for _ in shape))


_t1a = pl.pallas_call(
    _t1a_body,
    grid=(GB,),
    in_specs=[
        pl.BlockSpec((R, D), lambda i: (i, 0)),
        _full((1, 1)),
        _full((1, 32)),
        _full((1, 32)),
        _full((32, D)),
        _full((1, D)),
        _full((D, H)),
        _full((1, H)),
    ],
    out_specs=pl.BlockSpec((R, H), lambda i: (i, 0)),
    out_shape=jax.ShapeDtypeStruct((NP, H), jnp.float32),
)

_t1b = pl.pallas_call(
    _t1b_body,
    grid=(GB,),
    in_specs=[
        pl.BlockSpec((R, H), lambda i: (i, 0)),
        pl.BlockSpec((R, 1), lambda i: (i, 0)),
        pl.BlockSpec((R, 1), lambda i: (i, 0)),
    ],
    out_specs=[
        pl.BlockSpec((2, R, HH), lambda i: (0, i, 0)),
        pl.BlockSpec((R, 1), lambda i: (i, 0)),
    ],
    out_shape=[
        jax.ShapeDtypeStruct((2, NP, HH), jnp.float32),
        jax.ShapeDtypeStruct((NP, 1), jnp.float32),
    ],
)

_t23 = pl.pallas_call(
    _t23_body,
    grid=(GB,),
    in_specs=[
        pl.BlockSpec((2, R, HH), lambda i: (0, i, 0)),
        pl.BlockSpec((R, 1), lambda i: (i, 0)),
        _full((H, H)),
        _full((1, H)),
    ],
    out_specs=pl.BlockSpec((2, R, HH), lambda i: (0, i, 0)),
    out_shape=jax.ShapeDtypeStruct((2, NP, HH), jnp.float32),
)

_t4 = pl.pallas_call(
    _t4_body,
    grid=(GB,),
    in_specs=[
        pl.BlockSpec((2, R, HH), lambda i: (0, i, 0)),
        pl.BlockSpec((R, 1), lambda i: (i, 0)),
        _full((1, 1)),
        _full((H, HH)),
        _full((1, HH)),
        _full((1, HH)),
        _full((HH, 1)),
        _full((1, 1)),
        _full((H, HH)),
        _full((1, HH)),
        _full((HH, 1)),
        _full((1, 1)),
    ],
    out_specs=pl.BlockSpec((R, 1), lambda i: (i, 0)),
    out_shape=jax.ShapeDtypeStruct((N, 1), jnp.float32),
)


def _eb_body(ei_ref, ps_ref, pd_ref, src2_ref, dst2_ref):
    i = pl.program_id(0)
    off = jnp.where(i >= 4, NP, 0).astype(jnp.int32)
    ept0 = E // NTILE
    for t in range(4):
        src2_ref[pl.ds(t * EPT, ept0)] = ei_ref[0, pl.ds(t * ept0, ept0)] + off
        dst2_ref[pl.ds(t * EPT, ept0)] = ei_ref[1, pl.ds(t * ept0, ept0)]
        src2_ref[pl.ds(t * EPT + ept0, CH_PAD)] = ps_ref[...] + off
        dst2_ref[pl.ds(t * EPT + ept0, CH_PAD)] = pd_ref[...]


_edge_build = pl.pallas_call(
    _eb_body,
    grid=(8,),
    in_specs=[
        pl.BlockSpec((2, 4 * (E // NTILE)), lambda i: (0, i % 4)),
        pl.BlockSpec((CH_PAD,), lambda i: (0,)),
        pl.BlockSpec((CH_PAD,), lambda i: (0,)),
    ],
    out_specs=[
        pl.BlockSpec((4 * EPT,), lambda i: (i,)),
        pl.BlockSpec((4 * EPT,), lambda i: (i,)),
    ],
    out_shape=[
        jax.ShapeDtypeStruct((2 * NTILE * EPT,), jnp.int32),
        jax.ShapeDtypeStruct((2 * NTILE * EPT,), jnp.int32),
    ],
)



def kernel(x, edge_index, nu, Wg_a, bg_a, Wg_b, bg_b, W1, b1, W2, b2, W3, b3,
           Wa1, ba1, Wa2, ba2, Wo1, bo1, Wo2, bo2):
    ei = edge_index.astype(jnp.int32)
    pad_s = jnp.arange(CH_PAD, dtype=jnp.int32) % N
    pad_d = N + jnp.arange(CH_PAD, dtype=jnp.int32) % (NP - N)
    src2, dst2 = _edge_build(ei, pad_s, pad_d)
    xp = jnp.pad(x, ((0, NP - N), (0, 0)))

    part = _deg_sc(dst2)
    d0 = part[0:NP].reshape(NP, 1)
    d1 = part[NP:2 * NP].reshape(NP, 1)

    nu2 = nu.reshape(1, 1)
    u1 = _t1a(xp, nu2, Wg_a, bg_a.reshape(1, 32), Wg_b,
              bg_b.reshape(1, D), W1, b1.reshape(1, H))
    g, dis = _t1b(u1, d0, d1)

    s = _conv_sc(g.reshape(2 * NP, HH), src2, dst2).reshape(2, NP, HH)
    g = _t23(s, dis, W2, b2.reshape(1, H))
    s = _conv_sc(g.reshape(2 * NP, HH), src2, dst2).reshape(2, NP, HH)
    g = _t23(s, dis, W3, b3.reshape(1, H))
    s = _conv_sc(g.reshape(2 * NP, HH), src2, dst2).reshape(2, NP, HH)

    out = _t4(s, dis, nu2, Wa1[:H], Wa1[H:H + 1], ba1.reshape(1, HH),
              Wa2, ba2.reshape(1, 1), Wo1, bo1.reshape(1, HH),
              Wo2, bo2.reshape(1, 1))
    return out

# --- scband reference (transcript-rebuilt; emitter-appended) ---
"""Pipeline reference for scband-nu-aware-uni-gcn-4750233830219 (READ-ONLY COPY).

The authoritative reference and input builder live on the scoring server;
editing this copy changes nothing except your own understanding.
"""

import jax, jax.numpy as jnp
import numpy as np

N = 10000
E = 320000
D = 128
H = 256

def setup_inputs(seed: int = 0):
    key = jax.random.key(seed)
    ks = jax.random.split(key, 16)
    s = 0.05
    inp = {}
    inp["x"] = jax.random.normal(ks[0], (N, D), dtype=jnp.float32)
    inp["edge_index"] = jax.random.randint(ks[1], (2, E), 0, N)
    inp["nu"] = jax.random.uniform(ks[2], (1,), dtype=jnp.float32)
    inp["Wg_a"] = jax.random.normal(ks[3], (1, 32), dtype=jnp.float32) * s
    inp["bg_a"] = jnp.zeros((32,), dtype=jnp.float32)
    inp["Wg_b"] = jax.random.normal(ks[4], (32, D), dtype=jnp.float32) * s
    inp["bg_b"] = jnp.zeros((D,), dtype=jnp.float32)
    inp["W1"] = jax.random.normal(ks[5], (D, H), dtype=jnp.float32) * s
    inp["b1"] = jnp.zeros((H,), dtype=jnp.float32)
    inp["W2"] = jax.random.normal(ks[6], (H, H), dtype=jnp.float32) * s
    inp["b2"] = jnp.zeros((H,), dtype=jnp.float32)
    inp["W3"] = jax.random.normal(ks[7], (H, H), dtype=jnp.float32) * s
    inp["b3"] = jnp.zeros((H,), dtype=jnp.float32)
    inp["Wa1"] = jax.random.normal(ks[8], (H + 1, H // 2), dtype=jnp.float32) * s
    inp["ba1"] = jnp.zeros((H // 2,), dtype=jnp.float32)
    inp["Wa2"] = jax.random.normal(ks[9], (H // 2, 1), dtype=jnp.float32) * s
    inp["ba2"] = jnp.zeros((1,), dtype=jnp.float32)
    inp["Wo1"] = jax.random.normal(ks[10], (H, H // 2), dtype=jnp.float32) * s
    inp["bo1"] = jnp.zeros((H // 2,), dtype=jnp.float32)
    inp["Wo2"] = jax.random.normal(ks[11], (H // 2, 1), dtype=jnp.float32) * s
    inp["bo2"] = jnp.zeros((1,), dtype=jnp.float32)
    return inp

def _gcn_conv(h, W, b, src, dst, norm):
    h = h @ W + b
    msg = h[src] * norm[:, None]
    return jax.ops.segment_sum(msg, dst, num_segments=N)

def reference(x, edge_index, nu, Wg_a, bg_a, Wg_b, bg_b, W1, b1, W2, b2, W3, b3, Wa1, ba1, Wa2, ba2, Wo1, bo1, Wo2, bo2):
    loop = jnp.arange(N)
    src = jnp.concatenate([edge_index[0], loop])
    dst = jnp.concatenate([edge_index[1], loop])
    deg = jax.ops.segment_sum(jnp.ones_like(src, dtype=jnp.float32), dst, num_segments=N)
    dis = 1.0 / jnp.sqrt(jnp.clip(deg, 1.0))
    norm = dis[src] * dis[dst]
    nu_t = nu.reshape(1, 1)
    fw = jax.nn.softmax(jax.nn.relu(nu_t @ Wg_a + bg_a) @ Wg_b + bg_b, axis=-1)
    h = x * fw
    h = jax.nn.relu(_gcn_conv(h, W1, b1, src, dst, norm))
    h = jax.nn.relu(_gcn_conv(h, W2, b2, src, dst, norm))
    h = _gcn_conv(h, W3, b3, src, dst, norm)
    nu_exp = jnp.broadcast_to(nu_t, (h.shape[0], 1))
    att_in = jnp.concatenate([h, nu_exp], axis=1)
    att = jax.nn.sigmoid(jax.nn.relu(att_in @ Wa1 + ba1) @ Wa2 + ba2)
    ah = h * att
    out = jax.nn.sigmoid(jax.nn.relu(ah @ Wo1 + bo1) @ Wo2 + bo2)
    return out

if __name__ == "__main__":
    import jax
    _d = setup_inputs()
    print(jax.jit(kernel)(*tuple(_d.values())))

</pallas_src>

<mosaic_0001>
#map = affine_map<(d0, d1) -> (0)>
module attributes {stable_mosaic.version = 14 : i64} {
  func.func @_deg_sc(%arg0: i32, %arg1: i32, %arg2: memref<655360xi32, #tpu.memory_space<hbm>>, %arg3: memref<20480xf32, #tpu.memory_space<hbm>>, %arg4: memref<10240xf32, #tpu.memory_space<vmem_shared>>, %arg5: memref<10240xi32, #tpu.memory_space<vmem>>, %arg6: memref<128xf32, #tpu.memory_space<vmem>>, %arg7: memref<640xf32, #tpu.memory_space<vmem>>, %arg8: memref<!tpu.dma_semaphore, #tpu.memory_space<semaphore_mem>>) attributes {dimension_semantics = [#tpu.dimension_semantics<core_parallel>, #tpu.dimension_semantics<subcore_parallel>], iteration_bounds = array<i64: 2, 16>, scalar_prefetch = 0 : i64, scratch_operands = 5 : i64, tpu.core_type = #tpu.core_type<sc_vector_subcore>, window_params = [{transform_indices = #map}, {transform_indices = #map}]} {
    %scan3A = arith.constant 0 : i32
    %scan3A_0 = arith.constant 0 : i32
    %scan3A_1 = arith.constant 40 : i32
    %scan3A_2 = arith.addi %scan3A_0, %scan3A_1 : i32
    %scan3A_3 = arith.constant 1 : i32
    %scan3A_4 = scf.for %scan3A_40 = %scan3A_0 to %scan3A_2 step %scan3A_3 iter_args(%scan3A_41 = %scan3A) -> (i32)  : i32 {
      %broadcast_in_dim3A = arith.constant 0.000000e+00 : f32
      %broadcast_in_dim3A_42 = vector.broadcast %broadcast_in_dim3A : f32 to vector<16xf32>
      %mul3A_43 = arith.constant 16 : i32
      %mul3A_44 = arith.muli %scan3A_40, %mul3A_43 : i32
      %swap3A = arith.index_cast %mul3A_44 : i32 to index
      %swap3A_45 = tpu.vector_load %arg7[%swap3A] {strides = array<i32>} : memref<640xf32, #tpu.memory_space<vmem>>, vector<16xf32>,
      %swap3A_46 = vector.shape_cast %swap3A_45 : vector<16xf32> to vector<16xf32>
      %swap3A_47 = vector.shape_cast %broadcast_in_dim3A_42 : vector<16xf32> to vector<16xf32>
      tpu.vector_store %arg7[%swap3A], %swap3A_47 {strides = array<i32>} : memref<640xf32, #tpu.memory_space<vmem>>, vector<16xf32>,
      %scan3A_48 = arith.constant 0 : i32
      scf.yield %scan3A_48 : i32
    }
    %scan3A_5 = arith.constant 40 : i32
    %scan3A_6 = arith.constant 0 : i32
    %scan3A_7 = arith.constant 0 : i32
    %scan3A_8 = arith.constant 8 : i32
    %scan3A_9 = arith.addi %scan3A_7, %scan3A_8 : i32
    %scan3A_10 = arith.constant 1 : i32
    %scan3A_11 = scf.for %scan3A_40 = %scan3A_7 to %scan3A_9 step %scan3A_10 iter_args(%scan3A_41 = %scan3A_6) -> (i32)  : i32 {
      %broadcast_in_dim3A = arith.constant 1.000000e+00 : f32
      %broadcast_in_dim3A_42 = vector.broadcast %broadcast_in_dim3A : f32 to vector<16xf32>
      %mul3A_43 = arith.constant 16 : i32
      %mul3A_44 = arith.muli %scan3A_40, %mul3A_43 : i32
      %swap3A = arith.index_cast %mul3A_44 : i32 to index
      %swap3A_45 = tpu.vector_load %arg6[%swap3A] {strides = array<i32>} : memref<128xf32, #tpu.memory_space<vmem>>, vector<16xf32>,
      %swap3A_46 = vector.shape_cast %swap3A_45 : vector<16xf32> to vector<16xf32>
      %swap3A_47 = vector.shape_cast %broadcast_in_dim3A_42 : vector<16xf32> to vector<16xf32>
      tpu.vector_store %arg6[%swap3A], %swap3A_47 {strides = array<i32>} : memref<128xf32, #tpu.memory_space<vmem>>, vector<16xf32>,
      %scan3A_48 = arith.constant 0 : i32
      scf.yield %scan3A_48 : i32
    }
    %scan3A_12 = arith.constant 8 : i32
    %mul3A = arith.constant 20480 : i32
    %mul3A_13 = arith.muli %arg1, %mul3A : i32
    %mul3A_14 = arith.constant 10240 : i32
    %mul3A_15 = arith.muli %arg0, %mul3A_14 : i32
    %add3A = arith.addi %mul3A_13, %mul3A_15 : i32
    %multiple_of3A = tpu.assume_multiple %add3A, 8 : i32
    "tpu.region"() ({
      %run_scoped3A = tpu.sem_alloc : memref<!tpu.dma_semaphore, #tpu.memory_space<semaphore_mem>>
      %dma_start3A = tpu.memref_slice %arg2[%multiple_of3A] : memref<655360xi32, #tpu.memory_space<hbm>> -> memref<10240xi32, #tpu.memory_space<hbm>>
      %dma_start3A_40 = tpu.memref_slice %arg2[%multiple_of3A] : memref<655360xi32, #tpu.memory_space<hbm>> -> memref<10240xi32, #tpu.memory_space<hbm>>
      tpu.enqueue_dma source(%dma_start3A_40 : memref<10240xi32, #tpu.memory_space<hbm>>) target(%arg5 : memref<10240xi32, #tpu.memory_space<vmem>>) target_semaphore(%run_scoped3A : memref<!tpu.dma_semaphore, #tpu.memory_space<semaphore_mem>>)
      %dma_wait3A = tpu.memref_slice %arg2[%multiple_of3A] : memref<655360xi32, #tpu.memory_space<hbm>> -> memref<10240xi32, #tpu.memory_space<hbm>>
      %dma_wait3A_41 = tpu.memref_slice %arg2[%multiple_of3A] : memref<655360xi32, #tpu.memory_space<hbm>> -> memref<10240xi32, #tpu.memory_space<hbm>>
      tpu.wait_dma2 semaphore(%run_scoped3A : memref<!tpu.dma_semaphore, #tpu.memory_space<semaphore_mem>>) src(%dma_wait3A_41 : memref<10240xi32, #tpu.memory_space<hbm>>) dst(%arg5 : memref<10240xi32, #tpu.memory_space<vmem>>)
      tpu.yield
    }) : () -> ()
    %mul3A_16 = arith.constant 640 : i32
    %mul3A_17 = arith.muli %arg1, %mul3A_16 : i32
    %multiple_of3A_18 = tpu.assume_multiple %mul3A_17, 8 : i32
    "tpu.region"() ({
      %run_scoped3A = tpu.sem_alloc : memref<!tpu.dma_semaphore, #tpu.memory_space<semaphore_mem>>
      %dma_start3A = tpu.memref_slice %arg4[%multiple_of3A_18] : memref<10240xf32, #tpu.memory_space<vmem_shared>> -> memref<640xf32, #tpu.memory_space<vmem_shared>>
      %dma_start3A_40 = tpu.memref_slice %arg4[%multiple_of3A_18] : memref<10240xf32, #tpu.memory_space<vmem_shared>> -> memref<640xf32, #tpu.memory_space<vmem_shared>>
      tpu.enqueue_dma source(%arg7 : memref<640xf32, #tpu.memory_space<vmem>>) target(%dma_start3A_40 : memref<640xf32, #tpu.memory_space<vmem_shared>>) target_semaphore(%run_scoped3A : memref<!tpu.dma_semaphore, #tpu.memory_space<semaphore_mem>>)
      %dma_wait3A = tpu.memref_slice %arg4[%multiple_of3A_18] : memref<10240xf32, #tpu.memory_space<vmem_shared>> -> memref<640xf32, #tpu.memory_space<vmem_shared>>
      %dma_wait3A_41 = tpu.memref_slice %arg4[%multiple_of3A_18] : memref<10240xf32, #tpu.memory_space<vmem_shared>> -> memref<640xf32, #tpu.memory_space<vmem_shared>>
      tpu.wait_dma2 semaphore(%run_scoped3A : memref<!tpu.dma_semaphore, #tpu.memory_space<semaphore_mem>>) src(%arg7 : memref<640xf32, #tpu.memory_space<vmem>>) dst(%dma_wait3A_41 : memref<640xf32, #tpu.memory_space<vmem_shared>>)
      tpu.yield
    }) : () -> ()
    %barrier3A = arith.constant 0 : index
    tpu.barrier barrier_id(%barrier3A)
    %scan3A_19 = arith.constant 0 : i32
    %scan3A_20 = arith.constant 0 : i32
    %scan3A_21 = arith.constant 80 : i32
    %scan3A_22 = arith.addi %scan3A_20, %scan3A_21 : i32
    %scan3A_23 = arith.constant 1 : i32
    %scan3A_24 = scf.for %scan3A_40 = %scan3A_20 to %scan3A_22 step %scan3A_23 iter_args(%scan3A_41 = %scan3A_19) -> (i32)  : i32 {
      %mul3A_42 = arith.constant 128 : i32
      %mul3A_43 = arith.muli %scan3A_40, %mul3A_42 : i32
      %multiple_of3A_44 = tpu.assume_multiple %mul3A_43, 8 : i32
      %dma_start3A = tpu.memref_slice %arg5[%multiple_of3A_44] : memref<10240xi32, #tpu.memory_space<vmem>> -> memref<128xi32, #tpu.memory_space<vmem>>
      %dma_start3A_45 = arith.constant 0 : i32
      %dma_start3A_46 = tpu.memref_slice %arg4[%dma_start3A_45] : memref<10240xf32, #tpu.memory_space<vmem_shared>> -> memref<10240xf32, #tpu.memory_space<vmem_shared>>
      tpu.enqueue_indirect_dma source(%arg6 : memref<128xf32, #tpu.memory_space<vmem>>) target(%dma_start3A_46 : memref<10240xf32, #tpu.memory_space<vmem_shared>>) offsets(%dma_start3A : memref<128xi32, #tpu.memory_space<vmem>>) semaphore(%arg8 : memref<!tpu.dma_semaphore, #tpu.memory_space<semaphore_mem>>) {add = true}
      %scan3A_47 = arith.constant 0 : i32
      scf.yield %scan3A_47 : i32
    }
    %scan3A_25 = arith.constant 80 : i32
    %scan3A_26 = arith.constant 0 : i32
    %scan3A_27 = arith.constant 0 : i32
    %scan3A_28 = arith.constant 80 : i32
    %scan3A_29 = arith.addi %scan3A_27, %scan3A_28 : i32
    %scan3A_30 = arith.constant 1 : i32
    %scan3A_31 = scf.for %scan3A_40 = %scan3A_27 to %scan3A_29 step %scan3A_30 iter_args(%scan3A_41 = %scan3A_26) -> (i32)  : i32 {
      %dma_wait3A = arith.constant 0 : i32
      %dma_wait3A_42 = tpu.memref_slice %arg5[%dma_wait3A] : memref<10240xi32, #tpu.memory_space<vmem>> -> memref<128xi32, #tpu.memory_space<vmem>>
      %dma_wait3A_43 = arith.constant 0 : i32
      %dma_wait3A_44 = tpu.memref_slice %arg4[%dma_wait3A_43] : memref<10240xf32, #tpu.memory_space<vmem_shared>> -> memref<10240xf32, #tpu.memory_space<vmem_shared>>
      tpu.wait_indirect_dma semaphore(%arg8 : memref<!tpu.dma_semaphore, #tpu.memory_space<semaphore_mem>>) src(%arg6 : memref<128xf32, #tpu.memory_space<vmem>>) dst(%dma_wait3A_44 : memref<10240xf32, #tpu.memory_space<vmem_shared>>)
      %scan3A_45 = arith.constant 0 : i32
      scf.yield %scan3A_45 : i32
    }
    %scan3A_32 = arith.constant 80 : i32
    %barrier3A_33 = arith.constant 0 : index
    tpu.barrier barrier_id(%barrier3A_33)
    %mul3A_34 = arith.constant 10240 : i32
    %mul3A_35 = arith.muli %arg0, %mul3A_34 : i32
    %mul3A_36 = arith.constant 640 : i32
    %mul3A_37 = arith.muli %arg1, %mul3A_36 : i32
    %add3A_38 = arith.addi %mul3A_35, %mul3A_37 : i32
    %multiple_of3A_39 = tpu.assume_multiple %add3A_38, 8 : i32
    "tpu.region"() ({
      %run_scoped3A = tpu.sem_alloc : memref<!tpu.dma_semaphore, #tpu.memory_space<semaphore_mem>>
      %dma_start3A = tpu.memref_slice %arg3[%multiple_of3A_39] : memref<20480xf32, #tpu.memory_space<hbm>> -> memref<640xf32, #tpu.memory_space<hbm>>
      %dma_start3A_40 = tpu.memref_slice %arg4[%multiple_of3A_18] : memref<10240xf32, #tpu.memory_space<vmem_shared>> -> memref<640xf32, #tpu.memory_space<vmem_shared>>
      tpu.enqueue_dma source(%dma_start3A_40 : memref<640xf32, #tpu.memory_space<vmem_shared>>) target(%dma_start3A : memref<640xf32, #tpu.memory_space<hbm>>) target_semaphore(%run_scoped3A : memref<!tpu.dma_semaphore, #tpu.memory_space<semaphore_mem>>)
      %dma_wait3A = tpu.memref_slice %arg3[%multiple_of3A_39] : memref<20480xf32, #tpu.memory_space<hbm>> -> memref<640xf32, #tpu.memory_space<hbm>>
      %dma_wait3A_41 = tpu.memref_slice %arg4[%multiple_of3A_18] : memref<10240xf32, #tpu.memory_space<vmem_shared>> -> memref<640xf32, #tpu.memory_space<vmem_shared>>
      tpu.wait_dma2 semaphore(%run_scoped3A : memref<!tpu.dma_semaphore, #tpu.memory_space<semaphore_mem>>) src(%dma_wait3A_41 : memref<640xf32, #tpu.memory_space<vmem_shared>>) dst(%dma_wait3A : memref<640xf32, #tpu.memory_space<hbm>>)
      tpu.yield
    }) : () -> ()
    return
  }
}

#map = affine_map<(d0, d1) -> (0, 0)>
#map1 = affine_map<(d0, d1) -> (0)>
module attributes {stable_mosaic.version = 14 : i64} {
  func.func @_conv_sc(%arg0: i32, %arg1: i32, %arg2: memref<20480x128xf32, #tpu.memory_space<hbm>>, %arg3: memref<655360xi32, #tpu.memory_space<hbm>>, %arg4: memref<655360xi32, #tpu.memory_space<hbm>>, %arg5: memref<20480x128xf32, #tpu.memory_space<hbm>>, %arg6: memref<10240x128xf32, #tpu.memory_space<vmem_shared>>, %arg7: memref<2560xi32, #tpu.memory_space<vmem>>, %arg8: memref<2560xi32, #tpu.memory_space<vmem>>, %arg9: memref<2560xi32, #tpu.memory_space<vmem>>, %arg10: memref<2560xi32, #tpu.memory_space<vmem>>, %arg11: memref<128x128xf32, #tpu.memory_space<vmem>>, %arg12: memref<128x128xf32, #tpu.memory_space<vmem>>, %arg13: memref<!tpu.dma_semaphore, #tpu.memory_space<semaphore_mem>>, %arg14: memref<!tpu.dma_semaphore, #tpu.memory_space<semaphore_mem>>, %arg15: memref<!tpu.dma_semaphore, #tpu.memory_space<semaphore_mem>>, %arg16: memref<!tpu.dma_semaphore, #tpu.memory_space<semaphore_mem>>, %arg17: memref<!tpu.dma_semaphore, #tpu.memory_space<semaphore_mem>>) attributes {dimension_semantics = [#tpu.dimension_semantics<core_parallel>, #tpu.dimension_semantics<subcore_parallel>], iteration_bounds = array<i64: 2, 16>, scalar_prefetch = 0 : i64, scratch_operands = 12 : i64, tpu.core_type = #tpu.core_type<sc_vector_subcore>, window_params = [{transform_indices = #map}, {transform_indices = #map1}, {transform_indices = #map1}, {transform_indices = #map}]} {
    %mul3A = arith.constant 640 : i32
    %mul3A_0 = arith.muli %arg1, %mul3A : i32
    %multiple_of3A = tpu.assume_multiple %mul3A_0, 8 : i32
    %mul3A_1 = arith.constant 10240 : i32
    %mul3A_2 = arith.muli %arg0, %mul3A_1 : i32
    %mul3A_3 = arith.constant 640 : i32
    %mul3A_4 = arith.muli %arg1, %mul3A_3 : i32
    %add3A = arith.addi %mul3A_2, %mul3A_4 : i32
    %multiple_of3A_5 = tpu.assume_multiple %add3A, 8 : i32
    %mul3A_6 = arith.constant 16 : i32
    %mul3A_7 = arith.muli %arg0, %mul3A_6 : i32
    %add3A_8 = arith.addi %mul3A_7, %arg1 : i32
    %mul3A_9 = arith.constant 20480 : i32
    %mul3A_10 = arith.muli %add3A_8, %mul3A_9 : i32
    %multiple_of3A_11 = tpu.assume_multiple %mul3A_10, 8 : i32
    "tpu.region"() ({
      %run_scoped3A = tpu.sem_alloc : memref<!tpu.dma_semaphore, #tpu.memory_space<semaphore_mem>>
      %dma_start3A = arith.constant 0 : i32
      %dma_start3A_19 = tpu.memref_slice %arg6[%multiple_of3A, %dma_start3A] : memref<10240x128xf32, #tpu.memory_space<vmem_shared>> -> memref<640x128xf32, #tpu.memory_space<vmem_shared>>
      %dma_start3A_20 = arith.constant 0 : i32
      %dma_start3A_21 = tpu.memref_slice %arg2[%multiple_of3A_5, %dma_start3A_20] : memref<20480x128xf32, #tpu.memory_space<hbm>> -> memref<640x128xf32, #tpu.memory_space<hbm>>
      tpu.enqueue_dma source(%dma_start3A_21 : memref<640x128xf32, #tpu.memory_space<hbm>>) target(%dma_start3A_19 : memref<640x128xf32, #tpu.memory_space<vmem_shared>>) target_semaphore(%run_scoped3A : memref<!tpu.dma_semaphore, #tpu.memory_space<semaphore_mem>>)
      %dma_wait3A = arith.constant 0 : i32
      %dma_wait3A_22 = tpu.memref_slice %arg6[%multiple_of3A, %dma_wait3A] : memref<10240x128xf32, #tpu.memory_space<vmem_shared>> -> memref<640x128xf32, #tpu.memory_space<vmem_shared>>
      %dma_wait3A_23 = arith.constant 0 : i32
      %dma_wait3A_24 = tpu.memref_slice %arg2[%multiple_of3A_5, %dma_wait3A_23] : memref<20480x128xf32, #tpu.memory_space<hbm>> -> memref<640x128xf32, #tpu.memory_space<hbm>>
      tpu.wait_dma2 semaphore(%run_scoped3A : memref<!tpu.dma_semaphore, #tpu.memory_space<semaphore_mem>>) src(%dma_wait3A_24 : memref<640x128xf32, #tpu.memory_space<hbm>>) dst(%dma_wait3A_22 : memref<640x128xf32, #tpu.memory_space<vmem_shared>>)
      tpu.yield
    }) : () -> ()
    %barrier3A = arith.constant 0 : index
    tpu.barrier barrier_id(%barrier3A)
    "tpu.region"() ({
      %run_scoped3A = tpu.sem_alloc : memref<!tpu.dma_semaphore, #tpu.memory_space<semaphore_mem>>
      %dma_start3A = tpu.memref_slice %arg3[%multiple_of3A_11] : memref<655360xi32, #tpu.memory_space<hbm>> -> memref<2560xi32, #tpu.memory_space<hbm>>
      %dma_start3A_19 = tpu.memref_slice %arg3[%multiple_of3A_11] : memref<655360xi32, #tpu.memory_space<hbm>> -> memref<2560xi32, #tpu.memory_space<hbm>>
      tpu.enqueue_dma source(%dma_start3A_19 : memref<2560xi32, #tpu.memory_space<hbm>>) target(%arg7 : memref<2560xi32, #tpu.memory_space<vmem>>) target_semaphore(%run_scoped3A : memref<!tpu.dma_semaphore, #tpu.memory_space<semaphore_mem>>)
      %dma_wait3A = tpu.memref_slice %arg3[%multiple_of3A_11] : memref<655360xi32, #tpu.memory_space<hbm>> -> memref<2560xi32, #tpu.memory_space<hbm>>
      %dma_wait3A_20 = tpu.memref_slice %arg3[%multiple_of3A_11] : memref<655360xi32, #tpu.memory_space<hbm>> -> memref<2560xi32, #tpu.memory_space<hbm>>
      tpu.wait_dma2 semaphore(%run_scoped3A : memref<!tpu.dma_semaphore, #tpu.memory_space<semaphore_mem>>) src(%dma_wait3A_20 : memref<2560xi32, #tpu.memory_space<hbm>>) dst(%arg7 : memref<2560xi32, #tpu.memory_space<vmem>>)
      tpu.yield
    }) : () -> ()
    "tpu.region"() ({
      %run_scoped3A = tpu.sem_alloc : memref<!tpu.dma_semaphore, #tpu.memory_space<semaphore_mem>>
      %dma_start3A = tpu.memref_slice %arg4[%multiple_of3A_11] : memref<655360xi32, #tpu.memory_space<hbm>> -> memref<2560xi32, #tpu.memory_space<hbm>>
      %dma_start3A_19 = tpu.memref_slice %arg4[%multiple_of3A_11] : memref<655360xi32, #tpu.memory_space<hbm>> -> memref<2560xi32, #tpu.memory_space<hbm>>
      tpu.enqueue_dma source(%dma_start3A_19 : memref<2560xi32, #tpu.memory_space<hbm>>) target(%arg8 : memref<2560xi32, #tpu.memory_space<vmem>>) target_semaphore(%run_scoped3A : memref<!tpu.dma_semaphore, #tpu.memory_space<semaphore_mem>>)
      %dma_wait3A = tpu.memref_slice %arg4[%multiple_of3A_11] : memref<655360xi32, #tpu.memory_space<hbm>> -> memref<2560xi32, #tpu.memory_space<hbm>>
      %dma_wait3A_20 = tpu.memref_slice %arg4[%multiple_of3A_11] : memref<655360xi32, #tpu.memory_space<hbm>> -> memref<2560xi32, #tpu.memory_space<hbm>>
      tpu.wait_dma2 semaphore(%run_scoped3A : memref<!tpu.dma_semaphore, #tpu.memory_space<semaphore_mem>>) src(%dma_wait3A_20 : memref<2560xi32, #tpu.memory_space<hbm>>) dst(%arg8 : memref<2560xi32, #tpu.memory_space<vmem>>)
      tpu.yield
    }) : () -> ()
    %scan3A = arith.constant 0 : i32
    %scan3A_12 = arith.constant 0 : i32
    %scan3A_13 = arith.constant 4 : i32
    %scan3A_14 = arith.addi %scan3A_12, %scan3A_13 : i32
    %scan3A_15 = arith.constant 1 : i32
    %scan3A_16 = scf.for %scan3A_19 = %scan3A_12 to %scan3A_14 step %scan3A_15 iter_args(%scan3A_20 = %scan3A) -> (i32)  : i32 {
      %mul3A_21 = arith.constant 2 : i32
      %mul3A_22 = arith.muli %scan3A_19, %mul3A_21 : i32
      %add3A_23 = arith.constant 1 : i32
      %add3A_24 = arith.addi %mul3A_22, %add3A_23 : i32
      %mul3A_25 = arith.constant 2560 : i32
      %mul3A_26 = arith.muli %add3A_24, %mul3A_25 : i32
      %add3A_27 = arith.addi %multiple_of3A_11, %mul3A_26 : i32
      %multiple_of3A_28 = tpu.assume_multiple %add3A_27, 8 : i32
      %dma_start3A = tpu.memref_slice %arg3[%multiple_of3A_28] : memref<655360xi32, #tpu.memory_space<hbm>> -> memref<2560xi32, #tpu.memory_space<hbm>>
      %dma_start3A_29 = tpu.memref_slice %arg3[%multiple_of3A_28] : memref<655360xi32, #tpu.memory_space<hbm>> -> memref<2560xi32, #tpu.memory_space<hbm>>
      tpu.enqueue_dma source(%dma_start3A_29 : memref<2560xi32, #tpu.memory_space<hbm>>) target(%arg9 : memref<2560xi32, #tpu.memory_space<vmem>>) target_semaphore(%arg17 : memref<!tpu.dma_semaphore, #tpu.memory_space<semaphore_mem>>)
      %dma_start3A_30 = tpu.memref_slice %arg4[%multiple_of3A_28] : memref<655360xi32, #tpu.memory_space<hbm>> -> memref<2560xi32, #tpu.memory_space<hbm>>
      %dma_start3A_31 = tpu.memref_slice %arg4[%multiple_of3A_28] : memref<655360xi32, #tpu.memory_space<hbm>> -> memref<2560xi32, #tpu.memory_space<hbm>>
      tpu.enqueue_dma source(%dma_start3A_31 : memref<2560xi32, #tpu.memory_space<hbm>>) target(%arg10 : memref<2560xi32, #tpu.memory_space<vmem>>) target_semaphore(%arg17 : memref<!tpu.dma_semaphore, #tpu.memory_space<semaphore_mem>>)
      %multiple_of3A_32 = arith.constant 0 : i32
      %multiple_of3A_33 = tpu.assume_multiple %multiple_of3A_32, 8 : i32
      %dma_start3A_34 = tpu.memref_slice %arg7[%multiple_of3A_33] : memref<2560xi32, #tpu.memory_space<vmem>> -> memref<128xi32, #tpu.memory_space<vmem>>
      %dma_start3A_35 = arith.constant 0 : i32
      %dma_start3A_36 = arith.constant 0 : i32
      %dma_start3A_37 = tpu.memref_slice %arg2[%dma_start3A_35, %dma_start3A_36] : memref<20480x128xf32, #tpu.memory_space<hbm>> -> memref<20480x128xf32, #tpu.memory_space<hbm>>
      tpu.enqueue_indirect_dma source(%dma_start3A_37 : memref<20480x128xf32, #tpu.memory_space<hbm>>) target(%arg11 : memref<128x128xf32, #tpu.memory_space<vmem>>) offsets(%dma_start3A_34 : memref<128xi32, #tpu.memory_space<vmem>>) semaphore(%arg13 : memref<!tpu.dma_semaphore, #tpu.memory_space<semaphore_mem>>)
      %multiple_of3A_38 = arith.constant 128 : i32
      %multiple_of3A_39 = tpu.assume_multiple %multiple_of3A_38, 8 : i32
      %dma_start3A_40 = tpu.memref_slice %arg7[%multiple_of3A_39] : memref<2560xi32, #tpu.memory_space<vmem>> -> memref<128xi32, #tpu.memory_space<vmem>>
      %dma_start3A_41 = arith.constant 0 : i32
      %dma_start3A_42 = arith.constant 0 : i32
      %dma_start3A_43 = tpu.memref_slice %arg2[%dma_start3A_41, %dma_start3A_42] : memref<20480x128xf32, #tpu.memory_space<hbm>> -> memref<20480x128xf32, #tpu.memory_space<hbm>>
      tpu.enqueue_indirect_dma source(%dma_start3A_43 : memref<20480x128xf32, #tpu.memory_space<hbm>>) target(%arg12 : memref<128x128xf32, #tpu.memory_space<vmem>>) offsets(%dma_start3A_40 : memref<128xi32, #tpu.memory_space<vmem>>) semaphore(%arg14 : memref<!tpu.dma_semaphore, #tpu.memory_space<semaphore_mem>>)
      %scan3A_44 = arith.constant 0 : i32
      %scan3A_45 = arith.constant 0 : i32
      %scan3A_46 = arith.constant 10 : i32
      %scan3A_47 = arith.addi %scan3A_45, %scan3A_46 : i32
      %scan3A_48 = arith.constant 1 : i32
      %scan3A_49 = scf.for %scan3A_105 = %scan3A_45 to %scan3A_47 step %scan3A_48 iter_args(%scan3A_106 = %scan3A_44) -> (i32)  : i32 {
        %mul3A_107 = arith.constant 2 : i32
        %mul3A_108 = arith.muli %scan3A_105, %mul3A_107 : i32
        %dma_wait3A_109 = arith.constant 0 : i32
        %dma_wait3A_110 = tpu.memref_slice %arg7[%dma_wait3A_109] : memref<2560xi32, #tpu.memory_space<vmem>> -> memref<128xi32, #tpu.memory_space<vmem>>
        %dma_wait3A_111 = arith.constant 0 : i32
        %dma_wait3A_112 = arith.constant 0 : i32
        %dma_wait3A_113 = tpu.memref_slice %arg2[%dma_wait3A_111, %dma_wait3A_112] : memref<20480x128xf32, #tpu.memory_space<hbm>> -> memref<20480x128xf32, #tpu.memory_space<hbm>>
        tpu.wait_indirect_dma semaphore(%arg13 : memref<!tpu.dma_semaphore, #tpu.memory_space<semaphore_mem>>) src(%dma_wait3A_113 : memref<20480x128xf32, #tpu.memory_space<hbm>>) dst(%arg11 : memref<128x128xf32, #tpu.memory_space<vmem>>)
        %mul3A_114 = arith.constant 128 : i32
        %mul3A_115 = arith.muli %mul3A_108, %mul3A_114 : i32
        %multiple_of3A_116 = tpu.assume_multiple %mul3A_115, 8 : i32
        %dma_start3A_117 = tpu.memref_slice %arg8[%multiple_of3A_116] : memref<2560xi32, #tpu.memory_space<vmem>> -> memref<128xi32, #tpu.memory_space<vmem>>
        %dma_start3A_118 = arith.constant 0 : i32
        %dma_start3A_119 = arith.constant 0 : i32
        %dma_start3A_120 = tpu.memref_slice %arg6[%dma_start3A_118, %dma_start3A_119] : memref<10240x128xf32, #tpu.memory_space<vmem_shared>> -> memref<10240x128xf32, #tpu.memory_space<vmem_shared>>
        tpu.enqueue_indirect_dma source(%arg11 : memref<128x128xf32, #tpu.memory_space<vmem>>) target(%dma_start3A_120 : memref<10240x128xf32, #tpu.memory_space<vmem_shared>>) offsets(%dma_start3A_117 : memref<128xi32, #tpu.memory_space<vmem>>) semaphore(%arg15 : memref<!tpu.dma_semaphore, #tpu.memory_space<semaphore_mem>>) {add = true}
        %dma_wait3A_121 = arith.constant 0 : i32
        %dma_wait3A_122 = tpu.memref_slice %arg7[%dma_wait3A_121] : memref<2560xi32, #tpu.memory_space<vmem>> -> memref<128xi32, #tpu.memory_space<vmem>>
        %dma_wait3A_123 = arith.constant 0 : i32
        %dma_wait3A_124 = arith.constant 0 : i32
        %dma_wait3A_125 = tpu.memref_slice %arg2[%dma_wait3A_123, %dma_wait3A_124] : memref<20480x128xf32, #tpu.memory_space<hbm>> -> memref<20480x128xf32, #tpu.memory_space<hbm>>
        tpu.wait_indirect_dma semaphore(%arg14 : memref<!tpu.dma_semaphore, #tpu.memory_space<semaphore_mem>>) src(%dma_wait3A_125 : memref<20480x128xf32, #tpu.memory_space<hbm>>) dst(%arg12 : memref<128x128xf32, #tpu.memory_space<vmem>>)
        %add3A_126 = arith.constant 1 : i32
        %add3A_127 = arith.addi %mul3A_108, %add3A_126 : i32
        %mul3A_128 = arith.constant 128 : i32
        %mul3A_129 = arith.muli %add3A_127, %mul3A_128 : i32
        %multiple_of3A_130 = tpu.assume_multiple %mul3A_129, 8 : i32
        %dma_start3A_131 = tpu.memref_slice %arg8[%multiple_of3A_130] : memref<2560xi32, #tpu.memory_space<vmem>> -> memref<128xi32, #tpu.memory_space<vmem>>
        %dma_start3A_132 = arith.constant 0 : i32
        %dma_start3A_133 = arith.constant 0 : i32
        %dma_start3A_134 = tpu.memref_slice %arg6[%dma_start3A_132, %dma_start3A_133] : memref<10240x128xf32, #tpu.memory_space<vmem_shared>> -> memref<10240x128xf32, #tpu.memory_space<vmem_shared>>
        tpu.enqueue_indirect_dma source(%arg12 : memref<128x128xf32, #tpu.memory_space<vmem>>) target(%dma_start3A_134 : memref<10240x128xf32, #tpu.memory_space<vmem_shared>>) offsets(%dma_start3A_131 : memref<128xi32, #tpu.memory_space<vmem>>) semaphore(%arg16 : memref<!tpu.dma_semaphore, #tpu.memory_space<semaphore_mem>>) {add = true}
        %add3A_135 = arith.constant 2 : i32
        %add3A_136 = arith.addi %mul3A_108, %add3A_135 : i32
        %lt3A_137 = arith.constant 20 : i32
        %lt3A_138 = arith.cmpi slt, %add3A_136, %lt3A_137 : i32
        %convert_element_type3A_139 = arith.extui %lt3A_138 : i1 to i32
        %cond3A_140 = arith.constant 0 : i32
        %cond3A_141 = arith.cmpi ne, %convert_element_type3A_139, %cond3A_140 : i32
        scf.if %cond3A_141 {
          %dma_wait3A_143 = arith.constant 0 : i32
          %dma_wait3A_144 = tpu.memref_slice %arg8[%dma_wait3A_143] : memref<2560xi32, #tpu.memory_space<vmem>> -> memref<128xi32, #tpu.memory_space<vmem>>
          %dma_wait3A_145 = arith.constant 0 : i32
          %dma_wait3A_146 = arith.constant 0 : i32
          %dma_wait3A_147 = tpu.memref_slice %arg6[%dma_wait3A_145, %dma_wait3A_146] : memref<10240x128xf32, #tpu.memory_space<vmem_shared>> -> memref<10240x128xf32, #tpu.memory_space<vmem_shared>>
          tpu.wait_indirect_dma semaphore(%arg15 : memref<!tpu.dma_semaphore, #tpu.memory_space<semaphore_mem>>) src(%arg11 : memref<128x128xf32, #tpu.memory_space<vmem>>) dst(%dma_wait3A_147 : memref<10240x128xf32, #tpu.memory_space<vmem_shared>>)
          %add3A_148 = arith.constant 2 : i32
          %add3A_149 = arith.addi %mul3A_108, %add3A_148 : i32
          %mul3A_150 = arith.constant 128 : i32
          %mul3A_151 = arith.muli %add3A_149, %mul3A_150 : i32
          %multiple_of3A_152 = tpu.assume_multiple %mul3A_151, 8 : i32
          %dma_start3A_153 = tpu.memref_slice %arg7[%multiple_of3A_152] : memref<2560xi32, #tpu.memory_space<vmem>> -> memref<128xi32, #tpu.memory_space<vmem>>
          %dma_start3A_154 = arith.constant 0 : i32
          %dma_start3A_155 = arith.constant 0 : i32
          %dma_start3A_156 = tpu.memref_slice %arg2[%dma_start3A_154, %dma_start3A_155] : memref<20480x128xf32, #tpu.memory_space<hbm>> -> memref<20480x128xf32, #tpu.memory_space<hbm>>
          tpu.enqueue_indirect_dma source(%dma_start3A_156 : memref<20480x128xf32, #tpu.memory_space<hbm>>) target(%arg11 : memref<128x128xf32, #tpu.memory_space<vmem>>) offsets(%dma_start3A_153 : memref<128xi32, #tpu.memory_space<vmem>>) semaphore(%arg13 : memref<!tpu.dma_semaphore, #tpu.memory_space<semaphore_mem>>)
          %dma_wait3A_157 = arith.constant 0 : i32
          %dma_wait3A_158 = tpu.memref_slice %arg8[%dma_wait3A_157] : memref<2560xi32, #tpu.memory_space<vmem>> -> memref<128xi32, #tpu.memory_space<vmem>>
          %dma_wait3A_159 = arith.constant 0 : i32
          %dma_wait3A_160 = arith.constant 0 : i32
          %dma_wait3A_161 = tpu.memref_slice %arg6[%dma_wait3A_159, %dma_wait3A_160] : memref<10240x128xf32, #tpu.memory_space<vmem_shared>> -> memref<10240x128xf32, #tpu.memory_space<vmem_shared>>
          tpu.wait_indirect_dma semaphore(%arg16 : memref<!tpu.dma_semaphore, #tpu.memory_space<semaphore_mem>>) src(%arg12 : memref<128x128xf32, #tpu.memory_space<vmem>>) dst(%dma_wait3A_161 : memref<10240x128xf32, #tpu.memory_space<vmem_shared>>)
          %add3A_162 = arith.constant 3 : i32
          %add3A_163 = arith.addi %mul3A_108, %add3A_162 : i32
          %mul3A_164 = arith.constant 128 : i32
          %mul3A_165 = arith.muli %add3A_163, %mul3A_164 : i32
          %multiple_of3A_166 = tpu.assume_multiple %mul3A_165, 8 : i32
          %dma_start3A_167 = tpu.memref_slice %arg7[%multiple_of3A_166] : memref<2560xi32, #tpu.memory_space<vmem>> -> memref<128xi32, #tpu.memory_space<vmem>>
          %dma_start3A_168 = arith.constant 0 : i32
          %dma_start3A_169 = arith.constant 0 : i32
          %dma_start3A_170 = tpu.memref_slice %arg2[%dma_start3A_168, %dma_start3A_169] : memref<20480x128xf32, #tpu.memory_space<hbm>> -> memref<20480x128xf32, #tpu.memory_space<hbm>>
          tpu.enqueue_indirect_dma source(%dma_start3A_170 : memref<20480x128xf32, #tpu.memory_space<hbm>>) target(%arg12 : memref<128x128xf32, #tpu.memory_space<vmem>>) offsets(%dma_start3A_167 : memref<128xi32, #tpu.memory_space<vmem>>) semaphore(%arg14 : memref<!tpu.dma_semaphore, #tpu.memory_space<semaphore_mem>>)
        } else {
        }
        %scan3A_142 = arith.constant 0 : i32
        scf.yield %scan3A_142 : i32
      }
      %scan3A_50 = arith.constant 10 : i32
      %dma_wait3A = arith.constant 0 : i32
      %dma_wait3A_51 = tpu.memref_slice %arg8[%dma_wait3A] : memref<2560xi32, #tpu.memory_space<vmem>> -> memref<128xi32, #tpu.memory_space<vmem>>
      %dma_wait3A_52 = arith.constant 0 : i32
      %dma_wait3A_53 = arith.constant 0 : i32
      %dma_wait3A_54 = tpu.memref_slice %arg6[%dma_wait3A_52, %dma_wait3A_53] : memref<10240x128xf32, #tpu.memory_space<vmem_shared>> -> memref<10240x128xf32, #tpu.memory_space<vmem_shared>>
      tpu.wait_indirect_dma semaphore(%arg15 : memref<!tpu.dma_semaphore, #tpu.memory_space<semaphore_mem>>) src(%arg11 : memref<128x128xf32, #tpu.memory_space<vmem>>) dst(%dma_wait3A_54 : memref<10240x128xf32, #tpu.memory_space<vmem_shared>>)
      %dma_wait3A_55 = arith.constant 0 : i32
      %dma_wait3A_56 = tpu.memref_slice %arg8[%dma_wait3A_55] : memref<2560xi32, #tpu.memory_space<vmem>> -> memref<128xi32, #tpu.memory_space<vmem>>
      %dma_wait3A_57 = arith.constant 0 : i32
      %dma_wait3A_58 = arith.constant 0 : i32
      %dma_wait3A_59 = tpu.memref_slice %arg6[%dma_wait3A_57, %dma_wait3A_58] : memref<10240x128xf32, #tpu.memory_space<vmem_shared>> -> memref<10240x128xf32, #tpu.memory_space<vmem_shared>>
      tpu.wait_indirect_dma semaphore(%arg16 : memref<!tpu.dma_semaphore, #tpu.memory_space<semaphore_mem>>) src(%arg12 : memref<128x128xf32, #tpu.memory_space<vmem>>) dst(%dma_wait3A_59 : memref<10240x128xf32, #tpu.memory_space<vmem_shared>>)
      %dma_wait3A_60 = tpu.memref_slice %arg3[%multiple_of3A_11] : memref<655360xi32, #tpu.memory_space<hbm>> -> memref<2560xi32, #tpu.memory_space<hbm>>
      %dma_wait3A_61 = tpu.memref_slice %arg3[%multiple_of3A_11] : memref<655360xi32, #tpu.memory_space<hbm>> -> memref<2560xi32, #tpu.memory_space<hbm>>
      tpu.wait_dma2 semaphore(%arg17 : memref<!tpu.dma_semaphore, #tpu.memory_space<semaphore_mem>>) src(%dma_wait3A_61 : memref<2560xi32, #tpu.memory_space<hbm>>) dst(%arg9 : memref<2560xi32, #tpu.memory_space<vmem>>)
      %dma_wait3A_62 = tpu.memref_slice %arg4[%multiple_of3A_11] : memref<655360xi32, #tpu.memory_space<hbm>> -> memref<2560xi32, #tpu.memory_space<hbm>>
      %dma_wait3A_63 = tpu.memref_slice %arg4[%multiple_of3A_11] : memref<655360xi32, #tpu.memory_space<hbm>> -> memref<2560xi32, #tpu.memory_space<hbm>>
      tpu.wait_dma2 semaphore(%arg17 : memref<!tpu.dma_semaphore, #tpu.memory_space<semaphore_mem>>) src(%dma_wait3A_63 : memref<2560xi32, #tpu.memory_space<hbm>>) dst(%arg10 : memref<2560xi32, #tpu.memory_space<vmem>>)
      %add3A_64 = arith.constant 2 : i32
      %add3A_65 = arith.addi %mul3A_22, %add3A_64 : i32
      %lt3A = arith.constant 8 : i32
      %lt3A_66 = arith.cmpi slt, %add3A_65, %lt3A : i32
      %convert_element_type3A = arith.extui %lt3A_66 : i1 to i32
      %cond3A = arith.constant 0 : i32
      %cond3A_67 = arith.cmpi ne, %convert_element_type3A, %cond3A : i32
      scf.if %cond3A_67 {
        %add3A_105 = arith.constant 2 : i32
        %add3A_106 = arith.addi %mul3A_22, %add3A_105 : i32
        %mul3A_107 = arith.constant 2560 : i32
        %mul3A_108 = arith.muli %add3A_106, %mul3A_107 : i32
        %add3A_109 = arith.addi %multiple_of3A_11, %mul3A_108 : i32
        %multiple_of3A_110 = tpu.assume_multiple %add3A_109, 8 : i32
        %dma_start3A_111 = tpu.memref_slice %arg3[%multiple_of3A_110] : memref<655360xi32, #tpu.memory_space<hbm>> -> memref<2560xi32, #tpu.memory_space<hbm>>
        %dma_start3A_112 = tpu.memref_slice %arg3[%multiple_of3A_110] : memref<655360xi32, #tpu.memory_space<hbm>> -> memref<2560xi32, #tpu.memory_space<hbm>>
        tpu.enqueue_dma source(%dma_start3A_112 : memref<2560xi32, #tpu.memory_space<hbm>>) target(%arg7 : memref<2560xi32, #tpu.memory_space<vmem>>) target_semaphore(%arg17 : memref<!tpu.dma_semaphore, #tpu.memory_space<semaphore_mem>>)
        %dma_start3A_113 = tpu.memref_slice %arg4[%multiple_of3A_110] : memref<655360xi32, #tpu.memory_space<hbm>> -> memref<2560xi32, #tpu.memory_space<hbm>>
        %dma_start3A_114 = tpu.memref_slice %arg4[%multiple_of3A_110] : memref<655360xi32, #tpu.memory_space<hbm>> -> memref<2560xi32, #tpu.memory_space<hbm>>
        tpu.enqueue_dma source(%dma_start3A_114 : memref<2560xi32, #tpu.memory_space<hbm>>) target(%arg8 : memref<2560xi32, #tpu.memory_space<vmem>>) target_semaphore(%arg17 : memref<!tpu.dma_semaphore, #tpu.memory_space<semaphore_mem>>)
      } else {
      }
      %multiple_of3A_68 = arith.constant 0 : i32
      %multiple_of3A_69 = tpu.assume_multiple %multiple_of3A_68, 8 : i32
      %dma_start3A_70 = tpu.memref_slice %arg9[%multiple_of3A_69] : memref<2560xi32, #tpu.memory_space<vmem>> -> memref<128xi32, #tpu.memory_space<vmem>>
      %dma_start3A_71 = arith.constant 0 : i32
      %dma_start3A_72 = arith.constant 0 : i32
      %dma_start3A_73 = tpu.memref_slice %arg2[%dma_start3A_71, %dma_start3A_72] : memref<20480x128xf32, #tpu.memory_space<hbm>> -> memref<20480x128xf32, #tpu.memory_space<hbm>>
      tpu.enqueue_indirect_dma source(%dma_start3A_73 : memref<20480x128xf32, #tpu.memory_space<hbm>>) target(%arg11 : memref<128x128xf32, #tpu.memory_space<vmem>>) offsets(%dma_start3A_70 : memref<128xi32, #tpu.memory_space<vmem>>) semaphore(%arg13 : memref<!tpu.dma_semaphore, #tpu.memory_space<semaphore_mem>>)
      %multiple_of3A_74 = arith.constant 128 : i32
      %multiple_of3A_75 = tpu.assume_multiple %multiple_of3A_74, 8 : i32
      %dma_start3A_76 = tpu.memref_slice %arg9[%multiple_of3A_75] : memref<2560xi32, #tpu.memory_space<vmem>> -> memref<128xi32, #tpu.memory_space<vmem>>
      %dma_start3A_77 = arith.constant 0 : i32
      %dma_start3A_78 = arith.constant 0 : i32
      %dma_start3A_79 = tpu.memref_slice %arg2[%dma_start3A_77, %dma_start3A_78] : memref<20480x128xf32, #tpu.memory_space<hbm>> -> memref<20480x128xf32, #tpu.memory_space<hbm>>
      tpu.enqueue_indirect_dma source(%dma_start3A_79 : memref<20480x128xf32, #tpu.memory_space<hbm>>) target(%arg12 : memref<128x128xf32, #tpu.memory_space<vmem>>) offsets(%dma_start3A_76 : memref<128xi32, #tpu.memory_space<vmem>>) semaphore(%arg14 : memref<!tpu.dma_semaphore, #tpu.memory_space<semaphore_mem>>)
      %scan3A_80 = arith.constant 0 : i32
      %scan3A_81 = arith.constant 0 : i32
      %scan3A_82 = arith.constant 10 : i32
      %scan3A_83 = arith.addi %scan3A_81, %scan3A_82 : i32
      %scan3A_84 = arith.constant 1 : i32
      %scan3A_85 = scf.for %scan3A_105 = %scan3A_81 to %scan3A_83 step %scan3A_84 iter_args(%scan3A_106 = %scan3A_80) -> (i32)  : i32 {
        %mul3A_107 = arith.constant 2 : i32
        %mul3A_108 = arith.muli %scan3A_105, %mul3A_107 : i32
        %dma_wait3A_109 = arith.constant 0 : i32
        %dma_wait3A_110 = tpu.memref_slice %arg9[%dma_wait3A_109] : memref<2560xi32, #tpu.memory_space<vmem>> -> memref<128xi32, #tpu.memory_space<vmem>>
        %dma_wait3A_111 = arith.constant 0 : i32
        %dma_wait3A_112 = arith.constant 0 : i32
        %dma_wait3A_113 = tpu.memref_slice %arg2[%dma_wait3A_111, %dma_wait3A_112] : memref<20480x128xf32, #tpu.memory_space<hbm>> -> memref<20480x128xf32, #tpu.memory_space<hbm>>
        tpu.wait_indirect_dma semaphore(%arg13 : memref<!tpu.dma_semaphore, #tpu.memory_space<semaphore_mem>>) src(%dma_wait3A_113 : memref<20480x128xf32, #tpu.memory_space<hbm>>) dst(%arg11 : memref<128x128xf32, #tpu.memory_space<vmem>>)
        %mul3A_114 = arith.constant 128 : i32
        %mul3A_115 = arith.muli %mul3A_108, %mul3A_114 : i32
        %multiple_of3A_116 = tpu.assume_multiple %mul3A_115, 8 : i32
        %dma_start3A_117 = tpu.memref_slice %arg10[%multiple_of3A_116] : memref<2560xi32, #tpu.memory_space<vmem>> -> memref<128xi32, #tpu.memory_space<vmem>>
        %dma_start3A_118 = arith.constant 0 : i32
        %dma_start3A_119 = arith.constant 0 : i32
        %dma_start3A_120 = tpu.memref_slice %arg6[%dma_start3A_118, %dma_start3A_119] : memref<10240x128xf32, #tpu.memory_space<vmem_shared>> -> memref<10240x128xf32, #tpu.memory_space<vmem_shared>>
        tpu.enqueue_indirect_dma source(%arg11 : memref<128x128xf32, #tpu.memory_space<vmem>>) target(%dma_start3A_120 : memref<10240x128xf32, #tpu.memory_space<vmem_shared>>) offsets(%dma_start3A_117 : memref<128xi32, #tpu.memory_space<vmem>>) semaphore(%arg15 : memref<!tpu.dma_semaphore, #tpu.memory_space<semaphore_mem>>) {add = true}
        %dma_wait3A_121 = arith.constant 0 : i32
        %dma_wait3A_122 = tpu.memref_slice %arg9[%dma_wait3A_121] : memref<2560xi32, #tpu.memory_space<vmem>> -> memref<128xi32, #tpu.memory_space<vmem>>
        %dma_wait3A_123 = arith.constant 0 : i32
        %dma_wait3A_124 = arith.constant 0 : i32
        %dma_wait3A_125 = tpu.memref_slice %arg2[%dma_wait3A_123, %dma_wait3A_124] : memref<20480x128xf32, #tpu.memory_space<hbm>> -> memref<20480x128xf32, #tpu.memory_space<hbm>>
        tpu.wait_indirect_dma semaphore(%arg14 : memref<!tpu.dma_semaphore, #tpu.memory_space<semaphore_mem>>) src(%dma_wait3A_125 : memref<20480x128xf32, #tpu.memory_space<hbm>>) dst(%arg12 : memref<128x128xf32, #tpu.memory_space<vmem>>)
        %add3A_126 = arith.constant 1 : i32
        %add3A_127 = arith.addi %mul3A_108, %add3A_126 : i32
        %mul3A_128 = arith.constant 128 : i32
        %mul3A_129 = arith.muli %add3A_127, %mul3A_128 : i32
        %multiple_of3A_130 = tpu.assume_multiple %mul3A_129, 8 : i32
        %dma_start3A_131 = tpu.memref_slice %arg10[%multiple_of3A_130] : memref<2560xi32, #tpu.memory_space<vmem>> -> memref<128xi32, #tpu.memory_space<vmem>>
        %dma_start3A_132 = arith.constant 0 : i32
        %dma_start3A_133 = arith.constant 0 : i32
        %dma_start3A_134 = tpu.memref_slice %arg6[%dma_start3A_132, %dma_start3A_133] : memref<10240x128xf32, #tpu.memory_space<vmem_shared>> -> memref<10240x128xf32, #tpu.memory_space<vmem_shared>>
        tpu.enqueue_indirect_dma source(%arg12 : memref<128x128xf32, #tpu.memory_space<vmem>>) target(%dma_start3A_134 : memref<10240x128xf32, #tpu.memory_space<vmem_shared>>) offsets(%dma_start3A_131 : memref<128xi32, #tpu.memory_space<vmem>>) semaphore(%arg16 : memref<!tpu.dma_semaphore, #tpu.memory_space<semaphore_mem>>) {add = true}
        %add3A_135 = arith.constant 2 : i32
        %add3A_136 = arith.addi %mul3A_108, %add3A_135 : i32
        %lt3A_137 = arith.constant 20 : i32
        %lt3A_138 = arith.cmpi slt, %add3A_136, %lt3A_137 : i32
        %convert_element_type3A_139 = arith.extui %lt3A_138 : i1 to i32
        %cond3A_140 = arith.constant 0 : i32
        %cond3A_141 = arith.cmpi ne, %convert_element_type3A_139, %cond3A_140 : i32
        scf.if %cond3A_141 {
          %dma_wait3A_143 = arith.constant 0 : i32
          %dma_wait3A_144 = tpu.memref_slice %arg10[%dma_wait3A_143] : memref<2560xi32, #tpu.memory_space<vmem>> -> memref<128xi32, #tpu.memory_space<vmem>>
          %dma_wait3A_145 = arith.constant 0 : i32
          %dma_wait3A_146 = arith.constant 0 : i32
          %dma_wait3A_147 = tpu.memref_slice %arg6[%dma_wait3A_145, %dma_wait3A_146] : memref<10240x128xf32, #tpu.memory_space<vmem_shared>> -> memref<10240x128xf32, #tpu.memory_space<vmem_shared>>
          tpu.wait_indirect_dma semaphore(%arg15 : memref<!tpu.dma_semaphore, #tpu.memory_space<semaphore_mem>>) src(%arg11 : memref<128x128xf32, #tpu.memory_space<vmem>>) dst(%dma_wait3A_147 : memref<10240x128xf32, #tpu.memory_space<vmem_shared>>)
          %add3A_148 = arith.constant 2 : i32
          %add3A_149 = arith.addi %mul3A_108, %add3A_148 : i32
          %mul3A_150 = arith.constant 128 : i32
          %mul3A_151 = arith.muli %add3A_149, %mul3A_150 : i32
          %multiple_of3A_152 = tpu.assume_multiple %mul3A_151, 8 : i32
          %dma_start3A_153 = tpu.memref_slice %arg9[%multiple_of3A_152] : memref<2560xi32, #tpu.memory_space<vmem>> -> memref<128xi32, #tpu.memory_space<vmem>>
          %dma_start3A_154 = arith.constant 0 : i32
          %dma_start3A_155 = arith.constant 0 : i32
          %dma_start3A_156 = tpu.memref_slice %arg2[%dma_start3A_154, %dma_start3A_155] : memref<20480x128xf32, #tpu.memory_space<hbm>> -> memref<20480x128xf32, #tpu.memory_space<hbm>>
          tpu.enqueue_indirect_dma source(%dma_start3A_156 : memref<20480x128xf32, #tpu.memory_space<hbm>>) target(%arg11 : memref<128x128xf32, #tpu.memory_space<vmem>>) offsets(%dma_start3A_153 : memref<128xi32, #tpu.memory_space<vmem>>) semaphore(%arg13 : memref<!tpu.dma_semaphore, #tpu.memory_space<semaphore_mem>>)
          %dma_wait3A_157 = arith.constant 0 : i32
          %dma_wait3A_158 = tpu.memref_slice %arg10[%dma_wait3A_157] : memref<2560xi32, #tpu.memory_space<vmem>> -> memref<128xi32, #tpu.memory_space<vmem>>
          %dma_wait3A_159 = arith.constant 0 : i32
          %dma_wait3A_160 = arith.constant 0 : i32
          %dma_wait3A_161 = tpu.memref_slice %arg6[%dma_wait3A_159, %dma_wait3A_160] : memref<10240x128xf32, #tpu.memory_space<vmem_shared>> -> memref<10240x128xf32, #tpu.memory_space<vmem_shared>>
          tpu.wait_indirect_dma semaphore(%arg16 : memref<!tpu.dma_semaphore, #tpu.memory_space<semaphore_mem>>) src(%arg12 : memref<128x128xf32, #tpu.memory_space<vmem>>) dst(%dma_wait3A_161 : memref<10240x128xf32, #tpu.memory_space<vmem_shared>>)
          %add3A_162 = arith.constant 3 : i32
          %add3A_163 = arith.addi %mul3A_108, %add3A_162 : i32
          %mul3A_164 = arith.constant 128 : i32
          %mul3A_165 = arith.muli %add3A_163, %mul3A_164 : i32
          %multiple_of3A_166 = tpu.assume_multiple %mul3A_165, 8 : i32
          %dma_start3A_167 = tpu.memref_slice %arg9[%multiple_of3A_166] : memref<2560xi32, #tpu.memory_space<vmem>> -> memref<128xi32, #tpu.memory_space<vmem>>
          %dma_start3A_168 = arith.constant 0 : i32
          %dma_start3A_169 = arith.constant 0 : i32
          %dma_start3A_170 = tpu.memref_slice %arg2[%dma_start3A_168, %dma_start3A_169] : memref<20480x128xf32, #tpu.memory_space<hbm>> -> memref<20480x128xf32, #tpu.memory_space<hbm>>
          tpu.enqueue_indirect_dma source(%dma_start3A_170 : memref<20480x128xf32, #tpu.memory_space<hbm>>) target(%arg12 : memref<128x128xf32, #tpu.memory_space<vmem>>) offsets(%dma_start3A_167 : memref<128xi32, #tpu.memory_space<vmem>>) semaphore(%arg14 : memref<!tpu.dma_semaphore, #tpu.memory_space<semaphore_mem>>)
        } else {
        }
        %scan3A_142 = arith.constant 0 : i32
        scf.yield %scan3A_142 : i32
      }
      %scan3A_86 = arith.constant 10 : i32
      %dma_wait3A_87 = arith.constant 0 : i32
      %dma_wait3A_88 = tpu.memref_slice %arg10[%dma_wait3A_87] : memref<2560xi32, #tpu.memory_space<vmem>> -> memref<128xi32, #tpu.memory_space<vmem>>
      %dma_wait3A_89 = arith.constant 0 : i32
      %dma_wait3A_90 = arith.constant 0 : i32
      %dma_wait3A_91 = tpu.memref_slice %arg6[%dma_wait3A_89, %dma_wait3A_90] : memref<10240x128xf32, #tpu.memory_space<vmem_shared>> -> memref<10240x128xf32, #tpu.memory_space<vmem_shared>>
      tpu.wait_indirect_dma semaphore(%arg15 : memref<!tpu.dma_semaphore, #tpu.memory_space<semaphore_mem>>) src(%arg11 : memref<128x128xf32, #tpu.memory_space<vmem>>) dst(%dma_wait3A_91 : memref<10240x128xf32, #tpu.memory_space<vmem_shared>>)
      %dma_wait3A_92 = arith.constant 0 : i32
      %dma_wait3A_93 = tpu.memref_slice %arg10[%dma_wait3A_92] : memref<2560xi32, #tpu.memory_space<vmem>> -> memref<128xi32, #tpu.memory_space<vmem>>
      %dma_wait3A_94 = arith.constant 0 : i32
      %dma_wait3A_95 = arith.constant 0 : i32
      %dma_wait3A_96 = tpu.memref_slice %arg6[%dma_wait3A_94, %dma_wait3A_95] : memref<10240x128xf32, #tpu.memory_space<vmem_shared>> -> memref<10240x128xf32, #tpu.memory_space<vmem_shared>>
      tpu.wait_indirect_dma semaphore(%arg16 : memref<!tpu.dma_semaphore, #tpu.memory_space<semaphore_mem>>) src(%arg12 : memref<128x128xf32, #tpu.memory_space<vmem>>) dst(%dma_wait3A_96 : memref<10240x128xf32, #tpu.memory_space<vmem_shared>>)
      %add3A_97 = arith.constant 2 : i32
      %add3A_98 = arith.addi %mul3A_22, %add3A_97 : i32
      %lt3A_99 = arith.constant 8 : i32
      %lt3A_100 = arith.cmpi slt, %add3A_98, %lt3A_99 : i32
      %convert_element_type3A_101 = arith.extui %lt3A_100 : i1 to i32
      %cond3A_102 = arith.constant 0 : i32
      %cond3A_103 = arith.cmpi ne, %convert_element_type3A_101, %cond3A_102 : i32
      scf.if %cond3A_103 {
        %dma_wait3A_105 = tpu.memref_slice %arg3[%multiple_of3A_11] : memref<655360xi32, #tpu.memory_space<hbm>> -> memref<2560xi32, #tpu.memory_space<hbm>>
        %dma_wait3A_106 = tpu.memref_slice %arg3[%multiple_of3A_11] : memref<655360xi32, #tpu.memory_space<hbm>> -> memref<2560xi32, #tpu.memory_space<hbm>>
        tpu.wait_dma2 semaphore(%arg17 : memref<!tpu.dma_semaphore, #tpu.memory_space<semaphore_mem>>) src(%dma_wait3A_106 : memref<2560xi32, #tpu.memory_space<hbm>>) dst(%arg7 : memref<2560xi32, #tpu.memory_space<vmem>>)
        %dma_wait3A_107 = tpu.memref_slice %arg4[%multiple_of3A_11] : memref<655360xi32, #tpu.memory_space<hbm>> -> memref<2560xi32, #tpu.memory_space<hbm>>
        %dma_wait3A_108 = tpu.memref_slice %arg4[%multiple_of3A_11] : memref<655360xi32, #tpu.memory_space<hbm>> -> memref<2560xi32, #tpu.memory_space<hbm>>
        tpu.wait_dma2 semaphore(%arg17 : memref<!tpu.dma_semaphore, #tpu.memory_space<semaphore_mem>>) src(%dma_wait3A_108 : memref<2560xi32, #tpu.memory_space<hbm>>) dst(%arg8 : memref<2560xi32, #tpu.memory_space<vmem>>)
      } else {
      }
      %scan3A_104 = arith.constant 0 : i32
      scf.yield %scan3A_104 : i32
    }
    %scan3A_17 = arith.constant 4 : i32
    %barrier3A_18 = arith.constant 0 : index
    tpu.barrier barrier_id(%barrier3A_18)
    "tpu.region"() ({
      %run_scoped3A = tpu.sem_alloc : memref<!tpu.dma_semaphore, #tpu.memory_space<semaphore_mem>>
      %dma_start3A = arith.constant 0 : i32
      %dma_start3A_19 = tpu.memref_slice %arg5[%multiple_of3A_5, %dma_start3A] : memref<20480x128xf32, #tpu.memory_space<hbm>> -> memref<640x128xf32, #tpu.memory_space<hbm>>
      %dma_start3A_20 = arith.constant 0 : i32
      %dma_start3A_21 = tpu.memref_slice %arg6[%multiple_of3A, %dma_start3A_20] : memref<10240x128xf32, #tpu.memory_space<vmem_shared>> -> memref<640x128xf32, #tpu.memory_space<vmem_shared>>
      tpu.enqueue_dma source(%dma_start3A_21 : memref<640x128xf32, #tpu.memory_space<vmem_shared>>) target(%dma_start3A_19 : memref<640x128xf32, #tpu.memory_space<hbm>>) target_semaphore(%run_scoped3A : memref<!tpu.dma_semaphore, #tpu.memory_space<semaphore_mem>>)
      %dma_wait3A = arith.constant 0 : i32
      %dma_wait3A_22 = tpu.memref_slice %arg5[%multiple_of3A_5, %dma_wait3A] : memref<20480x128xf32, #tpu.memory_space<hbm>> -> memref<640x128xf32, #tpu.memory_space<hbm>>
      %dma_wait3A_23 = arith.constant 0 : i32
      %dma_wait3A_24 = tpu.memref_slice %arg6[%multiple_of3A, %dma_wait3A_23] : memref<10240x128xf32, #tpu.memory_space<vmem_shared>> -> memref<640x128xf32, #tpu.memory_space<vmem_shared>>
      tpu.wait_dma2 semaphore(%run_scoped3A : memref<!tpu.dma_semaphore, #tpu.memory_space<semaphore_mem>>) src(%dma_wait3A_24 : memref<640x128xf32, #tpu.memory_space<vmem_shared>>) dst(%dma_wait3A_22 : memref<640x128xf32, #tpu.memory_space<hbm>>)
      tpu.yield
    }) : () -> ()
    return
  }
}

#map = affine_map<(d0, d1) -> (0, 0)>
#map1 = affine_map<(d0, d1) -> (0)>
module attributes {stable_mosaic.version = 14 : i64} {
  func.func @_conv_sc(%arg0: i32, %arg1: i32, %arg2: memref<20480x128xf32, #tpu.memory_space<hbm>>, %arg3: memref<655360xi32, #tpu.memory_space<hbm>>, %arg4: memref<655360xi32, #tpu.memory_space<hbm>>, %arg5: memref<20480x128xf32, #tpu.memory_space<hbm>>, %arg6: memref<10240x128xf32, #tpu.memory_space<vmem_shared>>, %arg7: memref<2560xi32, #tpu.memory_space<vmem>>, %arg8: memref<2560xi32, #tpu.memory_space<vmem>>, %arg9: memref<2560xi32, #tpu.memory_space<vmem>>, %arg10: memref<2560xi32, #tpu.memory_space<vmem>>, %arg11: memref<128x128xf32, #tpu.memory_space<vmem>>, %arg12: memref<128x128xf32, #tpu.memory_space<vmem>>, %arg13: memref<!tpu.dma_semaphore, #tpu.memory_space<semaphore_mem>>, %arg14: memref<!tpu.dma_semaphore, #tpu.memory_space<semaphore_mem>>, %arg15: memref<!tpu.dma_semaphore, #tpu.memory_space<semaphore_mem>>, %arg16: memref<!tpu.dma_semaphore, #tpu.memory_space<semaphore_mem>>, %arg17: memref<!tpu.dma_semaphore, #tpu.memory_space<semaphore_mem>>) attributes {dimension_semantics = [#tpu.dimension_semantics<core_parallel>, #tpu.dimension_semantics<subcore_parallel>], iteration_bounds = array<i64: 2, 16>, scalar_prefetch = 0 : i64, scratch_operands = 12 : i64, tpu.core_type = #tpu.core_type<sc_vector_subcore>, window_params = [{transform_indices = #map}, {transform_indices = #map1}, {transform_indices = #map1}, {transform_indices = #map}]} {
    %mul3A = arith.constant 640 : i32
    %mul3A_0 = arith.muli %arg1, %mul3A : i32
    %multiple_of3A = tpu.assume_multiple %mul3A_0, 8 : i32
    %mul3A_1 = arith.constant 10240 : i32
    %mul3A_2 = arith.muli %arg0, %mul3A_1 : i32
    %mul3A_3 = arith.constant 640 : i32
    %mul3A_4 = arith.muli %arg1, %mul3A_3 : i32
    %add3A = arith.addi %mul3A_2, %mul3A_4 : i32
    %multiple_of3A_5 = tpu.assume_multiple %add3A, 8 : i32
    %mul3A_6 = arith.constant 16 : i32
    %mul3A_7 = arith.muli %arg0, %mul3A_6 : i32
    %add3A_8 = arith.addi %mul3A_7, %arg1 : i32
    %mul3A_9 = arith.constant 20480 : i32
    %mul3A_10 = arith.muli %add3A_8, %mul3A_9 : i32
    %multiple_of3A_11 = tpu.assume_multiple %mul3A_10, 8 : i32
    "tpu.region"() ({
      %run_scoped3A = tpu.sem_alloc : memref<!tpu.dma_semaphore, #tpu.memory_space<semaphore_mem>>
      %dma_start3A = arith.constant 0 : i32
      %dma_start3A_19 = tpu.memref_slice %arg6[%multiple_of3A, %dma_start3A] : memref<10240x128xf32, #tpu.memory_space<vmem_shared>> -> memref<640x128xf32, #tpu.memory_space<vmem_shared>>
      %dma_start3A_20 = arith.constant 0 : i32
      %dma_start3A_21 = tpu.memref_slice %arg2[%multiple_of3A_5, %dma_start3A_20] : memref<20480x128xf32, #tpu.memory_space<hbm>> -> memref<640x128xf32, #tpu.memory_space<hbm>>
      tpu.enqueue_dma source(%dma_start3A_21 : memref<640x128xf32, #tpu.memory_space<hbm>>) target(%dma_start3A_19 : memref<640x128xf32, #tpu.memory_space<vmem_shared>>) target_semaphore(%run_scoped3A : memref<!tpu.dma_semaphore, #tpu.memory_space<semaphore_mem>>)
      %dma_wait3A = arith.constant 0 : i32
      %dma_wait3A_22 = tpu.memref_slice %arg6[%multiple_of3A, %dma_wait3A] : memref<10240x128xf32, #tpu.memory_space<vmem_shared>> -> memref<640x128xf32, #tpu.memory_space<vmem_shared>>
      %dma_wait3A_23 = arith.constant 0 : i32
      %dma_wait3A_24 = tpu.memref_slice %arg2[%multiple_of3A_5, %dma_wait3A_23] : memref<20480x128xf32, #tpu.memory_space<hbm>> -> memref<640x128xf32, #tpu.memory_space<hbm>>
      tpu.wait_dma2 semaphore(%run_scoped3A : memref<!tpu.dma_semaphore, #tpu.memory_space<semaphore_mem>>) src(%dma_wait3A_24 : memref<640x128xf32, #tpu.memory_space<hbm>>) dst(%dma_wait3A_22 : memref<640x128xf32, #tpu.memory_space<vmem_shared>>)
      tpu.yield
    }) : () -> ()
    %barrier3A = arith.constant 0 : index
    tpu.barrier barrier_id(%barrier3A)
    "tpu.region"() ({
      %run_scoped3A = tpu.sem_alloc : memref<!tpu.dma_semaphore, #tpu.memory_space<semaphore_mem>>
      %dma_start3A = tpu.memref_slice %arg3[%multiple_of3A_11] : memref<655360xi32, #tpu.memory_space<hbm>> -> memref<2560xi32, #tpu.memory_space<hbm>>
      %dma_start3A_19 = tpu.memref_slice %arg3[%multiple_of3A_11] : memref<655360xi32, #tpu.memory_space<hbm>> -> memref<2560xi32, #tpu.memory_space<hbm>>
      tpu.enqueue_dma source(%dma_start3A_19 : memref<2560xi32, #tpu.memory_space<hbm>>) target(%arg7 : memref<2560xi32, #tpu.memory_space<vmem>>) target_semaphore(%run_scoped3A : memref<!tpu.dma_semaphore, #tpu.memory_space<semaphore_mem>>)
      %dma_wait3A = tpu.memref_slice %arg3[%multiple_of3A_11] : memref<655360xi32, #tpu.memory_space<hbm>> -> memref<2560xi32, #tpu.memory_space<hbm>>
      %dma_wait3A_20 = tpu.memref_slice %arg3[%multiple_of3A_11] : memref<655360xi32, #tpu.memory_space<hbm>> -> memref<2560xi32, #tpu.memory_space<hbm>>
      tpu.wait_dma2 semaphore(%run_scoped3A : memref<!tpu.dma_semaphore, #tpu.memory_space<semaphore_mem>>) src(%dma_wait3A_20 : memref<2560xi32, #tpu.memory_space<hbm>>) dst(%arg7 : memref<2560xi32, #tpu.memory_space<vmem>>)
      tpu.yield
    }) : () -> ()
    "tpu.region"() ({
      %run_scoped3A = tpu.sem_alloc : memref<!tpu.dma_semaphore, #tpu.memory_space<semaphore_mem>>
      %dma_start3A = tpu.memref_slice %arg4[%multiple_of3A_11] : memref<655360xi32, #tpu.memory_space<hbm>> -> memref<2560xi32, #tpu.memory_space<hbm>>
      %dma_start3A_19 = tpu.memref_slice %arg4[%multiple_of3A_11] : memref<655360xi32, #tpu.memory_space<hbm>> -> memref<2560xi32, #tpu.memory_space<hbm>>
      tpu.enqueue_dma source(%dma_start3A_19 : memref<2560xi32, #tpu.memory_space<hbm>>) target(%arg8 : memref<2560xi32, #tpu.memory_space<vmem>>) target_semaphore(%run_scoped3A : memref<!tpu.dma_semaphore, #tpu.memory_space<semaphore_mem>>)
      %dma_wait3A = tpu.memref_slice %arg4[%multiple_of3A_11] : memref<655360xi32, #tpu.memory_space<hbm>> -> memref<2560xi32, #tpu.memory_space<hbm>>
      %dma_wait3A_20 = tpu.memref_slice %arg4[%multiple_of3A_11] : memref<655360xi32, #tpu.memory_space<hbm>> -> memref<2560xi32, #tpu.memory_space<hbm>>
      tpu.wait_dma2 semaphore(%run_scoped3A : memref<!tpu.dma_semaphore, #tpu.memory_space<semaphore_mem>>) src(%dma_wait3A_20 : memref<2560xi32, #tpu.memory_space<hbm>>) dst(%arg8 : memref<2560xi32, #tpu.memory_space<vmem>>)
      tpu.yield
    }) : () -> ()
    %scan3A = arith.constant 0 : i32
    %scan3A_12 = arith.constant 0 : i32
    %scan3A_13 = arith.constant 4 : i32
    %scan3A_14 = arith.addi %scan3A_12, %scan3A_13 : i32
    %scan3A_15 = arith.constant 1 : i32
    %scan3A_16 = scf.for %scan3A_19 = %scan3A_12 to %scan3A_14 step %scan3A_15 iter_args(%scan3A_20 = %scan3A) -> (i32)  : i32 {
      %mul3A_21 = arith.constant 2 : i32
      %mul3A_22 = arith.muli %scan3A_19, %mul3A_21 : i32
      %add3A_23 = arith.constant 1 : i32
      %add3A_24 = arith.addi %mul3A_22, %add3A_23 : i32
      %mul3A_25 = arith.constant 2560 : i32
      %mul3A_26 = arith.muli %add3A_24, %mul3A_25 : i32
      %add3A_27 = arith.addi %multiple_of3A_11, %mul3A_26 : i32
      %multiple_of3A_28 = tpu.assume_multiple %add3A_27, 8 : i32
      %dma_start3A = tpu.memref_slice %arg3[%multiple_of3A_28] : memref<655360xi32, #tpu.memory_space<hbm>> -> memref<2560xi32, #tpu.memory_space<hbm>>
      %dma_start3A_29 = tpu.memref_slice %arg3[%multiple_of3A_28] : memref<655360xi32, #tpu.memory_space<hbm>> -> memref<2560xi32, #tpu.memory_space<hbm>>
      tpu.enqueue_dma source(%dma_start3A_29 : memref<2560xi32, #tpu.memory_space<hbm>>) target(%arg9 : memref<2560xi32, #tpu.memory_space<vmem>>) target_semaphore(%arg17 : memref<!tpu.dma_semaphore, #tpu.memory_space<semaphore_mem>>)
      %dma_start3A_30 = tpu.memref_slice %arg4[%multiple_of3A_28] : memref<655360xi32, #tpu.memory_space<hbm>> -> memref<2560xi32, #tpu.memory_space<hbm>>
      %dma_start3A_31 = tpu.memref_slice %arg4[%multiple_of3A_28] : memref<655360xi32, #tpu.memory_space<hbm>> -> memref<2560xi32, #tpu.memory_space<hbm>>
      tpu.enqueue_dma source(%dma_start3A_31 : memref<2560xi32, #tpu.memory_space<hbm>>) target(%arg10 : memref<2560xi32, #tpu.memory_space<vmem>>) target_semaphore(%arg17 : memref<!tpu.dma_semaphore, #tpu.memory_space<semaphore_mem>>)
      %multiple_of3A_32 = arith.constant 0 : i32
      %multiple_of3A_33 = tpu.assume_multiple %multiple_of3A_32, 8 : i32
      %dma_start3A_34 = tpu.memref_slice %arg7[%multiple_of3A_33] : memref<2560xi32, #tpu.memory_space<vmem>> -> memref<128xi32, #tpu.memory_space<vmem>>
      %dma_start3A_35 = arith.constant 0 : i32
      %dma_start3A_36 = arith.constant 0 : i32
      %dma_start3A_37 = tpu.memref_slice %arg2[%dma_start3A_35, %dma_start3A_36] : memref<20480x128xf32, #tpu.memory_space<hbm>> -> memref<20480x128xf32, #tpu.memory_space<hbm>>
      tpu.enqueue_indirect_dma source(%dma_start3A_37 : memref<20480x128xf32, #tpu.memory_space<hbm>>) target(%arg11 : memref<128x128xf32, #tpu.memory_space<vmem>>) offsets(%dma_start3A_34 : memref<128xi32, #tpu.memory_space<vmem>>) semaphore(%arg13 : memref<!tpu.dma_semaphore, #tpu.memory_space<semaphore_mem>>)
      %multiple_of3A_38 = arith.constant 128 : i32
      %multiple_of3A_39 = tpu.assume_multiple %multiple_of3A_38, 8 : i32
      %dma_start3A_40 = tpu.memref_slice %arg7[%multiple_of3A_39] : memref<2560xi32, #tpu.memory_space<vmem>> -> memref<128xi32, #tpu.memory_space<vmem>>
      %dma_start3A_41 = arith.constant 0 : i32
      %dma_start3A_42 = arith.constant 0 : i32
      %dma_start3A_43 = tpu.memref_slice %arg2[%dma_start3A_41, %dma_start3A_42] : memref<20480x128xf32, #tpu.memory_space<hbm>> -> memref<20480x128xf32, #tpu.memory_space<hbm>>
      tpu.enqueue_indirect_dma source(%dma_start3A_43 : memref<20480x128xf32, #tpu.memory_space<hbm>>) target(%arg12 : memref<128x128xf32, #tpu.memory_space<vmem>>) offsets(%dma_start3A_40 : memref<128xi32, #tpu.memory_space<vmem>>) semaphore(%arg14 : memref<!tpu.dma_semaphore, #tpu.memory_space<semaphore_mem>>)
      %scan3A_44 = arith.constant 0 : i32
      %scan3A_45 = arith.constant 0 : i32
      %scan3A_46 = arith.constant 10 : i32
      %scan3A_47 = arith.addi %scan3A_45, %scan3A_46 : i32
      %scan3A_48 = arith.constant 1 : i32
      %scan3A_49 = scf.for %scan3A_105 = %scan3A_45 to %scan3A_47 step %scan3A_48 iter_args(%scan3A_106 = %scan3A_44) -> (i32)  : i32 {
        %mul3A_107 = arith.constant 2 : i32
        %mul3A_108 = arith.muli %scan3A_105, %mul3A_107 : i32
        %dma_wait3A_109 = arith.constant 0 : i32
        %dma_wait3A_110 = tpu.memref_slice %arg7[%dma_wait3A_109] : memref<2560xi32, #tpu.memory_space<vmem>> -> memref<128xi32, #tpu.memory_space<vmem>>
        %dma_wait3A_111 = arith.constant 0 : i32
        %dma_wait3A_112 = arith.constant 0 : i32
        %dma_wait3A_113 = tpu.memref_slice %arg2[%dma_wait3A_111, %dma_wait3A_112] : memref<20480x128xf32, #tpu.memory_space<hbm>> -> memref<20480x128xf32, #tpu.memory_space<hbm>>
        tpu.wait_indirect_dma semaphore(%arg13 : memref<!tpu.dma_semaphore, #tpu.memory_space<semaphore_mem>>) src(%dma_wait3A_113 : memref<20480x128xf32, #tpu.memory_space<hbm>>) dst(%arg11 : memref<128x128xf32, #tpu.memory_space<vmem>>)
        %mul3A_114 = arith.constant 128 : i32
        %mul3A_115 = arith.muli %mul3A_108, %mul3A_114 : i32
        %multiple_of3A_116 = tpu.assume_multiple %mul3A_115, 8 : i32
        %dma_start3A_117 = tpu.memref_slice %arg8[%multiple_of3A_116] : memref<2560xi32, #tpu.memory_space<vmem>> -> memref<128xi32, #tpu.memory_space<vmem>>
        %dma_start3A_118 = arith.constant 0 : i32
        %dma_start3A_119 = arith.constant 0 : i32
        %dma_start3A_120 = tpu.memref_slice %arg6[%dma_start3A_118, %dma_start3A_119] : memref<10240x128xf32, #tpu.memory_space<vmem_shared>> -> memref<10240x128xf32, #tpu.memory_space<vmem_shared>>
        tpu.enqueue_indirect_dma source(%arg11 : memref<128x128xf32, #tpu.memory_space<vmem>>) target(%dma_start3A_120 : memref<10240x128xf32, #tpu.memory_space<vmem_shared>>) offsets(%dma_start3A_117 : memref<128xi32, #tpu.memory_space<vmem>>) semaphore(%arg15 : memref<!tpu.dma_semaphore, #tpu.memory_space<semaphore_mem>>) {add = true}
        %dma_wait3A_121 = arith.constant 0 : i32
        %dma_wait3A_122 = tpu.memref_slice %arg7[%dma_wait3A_121] : memref<2560xi32, #tpu.memory_space<vmem>> -> memref<128xi32, #tpu.memory_space<vmem>>
        %dma_wait3A_123 = arith.constant 0 : i32
        %dma_wait3A_124 = arith.constant 0 : i32
        %dma_wait3A_125 = tpu.memref_slice %arg2[%dma_wait3A_123, %dma_wait3A_124] : memref<20480x128xf32, #tpu.memory_space<hbm>> -> memref<20480x128xf32, #tpu.memory_space<hbm>>
        tpu.wait_indirect_dma semaphore(%arg14 : memref<!tpu.dma_semaphore, #tpu.memory_space<semaphore_mem>>) src(%dma_wait3A_125 : memref<20480x128xf32, #tpu.memory_space<hbm>>) dst(%arg12 : memref<128x128xf32, #tpu.memory_space<vmem>>)
        %add3A_126 = arith.constant 1 : i32
        %add3A_127 = arith.addi %mul3A_108, %add3A_126 : i32
        %mul3A_128 = arith.constant 128 : i32
        %mul3A_129 = arith.muli %add3A_127, %mul3A_128 : i32
        %multiple_of3A_130 = tpu.assume_multiple %mul3A_129, 8 : i32
        %dma_start3A_131 = tpu.memref_slice %arg8[%multiple_of3A_130] : memref<2560xi32, #tpu.memory_space<vmem>> -> memref<128xi32, #tpu.memory_space<vmem>>
        %dma_start3A_132 = arith.constant 0 : i32
        %dma_start3A_133 = arith.constant 0 : i32
        %dma_start3A_134 = tpu.memref_slice %arg6[%dma_start3A_132, %dma_start3A_133] : memref<10240x128xf32, #tpu.memory_space<vmem_shared>> -> memref<10240x128xf32, #tpu.memory_space<vmem_shared>>
        tpu.enqueue_indirect_dma source(%arg12 : memref<128x128xf32, #tpu.memory_space<vmem>>) target(%dma_start3A_134 : memref<10240x128xf32, #tpu.memory_space<vmem_shared>>) offsets(%dma_start3A_131 : memref<128xi32, #tpu.memory_space<vmem>>) semaphore(%arg16 : memref<!tpu.dma_semaphore, #tpu.memory_space<semaphore_mem>>) {add = true}
        %add3A_135 = arith.constant 2 : i32
        %add3A_136 = arith.addi %mul3A_108, %add3A_135 : i32
        %lt3A_137 = arith.constant 20 : i32
        %lt3A_138 = arith.cmpi slt, %add3A_136, %lt3A_137 : i32
        %convert_element_type3A_139 = arith.extui %lt3A_138 : i1 to i32
        %cond3A_140 = arith.constant 0 : i32
        %cond3A_141 = arith.cmpi ne, %convert_element_type3A_139, %cond3A_140 : i32
        scf.if %cond3A_141 {
          %dma_wait3A_143 = arith.constant 0 : i32
          %dma_wait3A_144 = tpu.memref_slice %arg8[%dma_wait3A_143] : memref<2560xi32, #tpu.memory_space<vmem>> -> memref<128xi32, #tpu.memory_space<vmem>>
          %dma_wait3A_145 = arith.constant 0 : i32
          %dma_wait3A_146 = arith.constant 0 : i32
          %dma_wait3A_147 = tpu.memref_slice %arg6[%dma_wait3A_145, %dma_wait3A_146] : memref<10240x128xf32, #tpu.memory_space<vmem_shared>> -> memref<10240x128xf32, #tpu.memory_space<vmem_shared>>
          tpu.wait_indirect_dma semaphore(%arg15 : memref<!tpu.dma_semaphore, #tpu.memory_space<semaphore_mem>>) src(%arg11 : memref<128x128xf32, #tpu.memory_space<vmem>>) dst(%dma_wait3A_147 : memref<10240x128xf32, #tpu.memory_space<vmem_shared>>)
          %add3A_148 = arith.constant 2 : i32
          %add3A_149 = arith.addi %mul3A_108, %add3A_148 : i32
          %mul3A_150 = arith.constant 128 : i32
          %mul3A_151 = arith.muli %add3A_149, %mul3A_150 : i32
          %multiple_of3A_152 = tpu.assume_multiple %mul3A_151, 8 : i32
          %dma_start3A_153 = tpu.memref_slice %arg7[%multiple_of3A_152] : memref<2560xi32, #tpu.memory_space<vmem>> -> memref<128xi32, #tpu.memory_space<vmem>>
          %dma_start3A_154 = arith.constant 0 : i32
          %dma_start3A_155 = arith.constant 0 : i32
          %dma_start3A_156 = tpu.memref_slice %arg2[%dma_start3A_154, %dma_start3A_155] : memref<20480x128xf32, #tpu.memory_space<hbm>> -> memref<20480x128xf32, #tpu.memory_space<hbm>>
          tpu.enqueue_indirect_dma source(%dma_start3A_156 : memref<20480x128xf32, #tpu.memory_space<hbm>>) target(%arg11 : memref<128x128xf32, #tpu.memory_space<vmem>>) offsets(%dma_start3A_153 : memref<128xi32, #tpu.memory_space<vmem>>) semaphore(%arg13 : memref<!tpu.dma_semaphore, #tpu.memory_space<semaphore_mem>>)
          %dma_wait3A_157 = arith.constant 0 : i32
          %dma_wait3A_158 = tpu.memref_slice %arg8[%dma_wait3A_157] : memref<2560xi32, #tpu.memory_space<vmem>> -> memref<128xi32, #tpu.memory_space<vmem>>
          %dma_wait3A_159 = arith.constant 0 : i32
          %dma_wait3A_160 = arith.constant 0 : i32
          %dma_wait3A_161 = tpu.memref_slice %arg6[%dma_wait3A_159, %dma_wait3A_160] : memref<10240x128xf32, #tpu.memory_space<vmem_shared>> -> memref<10240x128xf32, #tpu.memory_space<vmem_shared>>
          tpu.wait_indirect_dma semaphore(%arg16 : memref<!tpu.dma_semaphore, #tpu.memory_space<semaphore_mem>>) src(%arg12 : memref<128x128xf32, #tpu.memory_space<vmem>>) dst(%dma_wait3A_161 : memref<10240x128xf32, #tpu.memory_space<vmem_shared>>)
          %add3A_162 = arith.constant 3 : i32
          %add3A_163 = arith.addi %mul3A_108, %add3A_162 : i32
          %mul3A_164 = arith.constant 128 : i32
          %mul3A_165 = arith.muli %add3A_163, %mul3A_164 : i32
          %multiple_of3A_166 = tpu.assume_multiple %mul3A_165, 8 : i32
          %dma_start3A_167 = tpu.memref_slice %arg7[%multiple_of3A_166] : memref<2560xi32, #tpu.memory_space<vmem>> -> memref<128xi32, #tpu.memory_space<vmem>>
          %dma_start3A_168 = arith.constant 0 : i32
          %dma_start3A_169 = arith.constant 0 : i32
          %dma_start3A_170 = tpu.memref_slice %arg2[%dma_start3A_168, %dma_start3A_169] : memref<20480x128xf32, #tpu.memory_space<hbm>> -> memref<20480x128xf32, #tpu.memory_space<hbm>>
          tpu.enqueue_indirect_dma source(%dma_start3A_170 : memref<20480x128xf32, #tpu.memory_space<hbm>>) target(%arg12 : memref<128x128xf32, #tpu.memory_space<vmem>>) offsets(%dma_start3A_167 : memref<128xi32, #tpu.memory_space<vmem>>) semaphore(%arg14 : memref<!tpu.dma_semaphore, #tpu.memory_space<semaphore_mem>>)
        } else {
        }
        %scan3A_142 = arith.constant 0 : i32
        scf.yield %scan3A_142 : i32
      }
      %scan3A_50 = arith.constant 10 : i32
      %dma_wait3A = arith.constant 0 : i32
      %dma_wait3A_51 = tpu.memref_slice %arg8[%dma_wait3A] : memref<2560xi32, #tpu.memory_space<vmem>> -> memref<128xi32, #tpu.memory_space<vmem>>
      %dma_wait3A_52 = arith.constant 0 : i32
      %dma_wait3A_53 = arith.constant 0 : i32
      %dma_wait3A_54 = tpu.memref_slice %arg6[%dma_wait3A_52, %dma_wait3A_53] : memref<10240x128xf32, #tpu.memory_space<vmem_shared>> -> memref<10240x128xf32, #tpu.memory_space<vmem_shared>>
      tpu.wait_indirect_dma semaphore(%arg15 : memref<!tpu.dma_semaphore, #tpu.memory_space<semaphore_mem>>) src(%arg11 : memref<128x128xf32, #tpu.memory_space<vmem>>) dst(%dma_wait3A_54 : memref<10240x128xf32, #tpu.memory_space<vmem_shared>>)
      %dma_wait3A_55 = arith.constant 0 : i32
      %dma_wait3A_56 = tpu.memref_slice %arg8[%dma_wait3A_55] : memref<2560xi32, #tpu.memory_space<vmem>> -> memref<128xi32, #tpu.memory_space<vmem>>
      %dma_wait3A_57 = arith.constant 0 : i32
      %dma_wait3A_58 = arith.constant 0 : i32
      %dma_wait3A_59 = tpu.memref_slice %arg6[%dma_wait3A_57, %dma_wait3A_58] : memref<10240x128xf32, #tpu.memory_space<vmem_shared>> -> memref<10240x128xf32, #tpu.memory_space<vmem_shared>>
      tpu.wait_indirect_dma semaphore(%arg16 : memref<!tpu.dma_semaphore, #tpu.memory_space<semaphore_mem>>) src(%arg12 : memref<128x128xf32, #tpu.memory_space<vmem>>) dst(%dma_wait3A_59 : memref<10240x128xf32, #tpu.memory_space<vmem_shared>>)
      %dma_wait3A_60 = tpu.memref_slice %arg3[%multiple_of3A_11] : memref<655360xi32, #tpu.memory_space<hbm>> -> memref<2560xi32, #tpu.memory_space<hbm>>
      %dma_wait3A_61 = tpu.memref_slice %arg3[%multiple_of3A_11] : memref<655360xi32, #tpu.memory_space<hbm>> -> memref<2560xi32, #tpu.memory_space<hbm>>
      tpu.wait_dma2 semaphore(%arg17 : memref<!tpu.dma_semaphore, #tpu.memory_space<semaphore_mem>>) src(%dma_wait3A_61 : memref<2560xi32, #tpu.memory_space<hbm>>) dst(%arg9 : memref<2560xi32, #tpu.memory_space<vmem>>)
      %dma_wait3A_62 = tpu.memref_slice %arg4[%multiple_of3A_11] : memref<655360xi32, #tpu.memory_space<hbm>> -> memref<2560xi32, #tpu.memory_space<hbm>>
      %dma_wait3A_63 = tpu.memref_slice %arg4[%multiple_of3A_11] : memref<655360xi32, #tpu.memory_space<hbm>> -> memref<2560xi32, #tpu.memory_space<hbm>>
      tpu.wait_dma2 semaphore(%arg17 : memref<!tpu.dma_semaphore, #tpu.memory_space<semaphore_mem>>) src(%dma_wait3A_63 : memref<2560xi32, #tpu.memory_space<hbm>>) dst(%arg10 : memref<2560xi32, #tpu.memory_space<vmem>>)
      %add3A_64 = arith.constant 2 : i32
      %add3A_65 = arith.addi %mul3A_22, %add3A_64 : i32
      %lt3A = arith.constant 8 : i32
      %lt3A_66 = arith.cmpi slt, %add3A_65, %lt3A : i32
      %convert_element_type3A = arith.extui %lt3A_66 : i1 to i32
      %cond3A = arith.constant 0 : i32
      %cond3A_67 = arith.cmpi ne, %convert_element_type3A, %cond3A : i32
      scf.if %cond3A_67 {
        %add3A_105 = arith.constant 2 : i32
        %add3A_106 = arith.addi %mul3A_22, %add3A_105 : i32
        %mul3A_107 = arith.constant 2560 : i32
        %mul3A_108 = arith.muli %add3A_106, %mul3A_107 : i32
        %add3A_109 = arith.addi %multiple_of3A_11, %mul3A_108 : i32
        %multiple_of3A_110 = tpu.assume_multiple %add3A_109, 8 : i32
        %dma_start3A_111 = tpu.memref_slice %arg3[%multiple_of3A_110] : memref<655360xi32, #tpu.memory_space<hbm>> -> memref<2560xi32, #tpu.memory_space<hbm>>
        %dma_start3A_112 = tpu.memref_slice %arg3[%multiple_of3A_110] : memref<655360xi32, #tpu.memory_space<hbm>> -> memref<2560xi32, #tpu.memory_space<hbm>>
        tpu.enqueue_dma source(%dma_start3A_112 : memref<2560xi32, #tpu.memory_space<hbm>>) target(%arg7 : memref<2560xi32, #tpu.memory_space<vmem>>) target_semaphore(%arg17 : memref<!tpu.dma_semaphore, #tpu.memory_space<semaphore_mem>>)
        %dma_start3A_113 = tpu.memref_slice %arg4[%multiple_of3A_110] : memref<655360xi32, #tpu.memory_space<hbm>> -> memref<2560xi32, #tpu.memory_space<hbm>>
        %dma_start3A_114 = tpu.memref_slice %arg4[%multiple_of3A_110] : memref<655360xi32, #tpu.memory_space<hbm>> -> memref<2560xi32, #tpu.memory_space<hbm>>
        tpu.enqueue_dma source(%dma_start3A_114 : memref<2560xi32, #tpu.memory_space<hbm>>) target(%arg8 : memref<2560xi32, #tpu.memory_space<vmem>>) target_semaphore(%arg17 : memref<!tpu.dma_semaphore, #tpu.memory_space<semaphore_mem>>)
      } else {
      }
      %multiple_of3A_68 = arith.constant 0 : i32
      %multiple_of3A_69 = tpu.assume_multiple %multiple_of3A_68, 8 : i32
      %dma_start3A_70 = tpu.memref_slice %arg9[%multiple_of3A_69] : memref<2560xi32, #tpu.memory_space<vmem>> -> memref<128xi32, #tpu.memory_space<vmem>>
      %dma_start3A_71 = arith.constant 0 : i32
      %dma_start3A_72 = arith.constant 0 : i32
      %dma_start3A_73 = tpu.memref_slice %arg2[%dma_start3A_71, %dma_start3A_72] : memref<20480x128xf32, #tpu.memory_space<hbm>> -> memref<20480x128xf32, #tpu.memory_space<hbm>>
      tpu.enqueue_indirect_dma source(%dma_start3A_73 : memref<20480x128xf32, #tpu.memory_space<hbm>>) target(%arg11 : memref<128x128xf32, #tpu.memory_space<vmem>>) offsets(%dma_start3A_70 : memref<128xi32, #tpu.memory_space<vmem>>) semaphore(%arg13 : memref<!tpu.dma_semaphore, #tpu.memory_space<semaphore_mem>>)
      %multiple_of3A_74 = arith.constant 128 : i32
      %multiple_of3A_75 = tpu.assume_multiple %multiple_of3A_74, 8 : i32
      %dma_start3A_76 = tpu.memref_slice %arg9[%multiple_of3A_75] : memref<2560xi32, #tpu.memory_space<vmem>> -> memref<128xi32, #tpu.memory_space<vmem>>
      %dma_start3A_77 = arith.constant 0 : i32
      %dma_start3A_78 = arith.constant 0 : i32
      %dma_start3A_79 = tpu.memref_slice %arg2[%dma_start3A_77, %dma_start3A_78] : memref<20480x128xf32, #tpu.memory_space<hbm>> -> memref<20480x128xf32, #tpu.memory_space<hbm>>
      tpu.enqueue_indirect_dma source(%dma_start3A_79 : memref<20480x128xf32, #tpu.memory_space<hbm>>) target(%arg12 : memref<128x128xf32, #tpu.memory_space<vmem>>) offsets(%dma_start3A_76 : memref<128xi32, #tpu.memory_space<vmem>>) semaphore(%arg14 : memref<!tpu.dma_semaphore, #tpu.memory_space<semaphore_mem>>)
      %scan3A_80 = arith.constant 0 : i32
      %scan3A_81 = arith.constant 0 : i32
      %scan3A_82 = arith.constant 10 : i32
      %scan3A_83 = arith.addi %scan3A_81, %scan3A_82 : i32
      %scan3A_84 = arith.constant 1 : i32
      %scan3A_85 = scf.for %scan3A_105 = %scan3A_81 to %scan3A_83 step %scan3A_84 iter_args(%scan3A_106 = %scan3A_80) -> (i32)  : i32 {
        %mul3A_107 = arith.constant 2 : i32
        %mul3A_108 = arith.muli %scan3A_105, %mul3A_107 : i32
        %dma_wait3A_109 = arith.constant 0 : i32
        %dma_wait3A_110 = tpu.memref_slice %arg9[%dma_wait3A_109] : memref<2560xi32, #tpu.memory_space<vmem>> -> memref<128xi32, #tpu.memory_space<vmem>>
        %dma_wait3A_111 = arith.constant 0 : i32
        %dma_wait3A_112 = arith.constant 0 : i32
        %dma_wait3A_113 = tpu.memref_slice %arg2[%dma_wait3A_111, %dma_wait3A_112] : memref<20480x128xf32, #tpu.memory_space<hbm>> -> memref<20480x128xf32, #tpu.memory_space<hbm>>
        tpu.wait_indirect_dma semaphore(%arg13 : memref<!tpu.dma_semaphore, #tpu.memory_space<semaphore_mem>>) src(%dma_wait3A_113 : memref<20480x128xf32, #tpu.memory_space<hbm>>) dst(%arg11 : memref<128x128xf32, #tpu.memory_space<vmem>>)
        %mul3A_114 = arith.constant 128 : i32
        %mul3A_115 = arith.muli %mul3A_108, %mul3A_114 : i32
        %multiple_of3A_116 = tpu.assume_multiple %mul3A_115, 8 : i32
        %dma_start3A_117 = tpu.memref_slice %arg10[%multiple_of3A_116] : memref<2560xi32, #tpu.memory_space<vmem>> -> memref<128xi32, #tpu.memory_space<vmem>>
        %dma_start3A_118 = arith.constant 0 : i32
        %dma_start3A_119 = arith.constant 0 : i32
        %dma_start3A_120 = tpu.memref_slice %arg6[%dma_start3A_118, %dma_start3A_119] : memref<10240x128xf32, #tpu.memory_space<vmem_shared>> -> memref<10240x128xf32, #tpu.memory_space<vmem_shared>>
        tpu.enqueue_indirect_dma source(%arg11 : memref<128x128xf32, #tpu.memory_space<vmem>>) target(%dma_start3A_120 : memref<10240x128xf32, #tpu.memory_space<vmem_shared>>) offsets(%dma_start3A_117 : memref<128xi32, #tpu.memory_space<vmem>>) semaphore(%arg15 : memref<!tpu.dma_semaphore, #tpu.memory_space<semaphore_mem>>) {add = true}
        %dma_wait3A_121 = arith.constant 0 : i32
        %dma_wait3A_122 = tpu.memref_slice %arg9[%dma_wait3A_121] : memref<2560xi32, #tpu.memory_space<vmem>> -> memref<128xi32, #tpu.memory_space<vmem>>
        %dma_wait3A_123 = arith.constant 0 : i32
        %dma_wait3A_124 = arith.constant 0 : i32
        %dma_wait3A_125 = tpu.memref_slice %arg2[%dma_wait3A_123, %dma_wait3A_124] : memref<20480x128xf32, #tpu.memory_space<hbm>> -> memref<20480x128xf32, #tpu.memory_space<hbm>>
        tpu.wait_indirect_dma semaphore(%arg14 : memref<!tpu.dma_semaphore, #tpu.memory_space<semaphore_mem>>) src(%dma_wait3A_125 : memref<20480x128xf32, #tpu.memory_space<hbm>>) dst(%arg12 : memref<128x128xf32, #tpu.memory_space<vmem>>)
        %add3A_126 = arith.constant 1 : i32
        %add3A_127 = arith.addi %mul3A_108, %add3A_126 : i32
        %mul3A_128 = arith.constant 128 : i32
        %mul3A_129 = arith.muli %add3A_127, %mul3A_128 : i32
        %multiple_of3A_130 = tpu.assume_multiple %mul3A_129, 8 : i32
        %dma_start3A_131 = tpu.memref_slice %arg10[%multiple_of3A_130] : memref<2560xi32, #tpu.memory_space<vmem>> -> memref<128xi32, #tpu.memory_space<vmem>>
        %dma_start3A_132 = arith.constant 0 : i32
        %dma_start3A_133 = arith.constant 0 : i32
        %dma_start3A_134 = tpu.memref_slice %arg6[%dma_start3A_132, %dma_start3A_133] : memref<10240x128xf32, #tpu.memory_space<vmem_shared>> -> memref<10240x128xf32, #tpu.memory_space<vmem_shared>>
        tpu.enqueue_indirect_dma source(%arg12 : memref<128x128xf32, #tpu.memory_space<vmem>>) target(%dma_start3A_134 : memref<10240x128xf32, #tpu.memory_space<vmem_shared>>) offsets(%dma_start3A_131 : memref<128xi32, #tpu.memory_space<vmem>>) semaphore(%arg16 : memref<!tpu.dma_semaphore, #tpu.memory_space<semaphore_mem>>) {add = true}
        %add3A_135 = arith.constant 2 : i32
        %add3A_136 = arith.addi %mul3A_108, %add3A_135 : i32
        %lt3A_137 = arith.constant 20 : i32
        %lt3A_138 = arith.cmpi slt, %add3A_136, %lt3A_137 : i32
        %convert_element_type3A_139 = arith.extui %lt3A_138 : i1 to i32
        %cond3A_140 = arith.constant 0 : i32
        %cond3A_141 = arith.cmpi ne, %convert_element_type3A_139, %cond3A_140 : i32
        scf.if %cond3A_141 {
          %dma_wait3A_143 = arith.constant 0 : i32
          %dma_wait3A_144 = tpu.memref_slice %arg10[%dma_wait3A_143] : memref<2560xi32, #tpu.memory_space<vmem>> -> memref<128xi32, #tpu.memory_space<vmem>>
          %dma_wait3A_145 = arith.constant 0 : i32
          %dma_wait3A_146 = arith.constant 0 : i32
          %dma_wait3A_147 = tpu.memref_slice %arg6[%dma_wait3A_145, %dma_wait3A_146] : memref<10240x128xf32, #tpu.memory_space<vmem_shared>> -> memref<10240x128xf32, #tpu.memory_space<vmem_shared>>
          tpu.wait_indirect_dma semaphore(%arg15 : memref<!tpu.dma_semaphore, #tpu.memory_space<semaphore_mem>>) src(%arg11 : memref<128x128xf32, #tpu.memory_space<vmem>>) dst(%dma_wait3A_147 : memref<10240x128xf32, #tpu.memory_space<vmem_shared>>)
          %add3A_148 = arith.constant 2 : i32
          %add3A_149 = arith.addi %mul3A_108, %add3A_148 : i32
          %mul3A_150 = arith.constant 128 : i32
          %mul3A_151 = arith.muli %add3A_149, %mul3A_150 : i32
          %multiple_of3A_152 = tpu.assume_multiple %mul3A_151, 8 : i32
          %dma_start3A_153 = tpu.memref_slice %arg9[%multiple_of3A_152] : memref<2560xi32, #tpu.memory_space<vmem>> -> memref<128xi32, #tpu.memory_space<vmem>>
          %dma_start3A_154 = arith.constant 0 : i32
          %dma_start3A_155 = arith.constant 0 : i32
          %dma_start3A_156 = tpu.memref_slice %arg2[%dma_start3A_154, %dma_start3A_155] : memref<20480x128xf32, #tpu.memory_space<hbm>> -> memref<20480x128xf32, #tpu.memory_space<hbm>>
          tpu.enqueue_indirect_dma source(%dma_start3A_156 : memref<20480x128xf32, #tpu.memory_space<hbm>>) target(%arg11 : memref<128x128xf32, #tpu.memory_space<vmem>>) offsets(%dma_start3A_153 : memref<128xi32, #tpu.memory_space<vmem>>) semaphore(%arg13 : memref<!tpu.dma_semaphore, #tpu.memory_space<semaphore_mem>>)
          %dma_wait3A_157 = arith.constant 0 : i32
          %dma_wait3A_158 = tpu.memref_slice %arg10[%dma_wait3A_157] : memref<2560xi32, #tpu.memory_space<vmem>> -> memref<128xi32, #tpu.memory_space<vmem>>
          %dma_wait3A_159 = arith.constant 0 : i32
          %dma_wait3A_160 = arith.constant 0 : i32
          %dma_wait3A_161 = tpu.memref_slice %arg6[%dma_wait3A_159, %dma_wait3A_160] : memref<10240x128xf32, #tpu.memory_space<vmem_shared>> -> memref<10240x128xf32, #tpu.memory_space<vmem_shared>>
          tpu.wait_indirect_dma semaphore(%arg16 : memref<!tpu.dma_semaphore, #tpu.memory_space<semaphore_mem>>) src(%arg12 : memref<128x128xf32, #tpu.memory_space<vmem>>) dst(%dma_wait3A_161 : memref<10240x128xf32, #tpu.memory_space<vmem_shared>>)
          %add3A_162 = arith.constant 3 : i32
          %add3A_163 = arith.addi %mul3A_108, %add3A_162 : i32
          %mul3A_164 = arith.constant 128 : i32
          %mul3A_165 = arith.muli %add3A_163, %mul3A_164 : i32
          %multiple_of3A_166 = tpu.assume_multiple %mul3A_165, 8 : i32
          %dma_start3A_167 = tpu.memref_slice %arg9[%multiple_of3A_166] : memref<2560xi32, #tpu.memory_space<vmem>> -> memref<128xi32, #tpu.memory_space<vmem>>
          %dma_start3A_168 = arith.constant 0 : i32
          %dma_start3A_169 = arith.constant 0 : i32
          %dma_start3A_170 = tpu.memref_slice %arg2[%dma_start3A_168, %dma_start3A_169] : memref<20480x128xf32, #tpu.memory_space<hbm>> -> memref<20480x128xf32, #tpu.memory_space<hbm>>
          tpu.enqueue_indirect_dma source(%dma_start3A_170 : memref<20480x128xf32, #tpu.memory_space<hbm>>) target(%arg12 : memref<128x128xf32, #tpu.memory_space<vmem>>) offsets(%dma_start3A_167 : memref<128xi32, #tpu.memory_space<vmem>>) semaphore(%arg14 : memref<!tpu.dma_semaphore, #tpu.memory_space<semaphore_mem>>)
        } else {
        }
        %scan3A_142 = arith.constant 0 : i32
        scf.yield %scan3A_142 : i32
      }
      %scan3A_86 = arith.constant 10 : i32
      %dma_wait3A_87 = arith.constant 0 : i32
      %dma_wait3A_88 = tpu.memref_slice %arg10[%dma_wait3A_87] : memref<2560xi32, #tpu.memory_space<vmem>> -> memref<128xi32, #tpu.memory_space<vmem>>
      %dma_wait3A_89 = arith.constant 0 : i32
      %dma_wait3A_90 = arith.constant 0 : i32
      %dma_wait3A_91 = tpu.memref_slice %arg6[%dma_wait3A_89, %dma_wait3A_90] : memref<10240x128xf32, #tpu.memory_space<vmem_shared>> -> memref<10240x128xf32, #tpu.memory_space<vmem_shared>>
      tpu.wait_indirect_dma semaphore(%arg15 : memref<!tpu.dma_semaphore, #tpu.memory_space<semaphore_mem>>) src(%arg11 : memref<128x128xf32, #tpu.memory_space<vmem>>) dst(%dma_wait3A_91 : memref<10240x128xf32, #tpu.memory_space<vmem_shared>>)
      %dma_wait3A_92 = arith.constant 0 : i32
      %dma_wait3A_93 = tpu.memref_slice %arg10[%dma_wait3A_92] : memref<2560xi32, #tpu.memory_space<vmem>> -> memref<128xi32, #tpu.memory_space<vmem>>
      %dma_wait3A_94 = arith.constant 0 : i32
      %dma_wait3A_95 = arith.constant 0 : i32
      %dma_wait3A_96 = tpu.memref_slice %arg6[%dma_wait3A_94, %dma_wait3A_95] : memref<10240x128xf32, #tpu.memory_space<vmem_shared>> -> memref<10240x128xf32, #tpu.memory_space<vmem_shared>>
      tpu.wait_indirect_dma semaphore(%arg16 : memref<!tpu.dma_semaphore, #tpu.memory_space<semaphore_mem>>) src(%arg12 : memref<128x128xf32, #tpu.memory_space<vmem>>) dst(%dma_wait3A_96 : memref<10240x128xf32, #tpu.memory_space<vmem_shared>>)
      %add3A_97 = arith.constant 2 : i32
      %add3A_98 = arith.addi %mul3A_22, %add3A_97 : i32
      %lt3A_99 = arith.constant 8 : i32
      %lt3A_100 = arith.cmpi slt, %add3A_98, %lt3A_99 : i32
      %convert_element_type3A_101 = arith.extui %lt3A_100 : i1 to i32
      %cond3A_102 = arith.constant 0 : i32
      %cond3A_103 = arith.cmpi ne, %convert_element_type3A_101, %cond3A_102 : i32
      scf.if %cond3A_103 {
        %dma_wait3A_105 = tpu.memref_slice %arg3[%multiple_of3A_11] : memref<655360xi32, #tpu.memory_space<hbm>> -> memref<2560xi32, #tpu.memory_space<hbm>>
        %dma_wait3A_106 = tpu.memref_slice %arg3[%multiple_of3A_11] : memref<655360xi32, #tpu.memory_space<hbm>> -> memref<2560xi32, #tpu.memory_space<hbm>>
        tpu.wait_dma2 semaphore(%arg17 : memref<!tpu.dma_semaphore, #tpu.memory_space<semaphore_mem>>) src(%dma_wait3A_106 : memref<2560xi32, #tpu.memory_space<hbm>>) dst(%arg7 : memref<2560xi32, #tpu.memory_space<vmem>>)
        %dma_wait3A_107 = tpu.memref_slice %arg4[%multiple_of3A_11] : memref<655360xi32, #tpu.memory_space<hbm>> -> memref<2560xi32, #tpu.memory_space<hbm>>
        %dma_wait3A_108 = tpu.memref_slice %arg4[%multiple_of3A_11] : memref<655360xi32, #tpu.memory_space<hbm>> -> memref<2560xi32, #tpu.memory_space<hbm>>
        tpu.wait_dma2 semaphore(%arg17 : memref<!tpu.dma_semaphore, #tpu.memory_space<semaphore_mem>>) src(%dma_wait3A_108 : memref<2560xi32, #tpu.memory_space<hbm>>) dst(%arg8 : memref<2560xi32, #tpu.memory_space<vmem>>)
      } else {
      }
      %scan3A_104 = arith.constant 0 : i32
      scf.yield %scan3A_104 : i32
    }
    %scan3A_17 = arith.constant 4 : i32
    %barrier3A_18 = arith.constant 0 : index
    tpu.barrier barrier_id(%barrier3A_18)
    "tpu.region"() ({
      %run_scoped3A = tpu.sem_alloc : memref<!tpu.dma_semaphore, #tpu.memory_space<semaphore_mem>>
      %dma_start3A = arith.constant 0 : i32
      %dma_start3A_19 = tpu.memref_slice %arg5[%multiple_of3A_5, %dma_start3A] : memref<20480x128xf32, #tpu.memory_space<hbm>> -> memref<640x128xf32, #tpu.memory_space<hbm>>
      %dma_start3A_20 = arith.constant 0 : i32
      %dma_start3A_21 = tpu.memref_slice %arg6[%multiple_of3A, %dma_start3A_20] : memref<10240x128xf32, #tpu.memory_space<vmem_shared>> -> memref<640x128xf32, #tpu.memory_space<vmem_shared>>
      tpu.enqueue_dma source(%dma_start3A_21 : memref<640x128xf32, #tpu.memory_space<vmem_shared>>) target(%dma_start3A_19 : memref<640x128xf32, #tpu.memory_space<hbm>>) target_semaphore(%run_scoped3A : memref<!tpu.dma_semaphore, #tpu.memory_space<semaphore_mem>>)
      %dma_wait3A = arith.constant 0 : i32
      %dma_wait3A_22 = tpu.memref_slice %arg5[%multiple_of3A_5, %dma_wait3A] : memref<20480x128xf32, #tpu.memory_space<hbm>> -> memref<640x128xf32, #tpu.memory_space<hbm>>
      %dma_wait3A_23 = arith.constant 0 : i32
      %dma_wait3A_24 = tpu.memref_slice %arg6[%multiple_of3A, %dma_wait3A_23] : memref<10240x128xf32, #tpu.memory_space<vmem_shared>> -> memref<640x128xf32, #tpu.memory_space<vmem_shared>>
      tpu.wait_dma2 semaphore(%run_scoped3A : memref<!tpu.dma_semaphore, #tpu.memory_space<semaphore_mem>>) src(%dma_wait3A_24 : memref<640x128xf32, #tpu.memory_space<vmem_shared>>) dst(%dma_wait3A_22 : memref<640x128xf32, #tpu.memory_space<hbm>>)
      tpu.yield
    }) : () -> ()
    return
  }
}

#map = affine_map<(d0, d1) -> (0, 0)>
#map1 = affine_map<(d0, d1) -> (0)>
module attributes {stable_mosaic.version = 14 : i64} {
  func.func @_conv_sc(%arg0: i32, %arg1: i32, %arg2: memref<20480x128xf32, #tpu.memory_space<hbm>>, %arg3: memref<655360xi32, #tpu.memory_space<hbm>>, %arg4: memref<655360xi32, #tpu.memory_space<hbm>>, %arg5: memref<20480x128xf32, #tpu.memory_space<hbm>>, %arg6: memref<10240x128xf32, #tpu.memory_space<vmem_shared>>, %arg7: memref<2560xi32, #tpu.memory_space<vmem>>, %arg8: memref<2560xi32, #tpu.memory_space<vmem>>, %arg9: memref<2560xi32, #tpu.memory_space<vmem>>, %arg10: memref<2560xi32, #tpu.memory_space<vmem>>, %arg11: memref<128x128xf32, #tpu.memory_space<vmem>>, %arg12: memref<128x128xf32, #tpu.memory_space<vmem>>, %arg13: memref<!tpu.dma_semaphore, #tpu.memory_space<semaphore_mem>>, %arg14: memref<!tpu.dma_semaphore, #tpu.memory_space<semaphore_mem>>, %arg15: memref<!tpu.dma_semaphore, #tpu.memory_space<semaphore_mem>>, %arg16: memref<!tpu.dma_semaphore, #tpu.memory_space<semaphore_mem>>, %arg17: memref<!tpu.dma_semaphore, #tpu.memory_space<semaphore_mem>>) attributes {dimension_semantics = [#tpu.dimension_semantics<core_parallel>, #tpu.dimension_semantics<subcore_parallel>], iteration_bounds = array<i64: 2, 16>, scalar_prefetch = 0 : i64, scratch_operands = 12 : i64, tpu.core_type = #tpu.core_type<sc_vector_subcore>, window_params = [{transform_indices = #map}, {transform_indices = #map1}, {transform_indices = #map1}, {transform_indices = #map}]} {
    %mul3A = arith.constant 640 : i32
    %mul3A_0 = arith.muli %arg1, %mul3A : i32
    %multiple_of3A = tpu.assume_multiple %mul3A_0, 8 : i32
    %mul3A_1 = arith.constant 10240 : i32
    %mul3A_2 = arith.muli %arg0, %mul3A_1 : i32
    %mul3A_3 = arith.constant 640 : i32
    %mul3A_4 = arith.muli %arg1, %mul3A_3 : i32
    %add3A = arith.addi %mul3A_2, %mul3A_4 : i32
    %multiple_of3A_5 = tpu.assume_multiple %add3A, 8 : i32
    %mul3A_6 = arith.constant 16 : i32
    %mul3A_7 = arith.muli %arg0, %mul3A_6 : i32
    %add3A_8 = arith.addi %mul3A_7, %arg1 : i32
    %mul3A_9 = arith.constant 20480 : i32
    %mul3A_10 = arith.muli %add3A_8, %mul3A_9 : i32
    %multiple_of3A_11 = tpu.assume_multiple %mul3A_10, 8 : i32
    "tpu.region"() ({
      %run_scoped3A = tpu.sem_alloc : memref<!tpu.dma_semaphore, #tpu.memory_space<semaphore_mem>>
      %dma_start3A = arith.constant 0 : i32
      %dma_start3A_19 = tpu.memref_slice %arg6[%multiple_of3A, %dma_start3A] : memref<10240x128xf32, #tpu.memory_space<vmem_shared>> -> memref<640x128xf32, #tpu.memory_space<vmem_shared>>
      %dma_start3A_20 = arith.constant 0 : i32
      %dma_start3A_21 = tpu.memref_slice %arg2[%multiple_of3A_5, %dma_start3A_20] : memref<20480x128xf32, #tpu.memory_space<hbm>> -> memref<640x128xf32, #tpu.memory_space<hbm>>
      tpu.enqueue_dma source(%dma_start3A_21 : memref<640x128xf32, #tpu.memory_space<hbm>>) target(%dma_start3A_19 : memref<640x128xf32, #tpu.memory_space<vmem_shared>>) target_semaphore(%run_scoped3A : memref<!tpu.dma_semaphore, #tpu.memory_space<semaphore_mem>>)
      %dma_wait3A = arith.constant 0 : i32
      %dma_wait3A_22 = tpu.memref_slice %arg6[%multiple_of3A, %dma_wait3A] : memref<10240x128xf32, #tpu.memory_space<vmem_shared>> -> memref<640x128xf32, #tpu.memory_space<vmem_shared>>
      %dma_wait3A_23 = arith.constant 0 : i32
      %dma_wait3A_24 = tpu.memref_slice %arg2[%multiple_of3A_5, %dma_wait3A_23] : memref<20480x128xf32, #tpu.memory_space<hbm>> -> memref<640x128xf32, #tpu.memory_space<hbm>>
      tpu.wait_dma2 semaphore(%run_scoped3A : memref<!tpu.dma_semaphore, #tpu.memory_space<semaphore_mem>>) src(%dma_wait3A_24 : memref<640x128xf32, #tpu.memory_space<hbm>>) dst(%dma_wait3A_22 : memref<640x128xf32, #tpu.memory_space<vmem_shared>>)
      tpu.yield
    }) : () -> ()
    %barrier3A = arith.constant 0 : index
    tpu.barrier barrier_id(%barrier3A)
    "tpu.region"() ({
      %run_scoped3A = tpu.sem_alloc : memref<!tpu.dma_semaphore, #tpu.memory_space<semaphore_mem>>
      %dma_start3A = tpu.memref_slice %arg3[%multiple_of3A_11] : memref<655360xi32, #tpu.memory_space<hbm>> -> memref<2560xi32, #tpu.memory_space<hbm>>
      %dma_start3A_19 = tpu.memref_slice %arg3[%multiple_of3A_11] : memref<655360xi32, #tpu.memory_space<hbm>> -> memref<2560xi32, #tpu.memory_space<hbm>>
      tpu.enqueue_dma source(%dma_start3A_19 : memref<2560xi32, #tpu.memory_space<hbm>>) target(%arg7 : memref<2560xi32, #tpu.memory_space<vmem>>) target_semaphore(%run_scoped3A : memref<!tpu.dma_semaphore, #tpu.memory_space<semaphore_mem>>)
      %dma_wait3A = tpu.memref_slice %arg3[%multiple_of3A_11] : memref<655360xi32, #tpu.memory_space<hbm>> -> memref<2560xi32, #tpu.memory_space<hbm>>
      %dma_wait3A_20 = tpu.memref_slice %arg3[%multiple_of3A_11] : memref<655360xi32, #tpu.memory_space<hbm>> -> memref<2560xi32, #tpu.memory_space<hbm>>
      tpu.wait_dma2 semaphore(%run_scoped3A : memref<!tpu.dma_semaphore, #tpu.memory_space<semaphore_mem>>) src(%dma_wait3A_20 : memref<2560xi32, #tpu.memory_space<hbm>>) dst(%arg7 : memref<2560xi32, #tpu.memory_space<vmem>>)
      tpu.yield
    }) : () -> ()
    "tpu.region"() ({
      %run_scoped3A = tpu.sem_alloc : memref<!tpu.dma_semaphore, #tpu.memory_space<semaphore_mem>>
      %dma_start3A = tpu.memref_slice %arg4[%multiple_of3A_11] : memref<655360xi32, #tpu.memory_space<hbm>> -> memref<2560xi32, #tpu.memory_space<hbm>>
      %dma_start3A_19 = tpu.memref_slice %arg4[%multiple_of3A_11] : memref<655360xi32, #tpu.memory_space<hbm>> -> memref<2560xi32, #tpu.memory_space<hbm>>
      tpu.enqueue_dma source(%dma_start3A_19 : memref<2560xi32, #tpu.memory_space<hbm>>) target(%arg8 : memref<2560xi32, #tpu.memory_space<vmem>>) target_semaphore(%run_scoped3A : memref<!tpu.dma_semaphore, #tpu.memory_space<semaphore_mem>>)
      %dma_wait3A = tpu.memref_slice %arg4[%multiple_of3A_11] : memref<655360xi32, #tpu.memory_space<hbm>> -> memref<2560xi32, #tpu.memory_space<hbm>>
      %dma_wait3A_20 = tpu.memref_slice %arg4[%multiple_of3A_11] : memref<655360xi32, #tpu.memory_space<hbm>> -> memref<2560xi32, #tpu.memory_space<hbm>>
      tpu.wait_dma2 semaphore(%run_scoped3A : memref<!tpu.dma_semaphore, #tpu.memory_space<semaphore_mem>>) src(%dma_wait3A_20 : memref<2560xi32, #tpu.memory_space<hbm>>) dst(%arg8 : memref<2560xi32, #tpu.memory_space<vmem>>)
      tpu.yield
    }) : () -> ()
    %scan3A = arith.constant 0 : i32
    %scan3A_12 = arith.constant 0 : i32
    %scan3A_13 = arith.constant 4 : i32
    %scan3A_14 = arith.addi %scan3A_12, %scan3A_13 : i32
    %scan3A_15 = arith.constant 1 : i32
    %scan3A_16 = scf.for %scan3A_19 = %scan3A_12 to %scan3A_14 step %scan3A_15 iter_args(%scan3A_20 = %scan3A) -> (i32)  : i32 {
      %mul3A_21 = arith.constant 2 : i32
      %mul3A_22 = arith.muli %scan3A_19, %mul3A_21 : i32
      %add3A_23 = arith.constant 1 : i32
      %add3A_24 = arith.addi %mul3A_22, %add3A_23 : i32
      %mul3A_25 = arith.constant 2560 : i32
      %mul3A_26 = arith.muli %add3A_24, %mul3A_25 : i32
      %add3A_27 = arith.addi %multiple_of3A_11, %mul3A_26 : i32
      %multiple_of3A_28 = tpu.assume_multiple %add3A_27, 8 : i32
      %dma_start3A = tpu.memref_slice %arg3[%multiple_of3A_28] : memref<655360xi32, #tpu.memory_space<hbm>> -> memref<2560xi32, #tpu.memory_space<hbm>>
      %dma_start3A_29 = tpu.memref_slice %arg3[%multiple_of3A_28] : memref<655360xi32, #tpu.memory_space<hbm>> -> memref<2560xi32, #tpu.memory_space<hbm>>
      tpu.enqueue_dma source(%dma_start3A_29 : memref<2560xi32, #tpu.memory_space<hbm>>) target(%arg9 : memref<2560xi32, #tpu.memory_space<vmem>>) target_semaphore(%arg17 : memref<!tpu.dma_semaphore, #tpu.memory_space<semaphore_mem>>)
      %dma_start3A_30 = tpu.memref_slice %arg4[%multiple_of3A_28] : memref<655360xi32, #tpu.memory_space<hbm>> -> memref<2560xi32, #tpu.memory_space<hbm>>
      %dma_start3A_31 = tpu.memref_slice %arg4[%multiple_of3A_28] : memref<655360xi32, #tpu.memory_space<hbm>> -> memref<2560xi32, #tpu.memory_space<hbm>>
      tpu.enqueue_dma source(%dma_start3A_31 : memref<2560xi32, #tpu.memory_space<hbm>>) target(%arg10 : memref<2560xi32, #tpu.memory_space<vmem>>) target_semaphore(%arg17 : memref<!tpu.dma_semaphore, #tpu.memory_space<semaphore_mem>>)
      %multiple_of3A_32 = arith.constant 0 : i32
      %multiple_of3A_33 = tpu.assume_multiple %multiple_of3A_32, 8 : i32
      %dma_start3A_34 = tpu.memref_slice %arg7[%multiple_of3A_33] : memref<2560xi32, #tpu.memory_space<vmem>> -> memref<128xi32, #tpu.memory_space<vmem>>
      %dma_start3A_35 = arith.constant 0 : i32
      %dma_start3A_36 = arith.constant 0 : i32
      %dma_start3A_37 = tpu.memref_slice %arg2[%dma_start3A_35, %dma_start3A_36] : memref<20480x128xf32, #tpu.memory_space<hbm>> -> memref<20480x128xf32, #tpu.memory_space<hbm>>
      tpu.enqueue_indirect_dma source(%dma_start3A_37 : memref<20480x128xf32, #tpu.memory_space<hbm>>) target(%arg11 : memref<128x128xf32, #tpu.memory_space<vmem>>) offsets(%dma_start3A_34 : memref<128xi32, #tpu.memory_space<vmem>>) semaphore(%arg13 : memref<!tpu.dma_semaphore, #tpu.memory_space<semaphore_mem>>)
      %multiple_of3A_38 = arith.constant 128 : i32
      %multiple_of3A_39 = tpu.assume_multiple %multiple_of3A_38, 8 : i32
      %dma_start3A_40 = tpu.memref_slice %arg7[%multiple_of3A_39] : memref<2560xi32, #tpu.memory_space<vmem>> -> memref<128xi32, #tpu.memory_space<vmem>>
      %dma_start3A_41 = arith.constant 0 : i32
      %dma_start3A_42 = arith.constant 0 : i32
      %dma_start3A_43 = tpu.memref_slice %arg2[%dma_start3A_41, %dma_start3A_42] : memref<20480x128xf32, #tpu.memory_space<hbm>> -> memref<20480x128xf32, #tpu.memory_space<hbm>>
      tpu.enqueue_indirect_dma source(%dma_start3A_43 : memref<20480x128xf32, #tpu.memory_space<hbm>>) target(%arg12 : memref<128x128xf32, #tpu.memory_space<vmem>>) offsets(%dma_start3A_40 : memref<128xi32, #tpu.memory_space<vmem>>) semaphore(%arg14 : memref<!tpu.dma_semaphore, #tpu.memory_space<semaphore_mem>>)
      %scan3A_44 = arith.constant 0 : i32
      %scan3A_45 = arith.constant 0 : i32
      %scan3A_46 = arith.constant 10 : i32
      %scan3A_47 = arith.addi %scan3A_45, %scan3A_46 : i32
      %scan3A_48 = arith.constant 1 : i32
      %scan3A_49 = scf.for %scan3A_105 = %scan3A_45 to %scan3A_47 step %scan3A_48 iter_args(%scan3A_106 = %scan3A_44) -> (i32)  : i32 {
        %mul3A_107 = arith.constant 2 : i32
        %mul3A_108 = arith.muli %scan3A_105, %mul3A_107 : i32
        %dma_wait3A_109 = arith.constant 0 : i32
        %dma_wait3A_110 = tpu.memref_slice %arg7[%dma_wait3A_109] : memref<2560xi32, #tpu.memory_space<vmem>> -> memref<128xi32, #tpu.memory_space<vmem>>
        %dma_wait3A_111 = arith.constant 0 : i32
        %dma_wait3A_112 = arith.constant 0 : i32
        %dma_wait3A_113 = tpu.memref_slice %arg2[%dma_wait3A_111, %dma_wait3A_112] : memref<20480x128xf32, #tpu.memory_space<hbm>> -> memref<20480x128xf32, #tpu.memory_space<hbm>>
        tpu.wait_indirect_dma semaphore(%arg13 : memref<!tpu.dma_semaphore, #tpu.memory_space<semaphore_mem>>) src(%dma_wait3A_113 : memref<20480x128xf32, #tpu.memory_space<hbm>>) dst(%arg11 : memref<128x128xf32, #tpu.memory_space<vmem>>)
        %mul3A_114 = arith.constant 128 : i32
        %mul3A_115 = arith.muli %mul3A_108, %mul3A_114 : i32
        %multiple_of3A_116 = tpu.assume_multiple %mul3A_115, 8 : i32
        %dma_start3A_117 = tpu.memref_slice %arg8[%multiple_of3A_116] : memref<2560xi32, #tpu.memory_space<vmem>> -> memref<128xi32, #tpu.memory_space<vmem>>
        %dma_start3A_118 = arith.constant 0 : i32
        %dma_start3A_119 = arith.constant 0 : i32
        %dma_start3A_120 = tpu.memref_slice %arg6[%dma_start3A_118, %dma_start3A_119] : memref<10240x128xf32, #tpu.memory_space<vmem_shared>> -> memref<10240x128xf32, #tpu.memory_space<vmem_shared>>
        tpu.enqueue_indirect_dma source(%arg11 : memref<128x128xf32, #tpu.memory_space<vmem>>) target(%dma_start3A_120 : memref<10240x128xf32, #tpu.memory_space<vmem_shared>>) offsets(%dma_start3A_117 : memref<128xi32, #tpu.memory_space<vmem>>) semaphore(%arg15 : memref<!tpu.dma_semaphore, #tpu.memory_space<semaphore_mem>>) {add = true}
        %dma_wait3A_121 = arith.constant 0 : i32
        %dma_wait3A_122 = tpu.memref_slice %arg7[%dma_wait3A_121] : memref<2560xi32, #tpu.memory_space<vmem>> -> memref<128xi32, #tpu.memory_space<vmem>>
        %dma_wait3A_123 = arith.constant 0 : i32
        %dma_wait3A_124 = arith.constant 0 : i32
        %dma_wait3A_125 = tpu.memref_slice %arg2[%dma_wait3A_123, %dma_wait3A_124] : memref<20480x128xf32, #tpu.memory_space<hbm>> -> memref<20480x128xf32, #tpu.memory_space<hbm>>
        tpu.wait_indirect_dma semaphore(%arg14 : memref<!tpu.dma_semaphore, #tpu.memory_space<semaphore_mem>>) src(%dma_wait3A_125 : memref<20480x128xf32, #tpu.memory_space<hbm>>) dst(%arg12 : memref<128x128xf32, #tpu.memory_space<vmem>>)
        %add3A_126 = arith.constant 1 : i32
        %add3A_127 = arith.addi %mul3A_108, %add3A_126 : i32
        %mul3A_128 = arith.constant 128 : i32
        %mul3A_129 = arith.muli %add3A_127, %mul3A_128 : i32
        %multiple_of3A_130 = tpu.assume_multiple %mul3A_129, 8 : i32
        %dma_start3A_131 = tpu.memref_slice %arg8[%multiple_of3A_130] : memref<2560xi32, #tpu.memory_space<vmem>> -> memref<128xi32, #tpu.memory_space<vmem>>
        %dma_start3A_132 = arith.constant 0 : i32
        %dma_start3A_133 = arith.constant 0 : i32
        %dma_start3A_134 = tpu.memref_slice %arg6[%dma_start3A_132, %dma_start3A_133] : memref<10240x128xf32, #tpu.memory_space<vmem_shared>> -> memref<10240x128xf32, #tpu.memory_space<vmem_shared>>
        tpu.enqueue_indirect_dma source(%arg12 : memref<128x128xf32, #tpu.memory_space<vmem>>) target(%dma_start3A_134 : memref<10240x128xf32, #tpu.memory_space<vmem_shared>>) offsets(%dma_start3A_131 : memref<128xi32, #tpu.memory_space<vmem>>) semaphore(%arg16 : memref<!tpu.dma_semaphore, #tpu.memory_space<semaphore_mem>>) {add = true}
        %add3A_135 = arith.constant 2 : i32
        %add3A_136 = arith.addi %mul3A_108, %add3A_135 : i32
        %lt3A_137 = arith.constant 20 : i32
        %lt3A_138 = arith.cmpi slt, %add3A_136, %lt3A_137 : i32
        %convert_element_type3A_139 = arith.extui %lt3A_138 : i1 to i32
        %cond3A_140 = arith.constant 0 : i32
        %cond3A_141 = arith.cmpi ne, %convert_element_type3A_139, %cond3A_140 : i32
        scf.if %cond3A_141 {
          %dma_wait3A_143 = arith.constant 0 : i32
          %dma_wait3A_144 = tpu.memref_slice %arg8[%dma_wait3A_143] : memref<2560xi32, #tpu.memory_space<vmem>> -> memref<128xi32, #tpu.memory_space<vmem>>
          %dma_wait3A_145 = arith.constant 0 : i32
          %dma_wait3A_146 = arith.constant 0 : i32
          %dma_wait3A_147 = tpu.memref_slice %arg6[%dma_wait3A_145, %dma_wait3A_146] : memref<10240x128xf32, #tpu.memory_space<vmem_shared>> -> memref<10240x128xf32, #tpu.memory_space<vmem_shared>>
          tpu.wait_indirect_dma semaphore(%arg15 : memref<!tpu.dma_semaphore, #tpu.memory_space<semaphore_mem>>) src(%arg11 : memref<128x128xf32, #tpu.memory_space<vmem>>) dst(%dma_wait3A_147 : memref<10240x128xf32, #tpu.memory_space<vmem_shared>>)
          %add3A_148 = arith.constant 2 : i32
          %add3A_149 = arith.addi %mul3A_108, %add3A_148 : i32
          %mul3A_150 = arith.constant 128 : i32
          %mul3A_151 = arith.muli %add3A_149, %mul3A_150 : i32
          %multiple_of3A_152 = tpu.assume_multiple %mul3A_151, 8 : i32
          %dma_start3A_153 = tpu.memref_slice %arg7[%multiple_of3A_152] : memref<2560xi32, #tpu.memory_space<vmem>> -> memref<128xi32, #tpu.memory_space<vmem>>
          %dma_start3A_154 = arith.constant 0 : i32
          %dma_start3A_155 = arith.constant 0 : i32
          %dma_start3A_156 = tpu.memref_slice %arg2[%dma_start3A_154, %dma_start3A_155] : memref<20480x128xf32, #tpu.memory_space<hbm>> -> memref<20480x128xf32, #tpu.memory_space<hbm>>
          tpu.enqueue_indirect_dma source(%dma_start3A_156 : memref<20480x128xf32, #tpu.memory_space<hbm>>) target(%arg11 : memref<128x128xf32, #tpu.memory_space<vmem>>) offsets(%dma_start3A_153 : memref<128xi32, #tpu.memory_space<vmem>>) semaphore(%arg13 : memref<!tpu.dma_semaphore, #tpu.memory_space<semaphore_mem>>)
          %dma_wait3A_157 = arith.constant 0 : i32
          %dma_wait3A_158 = tpu.memref_slice %arg8[%dma_wait3A_157] : memref<2560xi32, #tpu.memory_space<vmem>> -> memref<128xi32, #tpu.memory_space<vmem>>
          %dma_wait3A_159 = arith.constant 0 : i32
          %dma_wait3A_160 = arith.constant 0 : i32
          %dma_wait3A_161 = tpu.memref_slice %arg6[%dma_wait3A_159, %dma_wait3A_160] : memref<10240x128xf32, #tpu.memory_space<vmem_shared>> -> memref<10240x128xf32, #tpu.memory_space<vmem_shared>>
          tpu.wait_indirect_dma semaphore(%arg16 : memref<!tpu.dma_semaphore, #tpu.memory_space<semaphore_mem>>) src(%arg12 : memref<128x128xf32, #tpu.memory_space<vmem>>) dst(%dma_wait3A_161 : memref<10240x128xf32, #tpu.memory_space<vmem_shared>>)
          %add3A_162 = arith.constant 3 : i32
          %add3A_163 = arith.addi %mul3A_108, %add3A_162 : i32
          %mul3A_164 = arith.constant 128 : i32
          %mul3A_165 = arith.muli %add3A_163, %mul3A_164 : i32
          %multiple_of3A_166 = tpu.assume_multiple %mul3A_165, 8 : i32
          %dma_start3A_167 = tpu.memref_slice %arg7[%multiple_of3A_166] : memref<2560xi32, #tpu.memory_space<vmem>> -> memref<128xi32, #tpu.memory_space<vmem>>
          %dma_start3A_168 = arith.constant 0 : i32
          %dma_start3A_169 = arith.constant 0 : i32
          %dma_start3A_170 = tpu.memref_slice %arg2[%dma_start3A_168, %dma_start3A_169] : memref<20480x128xf32, #tpu.memory_space<hbm>> -> memref<20480x128xf32, #tpu.memory_space<hbm>>
          tpu.enqueue_indirect_dma source(%dma_start3A_170 : memref<20480x128xf32, #tpu.memory_space<hbm>>) target(%arg12 : memref<128x128xf32, #tpu.memory_space<vmem>>) offsets(%dma_start3A_167 : memref<128xi32, #tpu.memory_space<vmem>>) semaphore(%arg14 : memref<!tpu.dma_semaphore, #tpu.memory_space<semaphore_mem>>)
        } else {
        }
        %scan3A_142 = arith.constant 0 : i32
        scf.yield %scan3A_142 : i32
      }
      %scan3A_50 = arith.constant 10 : i32
      %dma_wait3A = arith.constant 0 : i32
      %dma_wait3A_51 = tpu.memref_slice %arg8[%dma_wait3A] : memref<2560xi32, #tpu.memory_space<vmem>> -> memref<128xi32, #tpu.memory_space<vmem>>
      %dma_wait3A_52 = arith.constant 0 : i32
      %dma_wait3A_53 = arith.constant 0 : i32
      %dma_wait3A_54 = tpu.memref_slice %arg6[%dma_wait3A_52, %dma_wait3A_53] : memref<10240x128xf32, #tpu.memory_space<vmem_shared>> -> memref<10240x128xf32, #tpu.memory_space<vmem_shared>>
      tpu.wait_indirect_dma semaphore(%arg15 : memref<!tpu.dma_semaphore, #tpu.memory_space<semaphore_mem>>) src(%arg11 : memref<128x128xf32, #tpu.memory_space<vmem>>) dst(%dma_wait3A_54 : memref<10240x128xf32, #tpu.memory_space<vmem_shared>>)
      %dma_wait3A_55 = arith.constant 0 : i32
      %dma_wait3A_56 = tpu.memref_slice %arg8[%dma_wait3A_55] : memref<2560xi32, #tpu.memory_space<vmem>> -> memref<128xi32, #tpu.memory_space<vmem>>
      %dma_wait3A_57 = arith.constant 0 : i32
      %dma_wait3A_58 = arith.constant 0 : i32
      %dma_wait3A_59 = tpu.memref_slice %arg6[%dma_wait3A_57, %dma_wait3A_58] : memref<10240x128xf32, #tpu.memory_space<vmem_shared>> -> memref<10240x128xf32, #tpu.memory_space<vmem_shared>>
      tpu.wait_indirect_dma semaphore(%arg16 : memref<!tpu.dma_semaphore, #tpu.memory_space<semaphore_mem>>) src(%arg12 : memref<128x128xf32, #tpu.memory_space<vmem>>) dst(%dma_wait3A_59 : memref<10240x128xf32, #tpu.memory_space<vmem_shared>>)
      %dma_wait3A_60 = tpu.memref_slice %arg3[%multiple_of3A_11] : memref<655360xi32, #tpu.memory_space<hbm>> -> memref<2560xi32, #tpu.memory_space<hbm>>
      %dma_wait3A_61 = tpu.memref_slice %arg3[%multiple_of3A_11] : memref<655360xi32, #tpu.memory_space<hbm>> -> memref<2560xi32, #tpu.memory_space<hbm>>
      tpu.wait_dma2 semaphore(%arg17 : memref<!tpu.dma_semaphore, #tpu.memory_space<semaphore_mem>>) src(%dma_wait3A_61 : memref<2560xi32, #tpu.memory_space<hbm>>) dst(%arg9 : memref<2560xi32, #tpu.memory_space<vmem>>)
      %dma_wait3A_62 = tpu.memref_slice %arg4[%multiple_of3A_11] : memref<655360xi32, #tpu.memory_space<hbm>> -> memref<2560xi32, #tpu.memory_space<hbm>>
      %dma_wait3A_63 = tpu.memref_slice %arg4[%multiple_of3A_11] : memref<655360xi32, #tpu.memory_space<hbm>> -> memref<2560xi32, #tpu.memory_space<hbm>>
      tpu.wait_dma2 semaphore(%arg17 : memref<!tpu.dma_semaphore, #tpu.memory_space<semaphore_mem>>) src(%dma_wait3A_63 : memref<2560xi32, #tpu.memory_space<hbm>>) dst(%arg10 : memref<2560xi32, #tpu.memory_space<vmem>>)
      %add3A_64 = arith.constant 2 : i32
      %add3A_65 = arith.addi %mul3A_22, %add3A_64 : i32
      %lt3A = arith.constant 8 : i32
      %lt3A_66 = arith.cmpi slt, %add3A_65, %lt3A : i32
      %convert_element_type3A = arith.extui %lt3A_66 : i1 to i32
      %cond3A = arith.constant 0 : i32
      %cond3A_67 = arith.cmpi ne, %convert_element_type3A, %cond3A : i32
      scf.if %cond3A_67 {
        %add3A_105 = arith.constant 2 : i32
        %add3A_106 = arith.addi %mul3A_22, %add3A_105 : i32
        %mul3A_107 = arith.constant 2560 : i32
        %mul3A_108 = arith.muli %add3A_106, %mul3A_107 : i32
        %add3A_109 = arith.addi %multiple_of3A_11, %mul3A_108 : i32
        %multiple_of3A_110 = tpu.assume_multiple %add3A_109, 8 : i32
        %dma_start3A_111 = tpu.memref_slice %arg3[%multiple_of3A_110] : memref<655360xi32, #tpu.memory_space<hbm>> -> memref<2560xi32, #tpu.memory_space<hbm>>
        %dma_start3A_112 = tpu.memref_slice %arg3[%multiple_of3A_110] : memref<655360xi32, #tpu.memory_space<hbm>> -> memref<2560xi32, #tpu.memory_space<hbm>>
        tpu.enqueue_dma source(%dma_start3A_112 : memref<2560xi32, #tpu.memory_space<hbm>>) target(%arg7 : memref<2560xi32, #tpu.memory_space<vmem>>) target_semaphore(%arg17 : memref<!tpu.dma_semaphore, #tpu.memory_space<semaphore_mem>>)
        %dma_start3A_113 = tpu.memref_slice %arg4[%multiple_of3A_110] : memref<655360xi32, #tpu.memory_space<hbm>> -> memref<2560xi32, #tpu.memory_space<hbm>>
        %dma_start3A_114 = tpu.memref_slice %arg4[%multiple_of3A_110] : memref<655360xi32, #tpu.memory_space<hbm>> -> memref<2560xi32, #tpu.memory_space<hbm>>
        tpu.enqueue_dma source(%dma_start3A_114 : memref<2560xi32, #tpu.memory_space<hbm>>) target(%arg8 : memref<2560xi32, #tpu.memory_space<vmem>>) target_semaphore(%arg17 : memref<!tpu.dma_semaphore, #tpu.memory_space<semaphore_mem>>)
      } else {
      }
      %multiple_of3A_68 = arith.constant 0 : i32
      %multiple_of3A_69 = tpu.assume_multiple %multiple_of3A_68, 8 : i32
      %dma_start3A_70 = tpu.memref_slice %arg9[%multiple_of3A_69] : memref<2560xi32, #tpu.memory_space<vmem>> -> memref<128xi32, #tpu.memory_space<vmem>>
      %dma_start3A_71 = arith.constant 0 : i32
      %dma_start3A_72 = arith.constant 0 : i32
      %dma_start3A_73 = tpu.memref_slice %arg2[%dma_start3A_71, %dma_start3A_72] : memref<20480x128xf32, #tpu.memory_space<hbm>> -> memref<20480x128xf32, #tpu.memory_space<hbm>>
      tpu.enqueue_indirect_dma source(%dma_start3A_73 : memref<20480x128xf32, #tpu.memory_space<hbm>>) target(%arg11 : memref<128x128xf32, #tpu.memory_space<vmem>>) offsets(%dma_start3A_70 : memref<128xi32, #tpu.memory_space<vmem>>) semaphore(%arg13 : memref<!tpu.dma_semaphore, #tpu.memory_space<semaphore_mem>>)
      %multiple_of3A_74 = arith.constant 128 : i32
      %multiple_of3A_75 = tpu.assume_multiple %multiple_of3A_74, 8 : i32
      %dma_start3A_76 = tpu.memref_slice %arg9[%multiple_of3A_75] : memref<2560xi32, #tpu.memory_space<vmem>> -> memref<128xi32, #tpu.memory_space<vmem>>
      %dma_start3A_77 = arith.constant 0 : i32
      %dma_start3A_78 = arith.constant 0 : i32
      %dma_start3A_79 = tpu.memref_slice %arg2[%dma_start3A_77, %dma_start3A_78] : memref<20480x128xf32, #tpu.memory_space<hbm>> -> memref<20480x128xf32, #tpu.memory_space<hbm>>
      tpu.enqueue_indirect_dma source(%dma_start3A_79 : memref<20480x128xf32, #tpu.memory_space<hbm>>) target(%arg12 : memref<128x128xf32, #tpu.memory_space<vmem>>) offsets(%dma_start3A_76 : memref<128xi32, #tpu.memory_space<vmem>>) semaphore(%arg14 : memref<!tpu.dma_semaphore, #tpu.memory_space<semaphore_mem>>)
      %scan3A_80 = arith.constant 0 : i32
      %scan3A_81 = arith.constant 0 : i32
      %scan3A_82 = arith.constant 10 : i32
      %scan3A_83 = arith.addi %scan3A_81, %scan3A_82 : i32
      %scan3A_84 = arith.constant 1 : i32
      %scan3A_85 = scf.for %scan3A_105 = %scan3A_81 to %scan3A_83 step %scan3A_84 iter_args(%scan3A_106 = %scan3A_80) -> (i32)  : i32 {
        %mul3A_107 = arith.constant 2 : i32
        %mul3A_108 = arith.muli %scan3A_105, %mul3A_107 : i32
        %dma_wait3A_109 = arith.constant 0 : i32
        %dma_wait3A_110 = tpu.memref_slice %arg9[%dma_wait3A_109] : memref<2560xi32, #tpu.memory_space<vmem>> -> memref<128xi32, #tpu.memory_space<vmem>>
        %dma_wait3A_111 = arith.constant 0 : i32
        %dma_wait3A_112 = arith.constant 0 : i32
        %dma_wait3A_113 = tpu.memref_slice %arg2[%dma_wait3A_111, %dma_wait3A_112] : memref<20480x128xf32, #tpu.memory_space<hbm>> -> memref<20480x128xf32, #tpu.memory_space<hbm>>
        tpu.wait_indirect_dma semaphore(%arg13 : memref<!tpu.dma_semaphore, #tpu.memory_space<semaphore_mem>>) src(%dma_wait3A_113 : memref<20480x128xf32, #tpu.memory_space<hbm>>) dst(%arg11 : memref<128x128xf32, #tpu.memory_space<vmem>>)
        %mul3A_114 = arith.constant 128 : i32
        %mul3A_115 = arith.muli %mul3A_108, %mul3A_114 : i32
        %multiple_of3A_116 = tpu.assume_multiple %mul3A_115, 8 : i32
        %dma_start3A_117 = tpu.memref_slice %arg10[%multiple_of3A_116] : memref<2560xi32, #tpu.memory_space<vmem>> -> memref<128xi32, #tpu.memory_space<vmem>>
        %dma_start3A_118 = arith.constant 0 : i32
        %dma_start3A_119 = arith.constant 0 : i32
        %dma_start3A_120 = tpu.memref_slice %arg6[%dma_start3A_118, %dma_start3A_119] : memref<10240x128xf32, #tpu.memory_space<vmem_shared>> -> memref<10240x128xf32, #tpu.memory_space<vmem_shared>>
        tpu.enqueue_indirect_dma source(%arg11 : memref<128x128xf32, #tpu.memory_space<vmem>>) target(%dma_start3A_120 : memref<10240x128xf32, #tpu.memory_space<vmem_shared>>) offsets(%dma_start3A_117 : memref<128xi32, #tpu.memory_space<vmem>>) semaphore(%arg15 : memref<!tpu.dma_semaphore, #tpu.memory_space<semaphore_mem>>) {add = true}
        %dma_wait3A_121 = arith.constant 0 : i32
        %dma_wait3A_122 = tpu.memref_slice %arg9[%dma_wait3A_121] : memref<2560xi32, #tpu.memory_space<vmem>> -> memref<128xi32, #tpu.memory_space<vmem>>
        %dma_wait3A_123 = arith.constant 0 : i32
        %dma_wait3A_124 = arith.constant 0 : i32
        %dma_wait3A_125 = tpu.memref_slice %arg2[%dma_wait3A_123, %dma_wait3A_124] : memref<20480x128xf32, #tpu.memory_space<hbm>> -> memref<20480x128xf32, #tpu.memory_space<hbm>>
        tpu.wait_indirect_dma semaphore(%arg14 : memref<!tpu.dma_semaphore, #tpu.memory_space<semaphore_mem>>) src(%dma_wait3A_125 : memref<20480x128xf32, #tpu.memory_space<hbm>>) dst(%arg12 : memref<128x128xf32, #tpu.memory_space<vmem>>)
        %add3A_126 = arith.constant 1 : i32
        %add3A_127 = arith.addi %mul3A_108, %add3A_126 : i32
        %mul3A_128 = arith.constant 128 : i32
        %mul3A_129 = arith.muli %add3A_127, %mul3A_128 : i32
        %multiple_of3A_130 = tpu.assume_multiple %mul3A_129, 8 : i32
        %dma_start3A_131 = tpu.memref_slice %arg10[%multiple_of3A_130] : memref<2560xi32, #tpu.memory_space<vmem>> -> memref<128xi32, #tpu.memory_space<vmem>>
        %dma_start3A_132 = arith.constant 0 : i32
        %dma_start3A_133 = arith.constant 0 : i32
        %dma_start3A_134 = tpu.memref_slice %arg6[%dma_start3A_132, %dma_start3A_133] : memref<10240x128xf32, #tpu.memory_space<vmem_shared>> -> memref<10240x128xf32, #tpu.memory_space<vmem_shared>>
        tpu.enqueue_indirect_dma source(%arg12 : memref<128x128xf32, #tpu.memory_space<vmem>>) target(%dma_start3A_134 : memref<10240x128xf32, #tpu.memory_space<vmem_shared>>) offsets(%dma_start3A_131 : memref<128xi32, #tpu.memory_space<vmem>>) semaphore(%arg16 : memref<!tpu.dma_semaphore, #tpu.memory_space<semaphore_mem>>) {add = true}
        %add3A_135 = arith.constant 2 : i32
        %add3A_136 = arith.addi %mul3A_108, %add3A_135 : i32
        %lt3A_137 = arith.constant 20 : i32
        %lt3A_138 = arith.cmpi slt, %add3A_136, %lt3A_137 : i32
        %convert_element_type3A_139 = arith.extui %lt3A_138 : i1 to i32
        %cond3A_140 = arith.constant 0 : i32
        %cond3A_141 = arith.cmpi ne, %convert_element_type3A_139, %cond3A_140 : i32
        scf.if %cond3A_141 {
          %dma_wait3A_143 = arith.constant 0 : i32
          %dma_wait3A_144 = tpu.memref_slice %arg10[%dma_wait3A_143] : memref<2560xi32, #tpu.memory_space<vmem>> -> memref<128xi32, #tpu.memory_space<vmem>>
          %dma_wait3A_145 = arith.constant 0 : i32
          %dma_wait3A_146 = arith.constant 0 : i32
          %dma_wait3A_147 = tpu.memref_slice %arg6[%dma_wait3A_145, %dma_wait3A_146] : memref<10240x128xf32, #tpu.memory_space<vmem_shared>> -> memref<10240x128xf32, #tpu.memory_space<vmem_shared>>
          tpu.wait_indirect_dma semaphore(%arg15 : memref<!tpu.dma_semaphore, #tpu.memory_space<semaphore_mem>>) src(%arg11 : memref<128x128xf32, #tpu.memory_space<vmem>>) dst(%dma_wait3A_147 : memref<10240x128xf32, #tpu.memory_space<vmem_shared>>)
          %add3A_148 = arith.constant 2 : i32
          %add3A_149 = arith.addi %mul3A_108, %add3A_148 : i32
          %mul3A_150 = arith.constant 128 : i32
          %mul3A_151 = arith.muli %add3A_149, %mul3A_150 : i32
          %multiple_of3A_152 = tpu.assume_multiple %mul3A_151, 8 : i32
          %dma_start3A_153 = tpu.memref_slice %arg9[%multiple_of3A_152] : memref<2560xi32, #tpu.memory_space<vmem>> -> memref<128xi32, #tpu.memory_space<vmem>>
          %dma_start3A_154 = arith.constant 0 : i32
          %dma_start3A_155 = arith.constant 0 : i32
          %dma_start3A_156 = tpu.memref_slice %arg2[%dma_start3A_154, %dma_start3A_155] : memref<20480x128xf32, #tpu.memory_space<hbm>> -> memref<20480x128xf32, #tpu.memory_space<hbm>>
          tpu.enqueue_indirect_dma source(%dma_start3A_156 : memref<20480x128xf32, #tpu.memory_space<hbm>>) target(%arg11 : memref<128x128xf32, #tpu.memory_space<vmem>>) offsets(%dma_start3A_153 : memref<128xi32, #tpu.memory_space<vmem>>) semaphore(%arg13 : memref<!tpu.dma_semaphore, #tpu.memory_space<semaphore_mem>>)
          %dma_wait3A_157 = arith.constant 0 : i32
          %dma_wait3A_158 = tpu.memref_slice %arg10[%dma_wait3A_157] : memref<2560xi32, #tpu.memory_space<vmem>> -> memref<128xi32, #tpu.memory_space<vmem>>
          %dma_wait3A_159 = arith.constant 0 : i32
          %dma_wait3A_160 = arith.constant 0 : i32
          %dma_wait3A_161 = tpu.memref_slice %arg6[%dma_wait3A_159, %dma_wait3A_160] : memref<10240x128xf32, #tpu.memory_space<vmem_shared>> -> memref<10240x128xf32, #tpu.memory_space<vmem_shared>>
          tpu.wait_indirect_dma semaphore(%arg16 : memref<!tpu.dma_semaphore, #tpu.memory_space<semaphore_mem>>) src(%arg12 : memref<128x128xf32, #tpu.memory_space<vmem>>) dst(%dma_wait3A_161 : memref<10240x128xf32, #tpu.memory_space<vmem_shared>>)
          %add3A_162 = arith.constant 3 : i32
          %add3A_163 = arith.addi %mul3A_108, %add3A_162 : i32
          %mul3A_164 = arith.constant 128 : i32
          %mul3A_165 = arith.muli %add3A_163, %mul3A_164 : i32
          %multiple_of3A_166 = tpu.assume_multiple %mul3A_165, 8 : i32
          %dma_start3A_167 = tpu.memref_slice %arg9[%multiple_of3A_166] : memref<2560xi32, #tpu.memory_space<vmem>> -> memref<128xi32, #tpu.memory_space<vmem>>
          %dma_start3A_168 = arith.constant 0 : i32
          %dma_start3A_169 = arith.constant 0 : i32
          %dma_start3A_170 = tpu.memref_slice %arg2[%dma_start3A_168, %dma_start3A_169] : memref<20480x128xf32, #tpu.memory_space<hbm>> -> memref<20480x128xf32, #tpu.memory_space<hbm>>
          tpu.enqueue_indirect_dma source(%dma_start3A_170 : memref<20480x128xf32, #tpu.memory_space<hbm>>) target(%arg12 : memref<128x128xf32, #tpu.memory_space<vmem>>) offsets(%dma_start3A_167 : memref<128xi32, #tpu.memory_space<vmem>>) semaphore(%arg14 : memref<!tpu.dma_semaphore, #tpu.memory_space<semaphore_mem>>)
        } else {
        }
        %scan3A_142 = arith.constant 0 : i32
        scf.yield %scan3A_142 : i32
      }
      %scan3A_86 = arith.constant 10 : i32
      %dma_wait3A_87 = arith.constant 0 : i32
      %dma_wait3A_88 = tpu.memref_slice %arg10[%dma_wait3A_87] : memref<2560xi32, #tpu.memory_space<vmem>> -> memref<128xi32, #tpu.memory_space<vmem>>
      %dma_wait3A_89 = arith.constant 0 : i32
      %dma_wait3A_90 = arith.constant 0 : i32
      %dma_wait3A_91 = tpu.memref_slice %arg6[%dma_wait3A_89, %dma_wait3A_90] : memref<10240x128xf32, #tpu.memory_space<vmem_shared>> -> memref<10240x128xf32, #tpu.memory_space<vmem_shared>>
      tpu.wait_indirect_dma semaphore(%arg15 : memref<!tpu.dma_semaphore, #tpu.memory_space<semaphore_mem>>) src(%arg11 : memref<128x128xf32, #tpu.memory_space<vmem>>) dst(%dma_wait3A_91 : memref<10240x128xf32, #tpu.memory_space<vmem_shared>>)
      %dma_wait3A_92 = arith.constant 0 : i32
      %dma_wait3A_93 = tpu.memref_slice %arg10[%dma_wait3A_92] : memref<2560xi32, #tpu.memory_space<vmem>> -> memref<128xi32, #tpu.memory_space<vmem>>
      %dma_wait3A_94 = arith.constant 0 : i32
      %dma_wait3A_95 = arith.constant 0 : i32
      %dma_wait3A_96 = tpu.memref_slice %arg6[%dma_wait3A_94, %dma_wait3A_95] : memref<10240x128xf32, #tpu.memory_space<vmem_shared>> -> memref<10240x128xf32, #tpu.memory_space<vmem_shared>>
      tpu.wait_indirect_dma semaphore(%arg16 : memref<!tpu.dma_semaphore, #tpu.memory_space<semaphore_mem>>) src(%arg12 : memref<128x128xf32, #tpu.memory_space<vmem>>) dst(%dma_wait3A_96 : memref<10240x128xf32, #tpu.memory_space<vmem_shared>>)
      %add3A_97 = arith.constant 2 : i32
      %add3A_98 = arith.addi %mul3A_22, %add3A_97 : i32
      %lt3A_99 = arith.constant 8 : i32
      %lt3A_100 = arith.cmpi slt, %add3A_98, %lt3A_99 : i32
      %convert_element_type3A_101 = arith.extui %lt3A_100 : i1 to i32
      %cond3A_102 = arith.constant 0 : i32
      %cond3A_103 = arith.cmpi ne, %convert_element_type3A_101, %cond3A_102 : i32
      scf.if %cond3A_103 {
        %dma_wait3A_105 = tpu.memref_slice %arg3[%multiple_of3A_11] : memref<655360xi32, #tpu.memory_space<hbm>> -> memref<2560xi32, #tpu.memory_space<hbm>>
        %dma_wait3A_106 = tpu.memref_slice %arg3[%multiple_of3A_11] : memref<655360xi32, #tpu.memory_space<hbm>> -> memref<2560xi32, #tpu.memory_space<hbm>>
        tpu.wait_dma2 semaphore(%arg17 : memref<!tpu.dma_semaphore, #tpu.memory_space<semaphore_mem>>) src(%dma_wait3A_106 : memref<2560xi32, #tpu.memory_space<hbm>>) dst(%arg7 : memref<2560xi32, #tpu.memory_space<vmem>>)
        %dma_wait3A_107 = tpu.memref_slice %arg4[%multiple_of3A_11] : memref<655360xi32, #tpu.memory_space<hbm>> -> memref<2560xi32, #tpu.memory_space<hbm>>
        %dma_wait3A_108 = tpu.memref_slice %arg4[%multiple_of3A_11] : memref<655360xi32, #tpu.memory_space<hbm>> -> memref<2560xi32, #tpu.memory_space<hbm>>
        tpu.wait_dma2 semaphore(%arg17 : memref<!tpu.dma_semaphore, #tpu.memory_space<semaphore_mem>>) src(%dma_wait3A_108 : memref<2560xi32, #tpu.memory_space<hbm>>) dst(%arg8 : memref<2560xi32, #tpu.memory_space<vmem>>)
      } else {
      }
      %scan3A_104 = arith.constant 0 : i32
      scf.yield %scan3A_104 : i32
    }
    %scan3A_17 = arith.constant 4 : i32
    %barrier3A_18 = arith.constant 0 : index
    tpu.barrier barrier_id(%barrier3A_18)
    "tpu.region"() ({
      %run_scoped3A = tpu.sem_alloc : memref<!tpu.dma_semaphore, #tpu.memory_space<semaphore_mem>>
      %dma_start3A = arith.constant 0 : i32
      %dma_start3A_19 = tpu.memref_slice %arg5[%multiple_of3A_5, %dma_start3A] : memref<20480x128xf32, #tpu.memory_space<hbm>> -> memref<640x128xf32, #tpu.memory_space<hbm>>
      %dma_start3A_20 = arith.constant 0 : i32
      %dma_start3A_21 = tpu.memref_slice %arg6[%multiple_of3A, %dma_start3A_20] : memref<10240x128xf32, #tpu.memory_space<vmem_shared>> -> memref<640x128xf32, #tpu.memory_space<vmem_shared>>
      tpu.enqueue_dma source(%dma_start3A_21 : memref<640x128xf32, #tpu.memory_space<vmem_shared>>) target(%dma_start3A_19 : memref<640x128xf32, #tpu.memory_space<hbm>>) target_semaphore(%run_scoped3A : memref<!tpu.dma_semaphore, #tpu.memory_space<semaphore_mem>>)
      %dma_wait3A = arith.constant 0 : i32
      %dma_wait3A_22 = tpu.memref_slice %arg5[%multiple_of3A_5, %dma_wait3A] : memref<20480x128xf32, #tpu.memory_space<hbm>> -> memref<640x128xf32, #tpu.memory_space<hbm>>
      %dma_wait3A_23 = arith.constant 0 : i32
      %dma_wait3A_24 = tpu.memref_slice %arg6[%multiple_of3A, %dma_wait3A_23] : memref<10240x128xf32, #tpu.memory_space<vmem_shared>> -> memref<640x128xf32, #tpu.memory_space<vmem_shared>>
      tpu.wait_dma2 semaphore(%run_scoped3A : memref<!tpu.dma_semaphore, #tpu.memory_space<semaphore_mem>>) src(%dma_wait3A_24 : memref<640x128xf32, #tpu.memory_space<vmem_shared>>) dst(%dma_wait3A_22 : memref<640x128xf32, #tpu.memory_space<hbm>>)
      tpu.yield
    }) : () -> ()
    return
  }
}

module attributes {stable_mosaic.version = 14 : i64} {
  func.func @_eb_body(%arg0: i32, %arg1: memref<2x80000xi32, #tpu.memory_space<vmem>>, %arg2: memref<480xi32, #tpu.memory_space<vmem>>, %arg3: memref<480xi32, #tpu.memory_space<vmem>>, %arg4: memref<81920xi32, #tpu.memory_space<vmem>>, %arg5: memref<81920xi32, #tpu.memory_space<vmem>>) attributes {dimension_semantics = [#tpu.dimension_semantics<arbitrary>], iteration_bounds = array<i64: 8>, scalar_prefetch = 0 : i64, scratch_operands = 0 : i64, tpu.core_type = #tpu.core_type<tc>, window_params = [{transform_indices = @transform_0, window_bounds = array<i64: 2, 80000>}, {pipeline_mode = #tpu.pipeline_mode<synchronous>, transform_indices = @transform_1, window_bounds = array<i64: 480>}, {pipeline_mode = #tpu.pipeline_mode<synchronous>, transform_indices = @transform_2, window_bounds = array<i64: 480>}, {transform_indices = @transform_3, window_bounds = array<i64: 81920>}, {transform_indices = @transform_4, window_bounds = array<i64: 81920>}]} {
    %ge3A = arith.constant 4 : i32
    %ge3A_0 = arith.cmpi sge, %arg0, %ge3A : i32
    %jit3A = arith.constant 10240 : i32
    %jit3A_1 = arith.constant 0 : i32
    %select_n3A = arith.select %ge3A_0, %jit3A, %jit3A_1 : i32
    %get3A = arith.constant 0 : index
    %get3A_2 = arith.constant 0 : index
    %get3A_3 = vector.load %arg1[%get3A, %get3A_2] : memref<2x80000xi32, #tpu.memory_space<vmem>>, vector<1x20000xi32>
    %get3A_4 = vector.shape_cast %get3A_3 : vector<1x20000xi32> to vector<20000xi32>
    %add3A = vector.broadcast %select_n3A : i32 to vector<20000xi32>
    %add3A_5 = arith.addi %get3A_4, %add3A : vector<20000xi32>
    %swap3A = arith.constant 0 : index
    %swap3A_6 = vector.load %arg4[%swap3A] : memref<81920xi32, #tpu.memory_space<vmem>>, vector<20000xi32>
    tpu.vector_store %arg4[%swap3A], %add3A_5 {strides = array<i32>} : memref<81920xi32, #tpu.memory_space<vmem>>, vector<20000xi32>,
    %get3A_7 = arith.constant 1 : index
    %get3A_8 = arith.constant 0 : index
    %get3A_9 = vector.load %arg1[%get3A_7, %get3A_8] : memref<2x80000xi32, #tpu.memory_space<vmem>>, vector<1x20000xi32>
    %get3A_10 = vector.shape_cast %get3A_9 : vector<1x20000xi32> to vector<20000xi32>
    %swap3A_11 = arith.constant 0 : index
    %swap3A_12 = vector.load %arg5[%swap3A_11] : memref<81920xi32, #tpu.memory_space<vmem>>, vector<20000xi32>
    tpu.vector_store %arg5[%swap3A_11], %get3A_10 {strides = array<i32>} : memref<81920xi32, #tpu.memory_space<vmem>>, vector<20000xi32>,
    %get3A_13 = arith.constant 0 : index
    %get3A_14 = vector.load %arg2[%get3A_13] : memref<480xi32, #tpu.memory_space<vmem>>, vector<480xi32>
    %add3A_15 = vector.broadcast %select_n3A : i32 to vector<480xi32>
    %add3A_16 = arith.addi %get3A_14, %add3A_15 : vector<480xi32>
    %swap3A_17 = arith.constant 20000 : index
    %swap3A_18 = vector.load %arg4[%swap3A_17] : memref<81920xi32, #tpu.memory_space<vmem>>, vector<480xi32>
    tpu.vector_store %arg4[%swap3A_17], %add3A_16 {strides = array<i32>} : memref<81920xi32, #tpu.memory_space<vmem>>, vector<480xi32>,
    %get3A_19 = arith.constant 0 : index
    %get3A_20 = vector.load %arg3[%get3A_19] : memref<480xi32, #tpu.memory_space<vmem>>, vector<480xi32>
    %swap3A_21 = arith.constant 20000 : index
    %swap3A_22 = vector.load %arg5[%swap3A_21] : memref<81920xi32, #tpu.memory_space<vmem>>, vector<480xi32>
    tpu.vector_store %arg5[%swap3A_21], %get3A_20 {strides = array<i32>} : memref<81920xi32, #tpu.memory_space<vmem>>, vector<480xi32>,
    %get3A_23 = arith.constant 0 : index
    %get3A_24 = arith.constant 20000 : index
    %get3A_25 = vector.load %arg1[%get3A_23, %get3A_24] : memref<2x80000xi32, #tpu.memory_space<vmem>>, vector<1x20000xi32>
    %get3A_26 = vector.shape_cast %get3A_25 : vector<1x20000xi32> to vector<20000xi32>
    %add3A_27 = vector.broadcast %select_n3A : i32 to vector<20000xi32>
    %add3A_28 = arith.addi %get3A_26, %add3A_27 : vector<20000xi32>
    %swap3A_29 = arith.constant 20480 : index
    %swap3A_30 = vector.load %arg4[%swap3A_29] : memref<81920xi32, #tpu.memory_space<vmem>>, vector<20000xi32>
    tpu.vector_store %arg4[%swap3A_29], %add3A_28 {strides = array<i32>} : memref<81920xi32, #tpu.memory_space<vmem>>, vector<20000xi32>,
    %get3A_31 = arith.constant 1 : index
    %get3A_32 = arith.constant 20000 : index
    %get3A_33 = vector.load %arg1[%get3A_31, %get3A_32] : memref<2x80000xi32, #tpu.memory_space<vmem>>, vector<1x20000xi32>
    %get3A_34 = vector.shape_cast %get3A_33 : vector<1x20000xi32> to vector<20000xi32>
    %swap3A_35 = arith.constant 20480 : index
    %swap3A_36 = vector.load %arg5[%swap3A_35] : memref<81920xi32, #tpu.memory_space<vmem>>, vector<20000xi32>
    tpu.vector_store %arg5[%swap3A_35], %get3A_34 {strides = array<i32>} : memref<81920xi32, #tpu.memory_space<vmem>>, vector<20000xi32>,
    %get3A_37 = arith.constant 0 : index
    %get3A_38 = vector.load %arg2[%get3A_37] : memref<480xi32, #tpu.memory_space<vmem>>, vector<480xi32>
    %add3A_39 = vector.broadcast %select_n3A : i32 to vector<480xi32>
    %add3A_40 = arith.addi %get3A_38, %add3A_39 : vector<480xi32>
    %swap3A_41 = arith.constant 40480 : index
    %swap3A_42 = vector.load %arg4[%swap3A_41] : memref<81920xi32, #tpu.memory_space<vmem>>, vector<480xi32>
    tpu.vector_store %arg4[%swap3A_41], %add3A_40 {strides = array<i32>} : memref<81920xi32, #tpu.memory_space<vmem>>, vector<480xi32>,
    %get3A_43 = arith.constant 0 : index
    %get3A_44 = vector.load %arg3[%get3A_43] : memref<480xi32, #tpu.memory_space<vmem>>, vector<480xi32>
    %swap3A_45 = arith.constant 40480 : index
    %swap3A_46 = vector.load %arg5[%swap3A_45] : memref<81920xi32, #tpu.memory_space<vmem>>, vector<480xi32>
    tpu.vector_store %arg5[%swap3A_45], %get3A_44 {strides = array<i32>} : memref<81920xi32, #tpu.memory_space<vmem>>, vector<480xi32>,
    %get3A_47 = arith.constant 0 : index
    %get3A_48 = arith.constant 40000 : index
    %get3A_49 = vector.load %arg1[%get3A_47, %get3A_48] : memref<2x80000xi32, #tpu.memory_space<vmem>>, vector<1x20000xi32>
    %get3A_50 = vector.shape_cast %get3A_49 : vector<1x20000xi32> to vector<20000xi32>
    %add3A_51 = vector.broadcast %select_n3A : i32 to vector<20000xi32>
    %add3A_52 = arith.addi %get3A_50, %add3A_51 : vector<20000xi32>
    %swap3A_53 = arith.constant 40960 : index
    %swap3A_54 = vector.load %arg4[%swap3A_53] : memref<81920xi32, #tpu.memory_space<vmem>>, vector<20000xi32>
    tpu.vector_store %arg4[%swap3A_53], %add3A_52 {strides = array<i32>} : memref<81920xi32, #tpu.memory_space<vmem>>, vector<20000xi32>,
    %get3A_55 = arith.constant 1 : index
    %get3A_56 = arith.constant 40000 : index
    %get3A_57 = vector.load %arg1[%get3A_55, %get3A_56] : memref<2x80000xi32, #tpu.memory_space<vmem>>, vector<1x20000xi32>
    %get3A_58 = vector.shape_cast %get3A_57 : vector<1x20000xi32> to vector<20000xi32>
    %swap3A_59 = arith.constant 40960 : index
    %swap3A_60 = vector.load %arg5[%swap3A_59] : memref<81920xi32, #tpu.memory_space<vmem>>, vector<20000xi32>
    tpu.vector_store %arg5[%swap3A_59], %get3A_58 {strides = array<i32>} : memref<81920xi32, #tpu.memory_space<vmem>>, vector<20000xi32>,
    %get3A_61 = arith.constant 0 : index
    %get3A_62 = vector.load %arg2[%get3A_61] : memref<480xi32, #tpu.memory_space<vmem>>, vector<480xi32>
    %add3A_63 = vector.broadcast %select_n3A : i32 to vector<480xi32>
    %add3A_64 = arith.addi %get3A_62, %add3A_63 : vector<480xi32>
    %swap3A_65 = arith.constant 60960 : index
    %swap3A_66 = vector.load %arg4[%swap3A_65] : memref<81920xi32, #tpu.memory_space<vmem>>, vector<480xi32>
    tpu.vector_store %arg4[%swap3A_65], %add3A_64 {strides = array<i32>} : memref<81920xi32, #tpu.memory_space<vmem>>, vector<480xi32>,
    %get3A_67 = arith.constant 0 : index
    %get3A_68 = vector.load %arg3[%get3A_67] : memref<480xi32, #tpu.memory_space<vmem>>, vector<480xi32>
    %swap3A_69 = arith.constant 60960 : index
    %swap3A_70 = vector.load %arg5[%swap3A_69] : memref<81920xi32, #tpu.memory_space<vmem>>, vector<480xi32>
    tpu.vector_store %arg5[%swap3A_69], %get3A_68 {strides = array<i32>} : memref<81920xi32, #tpu.memory_space<vmem>>, vector<480xi32>,
    %get3A_71 = arith.constant 0 : index
    %get3A_72 = arith.constant 60000 : index
    %get3A_73 = vector.load %arg1[%get3A_71, %get3A_72] : memref<2x80000xi32, #tpu.memory_space<vmem>>, vector<1x20000xi32>
    %get3A_74 = vector.shape_cast %get3A_73 : vector<1x20000xi32> to vector<20000xi32>
    %add3A_75 = vector.broadcast %select_n3A : i32 to vector<20000xi32>
    %add3A_76 = arith.addi %get3A_74, %add3A_75 : vector<20000xi32>
    %swap3A_77 = arith.constant 61440 : index
    %swap3A_78 = vector.load %arg4[%swap3A_77] : memref<81920xi32, #tpu.memory_space<vmem>>, vector<20000xi32>
    tpu.vector_store %arg4[%swap3A_77], %add3A_76 {strides = array<i32>} : memref<81920xi32, #tpu.memory_space<vmem>>, vector<20000xi32>,
    %get3A_79 = arith.constant 1 : index
    %get3A_80 = arith.constant 60000 : index
    %get3A_81 = vector.load %arg1[%get3A_79, %get3A_80] : memref<2x80000xi32, #tpu.memory_space<vmem>>, vector<1x20000xi32>
    %get3A_82 = vector.shape_cast %get3A_81 : vector<1x20000xi32> to vector<20000xi32>
    %swap3A_83 = arith.constant 61440 : index
    %swap3A_84 = vector.load %arg5[%swap3A_83] : memref<81920xi32, #tpu.memory_space<vmem>>, vector<20000xi32>
    tpu.vector_store %arg5[%swap3A_83], %get3A_82 {strides = array<i32>} : memref<81920xi32, #tpu.memory_space<vmem>>, vector<20000xi32>,
    %get3A_85 = arith.constant 0 : index
    %get3A_86 = vector.load %arg2[%get3A_85] : memref<480xi32, #tpu.memory_space<vmem>>, vector<480xi32>
    %add3A_87 = vector.broadcast %select_n3A : i32 to vector<480xi32>
    %add3A_88 = arith.addi %get3A_86, %add3A_87 : vector<480xi32>
    %swap3A_89 = arith.constant 81440 : index
    %swap3A_90 = vector.load %arg4[%swap3A_89] : memref<81920xi32, #tpu.memory_space<vmem>>, vector<480xi32>
    tpu.vector_store %arg4[%swap3A_89], %add3A_88 {strides = array<i32>} : memref<81920xi32, #tpu.memory_space<vmem>>, vector<480xi32>,
    %get3A_91 = arith.constant 0 : index
    %get3A_92 = vector.load %arg3[%get3A_91] : memref<480xi32, #tpu.memory_space<vmem>>, vector<480xi32>
    %swap3A_93 = arith.constant 81440 : index
    %swap3A_94 = vector.load %arg5[%swap3A_93] : memref<81920xi32, #tpu.memory_space<vmem>>, vector<480xi32>
    tpu.vector_store %arg5[%swap3A_93], %get3A_92 {strides = array<i32>} : memref<81920xi32, #tpu.memory_space<vmem>>, vector<480xi32>,
    return
  }
  func.func @transform_0(%arg0: i32) -> (i32, i32) {
    %jit3A = arith.constant 4 : i32
    %eq3A = arith.constant 0 : i32
    %eq3A_0 = arith.cmpi eq, %jit3A, %eq3A : i32
    %jit3A_1 = arith.constant 1 : i32
    %select_n3A = arith.select %eq3A_0, %jit3A_1, %jit3A : i32
    %rem3A = arith.remsi %arg0, %select_n3A : i32
    %ne3A = arith.constant 0 : i32
    %ne3A_2 = arith.cmpi ne, %rem3A, %ne3A : i32
    %lt3A = arith.constant 0 : i32
    %lt3A_3 = arith.cmpi slt, %rem3A, %lt3A : i32
    %lt3A_4 = arith.constant 0 : i32
    %lt3A_5 = arith.cmpi slt, %select_n3A, %lt3A_4 : i32
    %ne3A_6 = arith.xori %lt3A_3, %lt3A_5 : i1
    %and3A = arith.andi %ne3A_6, %ne3A_2 : i1
    %add3A = arith.addi %rem3A, %select_n3A : i32
    %select_n3A_7 = arith.select %and3A, %add3A, %rem3A : i32
    %c0_i32 = arith.constant 0 : i32
    %c0_i32_8 = arith.constant 0 : i32
    return %c0_i32, %select_n3A_7 : i32, i32
  }
  func.func @transform_1(%arg0: i32) -> i32 {
    %c0_i32 = arith.constant 0 : i32
    %c0_i32_0 = arith.constant 0 : i32
    return %c0_i32 : i32
  }
  func.func @transform_2(%arg0: i32) -> i32 {
    %c0_i32 = arith.constant 0 : i32
    %c0_i32_0 = arith.constant 0 : i32
    return %c0_i32 : i32
  }
  func.func @transform_3(%arg0: i32) -> i32 {
    %c0_i32 = arith.constant 0 : i32
    return %arg0 : i32
  }
  func.func @transform_4(%arg0: i32) -> i32 {
    %c0_i32 = arith.constant 0 : i32
    return %arg0 : i32
  }
}

module attributes {stable_mosaic.version = 14 : i64} {
  func.func @_t1a_body(%arg0: i32, %arg1: memref<1280x128xf32, #tpu.memory_space<vmem>>, %arg2: memref<1x1xf32, #tpu.memory_space<vmem>>, %arg3: memref<1x32xf32, #tpu.memory_space<vmem>>, %arg4: memref<1x32xf32, #tpu.memory_space<vmem>>, %arg5: memref<32x128xf32, #tpu.memory_space<vmem>>, %arg6: memref<1x128xf32, #tpu.memory_space<vmem>>, %arg7: memref<128x256xf32, #tpu.memory_space<vmem>>, %arg8: memref<1x256xf32, #tpu.memory_space<vmem>>, %arg9: memref<1280x256xf32, #tpu.memory_space<vmem>>) attributes {dimension_semantics = [#tpu.dimension_semantics<arbitrary>], iteration_bounds = array<i64: 8>, scalar_prefetch = 0 : i64, scratch_operands = 0 : i64, tpu.core_type = #tpu.core_type<tc>, window_params = [{transform_indices = @transform_0, window_bounds = array<i64: 1280, 128>}, {pipeline_mode = #tpu.pipeline_mode<synchronous>, transform_indices = @transform_1, window_bounds = array<i64: 1, 1>}, {pipeline_mode = #tpu.pipeline_mode<synchronous>, transform_indices = @transform_2, window_bounds = array<i64: 1, 32>}, {pipeline_mode = #tpu.pipeline_mode<synchronous>, transform_indices = @transform_3, window_bounds = array<i64: 1, 32>}, {pipeline_mode = #tpu.pipeline_mode<synchronous>, transform_indices = @transform_4, window_bounds = array<i64: 32, 128>}, {pipeline_mode = #tpu.pipeline_mode<synchronous>, transform_indices = @transform_5, window_bounds = array<i64: 1, 128>}, {pipeline_mode = #tpu.pipeline_mode<synchronous>, transform_indices = @transform_6, window_bounds = array<i64: 128, 256>}, {pipeline_mode = #tpu.pipeline_mode<synchronous>, transform_indices = @transform_7, window_bounds = array<i64: 1, 256>}, {transform_indices = @transform_8, window_bounds = array<i64: 1280, 256>}]} {
    %get3A = arith.constant 0 : index
    %get3A_0 = arith.constant 0 : index
    %get3A_1 = vector.load %arg2[%get3A, %get3A_0] : memref<1x1xf32, #tpu.memory_space<vmem>>, vector<1x1xf32>
    %get3A_2 = vector.extract %get3A_1[0, 0] : f32 from vector<1x1xf32>
    %get3A_3 = arith.constant 0 : index
    %get3A_4 = arith.constant 0 : index
    %get3A_5 = vector.load %arg3[%get3A_3, %get3A_4] : memref<1x32xf32, #tpu.memory_space<vmem>>, vector<1x32xf32>
    %mul3A = vector.broadcast %get3A_2 : f32 to vector<1x32xf32>
    %mul3A_6 = arith.mulf %mul3A, %get3A_5 : vector<1x32xf32>
    %get3A_7 = arith.constant 0 : index
    %get3A_8 = arith.constant 0 : index
    %get3A_9 = vector.load %arg4[%get3A_7, %get3A_8] : memref<1x32xf32, #tpu.memory_space<vmem>>, vector<1x32xf32>
    %add3A = arith.addf %mul3A_6, %get3A_9 : vector<1x32xf32>
    %max3A = arith.constant 0.000000e+00 : f32
    %max3A_10 = vector.broadcast %max3A : f32 to vector<1x32xf32>
    %max3A_11 = arith.maximumf %add3A, %max3A_10 : vector<1x32xf32>
    %get3A_12 = arith.constant 0 : index
    %get3A_13 = arith.constant 0 : index
    %get3A_14 = vector.load %arg5[%get3A_12, %get3A_13] : memref<32x128xf32, #tpu.memory_space<vmem>>, vector<32x128xf32>
    %dot_general3A = arith.constant dense<0.000000e+00> : vector<1x128xf32>
    %dot_general3A_15 = tpu.matmul %max3A_11, %get3A_14, %dot_general3A {dimension_numbers = #tpu.dot_dimension_numbers<[1], [0], [0], [1], [0, 0, 1, 1], [], []>, transpose_lhs_hint = false} : vector<1x32xf32>, vector<32x128xf32>, vector<1x128xf32> -> vector<1x128xf32>
    %get3A_16 = arith.constant 0 : index
    %get3A_17 = arith.constant 0 : index
    %get3A_18 = vector.load %arg6[%get3A_16, %get3A_17] : memref<1x128xf32, #tpu.memory_space<vmem>>, vector<1x128xf32>
    %add3A_19 = arith.addf %dot_general3A_15, %get3A_18 : vector<1x128xf32>
    %reduce_max3A = arith.constant dense<0xFF800000> : vector<1xf32>
    %reduce_max3A_20 = vector.multi_reduction <maximumf>, %add3A_19, %reduce_max3A [1] : vector<1x128xf32> to vector<1xf32>
    %broadcast_in_dim3A = vector.shape_cast %reduce_max3A_20 : vector<1xf32> to vector<1x1xf32>
    %sub3A = vector.broadcast %broadcast_in_dim3A : vector<1x1xf32> to vector<1x128xf32>
    %sub3A_21 = arith.subf %add3A_19, %sub3A : vector<1x128xf32>
    %exp3A = math.exp %sub3A_21 : vector<1x128xf32>
    %reduce_sum3A = arith.constant dense<0.000000e+00> : vector<1xf32>
    %reduce_sum3A_22 = vector.multi_reduction <add>, %exp3A, %reduce_sum3A [1] : vector<1x128xf32> to vector<1xf32>
    %broadcast_in_dim3A_23 = vector.shape_cast %reduce_sum3A_22 : vector<1xf32> to vector<1x1xf32>
    %div3A = vector.broadcast %broadcast_in_dim3A_23 : vector<1x1xf32> to vector<1x128xf32>
    %div3A_24 = arith.divf %exp3A, %div3A : vector<1x128xf32>
    %get3A_25 = arith.constant 0 : index
    %get3A_26 = arith.constant 0 : index
    %get3A_27 = vector.load %arg1[%get3A_25, %get3A_26] : memref<1280x128xf32, #tpu.memory_space<vmem>>, vector<1280x128xf32>
    %mul3A_28 = vector.broadcast %div3A_24 : vector<1x128xf32> to vector<1280x128xf32>
    %mul3A_29 = arith.mulf %get3A_27, %mul3A_28 : vector<1280x128xf32>
    %get3A_30 = arith.constant 0 : index
    %get3A_31 = arith.constant 0 : index
    %get3A_32 = vector.load %arg7[%get3A_30, %get3A_31] : memref<128x256xf32, #tpu.memory_space<vmem>>, vector<128x256xf32>
    %dot_general3A_33 = arith.constant dense<0.000000e+00> : vector<1280x256xf32>
    %dot_general3A_34 = tpu.matmul %mul3A_29, %get3A_32, %dot_general3A_33 {dimension_numbers = #tpu.dot_dimension_numbers<[1], [0], [0], [1], [0, 0, 1, 1], [], []>, transpose_lhs_hint = false} : vector<1280x128xf32>, vector<128x256xf32>, vector<1280x256xf32> -> vector<1280x256xf32>
    %get3A_35 = arith.constant 0 : index
    %get3A_36 = arith.constant 0 : index
    %get3A_37 = vector.load %arg8[%get3A_35, %get3A_36] : memref<1x256xf32, #tpu.memory_space<vmem>>, vector<1x256xf32>
    %add3A_38 = vector.broadcast %get3A_37 : vector<1x256xf32> to vector<1280x256xf32>
    %add3A_39 = arith.addf %dot_general3A_34, %add3A_38 : vector<1280x256xf32>
    %swap3A = arith.constant 0 : index
    %swap3A_40 = arith.constant 0 : index
    %swap3A_41 = vector.load %arg9[%swap3A, %swap3A_40] : memref<1280x256xf32, #tpu.memory_space<vmem>>, vector<1280x256xf32>
    tpu.vector_store %arg9[%swap3A, %swap3A_40], %add3A_39 {strides = array<i32>} : memref<1280x256xf32, #tpu.memory_space<vmem>>, vector<1280x256xf32>,
    return
  }
  func.func @transform_0(%arg0: i32) -> (i32, i32) {
    %c0_i32 = arith.constant 0 : i32
    %c0_i32_0 = arith.constant 0 : i32
    return %arg0, %c0_i32 : i32, i32
  }
  func.func @transform_1(%arg0: i32) -> (i32, i32) {
    %c0_i32 = arith.constant 0 : i32
    %c0_i32_0 = arith.constant 0 : i32
    %c0_i32_1 = arith.constant 0 : i32
    return %c0_i32, %c0_i32_0 : i32, i32
  }
  func.func @transform_2(%arg0: i32) -> (i32, i32) {
    %c0_i32 = arith.constant 0 : i32
    %c0_i32_0 = arith.constant 0 : i32
    %c0_i32_1 = arith.constant 0 : i32
    return %c0_i32, %c0_i32_0 : i32, i32
  }
  func.func @transform_3(%arg0: i32) -> (i32, i32) {
    %c0_i32 = arith.constant 0 : i32
    %c0_i32_0 = arith.constant 0 : i32
    %c0_i32_1 = arith.constant 0 : i32
    return %c0_i32, %c0_i32_0 : i32, i32
  }
  func.func @transform_4(%arg0: i32) -> (i32, i32) {
    %c0_i32 = arith.constant 0 : i32
    %c0_i32_0 = arith.constant 0 : i32
    %c0_i32_1 = arith.constant 0 : i32
    return %c0_i32, %c0_i32_0 : i32, i32
  }
  func.func @transform_5(%arg0: i32) -> (i32, i32) {
    %c0_i32 = arith.constant 0 : i32
    %c0_i32_0 = arith.constant 0 : i32
    %c0_i32_1 = arith.constant 0 : i32
    return %c0_i32, %c0_i32_0 : i32, i32
  }
  func.func @transform_6(%arg0: i32) -> (i32, i32) {
    %c0_i32 = arith.constant 0 : i32
    %c0_i32_0 = arith.constant 0 : i32
    %c0_i32_1 = arith.constant 0 : i32
    return %c0_i32, %c0_i32_0 : i32, i32
  }
  func.func @transform_7(%arg0: i32) -> (i32, i32) {
    %c0_i32 = arith.constant 0 : i32
    %c0_i32_0 = arith.constant 0 : i32
    %c0_i32_1 = arith.constant 0 : i32
    return %c0_i32, %c0_i32_0 : i32, i32
  }
  func.func @transform_8(%arg0: i32) -> (i32, i32) {
    %c0_i32 = arith.constant 0 : i32
    %c0_i32_0 = arith.constant 0 : i32
    return %arg0, %c0_i32 : i32, i32
  }
}

module attributes {stable_mosaic.version = 14 : i64} {
  func.func @_t1b_body(%arg0: i32, %arg1: memref<1280x256xf32, #tpu.memory_space<vmem>>, %arg2: memref<1280x1xf32, #tpu.memory_space<vmem>>, %arg3: memref<1280x1xf32, #tpu.memory_space<vmem>>, %arg4: memref<2x1280x128xf32, #tpu.memory_space<vmem>>, %arg5: memref<1280x1xf32, #tpu.memory_space<vmem>>) attributes {dimension_semantics = [#tpu.dimension_semantics<arbitrary>], iteration_bounds = array<i64: 8>, scalar_prefetch = 0 : i64, scratch_operands = 0 : i64, tpu.core_type = #tpu.core_type<tc>, window_params = [{transform_indices = @transform_0, window_bounds = array<i64: 1280, 256>}, {transform_indices = @transform_1, window_bounds = array<i64: 1280, 1>}, {transform_indices = @transform_2, window_bounds = array<i64: 1280, 1>}, {transform_indices = @transform_3, window_bounds = array<i64: 2, 1280, 128>}, {transform_indices = @transform_4, window_bounds = array<i64: 1280, 1>}]} {
    %get3A = arith.constant 0 : index
    %get3A_0 = arith.constant 0 : index
    %get3A_1 = vector.load %arg2[%get3A, %get3A_0] : memref<1280x1xf32, #tpu.memory_space<vmem>>, vector<1280x1xf32>
    %get3A_2 = arith.constant 0 : index
    %get3A_3 = arith.constant 0 : index
    %get3A_4 = vector.load %arg3[%get3A_2, %get3A_3] : memref<1280x1xf32, #tpu.memory_space<vmem>>, vector<1280x1xf32>
    %add3A = arith.addf %get3A_1, %get3A_4 : vector<1280x1xf32>
    %add3A_5 = arith.constant 1.000000e+00 : f32
    %add3A_6 = vector.broadcast %add3A_5 : f32 to vector<1280x1xf32>
    %add3A_7 = arith.addf %add3A, %add3A_6 : vector<1280x1xf32>
    %max3A = arith.constant 1.000000e+00 : f32
    %max3A_8 = vector.broadcast %max3A : f32 to vector<1280x1xf32>
    %max3A_9 = arith.maximumf %add3A_7, %max3A_8 : vector<1280x1xf32>
    %rsqrt3A = math.rsqrt %max3A_9 : vector<1280x1xf32>
    %swap3A = arith.constant 0 : index
    %swap3A_10 = arith.constant 0 : index
    %swap3A_11 = vector.load %arg5[%swap3A, %swap3A_10] : memref<1280x1xf32, #tpu.memory_space<vmem>>, vector<1280x1xf32>
    tpu.vector_store %arg5[%swap3A, %swap3A_10], %rsqrt3A {strides = array<i32>} : memref<1280x1xf32, #tpu.memory_space<vmem>>, vector<1280x1xf32>,
    %get3A_12 = arith.constant 0 : index
    %get3A_13 = arith.constant 0 : index
    %get3A_14 = vector.load %arg1[%get3A_12, %get3A_13] : memref<1280x256xf32, #tpu.memory_space<vmem>>, vector<1280x256xf32>
    %mul3A = vector.broadcast %rsqrt3A : vector<1280x1xf32> to vector<1280x256xf32>
    %mul3A_15 = arith.mulf %get3A_14, %mul3A : vector<1280x256xf32>
    %slice3A = vector.extract_strided_slice %mul3A_15 {offsets = [0, 0], sizes = [1280, 128], strides = [1, 1]} : vector<1280x256xf32> to vector<1280x128xf32>
    %swap3A_16 = arith.constant 0 : index
    %swap3A_17 = arith.constant 0 : index
    %swap3A_18 = arith.constant 0 : index
    %swap3A_19 = vector.load %arg4[%swap3A_16, %swap3A_17, %swap3A_18] : memref<2x1280x128xf32, #tpu.memory_space<vmem>>, vector<1x1280x128xf32>
    %swap3A_20 = vector.shape_cast %swap3A_19 : vector<1x1280x128xf32> to vector<1280x128xf32>
    %swap3A_21 = vector.shape_cast %slice3A : vector<1280x128xf32> to vector<1x1280x128xf32>
    tpu.vector_store %arg4[%swap3A_16, %swap3A_17, %swap3A_18], %swap3A_21 {strides = array<i32>} : memref<2x1280x128xf32, #tpu.memory_space<vmem>>, vector<1x1280x128xf32>,
    %slice3A_22 = vector.extract_strided_slice %mul3A_15 {offsets = [0, 128], sizes = [1280, 128], strides = [1, 1]} : vector<1280x256xf32> to vector<1280x128xf32>
    %swap3A_23 = arith.constant 1 : index
    %swap3A_24 = arith.constant 0 : index
    %swap3A_25 = arith.constant 0 : index
    %swap3A_26 = vector.load %arg4[%swap3A_23, %swap3A_24, %swap3A_25] : memref<2x1280x128xf32, #tpu.memory_space<vmem>>, vector<1x1280x128xf32>
    %swap3A_27 = vector.shape_cast %swap3A_26 : vector<1x1280x128xf32> to vector<1280x128xf32>
    %swap3A_28 = vector.shape_cast %slice3A_22 : vector<1280x128xf32> to vector<1x1280x128xf32>
    tpu.vector_store %arg4[%swap3A_23, %swap3A_24, %swap3A_25], %swap3A_28 {strides = array<i32>} : memref<2x1280x128xf32, #tpu.memory_space<vmem>>, vector<1x1280x128xf32>,
    return
  }
  func.func @transform_0(%arg0: i32) -> (i32, i32) {
    %c0_i32 = arith.constant 0 : i32
    %c0_i32_0 = arith.constant 0 : i32
    return %arg0, %c0_i32 : i32, i32
  }
  func.func @transform_1(%arg0: i32) -> (i32, i32) {
    %c0_i32 = arith.constant 0 : i32
    %c0_i32_0 = arith.constant 0 : i32
    return %arg0, %c0_i32 : i32, i32
  }
  func.func @transform_2(%arg0: i32) -> (i32, i32) {
    %c0_i32 = arith.constant 0 : i32
    %c0_i32_0 = arith.constant 0 : i32
    return %arg0, %c0_i32 : i32, i32
  }
  func.func @transform_3(%arg0: i32) -> (i32, i32, i32) {
    %c0_i32 = arith.constant 0 : i32
    %c0_i32_0 = arith.constant 0 : i32
    %c0_i32_1 = arith.constant 0 : i32
    return %c0_i32, %arg0, %c0_i32_0 : i32, i32, i32
  }
  func.func @transform_4(%arg0: i32) -> (i32, i32) {
    %c0_i32 = arith.constant 0 : i32
    %c0_i32_0 = arith.constant 0 : i32
    return %arg0, %c0_i32 : i32, i32
  }
}

module attributes {stable_mosaic.version = 14 : i64} {
  func.func @_t23_body(%arg0: i32, %arg1: memref<2x1280x128xf32, #tpu.memory_space<vmem>>, %arg2: memref<1280x1xf32, #tpu.memory_space<vmem>>, %arg3: memref<256x256xf32, #tpu.memory_space<vmem>>, %arg4: memref<1x256xf32, #tpu.memory_space<vmem>>, %arg5: memref<2x1280x128xf32, #tpu.memory_space<vmem>>) attributes {dimension_semantics = [#tpu.dimension_semantics<arbitrary>], iteration_bounds = array<i64: 8>, scalar_prefetch = 0 : i64, scratch_operands = 0 : i64, tpu.core_type = #tpu.core_type<tc>, window_params = [{transform_indices = @transform_0, window_bounds = array<i64: 2, 1280, 128>}, {transform_indices = @transform_1, window_bounds = array<i64: 1280, 1>}, {pipeline_mode = #tpu.pipeline_mode<synchronous>, transform_indices = @transform_2, window_bounds = array<i64: 256, 256>}, {pipeline_mode = #tpu.pipeline_mode<synchronous>, transform_indices = @transform_3, window_bounds = array<i64: 1, 256>}, {transform_indices = @transform_4, window_bounds = array<i64: 2, 1280, 128>}]} {
    %get3A = arith.constant 0 : index
    %get3A_0 = arith.constant 0 : index
    %get3A_1 = vector.load %arg2[%get3A, %get3A_0] : memref<1280x1xf32, #tpu.memory_space<vmem>>, vector<1280x1xf32>
    %get3A_2 = arith.constant 0 : index
    %get3A_3 = arith.constant 0 : index
    %get3A_4 = arith.constant 0 : index
    %get3A_5 = vector.load %arg1[%get3A_2, %get3A_3, %get3A_4] : memref<2x1280x128xf32, #tpu.memory_space<vmem>>, vector<1x1280x128xf32>
    %get3A_6 = vector.shape_cast %get3A_5 : vector<1x1280x128xf32> to vector<1280x128xf32>
    %get3A_7 = arith.constant 1 : index
    %get3A_8 = arith.constant 0 : index
    %get3A_9 = arith.constant 0 : index
    %get3A_10 = vector.load %arg1[%get3A_7, %get3A_8, %get3A_9] : memref<2x1280x128xf32, #tpu.memory_space<vmem>>, vector<1x1280x128xf32>
    %get3A_11 = vector.shape_cast %get3A_10 : vector<1x1280x128xf32> to vector<1280x128xf32>
    %concatenate3A = tpu.concatenate %get3A_6, %get3A_11 in 1 : vector<1280x128xf32>, vector<1280x128xf32> -> vector<1280x256xf32>
    %mul3A = vector.broadcast %get3A_1 : vector<1280x1xf32> to vector<1280x256xf32>
    %mul3A_12 = arith.mulf %concatenate3A, %mul3A : vector<1280x256xf32>
    %max3A = arith.constant 0.000000e+00 : f32
    %max3A_13 = vector.broadcast %max3A : f32 to vector<1280x256xf32>
    %max3A_14 = arith.maximumf %mul3A_12, %max3A_13 : vector<1280x256xf32>
    %get3A_15 = arith.constant 0 : index
    %get3A_16 = arith.constant 0 : index
    %get3A_17 = vector.load %arg3[%get3A_15, %get3A_16] : memref<256x256xf32, #tpu.memory_space<vmem>>, vector<256x256xf32>
    %dot_general3A = arith.constant dense<0.000000e+00> : vector<1280x256xf32>
    %dot_general3A_18 = tpu.matmul %max3A_14, %get3A_17, %dot_general3A {dimension_numbers = #tpu.dot_dimension_numbers<[1], [0], [0], [1], [0, 0, 1, 1], [], []>, transpose_lhs_hint = false} : vector<1280x256xf32>, vector<256x256xf32>, vector<1280x256xf32> -> vector<1280x256xf32>
    %get3A_19 = arith.constant 0 : index
    %get3A_20 = arith.constant 0 : index
    %get3A_21 = vector.load %arg4[%get3A_19, %get3A_20] : memref<1x256xf32, #tpu.memory_space<vmem>>, vector<1x256xf32>
    %add3A = vector.broadcast %get3A_21 : vector<1x256xf32> to vector<1280x256xf32>
    %add3A_22 = arith.addf %dot_general3A_18, %add3A : vector<1280x256xf32>
    %mul3A_23 = vector.broadcast %get3A_1 : vector<1280x1xf32> to vector<1280x256xf32>
    %mul3A_24 = arith.mulf %add3A_22, %mul3A_23 : vector<1280x256xf32>
    %slice3A = vector.extract_strided_slice %mul3A_24 {offsets = [0, 0], sizes = [1280, 128], strides = [1, 1]} : vector<1280x256xf32> to vector<1280x128xf32>
    %swap3A = arith.constant 0 : index
    %swap3A_25 = arith.constant 0 : index
    %swap3A_26 = arith.constant 0 : index
    %swap3A_27 = vector.load %arg5[%swap3A, %swap3A_25, %swap3A_26] : memref<2x1280x128xf32, #tpu.memory_space<vmem>>, vector<1x1280x128xf32>
    %swap3A_28 = vector.shape_cast %swap3A_27 : vector<1x1280x128xf32> to vector<1280x128xf32>
    %swap3A_29 = vector.shape_cast %slice3A : vector<1280x128xf32> to vector<1x1280x128xf32>
    tpu.vector_store %arg5[%swap3A, %swap3A_25, %swap3A_26], %swap3A_29 {strides = array<i32>} : memref<2x1280x128xf32, #tpu.memory_space<vmem>>, vector<1x1280x128xf32>,
    %slice3A_30 = vector.extract_strided_slice %mul3A_24 {offsets = [0, 128], sizes = [1280, 128], strides = [1, 1]} : vector<1280x256xf32> to vector<1280x128xf32>
    %swap3A_31 = arith.constant 1 : index
    %swap3A_32 = arith.constant 0 : index
    %swap3A_33 = arith.constant 0 : index
    %swap3A_34 = vector.load %arg5[%swap3A_31, %swap3A_32, %swap3A_33] : memref<2x1280x128xf32, #tpu.memory_space<vmem>>, vector<1x1280x128xf32>
    %swap3A_35 = vector.shape_cast %swap3A_34 : vector<1x1280x128xf32> to vector<1280x128xf32>
    %swap3A_36 = vector.shape_cast %slice3A_30 : vector<1280x128xf32> to vector<1x1280x128xf32>
    tpu.vector_store %arg5[%swap3A_31, %swap3A_32, %swap3A_33], %swap3A_36 {strides = array<i32>} : memref<2x1280x128xf32, #tpu.memory_space<vmem>>, vector<1x1280x128xf32>,
    return
  }
  func.func @transform_0(%arg0: i32) -> (i32, i32, i32) {
    %c0_i32 = arith.constant 0 : i32
    %c0_i32_0 = arith.constant 0 : i32
    %c0_i32_1 = arith.constant 0 : i32
    return %c0_i32, %arg0, %c0_i32_0 : i32, i32, i32
  }
  func.func @transform_1(%arg0: i32) -> (i32, i32) {
    %c0_i32 = arith.constant 0 : i32
    %c0_i32_0 = arith.constant 0 : i32
    return %arg0, %c0_i32 : i32, i32
  }
  func.func @transform_2(%arg0: i32) -> (i32, i32) {
    %c0_i32 = arith.constant 0 : i32
    %c0_i32_0 = arith.constant 0 : i32
    %c0_i32_1 = arith.constant 0 : i32
    return %c0_i32, %c0_i32_0 : i32, i32
  }
  func.func @transform_3(%arg0: i32) -> (i32, i32) {
    %c0_i32 = arith.constant 0 : i32
    %c0_i32_0 = arith.constant 0 : i32
    %c0_i32_1 = arith.constant 0 : i32
    return %c0_i32, %c0_i32_0 : i32, i32
  }
  func.func @transform_4(%arg0: i32) -> (i32, i32, i32) {
    %c0_i32 = arith.constant 0 : i32
    %c0_i32_0 = arith.constant 0 : i32
    %c0_i32_1 = arith.constant 0 : i32
    return %c0_i32, %arg0, %c0_i32_0 : i32, i32, i32
  }
}

module attributes {stable_mosaic.version = 14 : i64} {
  func.func @_t4_body(%arg0: i32, %arg1: memref<2x1280x128xf32, #tpu.memory_space<vmem>>, %arg2: memref<1280x1xf32, #tpu.memory_space<vmem>>, %arg3: memref<1x1xf32, #tpu.memory_space<vmem>>, %arg4: memref<256x128xf32, #tpu.memory_space<vmem>>, %arg5: memref<1x128xf32, #tpu.memory_space<vmem>>, %arg6: memref<1x128xf32, #tpu.memory_space<vmem>>, %arg7: memref<128x1xf32, #tpu.memory_space<vmem>>, %arg8: memref<1x1xf32, #tpu.memory_space<vmem>>, %arg9: memref<256x128xf32, #tpu.memory_space<vmem>>, %arg10: memref<1x128xf32, #tpu.memory_space<vmem>>, %arg11: memref<128x1xf32, #tpu.memory_space<vmem>>, %arg12: memref<1x1xf32, #tpu.memory_space<vmem>>, %arg13: memref<1280x1xf32, #tpu.memory_space<vmem>>) attributes {dimension_semantics = [#tpu.dimension_semantics<arbitrary>], iteration_bounds = array<i64: 8>, scalar_prefetch = 0 : i64, scratch_operands = 0 : i64, tpu.core_type = #tpu.core_type<tc>, window_params = [{transform_indices = @transform_0, window_bounds = array<i64: 2, 1280, 128>}, {transform_indices = @transform_1, window_bounds = array<i64: 1280, 1>}, {pipeline_mode = #tpu.pipeline_mode<synchronous>, transform_indices = @transform_2, window_bounds = array<i64: 1, 1>}, {pipeline_mode = #tpu.pipeline_mode<synchronous>, transform_indices = @transform_3, window_bounds = array<i64: 256, 128>}, {pipeline_mode = #tpu.pipeline_mode<synchronous>, transform_indices = @transform_4, window_bounds = array<i64: 1, 128>}, {pipeline_mode = #tpu.pipeline_mode<synchronous>, transform_indices = @transform_5, window_bounds = array<i64: 1, 128>}, {pipeline_mode = #tpu.pipeline_mode<synchronous>, transform_indices = @transform_6, window_bounds = array<i64: 128, 1>}, {pipeline_mode = #tpu.pipeline_mode<synchronous>, transform_indices = @transform_7, window_bounds = array<i64: 1, 1>}, {pipeline_mode = #tpu.pipeline_mode<synchronous>, transform_indices = @transform_8, window_bounds = array<i64: 256, 128>}, {pipeline_mode = #tpu.pipeline_mode<synchronous>, transform_indices = @transform_9, window_bounds = array<i64: 1, 128>}, {pipeline_mode = #tpu.pipeline_mode<synchronous>, transform_indices = @transform_10, window_bounds = array<i64: 128, 1>}, {pipeline_mode = #tpu.pipeline_mode<synchronous>, transform_indices = @transform_11, window_bounds = array<i64: 1, 1>}, {transform_indices = @transform_12, window_bounds = array<i64: 1280, 1>}]} {
    %get3A = arith.constant 0 : index
    %get3A_0 = arith.constant 0 : index
    %get3A_1 = vector.load %arg2[%get3A, %get3A_0] : memref<1280x1xf32, #tpu.memory_space<vmem>>, vector<1280x1xf32>
    %get3A_2 = arith.constant 0 : index
    %get3A_3 = arith.constant 0 : index
    %get3A_4 = arith.constant 0 : index
    %get3A_5 = vector.load %arg1[%get3A_2, %get3A_3, %get3A_4] : memref<2x1280x128xf32, #tpu.memory_space<vmem>>, vector<1x1280x128xf32>
    %get3A_6 = vector.shape_cast %get3A_5 : vector<1x1280x128xf32> to vector<1280x128xf32>
    %get3A_7 = arith.constant 1 : index
    %get3A_8 = arith.constant 0 : index
    %get3A_9 = arith.constant 0 : index
    %get3A_10 = vector.load %arg1[%get3A_7, %get3A_8, %get3A_9] : memref<2x1280x128xf32, #tpu.memory_space<vmem>>, vector<1x1280x128xf32>
    %get3A_11 = vector.shape_cast %get3A_10 : vector<1x1280x128xf32> to vector<1280x128xf32>
    %concatenate3A = tpu.concatenate %get3A_6, %get3A_11 in 1 : vector<1280x128xf32>, vector<1280x128xf32> -> vector<1280x256xf32>
    %mul3A = vector.broadcast %get3A_1 : vector<1280x1xf32> to vector<1280x256xf32>
    %mul3A_12 = arith.mulf %concatenate3A, %mul3A : vector<1280x256xf32>
    %get3A_13 = arith.constant 0 : index
    %get3A_14 = arith.constant 0 : index
    %get3A_15 = vector.load %arg3[%get3A_13, %get3A_14] : memref<1x1xf32, #tpu.memory_space<vmem>>, vector<1x1xf32>
    %get3A_16 = vector.extract %get3A_15[0, 0] : f32 from vector<1x1xf32>
    %get3A_17 = arith.constant 0 : index
    %get3A_18 = arith.constant 0 : index
    %get3A_19 = vector.load %arg4[%get3A_17, %get3A_18] : memref<256x128xf32, #tpu.memory_space<vmem>>, vector<256x128xf32>
    %dot_general3A = arith.constant dense<0.000000e+00> : vector<1280x128xf32>
    %dot_general3A_20 = tpu.matmul %mul3A_12, %get3A_19, %dot_general3A {dimension_numbers = #tpu.dot_dimension_numbers<[1], [0], [0], [1], [0, 0, 1, 1], [], []>, transpose_lhs_hint = false} : vector<1280x256xf32>, vector<256x128xf32>, vector<1280x128xf32> -> vector<1280x128xf32>
    %get3A_21 = arith.constant 0 : index
    %get3A_22 = arith.constant 0 : index
    %get3A_23 = vector.load %arg5[%get3A_21, %get3A_22] : memref<1x128xf32, #tpu.memory_space<vmem>>, vector<1x128xf32>
    %mul3A_24 = vector.broadcast %get3A_16 : f32 to vector<1x128xf32>
    %mul3A_25 = arith.mulf %mul3A_24, %get3A_23 : vector<1x128xf32>
    %add3A = vector.broadcast %mul3A_25 : vector<1x128xf32> to vector<1280x128xf32>
    %add3A_26 = arith.addf %dot_general3A_20, %add3A : vector<1280x128xf32>
    %get3A_27 = arith.constant 0 : index
    %get3A_28 = arith.constant 0 : index
    %get3A_29 = vector.load %arg6[%get3A_27, %get3A_28] : memref<1x128xf32, #tpu.memory_space<vmem>>, vector<1x128xf32>
    %add3A_30 = vector.broadcast %get3A_29 : vector<1x128xf32> to vector<1280x128xf32>
    %add3A_31 = arith.addf %add3A_26, %add3A_30 : vector<1280x128xf32>
    %max3A = arith.constant 0.000000e+00 : f32
    %max3A_32 = vector.broadcast %max3A : f32 to vector<1280x128xf32>
    %max3A_33 = arith.maximumf %add3A_31, %max3A_32 : vector<1280x128xf32>
    %get3A_34 = arith.constant 0 : index
    %get3A_35 = arith.constant 0 : index
    %get3A_36 = vector.load %arg7[%get3A_34, %get3A_35] : memref<128x1xf32, #tpu.memory_space<vmem>>, vector<128x1xf32>
    %dot_general3A_37 = arith.constant dense<0.000000e+00> : vector<1280x1xf32>
    %dot_general3A_38 = tpu.matmul %max3A_33, %get3A_36, %dot_general3A_37 {dimension_numbers = #tpu.dot_dimension_numbers<[1], [0], [0], [1], [0, 0, 1, 1], [], []>, transpose_lhs_hint = false} : vector<1280x128xf32>, vector<128x1xf32>, vector<1280x1xf32> -> vector<1280x1xf32>
    %get3A_39 = arith.constant 0 : index
    %get3A_40 = arith.constant 0 : index
    %get3A_41 = vector.load %arg8[%get3A_39, %get3A_40] : memref<1x1xf32, #tpu.memory_space<vmem>>, vector<1x1xf32>
    %add3A_42 = vector.broadcast %get3A_41 : vector<1x1xf32> to vector<1280x1xf32>
    %add3A_43 = arith.addf %dot_general3A_38, %add3A_42 : vector<1280x1xf32>
    %logistic3A = arith.negf %add3A_43 : vector<1280x1xf32>
    %logistic3A_44 = math.exp %logistic3A : vector<1280x1xf32>
    %logistic3A_45 = arith.constant 1.000000e+00 : f32
    %logistic3A_46 = vector.broadcast %logistic3A_45 : f32 to vector<1280x1xf32>
    %logistic3A_47 = arith.addf %logistic3A_46, %logistic3A_44 : vector<1280x1xf32>
    %logistic3A_48 = arith.divf %logistic3A_46, %logistic3A_47 : vector<1280x1xf32>
    %mul3A_49 = vector.broadcast %logistic3A_48 : vector<1280x1xf32> to vector<1280x256xf32>
    %mul3A_50 = arith.mulf %mul3A_12, %mul3A_49 : vector<1280x256xf32>
    %get3A_51 = arith.constant 0 : index
    %get3A_52 = arith.constant 0 : index
    %get3A_53 = vector.load %arg9[%get3A_51, %get3A_52] : memref<256x128xf32, #tpu.memory_space<vmem>>, vector<256x128xf32>
    %dot_general3A_54 = arith.constant dense<0.000000e+00> : vector<1280x128xf32>
    %dot_general3A_55 = tpu.matmul %mul3A_50, %get3A_53, %dot_general3A_54 {dimension_numbers = #tpu.dot_dimension_numbers<[1], [0], [0], [1], [0, 0, 1, 1], [], []>, transpose_lhs_hint = false} : vector<1280x256xf32>, vector<256x128xf32>, vector<1280x128xf32> -> vector<1280x128xf32>
    %get3A_56 = arith.constant 0 : index
    %get3A_57 = arith.constant 0 : index
    %get3A_58 = vector.load %arg10[%get3A_56, %get3A_57] : memref<1x128xf32, #tpu.memory_space<vmem>>, vector<1x128xf32>
    %add3A_59 = vector.broadcast %get3A_58 : vector<1x128xf32> to vector<1280x128xf32>
    %add3A_60 = arith.addf %dot_general3A_55, %add3A_59 : vector<1280x128xf32>
    %max3A_61 = arith.constant 0.000000e+00 : f32
    %max3A_62 = vector.broadcast %max3A_61 : f32 to vector<1280x128xf32>
    %max3A_63 = arith.maximumf %add3A_60, %max3A_62 : vector<1280x128xf32>
    %get3A_64 = arith.constant 0 : index
    %get3A_65 = arith.constant 0 : index
    %get3A_66 = vector.load %arg11[%get3A_64, %get3A_65] : memref<128x1xf32, #tpu.memory_space<vmem>>, vector<128x1xf32>
    %dot_general3A_67 = arith.constant dense<0.000000e+00> : vector<1280x1xf32>
    %dot_general3A_68 = tpu.matmul %max3A_63, %get3A_66, %dot_general3A_67 {dimension_numbers = #tpu.dot_dimension_numbers<[1], [0], [0], [1], [0, 0, 1, 1], [], []>, transpose_lhs_hint = false} : vector<1280x128xf32>, vector<128x1xf32>, vector<1280x1xf32> -> vector<1280x1xf32>
    %get3A_69 = arith.constant 0 : index
    %get3A_70 = arith.constant 0 : index
    %get3A_71 = vector.load %arg12[%get3A_69, %get3A_70] : memref<1x1xf32, #tpu.memory_space<vmem>>, vector<1x1xf32>
    %add3A_72 = vector.broadcast %get3A_71 : vector<1x1xf32> to vector<1280x1xf32>
    %add3A_73 = arith.addf %dot_general3A_68, %add3A_72 : vector<1280x1xf32>
    %logistic3A_74 = arith.negf %add3A_73 : vector<1280x1xf32>
    %logistic3A_75 = math.exp %logistic3A_74 : vector<1280x1xf32>
    %logistic3A_76 = arith.constant 1.000000e+00 : f32
    %logistic3A_77 = vector.broadcast %logistic3A_76 : f32 to vector<1280x1xf32>
    %logistic3A_78 = arith.addf %logistic3A_77, %logistic3A_75 : vector<1280x1xf32>
    %logistic3A_79 = arith.divf %logistic3A_77, %logistic3A_78 : vector<1280x1xf32>
    %swap3A = arith.constant 0 : index
    %swap3A_80 = arith.constant 0 : index
    %swap3A_81 = vector.load %arg13[%swap3A, %swap3A_80] : memref<1280x1xf32, #tpu.memory_space<vmem>>, vector<1280x1xf32>
    tpu.vector_store %arg13[%swap3A, %swap3A_80], %logistic3A_79 {strides = array<i32>} : memref<1280x1xf32, #tpu.memory_space<vmem>>, vector<1280x1xf32>,
    return
  }
  func.func @transform_0(%arg0: i32) -> (i32, i32, i32) {
    %c0_i32 = arith.constant 0 : i32
    %c0_i32_0 = arith.constant 0 : i32
    %c0_i32_1 = arith.constant 0 : i32
    return %c0_i32, %arg0, %c0_i32_0 : i32, i32, i32
  }
  func.func @transform_1(%arg0: i32) -> (i32, i32) {
    %c0_i32 = arith.constant 0 : i32
    %c0_i32_0 = arith.constant 0 : i32
    return %arg0, %c0_i32 : i32, i32
  }
  func.func @transform_2(%arg0: i32) -> (i32, i32) {
    %c0_i32 = arith.constant 0 : i32
    %c0_i32_0 = arith.constant 0 : i32
    %c0_i32_1 = arith.constant 0 : i32
    return %c0_i32, %c0_i32_0 : i32, i32
  }
  func.func @transform_3(%arg0: i32) -> (i32, i32) {
    %c0_i32 = arith.constant 0 : i32
    %c0_i32_0 = arith.constant 0 : i32
    %c0_i32_1 = arith.constant 0 : i32
    return %c0_i32, %c0_i32_0 : i32, i32
  }
  func.func @transform_4(%arg0: i32) -> (i32, i32) {
    %c0_i32 = arith.constant 0 : i32
    %c0_i32_0 = arith.constant 0 : i32
    %c0_i32_1 = arith.constant 0 : i32
    return %c0_i32, %c0_i32_0 : i32, i32
  }
  func.func @transform_5(%arg0: i32) -> (i32, i32) {
    %c0_i32 = arith.constant 0 : i32
    %c0_i32_0 = arith.constant 0 : i32
    %c0_i32_1 = arith.constant 0 : i32
    return %c0_i32, %c0_i32_0 : i32, i32
  }
  func.func @transform_6(%arg0: i32) -> (i32, i32) {
    %c0_i32 = arith.constant 0 : i32
    %c0_i32_0 = arith.constant 0 : i32
    %c0_i32_1 = arith.constant 0 : i32
    return %c0_i32, %c0_i32_0 : i32, i32
  }
  func.func @transform_7(%arg0: i32) -> (i32, i32) {
    %c0_i32 = arith.constant 0 : i32
    %c0_i32_0 = arith.constant 0 : i32
    %c0_i32_1 = arith.constant 0 : i32
    return %c0_i32, %c0_i32_0 : i32, i32
  }
  func.func @transform_8(%arg0: i32) -> (i32, i32) {
    %c0_i32 = arith.constant 0 : i32
    %c0_i32_0 = arith.constant 0 : i32
    %c0_i32_1 = arith.constant 0 : i32
    return %c0_i32, %c0_i32_0 : i32, i32
  }
  func.func @transform_9(%arg0: i32) -> (i32, i32) {
    %c0_i32 = arith.constant 0 : i32
    %c0_i32_0 = arith.constant 0 : i32
    %c0_i32_1 = arith.constant 0 : i32
    return %c0_i32, %c0_i32_0 : i32, i32
  }
  func.func @transform_10(%arg0: i32) -> (i32, i32) {
    %c0_i32 = arith.constant 0 : i32
    %c0_i32_0 = arith.constant 0 : i32
    %c0_i32_1 = arith.constant 0 : i32
    return %c0_i32, %c0_i32_0 : i32, i32
  }
  func.func @transform_11(%arg0: i32) -> (i32, i32) {
    %c0_i32 = arith.constant 0 : i32
    %c0_i32_0 = arith.constant 0 : i32
    %c0_i32_1 = arith.constant 0 : i32
    return %c0_i32, %c0_i32_0 : i32, i32
  }
  func.func @transform_12(%arg0: i32) -> (i32, i32) {
    %c0_i32 = arith.constant 0 : i32
    %c0_i32_0 = arith.constant 0 : i32
    return %arg0, %c0_i32 : i32, i32
  }
}

</mosaic_0001>

<sc_bundles>
// kernel: kernel.12.cloned.1.call-start
scs
__scs_entry_jumppad:
0x0: {  	(pc) =	sbr.rel $0x88, $3  }
0x1: {  	(tag) =	ssettag $0x0;
	lr =	simm.s32 $0x1  }
0x2: {  	[smem:$0x3F8C] =	sst lr;
	_ =	strace $0xD0000000  }
0x3: {  	_ = 	snop  }
0x4: {  	_ = 	snop  }
0x5: {  	_ = 	snop  }
0x6: {  	_ = 	snop  }
0x7: {  	_ = 	snop  }
__scs_overlays_trampoline_lowered:
0x8: {  	[smem:$0x3F9B] =	sst s0  }
0x9: {  	[smem:$0x3F9C] =	sst s1  }
0xa: {  	[smem:$0x3F9D] =	sst s2  }
0xb: {  	[smem:$0x3F9E] =	sst s3  }
0xc: {  	[smem:$0x3F9F] =	sst s4  }
0xd: {  	[smem:$0x3FA0] =	sst s5  }
0xe: {  	[smem:$0x3FA1] =	sst s6  }
0xf: {  	[smem:$0x3FA2] =	sst s7  }
0x10: {  	[smem:$0x3FA3] =	sst s8  }
0x11: {  	[smem:$0x3FA4] =	sst s9;
	s0 =	simm.s32 @!p0 $0x0  }
0x12: {  	s1 =	sld [smem:$0x3F8A];
	s0 =	simm.s32 @p0 $0x1  }
0x13: {  	[smem:$0x3FA5] =	sst s0;
	s0 =	simm.s32 @!p1 $0x0  }
0x14: {  	s2 =	sld [smem:$0x3F89];
	s0 =	simm.s32 @p1 $0x1  }
0x15: {  	[smem:$0x3FA6] =	sst s0;
	s0 =	simm.s32 @!p2 $0x0  }
0x16: {  	s3 =	sld [smem:$0x3FDB];
	s0 =	simm.s32 @p2 $0x1  }
0x17: {  	s4 =	simm.s32 $0x1BF5;
	[smem:$0x3FA8] =	sst s0  }
0x18: {  	s0 =	sld [smem:$0x3F8B];
	_ =	swait.ge [sflag:s4], $0x0  }
0x19: {  	s7 =	sld [smem:$0x3F8C]  }
0x1a: {  	s8 =	sadd.s32 $0xFFFFE003, lr  }
0x1b: {  	s9 =	sadd.s32 $0xFFFFFEF7, lr;
	s5 =	simm.s32 $0xFFFFFFFF;
	p2 =	slt.u32 s8, $0xFFFFF086  }
0x1c: {  	p1 =	slt.u32 s9, $0xF7A;
	s5 =	simm.s32 @!p2 $0x0  }
0x1d: {  	s5 =	simm.s32 @p1 $0x1;
	p0 =	seq.s32 s7, s2  }
0x1e: {  	s7 =	smul.u32 @!p0 $0xF7A, s2;
	p2 =	seq.s32 @!p0 s5, $0x0  }
0x1f: {  	s9 =	smul.u32 $0xF7A, s1;
	s8 =	simm.s32 @!p0 $0x1BF5;
	p2 =	por !p2, p0  }
0x20: {  	[sflag:s8] =	ssyncset.s32 @!p0 $0xFFFFF086;
	s6 =	sadd.s32 @!p0 s3, s7;
	s7 =	simm.s32 @!p0 $0x108  }
0x21: {  	s3 =	sadd.s32 s3, s9;
	s6 =	sadd.s32 @!p0 $0x88, s6;
	s7 =	simm.s32 @p2 $0x1082  }
0x22: {  	[simem:s7], [sflag:s8] =	dma.local @!p0 [hbm:s6], $0xF7A  }
0x23: {  	s9 =	sor.u32 $0xD0000000, s2;
	s6 =	simm.s32 $0x108;
	_ =	swait.ge @!p0 [sflag:s8], $0x0  }
0x24: {  	s3 =	sadd.s32 $0x88, s3;
	s6 =	simm.s32 @!p1 $0x1082;
	[sflag:s4] =	ssyncset.s32 $0xFFFFF086  }
0x25: {  	[simem:s6], [sflag:s4] =	dma.local [hbm:s3], $0xF7A  }
0x26: {  	[smem:$0x3F8C] =	sst s1;
	(tag) =	ssettag s2;
	_ =	strace s9  }
0x27: {  	s1 =	sld [smem:$0x3F9C]  }
0x28: {  	s2 =	sld [smem:$0x3F9D]  }
0x29: {  	s4 =	sld [smem:$0x3F9F]  }
0x2a: {  	p0 =	seq.s32 s5, $0x0;
	s5 =	sld [smem:$0x3FA0]  }
0x2b: {  	s6 =	sld [smem:$0x3FA1]  }
0x2c: {  	s7 =	sld [smem:$0x3FA2]  }
0x2d: {  	s3 =	simm.s32 $0x108;
	s8 =	sld [smem:$0x3FA3]  }
0x2e: {  	s3 =	simm.s32 @!p0 $0x1082;
	s9 =	sld [smem:$0x3FA4]  }
0x2f: {  	lr =	sadd.s32 s0, s3;
	s0 =	sld [smem:$0x3F9B]  }
0x30: {  	s3 =	sld [smem:$0x3F9E]  }
0x31: {  	[smem:$0x3FA7] =	sst s10  }
0x32: {  	s10 =	sld [smem:$0x3FA5];
	_ =	sdelay $0x3  }
0x33: {  	p0 =	seq.s32 s10, $0x1;
	s10 =	sld [smem:$0x3FA7];
	_ =	sdelay $0x3  }
0x34: {  	[smem:$0x3FA7] =	sst s10  }
0x35: {  	s10 =	sld [smem:$0x3FA6];
	_ =	sdelay $0x3  }
0x36: {  	p1 =	seq.s32 s10, $0x1;
	s10 =	sld [smem:$0x3FA7];
	_ =	sdelay $0x3  }
0x37: {  	[smem:$0x3FA7] =	sst s10  }
0x38: {  	s10 =	sld [smem:$0x3FA8]  }
0x39: {  	_ = 	snop;
	(pc) =	sbr.ind lr, $3  }
0x3a: {  	_ = 	snop  }
0x3b: {  	_ = 	snop  }
0x3c: {  	p2 =	seq.s32 s10, $0x1;
	s10 =	sld [smem:$0x3FA7]  }
0x3d: {  	_ =	shalt  }
0x3e: {  	_ =	shalt  }
0x3f: {  	_ =	shalt  }
0x40: {  	_ =	shalt  }
0x41: {  	_ =	shalt  }
0x42: {  	_ =	shalt  }
0x43: {  	_ =	shalt  }
0x44: {  	_ =	shalt  }
0x45: {  	_ =	shalt  }
0x46: {  	_ =	shalt  }
0x47: {  	_ =	shalt  }
0x48: {  	_ =	shalt  }
0x49: {  	_ =	shalt  }
0x4a: {  	_ =	shalt  }
0x4b: {  	_ =	shalt  }
0x4c: {  	_ =	shalt  }
0x4d: {  	_ =	shalt  }
0x4e: {  	_ =	shalt  }
0x4f: {  	_ =	shalt  }
0x50: {  	_ =	shalt  }
0x51: {  	_ =	shalt  }
0x52: {  	_ =	shalt  }
0x53: {  	_ =	shalt  }
0x54: {  	_ =	shalt  }
0x55: {  	_ =	shalt  }
0x56: {  	_ =	shalt  }
0x57: {  	_ =	shalt  }
0x58: {  	_ =	shalt  }
0x59: {  	_ =	shalt  }
0x5a: {  	_ =	shalt  }
0x5b: {  	_ =	shalt  }
0x5c: {  	_ =	shalt  }
0x5d: {  	_ =	shalt  }
0x5e: {  	_ =	shalt  }
0x5f: {  	_ =	shalt  }
0x60: {  	_ =	shalt  }
0x61: {  	_ =	shalt  }
0x62: {  	_ =	shalt  }
0x63: {  	_ =	shalt  }
0x64: {  	_ =	shalt  }
0x65: {  	_ =	shalt  }
0x66: {  	_ =	shalt  }
0x67: {  	_ =	shalt  }
0x68: {  	_ =	shalt  }
0x69: {  	_ =	shalt  }
0x6a: {  	_ =	shalt  }
0x6b: {  	_ =	shalt  }
0x6c: {  	_ =	shalt  }
0x6d: {  	_ =	shalt  }
0x6e: {  	_ =	shalt  }
0x6f: {  	_ =	shalt  }
0x70: {  	_ =	shalt  }
0x71: {  	_ =	shalt  }
0x72: {  	_ =	shalt  }
0x73: {  	_ =	shalt  }
0x74: {  	_ =	shalt  }
0x75: {  	_ =	shalt  }
0x76: {  	_ =	shalt  }
0x77: {  	_ =	shalt  }
0x78: {  	_ =	shalt  }
0x79: {  	_ =	shalt  }
0x7a: {  	_ =	shalt  }
0x7b: {  	_ =	shalt  }
0x7c: {  	_ =	shalt  }
0x7d: {  	_ =	shalt  }
0x7e: {  	_ =	shalt  }
0x7f: {  	_ =	shalt  }
0x80: {  	_ =	shalt  }
0x81: {  	_ =	shalt  }
0x82: {  	_ =	shalt  }
0x83: {  	_ =	shalt  }
0x84: {  	_ =	shalt  }
0x85: {  	_ =	shalt  }
0x86: {  	_ =	shalt  }
0x87: {  	_ =	shalt  }
.Lfunc_end0:
.L_simem_size_0:
called_computation_lowered:
.L_overlay_start_0:
0x88: {  	s2 =	sld [smem:$0x3FD9]  }
0x89: {  	s3 =	sld [smem:$0x3FFE];
	_ =	sdelay $0x1  }
0x8a: {  	s1 =	srdreg.scid  }
0x8b: {  	s0 =	sand.u32 $0x1, s1  }
0x8c: {  	s16 =	sshll.u32 s0, $0xA;
	s2 =	sadd.s32 s3, s2  }
0x8d: {  	s2 =	sadd.s32 s2, s16  }
0x8e: {  	[smem:$0x3FB3] =	sst s2  }
0x8f: {  	_ = 	snop  }
0x90: {  	(tm) =	ssettm $0x1  }
0x91: {  	s17 =	sld [smem:$0x3FFB];
	_ =	sdelay $0x3  }
0x92: {  	_ =	strace s17  }
0x93: {  	s2 =	sld [smem:$0x3FFC];
	_ =	sdelay $0x3  }
0x94: {  	_ =	strace s2  }
0x95: {  	s2 =	sld [smem:$0x3FFD];
	_ =	sdelay $0x3  }
0x96: {  	_ =	strace s2  }
0x97: {  	_ =	strace $0x8FFFFFFF  }
0x98: {  	s18 =	sld [smem:$0x3FDB];
	_ =	sdelay $0x1  }
0x99: {  	s19 =	simm.s32 $_scs_section_size  }
0x9a: {  	s4 =	simm.s32 $_size__tile_overlayer_lowered;
	s5 =	simm.s32 $_tile_overlayer_lowered  }
0x9b: {  	s22 =	simm.s32 $0x1BFF;
	s21 =	sshll.u32 s5, $0x1;
	s2 =	sadd.s32 s19, s18  }
0x9c: {  	s6 =	simm.s32 $0x0;
	s20 =	sshll.u32 s4, $0x1;
	s4 =	sadd.s32 s21, s2  }
0x9d: {  	[timem:s6], [sflag:s22] =	dma.local [hbm:s4], s20  }
0x9e: {  	_ =	swait.ge [sflag:s22], s20  }
0x9f: {  	s3 =	ssub.s32 $0x0, s20;
	[sflag:s22] =	ssyncset.done $0x0  }
0xa0: {  	[sflag:s22] =	ssyncadd.s32 s3;
	_ =	sdelay $0x1  }
0xa1: {  	s23 =	simm.s32 $0x1B8B  }
0xa2: {  	_ =	swait.ge [sflag:s23], $0x1  }
0xa3: {  	[sflag:s23] =	ssyncset.done $0x0  }
0xa4: {  	s25 =	simm.s32 $0x1B8E;
	s24 =	sld [smem:$0x3FFE];
	[sflag:s23] =	ssyncadd.s32 $0xFFFFFFFF  }
0xa5: {  	s26 =	simm.s32 $execute0_lowered;
	[smem:$0x3FD2] =	sst s25  }
0xa6: {  	s4 =	sshll.u32 s26, $0x1;
	_ =	strace $0x80000046;
	[dreg:$0x1] =	wrdreg $0xFFFFFFFF  }
0xa7: {  	s28 =	simm.s32 $_size_execute0_lowered;
	s2 =	sadd.s32 s2, s4;
	[dreg:$0x0] =	wrdreg $0x0  }
0xa8: {  	s4 =	sshll.u32 s28, $0x1;
	[dreg:$0x2] =	wrdreg s2  }
0xa9: {  	[dreg:$0x3] =	wrdreg s4  }
0xaa: {  	[dreg:$0x4] =	wrdreg $0xC0  }
0xab: {  	_ =	task [dreg:s6], $0x5FFFF  }
0xac: {  	[dreg:$0x1] =	wrdreg $0xFFFFFFFF  }
0xad: {  	[dreg:$0x0] =	wrdreg $0x60  }
0xae: {  	[dreg:$0x2] =	wrdreg s24  }
0xaf: {  	[dreg:$0x3] =	wrdreg $0x0  }
0xb0: {  	[dreg:$0x4] =	wrdreg $0x9  }
0xb1: {  	_ =	task.clear_ibuf [dreg:s6], $0x5FFFF;
	_ =	strace $0x90000046  }
0xb2: {  	s29 =	simm.s32 $0x9;
	_ =	strace $0x80000048  }
0xb3: {  	_ =	swait.ge [sflag:s29], $0x1  }
0xb4: {  	[sflag:s29] =	ssyncadd.s32 $0xFFFFFFFF  }
0xb5: {  	_ =	strace $0x90000048  }
0xb6: {  	_ =	sfence  }
0xb7: {  	s30 =	sld [smem:$0x0];
	_ =	sdelay $0x2  }
0xb8: {  	s31 =	sshll.u32 s1, $0xD;
	s1 =	sshrl.u32 s1, $0x2  }
0xb9: {  	s3 =	sand.u32 $0x4000, s31;
	s1 =	sadd.s32 s1, s30  }
0xba: {  	s0 =	sor.u32 s3, s0;
	s1 =	sshll.u32 s1, $0x11  }
0xbb: {  	s0 =	sor.u32 s1, s0  }
0xbc: {  	s0 =	sadd.s32 $0x8F2B, s0  }
0xbd: {  	[sflag:s0] =	ssyncadd.remote.s32 $0x1  }
0xbe: {  	_ =	sfence.sel $0xFFFF  }
0xbf: {  	[dreg:$0x0] =	wrdreg $0xFFFFFFFF;
	(pc) =	sbr.abs _section_cstart, $3  }
0xc0: {  	[dreg:$0x1] =	wrdreg $0xFFFFFFFF  }
0xc1: {  	_ =	task.clear_ibuf [dreg:s6], $0x2FFFF;
	_ =	strace $0x9FFFFFFF  }
0xc2: {  	(tm) =	ssettm $0x7FFFFFFF  }
0xc3: {  	_ =	shalt  }
tec
execute0_lowered:
.L_overlay_start_1:
0x0: {  	(tag) =	ssettag $0x1  }
0x1: {  	s4 =	rddreg [dreg:$0x0]  }
0x2: {  	s2 =	rddreg [dreg:$0x1]  }
0x3: {  	s0 =	srdreg.scid;
	s1 =	rddreg [dreg:$0x2];
	s3 =	simm.s32 $0x0  }
0x4: {  	s10 =	simm.s32 $0x2B00;
	s11 =	simm.s32 $0x80;
	s5 =	sand.u32 $0x1, s0  }
0x5: {  	s12 =	simm.s32 $0x2A80;
	s0 =	stileid.u32;
	s6 =	smul.u32 $0x2800, s5  }
0x6: {  	s13 =	simm.s32 $0x1;
	s16 =	simm.s32 $0x0;
	s7 =	smul.u32 $0x5000, s0  }
0x7: {  	[smem:$0x7FF] =	sst s3;
	s8 =	smul.u32 $0x280, s0;
	s5 =	ssub.s32 $0x2, s5  }
0x8: {  	_ =	strace $0x80000047;
	s14 =	sshll.u32 s0, $0x6;
	s31 =	sshrl.u32 s5, $0x1  }
0x9: {  	s14 =	sor.u32 $0x1C02, s14;
	s7 =	sadd.s32 s6, s7;
	s6 =	sadd.s32 s8, s6  }
0xa: {  	s9 =	ssub.s32 s5, s31;
	s5 =	sadd.s32 s8, s2;
	s7 =	sshrl.u32 s7, $0x3  }
0xb: {  	s8 =	simm.s32 $0x280;
	s6 =	sshrl.u32 s6, $0x3;
	s7 =	sadd.s32 s7, s4  }
0xc: {  	s15 =	sshrl.u32 s5, $0x3;
	s6 =	sadd.s32 s6, s4;
	s4 =	sadd.s32 $0x4C00, s7  }
0xd: {  	v0 =	vimm.f32 $0.0e+00;
	v1 =	vimm.f32 $1.000000000e+00;
	s6 =	sadd.s32 $0x2CC00, s6;
	s7 =	smax.u32 s9, $0x1;
	s9 =	simm.s32 $0x2  }
.LBB2_1:
0xe: {  	[tilespmem:$0x2B00] =	vst v0  }
0xf: {  	[tilespmem:$0x2B10] =	vst v0  }
0x10: {  	[tilespmem:$0x2B20] =	vst v0  }
0x11: {  	[tilespmem:$0x2B30] =	vst v0  }
0x12: {  	[tilespmem:$0x2B40] =	vst v0  }
0x13: {  	[tilespmem:$0x2B50] =	vst v0  }
0x14: {  	[tilespmem:$0x2B60] =	vst v0  }
0x15: {  	[tilespmem:$0x2B70] =	vst v0  }
0x16: {  	[tilespmem:$0x2B80] =	vst v0  }
0x17: {  	[tilespmem:$0x2B90] =	vst v0  }
0x18: {  	[tilespmem:$0x2BA0] =	vst v0  }
0x19: {  	[tilespmem:$0x2BB0] =	vst v0  }
0x1a: {  	[tilespmem:$0x2BC0] =	vst v0  }
0x1b: {  	[tilespmem:$0x2BD0] =	vst v0  }
0x1c: {  	[tilespmem:$0x2BE0] =	vst v0  }
0x1d: {  	[tilespmem:$0x2BF0] =	vst v0  }
0x1e: {  	[tilespmem:$0x2C00] =	vst v0  }
0x1f: {  	[tilespmem:$0x2C10] =	vst v0  }
0x20: {  	[tilespmem:$0x2C20] =	vst v0  }
0x21: {  	[tilespmem:$0x2C30] =	vst v0  }
0x22: {  	[tilespmem:$0x2C40] =	vst v0  }
0x23: {  	[tilespmem:$0x2C50] =	vst v0  }
0x24: {  	[tilespmem:$0x2C60] =	vst v0  }
0x25: {  	[tilespmem:$0x2C70] =	vst v0  }
0x26: {  	[tilespmem:$0x2C80] =	vst v0  }
0x27: {  	[tilespmem:$0x2C90] =	vst v0  }
0x28: {  	[tilespmem:$0x2CA0] =	vst v0  }
0x29: {  	[tilespmem:$0x2CB0] =	vst v0  }
0x2a: {  	[tilespmem:$0x2CC0] =	vst v0  }
0x2b: {  	[tilespmem:$0x2CD0] =	vst v0  }
0x2c: {  	[tilespmem:$0x2CE0] =	vst v0  }
0x2d: {  	[tilespmem:$0x2CF0] =	vst v0  }
0x2e: {  	[tilespmem:$0x2D00] =	vst v0  }
0x2f: {  	[tilespmem:$0x2D10] =	vst v0  }
0x30: {  	[tilespmem:$0x2D20] =	vst v0  }
0x31: {  	[tilespmem:$0x2D30] =	vst v0  }
0x32: {  	[tilespmem:$0x2D40] =	vst v0  }
0x33: {  	[tilespmem:$0x2D50] =	vst v0  }
0x34: {  	[tilespmem:$0x2D60] =	vst v0  }
0x35: {  	[tilespmem:$0x2D70] =	vst v0  }
0x36: {  	[tilespmem:$0x2A80] =	vst v1  }
0x37: {  	[tilespmem:$0x2A90] =	vst v1  }
0x38: {  	[tilespmem:$0x2AA0] =	vst v1  }
0x39: {  	[tilespmem:$0x2AB0] =	vst v1  }
0x3a: {  	[tilespmem:$0x2AC0] =	vst v1  }
0x3b: {  	[tilespmem:$0x2AD0] =	vst v1  }
0x3c: {  	[tilespmem:$0x2AE0] =	vst v1  }
0x3d: {  	[tilespmem:$0x2AF0] =	vst v1  }
0x3e: {  	[tilespmem:s8], [sflag:$0x2] =	stream.linear.gather [hbm4b:s4+s3], $0x2800, $0x38;
	[tilespmem:$0x2D80] =	vst v63  }
0x3f: {  	_ =	swait.ge [sflag:s9], $0x2800  }
0x40: {  	[sflag:s9] =	ssyncset.done $0x0  }
0x41: {  	[sflag:s9] =	ssyncadd.s32 $0xFFFFD800  }
0x42: {  	[spmem:s5] =	stream.linear.scatter [tilespmem:s10], [sflag:$0x2], $0x280, $0x38;
	[tilespmem:$0x2D80] =	vst v63  }
0x43: {  	_ =	swait.ge [sflag:s9], $0x280  }
0x44: {  	[sflag:s9] =	ssyncset.done $0x0  }
0x45: {  	[sflag:s9] =	ssyncadd.s32 $0xFFFFFD80  }
0x46: {  	s17 =	simm.s32 $0x0;
	[bflag:$0x0] =	sbarrier.arrive $0xFFFF  }
.LBB2_2:
0x47: {  	p0 =	sne.s32 s17, $0x9E00  }
.Ltmp0:
0x48: {  	_ = 	snop;
	(pc) =	sbr.rel @p0 .LBB2_2-.Ltmp0, $4  }
0x49: {  	_ = 	snop  }
0x4a: {  	s18 =	sshra.s32 s17, $0x2  }
0x4b: {  	s17 =	sadd.s32 $0x200, s17;
	s18 =	sadd.s32 $0x280, s18  }
0x4c: {  	[spmem:s2] =	stream.indirect.scatter.add.f32 [tilespmem:s12], [sflag:$0x1], $0x1, s18, s11, $0xb8;
	[tilespmem:$0x2D80] =	vst v63  }
0x4d: {  	_ =	swait.ge [sflag:s13], $0x80  }
0x4e: {  	s17 =	simm.s32 $0x4F;
	[sflag:s13] =	ssyncset.done $0x0  }
.LBB2_4:
0x4f: {  	p0 =	sne.s32 s17, $0x1;
	s17 =	sadd.s32 $0xFFFFFFFF, s17;
	[sflag:s13] =	ssyncadd.s32 $0xFFFFFF80  }
.Ltmp1:
0x50: {  	(pc) =	sbr.rel @p0 .LBB2_4-.Ltmp1, $3  }
0x51: {  	_ =	sdelay $0x1  }
0x52: {  	_ =	swait.ge [sflag:s13], $0x80  }
0x53: {  	[sflag:s13] =	ssyncset.done $0x0  }
0x54: {  	s16 =	sadd.s32 $0x1, s16  }
0x55: {  	[sflag:s13] =	ssyncadd.s32 $0xFFFFFF80;
	p0 =	sne.s32 s16, s7  }
.Ltmp2:
0x56: {  	[bflag:$0x0] =	sbarrier.arrive $0xFFFF;
	(pc) =	sbr.rel @p0 .LBB2_1-.Ltmp2, $4  }
0x57: {  	[hbm:s6], [sflag:s14] =	dma.local [spmem:s15], $0x50  }
0x58: {  	_ =	swait.ge [sflag:s9], $0x50  }
0x59: {  	[sflag:s9] =	ssyncset.done $0x0  }
0x5a: {  	[sflag:s9] =	ssyncadd.s32 $0xFFFFFFB0  }
0x5b: {  	_ =	sfence.sel $0x180000  }
0x5c: {  	[bflag:$0x0] =	sbarrier.arrive $0xFFFF  }
0x5d: {  	p0 =	sne.s32 s0, $0x0;
	_ =	strace $0x90000047  }
0x5e: {  	s0 =	sadd.s32 @!p0 $0x100000, s1;
	[bflag:$0x2] =	sbarrier.arrive $0xFFFF  }
0x5f: {  	[sflag:s0] =	ssyncadd.tile.s32 @!p0 $0x1;
	_ =	shalt  }
.Lfunc_end2:
_tile_overlayer_lowered:
.L_overlay_start_2:
0x60: {  	(tag) =	ssettag $0x2  }
0x61: {  	s0 =	rddreg [dreg:$0x0];
	s2 =	stileid.u32  }
0x62: {  	s1 =	rddreg [dreg:$0x1];
	p0 =	sne.s32 s2, $0x0  }
0x63: {  	s3 =	rddreg [dreg:$0x2];
	[bflag:$0x3] =	sbarrier.arrive $0xFFFF;
	s2 =	simm.s32 @!p0 $0x1C02  }
0x64: {  	[timem:s3], [sflag:s2] =	dma.local @!p0 [hbm:s0], s1  }
0x65: {  	s0 =	simm.s32 @!p0 $0x2  }
0x66: {  	_ =	swait.ge @!p0 [sflag:s0], s1  }
0x67: {  	s1 =	ssub.s32 @!p0 $0x0, s1;
	[sflag:s0] =	ssyncset.done @!p0 $0x0  }
0x68: {  	[sflag:s0] =	ssyncadd.s32 @!p0 s1  }
0x69: {  	[bflag:$0x3] =	sbarrier.arrive $0xFFFF  }
0x6a: {  	_ =	shalt  }

// kernel: kernel.15.cloned.1.call-start
scs
__scs_entry_jumppad:
0x0: {  	(pc) =	sbr.rel $0x88, $3  }
0x1: {  	(tag) =	ssettag $0x0;
	lr =	simm.s32 $0x1  }
0x2: {  	[smem:$0x3F8C] =	sst lr;
	_ =	strace $0xD0000000  }
0x3: {  	_ = 	snop  }
0x4: {  	_ = 	snop  }
0x5: {  	_ = 	snop  }
0x6: {  	_ = 	snop  }
0x7: {  	_ = 	snop  }
__scs_overlays_trampoline_lowered:
0x8: {  	[smem:$0x3F9B] =	sst s0  }
0x9: {  	[smem:$0x3F9C] =	sst s1  }
0xa: {  	[smem:$0x3F9D] =	sst s2  }
0xb: {  	[smem:$0x3F9E] =	sst s3  }
0xc: {  	[smem:$0x3F9F] =	sst s4  }
0xd: {  	[smem:$0x3FA0] =	sst s5  }
0xe: {  	[smem:$0x3FA1] =	sst s6  }
0xf: {  	[smem:$0x3FA2] =	sst s7  }
0x10: {  	[smem:$0x3FA3] =	sst s8  }
0x11: {  	[smem:$0x3FA4] =	sst s9;
	s0 =	simm.s32 @!p0 $0x0  }
0x12: {  	s1 =	sld [smem:$0x3F8A];
	s0 =	simm.s32 @p0 $0x1  }
0x13: {  	[smem:$0x3FA5] =	sst s0;
	s0 =	simm.s32 @!p1 $0x0  }
0x14: {  	s2 =	sld [smem:$0x3F89];
	s0 =	simm.s32 @p1 $0x1  }
0x15: {  	[smem:$0x3FA6] =	sst s0;
	s0 =	simm.s32 @!p2 $0x0  }
0x16: {  	s3 =	sld [smem:$0x3FDB];
	s0 =	simm.s32 @p2 $0x1  }
0x17: {  	s4 =	simm.s32 $0x1BF5;
	[smem:$0x3FA8] =	sst s0  }
0x18: {  	s0 =	sld [smem:$0x3F8B];
	_ =	swait.ge [sflag:s4], $0x0  }
0x19: {  	s7 =	sld [smem:$0x3F8C]  }
0x1a: {  	s8 =	sadd.s32 $0xFFFFE003, lr  }
0x1b: {  	s9 =	sadd.s32 $0xFFFFFEF7, lr;
	s5 =	simm.s32 $0xFFFFFFFF;
	p2 =	slt.u32 s8, $0xFFFFF086  }
0x1c: {  	p1 =	slt.u32 s9, $0xF7A;
	s5 =	simm.s32 @!p2 $0x0  }
0x1d: {  	s5 =	simm.s32 @p1 $0x1;
	p0 =	seq.s32 s7, s2  }
0x1e: {  	s7 =	smul.u32 @!p0 $0xF7A, s2;
	p2 =	seq.s32 @!p0 s5, $0x0  }
0x1f: {  	s9 =	smul.u32 $0xF7A, s1;
	s8 =	simm.s32 @!p0 $0x1BF5;
	p2 =	por !p2, p0  }
0x20: {  	[sflag:s8] =	ssyncset.s32 @!p0 $0xFFFFF086;
	s6 =	sadd.s32 @!p0 s3, s7;
	s7 =	simm.s32 @!p0 $0x108  }
0x21: {  	s3 =	sadd.s32 s3, s9;
	s6 =	sadd.s32 @!p0 $0x88, s6;
	s7 =	simm.s32 @p2 $0x1082  }
0x22: {  	[simem:s7], [sflag:s8] =	dma.local @!p0 [hbm:s6], $0xF7A  }
0x23: {  	s9 =	sor.u32 $0xD0000000, s2;
	s6 =	simm.s32 $0x108;
	_ =	swait.ge @!p0 [sflag:s8], $0x0  }
0x24: {  	s3 =	sadd.s32 $0x88, s3;
	s6 =	simm.s32 @!p1 $0x1082;
	[sflag:s4] =	ssyncset.s32 $0xFFFFF086  }
0x25: {  	[simem:s6], [sflag:s4] =	dma.local [hbm:s3], $0xF7A  }
0x26: {  	[smem:$0x3F8C] =	sst s1;
	(tag) =	ssettag s2;
	_ =	strace s9  }
0x27: {  	s1 =	sld [smem:$0x3F9C]  }
0x28: {  	s2 =	sld [smem:$0x3F9D]  }
0x29: {  	s4 =	sld [smem:$0x3F9F]  }
0x2a: {  	p0 =	seq.s32 s5, $0x0;
	s5 =	sld [smem:$0x3FA0]  }
0x2b: {  	s6 =	sld [smem:$0x3FA1]  }
0x2c: {  	s7 =	sld [smem:$0x3FA2]  }
0x2d: {  	s3 =	simm.s32 $0x108;
	s8 =	sld [smem:$0x3FA3]  }
0x2e: {  	s3 =	simm.s32 @!p0 $0x1082;
	s9 =	sld [smem:$0x3FA4]  }
0x2f: {  	lr =	sadd.s32 s0, s3;
	s0 =	sld [smem:$0x3F9B]  }
0x30: {  	s3 =	sld [smem:$0x3F9E]  }
0x31: {  	[smem:$0x3FA7] =	sst s10  }
0x32: {  	s10 =	sld [smem:$0x3FA5];
	_ =	sdelay $0x3  }
0x33: {  	p0 =	seq.s32 s10, $0x1;
	s10 =	sld [smem:$0x3FA7];
	_ =	sdelay $0x3  }
0x34: {  	[smem:$0x3FA7] =	sst s10  }
0x35: {  	s10 =	sld [smem:$0x3FA6];
	_ =	sdelay $0x3  }
0x36: {  	p1 =	seq.s32 s10, $0x1;
	s10 =	sld [smem:$0x3FA7];
	_ =	sdelay $0x3  }
0x37: {  	[smem:$0x3FA7] =	sst s10  }
0x38: {  	s10 =	sld [smem:$0x3FA8]  }
0x39: {  	_ = 	snop;
	(pc) =	sbr.ind lr, $3  }
0x3a: {  	_ = 	snop  }
0x3b: {  	_ = 	snop  }
0x3c: {  	p2 =	seq.s32 s10, $0x1;
	s10 =	sld [smem:$0x3FA7]  }
0x3d: {  	_ =	shalt  }
0x3e: {  	_ =	shalt  }
0x3f: {  	_ =	shalt  }
0x40: {  	_ =	shalt  }
0x41: {  	_ =	shalt  }
0x42: {  	_ =	shalt  }
0x43: {  	_ =	shalt  }
0x44: {  	_ =	shalt  }
0x45: {  	_ =	shalt  }
0x46: {  	_ =	shalt  }
0x47: {  	_ =	shalt  }
0x48: {  	_ =	shalt  }
0x49: {  	_ =	shalt  }
0x4a: {  	_ =	shalt  }
0x4b: {  	_ =	shalt  }
0x4c: {  	_ =	shalt  }
0x4d: {  	_ =	shalt  }
0x4e: {  	_ =	shalt  }
0x4f: {  	_ =	shalt  }
0x50: {  	_ =	shalt  }
0x51: {  	_ =	shalt  }
0x52: {  	_ =	shalt  }
0x53: {  	_ =	shalt  }
0x54: {  	_ =	shalt  }
0x55: {  	_ =	shalt  }
0x56: {  	_ =	shalt  }
0x57: {  	_ =	shalt  }
0x58: {  	_ =	shalt  }
0x59: {  	_ =	shalt  }
0x5a: {  	_ =	shalt  }
0x5b: {  	_ =	shalt  }
0x5c: {  	_ =	shalt  }
0x5d: {  	_ =	shalt  }
0x5e: {  	_ =	shalt  }
0x5f: {  	_ =	shalt  }
0x60: {  	_ =	shalt  }
0x61: {  	_ =	shalt  }
0x62: {  	_ =	shalt  }
0x63: {  	_ =	shalt  }
0x64: {  	_ =	shalt  }
0x65: {  	_ =	shalt  }
0x66: {  	_ =	shalt  }
0x67: {  	_ =	shalt  }
0x68: {  	_ =	shalt  }
0x69: {  	_ =	shalt  }
0x6a: {  	_ =	shalt  }
0x6b: {  	_ =	shalt  }
0x6c: {  	_ =	shalt  }
0x6d: {  	_ =	shalt  }
0x6e: {  	_ =	shalt  }
0x6f: {  	_ =	shalt  }
0x70: {  	_ =	shalt  }
0x71: {  	_ =	shalt  }
0x72: {  	_ =	shalt  }
0x73: {  	_ =	shalt  }
0x74: {  	_ =	shalt  }
0x75: {  	_ =	shalt  }
0x76: {  	_ =	shalt  }
0x77: {  	_ =	shalt  }
0x78: {  	_ =	shalt  }
0x79: {  	_ =	shalt  }
0x7a: {  	_ =	shalt  }
0x7b: {  	_ =	shalt  }
0x7c: {  	_ =	shalt  }
0x7d: {  	_ =	shalt  }
0x7e: {  	_ =	shalt  }
0x7f: {  	_ =	shalt  }
0x80: {  	_ =	shalt  }
0x81: {  	_ =	shalt  }
0x82: {  	_ =	shalt  }
0x83: {  	_ =	shalt  }
0x84: {  	_ =	shalt  }
0x85: {  	_ =	shalt  }
0x86: {  	_ =	shalt  }
0x87: {  	_ =	shalt  }
.Lfunc_end0:
.L_simem_size_0:
called_computation.1_lowered:
.L_overlay_start_0:
0x88: {  	s2 =	sld [smem:$0x3FD9]  }
0x89: {  	s3 =	sld [smem:$0x3FFE];
	_ =	sdelay $0x1  }
0x8a: {  	s1 =	srdreg.scid  }
0x8b: {  	s0 =	sand.u32 $0x1, s1  }
0x8c: {  	s16 =	sshll.u32 s0, $0xA;
	s2 =	sadd.s32 s3, s2  }
0x8d: {  	s2 =	sadd.s32 s2, s16  }
0x8e: {  	[smem:$0x3FB3] =	sst s2  }
0x8f: {  	_ = 	snop  }
0x90: {  	(tm) =	ssettm $0x1  }
0x91: {  	s17 =	sld [smem:$0x3FFB];
	_ =	sdelay $0x3  }
0x92: {  	_ =	strace s17  }
0x93: {  	s2 =	sld [smem:$0x3FFC];
	_ =	sdelay $0x3  }
0x94: {  	_ =	strace s2  }
0x95: {  	s2 =	sld [smem:$0x3FFD];
	_ =	sdelay $0x3  }
0x96: {  	_ =	strace s2  }
0x97: {  	_ =	strace $0x8FFFFFFF  }
0x98: {  	s18 =	sld [smem:$0x3FDB];
	_ =	sdelay $0x1  }
0x99: {  	s19 =	simm.s32 $_scs_section_size  }
0x9a: {  	s4 =	simm.s32 $_size__tile_overlayer_lowered;
	s5 =	simm.s32 $_tile_overlayer_lowered  }
0x9b: {  	s22 =	simm.s32 $0x1BFF;
	s21 =	sshll.u32 s5, $0x1;
	s2 =	sadd.s32 s19, s18  }
0x9c: {  	s6 =	simm.s32 $0x0;
	s20 =	sshll.u32 s4, $0x1;
	s4 =	sadd.s32 s21, s2  }
0x9d: {  	[timem:s6], [sflag:s22] =	dma.local [hbm:s4], s20  }
0x9e: {  	_ =	swait.ge [sflag:s22], s20  }
0x9f: {  	s3 =	ssub.s32 $0x0, s20;
	[sflag:s22] =	ssyncset.done $0x0  }
0xa0: {  	[sflag:s22] =	ssyncadd.s32 s3;
	_ =	sdelay $0x1  }
0xa1: {  	s23 =	simm.s32 $0x1B8B  }
0xa2: {  	_ =	swait.ge [sflag:s23], $0x1  }
0xa3: {  	[sflag:s23] =	ssyncset.done $0x0  }
0xa4: {  	s25 =	simm.s32 $0x1B8E;
	s24 =	sld [smem:$0x3FFE];
	[sflag:s23] =	ssyncadd.s32 $0xFFFFFFFF  }
0xa5: {  	s26 =	simm.s32 $execute0_lowered;
	[smem:$0x3FD2] =	sst s25  }
0xa6: {  	s4 =	sshll.u32 s26, $0x1;
	_ =	strace $0x80000049;
	[dreg:$0x1] =	wrdreg $0xFFFFFFFF  }
0xa7: {  	s28 =	simm.s32 $_size_execute0_lowered;
	s2 =	sadd.s32 s2, s4;
	[dreg:$0x0] =	wrdreg $0x0  }
0xa8: {  	s4 =	sshll.u32 s28, $0x1;
	[dreg:$0x2] =	wrdreg s2  }
0xa9: {  	[dreg:$0x3] =	wrdreg s4  }
0xaa: {  	[dreg:$0x4] =	wrdreg $0xC0  }
0xab: {  	_ =	task [dreg:s6], $0x5FFFF  }
0xac: {  	[dreg:$0x1] =	wrdreg $0xFFFFFFFF  }
0xad: {  	[dreg:$0x0] =	wrdreg $0x60  }
0xae: {  	[dreg:$0x2] =	wrdreg s24  }
0xaf: {  	[dreg:$0x3] =	wrdreg $0x0  }
0xb0: {  	[dreg:$0x4] =	wrdreg $0x9  }
0xb1: {  	_ =	task.clear_ibuf [dreg:s6], $0x5FFFF;
	_ =	strace $0x90000049  }
0xb2: {  	s29 =	simm.s32 $0x9;
	_ =	strace $0x8000004B  }
0xb3: {  	_ =	swait.ge [sflag:s29], $0x1  }
0xb4: {  	[sflag:s29] =	ssyncadd.s32 $0xFFFFFFFF  }
0xb5: {  	_ =	strace $0x9000004B  }
0xb6: {  	_ =	sfence  }
0xb7: {  	s30 =	sld [smem:$0x0];
	_ =	sdelay $0x2  }
0xb8: {  	s31 =	sshll.u32 s1, $0xD;
	s1 =	sshrl.u32 s1, $0x2  }
0xb9: {  	s3 =	sand.u32 $0x4000, s31;
	s1 =	sadd.s32 s1, s30  }
0xba: {  	s0 =	sor.u32 s3, s0;
	s1 =	sshll.u32 s1, $0x11  }
0xbb: {  	s0 =	sor.u32 s1, s0  }
0xbc: {  	s0 =	sadd.s32 $0x8F2B, s0  }
0xbd: {  	[sflag:s0] =	ssyncadd.remote.s32 $0x1  }
0xbe: {  	_ =	sfence.sel $0xFFFF  }
0xbf: {  	[dreg:$0x0] =	wrdreg $0xFFFFFFFF;
	(pc) =	sbr.abs _section_cstart, $3  }
0xc0: {  	[dreg:$0x1] =	wrdreg $0xFFFFFFFF  }
0xc1: {  	_ =	task.clear_ibuf [dreg:s6], $0x2FFFF;
	_ =	strace $0x9FFFFFFF  }
0xc2: {  	(tm) =	ssettm $0x7FFFFFFF  }
0xc3: {  	_ =	shalt  }
tec
execute0_lowered:
.L_overlay_start_1:
0x0: {  	(tag) =	ssettag $0x1  }
0x1: {  	s0 =	rddreg [dreg:$0x0]  }
0x2: {  	s1 =	rddreg [dreg:$0x1]  }
0x3: {  	s2 =	srdreg.scid;
	s3 =	simm.s32 $0x0;
	s12 =	stileid.u32  }
0x4: {  	s28 =	simm.s32 $0x2;
	s30 =	simm.s32 $0x3;
	s16 =	simm.s32 $0x15C00  }
0x5: {  	s17 =	simm.s32 $0x15C80;
	s29 =	simm.s32 $0x16680;
	s31 =	simm.s32 $0x15D00  }
0x6: {  	s18 =	simm.s32 $0x16700;
	s2 =	sand.u32 $0x1, s2;
	s8 =	smul.u32 $0x280, s12  }
0x7: {  	[smem:$0x7FF] =	sst s3;
	s4 =	sadd.s32 $0x7D600, s0;
	s9 =	smul.u32 $0x50000, s12  }
0x8: {  	s5 =	sadd.s32 $0x18C00, s0;
	s6 =	sadd.s32 $0x4C00, s0;
	s21 =	smul.u32 $0x5000, s12  }
0x9: {  	s22 =	sshll.u32 s12, $0x6;
	s7 =	smul.u32 $0x2800, s2;
	_ =	strace $0x8000004A  }
0xa: {  	s20 =	sshll.u32 s2, $0x4;
	s10 =	ssub.s32 $0x2, s2;
	s2 =	smul.u32 $0x50000, s2  }
0xb: {  	s13 =	sor.u32 $0x1C06, s22;
	s22 =	simm.s32 $0x80;
	s11 =	sshrl.u32 s10, $0x1  }
0xc: {  	s9 =	sshrl.u32 s9, $0x2;
	[dreg:$0x4] =	wrdreg s13;
	s7 =	sadd.s32 s8, s7  }
0xd: {  	s8 =	sor.u32 s12, s20;
	s10 =	ssub.s32 s10, s11;
	s9 =	sadd.s32 s9, s1  }
0xe: {  	s2 =	sadd.s32 s21, s2;
	s20 =	simm.s32 $0x15400;
	s21 =	simm.s32 $0x15E00  }
0xf: {  	s12 =	simm.s32 $0x5;
	s11 =	simm.s32 $0x0;
	s7 =	sshll.u32 s7, $0x4  }
0x10: {  	s8 =	smul.u32 $0x5000, s8;
	s25 =	sor.u32 $0xA00, s2;
	s26 =	smax.u32 s10, $0x1  }
0x11: {  	s2 =	sadd.s32 $0x1400, s2;
	s9 =	sshrl.u32 s9, $0x3;
	[dreg:$0x8] =	wrdreg s26  }
0x12: {  	s10 =	simm.s32 $0x6;
	s0 =	sadd.s32 s7, s0;
	[dreg:$0x9] =	wrdreg s2  }
0x13: {  	s7 =	sadd.s32 s4, s7;
	s26 =	simm.s32 $0x1;
	[dreg:$0xa] =	wrdreg s9  }
0x14: {  	s2 =	simm.s32 $0x15D80;
	[dreg:$0x3] =	wrdreg s7;
	s8 =	sshrl.u32 s8, $0x3  }
.Ltmp0:
0x15: {  	s0 =	sadd.s32 $0x2CC00, s0;
	s7 =	simm.s32 $0x16780;
	(pc) =	sbr.rel .LBB2_1-.Ltmp0, $4  }
0x16: {  	s23 =	sadd.s32 s5, s8;
	s24 =	sadd.s32 s6, s8;
	[dreg:$0x7] =	wrdreg s0  }
0x17: {  	s0 =	sshrl.u32 s25, $0x3;
	s25 =	simm.s32 $0x1A800;
	[dreg:$0x5] =	wrdreg s23  }
0x18: {  	[dreg:$0x6] =	wrdreg s24;
	s14 =	sadd.s32 s0, s6;
	s15 =	sadd.s32 s0, s5  }
0x19: {  	s23 =	simm.s32 $0x16800;
	s0 =	simm.s32 $0x4;
	s24 =	simm.s32 $0x16600  }
.LBB2_4:
0x1a: {  	[bflag:$0x0] =	sbarrier.arrive $0xFFFF  }
0x1b: {  	s13 =	rddreg [dreg:$0x4]  }
0x1c: {  	s8 =	rddreg [dreg:$0x7]  }
0x1d: {  	s10 =	simm.s32 $0x6;
	s9 =	rddreg [dreg:$0xa]  }
0x1e: {  	[hbm:s8], [sflag:s13] =	dma.local [spmem:s9], $0x2800  }
0x1f: {  	_ =	swait.ge [sflag:s10], $0x2800  }
0x20: {  	s11 =	rddreg [dreg:$0xb]  }
0x21: {  	s19 =	rddreg [dreg:$0x8];
	s11 =	sadd.s32 $0x1, s11  }
0x22: {  	p0 =	sne.s32 s11, s19  }
.Ltmp1:
0x23: {  	_ = 	snop;
	(pc) =	sbr.rel @!p0 .LBB2_5-.Ltmp1, $3  }
0x24: {  	_ =	sdelay $0x1  }
0x25: {  	[sflag:s10] =	ssyncset.done $0x0  }
0x26: {  	[sflag:s10] =	ssyncadd.s32 $0xFFFFD800  }
.LBB2_1:
0x27: {  	[dreg:$0xb] =	wrdreg s11  }
0x28: {  	s8 =	rddreg [dreg:$0x3]  }
0x29: {  	[spmem:s9], [sflag:s13] =	dma.local [hbm:s8], $0x2800  }
0x2a: {  	_ =	swait.ge [sflag:s10], $0x2800  }
0x2b: {  	[sflag:s10] =	ssyncset.done $0x0  }
0x2c: {  	[sflag:s10] =	ssyncadd.s32 $0xFFFFD800  }
0x2d: {  	[bflag:$0x0] =	sbarrier.arrive $0xFFFF  }
0x2e: {  	s11 =	simm.s32 $0x14000;
	s9 =	rddreg [dreg:$0x5]  }
0x2f: {  	[tilespmem:s11], [sflag:$0x6] =	stream.linear.gather [hbm4b:s9+s3], $0xA00, $0x38;
	[tilespmem:$0x1E800] =	vst v63  }
0x30: {  	_ =	swait.ge [sflag:s10], $0xA00  }
0x31: {  	[sflag:s10] =	ssyncset.done $0x0  }
0x32: {  	s19 =	simm.s32 $0x14A00;
	s13 =	rddreg [dreg:$0x6];
	[sflag:s10] =	ssyncadd.s32 $0xFFFFF600  }
0x33: {  	[tilespmem:s19], [sflag:$0x6] =	stream.linear.gather [hbm4b:s13+s3], $0xA00, $0x38;
	[tilespmem:$0x1E800] =	vst v63  }
0x34: {  	_ =	swait.ge [sflag:s10], $0xA00  }
0x35: {  	[sflag:s10] =	ssyncset.done $0x0  }
0x36: {  	s19 =	simm.s32 $0x0;
	s9 =	rddreg [dreg:$0x9];
	[sflag:s10] =	ssyncadd.s32 $0xFFFFF600  }
.LBB2_2:
0x37: {  	s10 =	sadd.s32 s19, s15  }
0x38: {  	[tilespmem:s20], [sflag:$0x5] =	stream.linear.gather [hbm4b:s10+s3], $0xA00, $0x38;
	[tilespmem:$0x1E800] =	vst v63  }
0x39: {  	s8 =	sadd.s32 s19, s14  }
0x3a: {  	[tilespmem:s21], [sflag:$0x5] =	stream.linear.gather [hbm4b:s8+s3], $0xA00, $0x38;
	[tilespmem:$0x1E800] =	vst v63  }
0x3b: {  	s8 =	simm.s32 $0x14000  }
0x3c: {  	[tilespmem:s23], [sflag:$0x1] =	stream.indirect.gather [hbm4b:s4+s22], $0x80, s8, s22, $0xb8;
	[tilespmem:$0x1E800] =	vst v63  }
0x3d: {  	s10 =	simm.s32 $0x14080  }
0x3e: {  	[tilespmem:s25], [sflag:$0x2] =	stream.indirect.gather [hbm4b:s4+s22], $0x80, s10, s22, $0xb8;
	[tilespmem:$0x1E800] =	vst v63  }
0x3f: {  	_ =	swait.ge [sflag:s26], $0x4000  }
0x40: {  	[sflag:s26] =	ssyncset.done $0x0  }
0x41: {  	s11 =	simm.s32 $0x14A00;
	[sflag:s26] =	ssyncadd.s32 $0xFFFFC000  }
0x42: {  	[spmem:s1] =	stream.indirect.scatter.add.f32 [tilespmem:s23], [sflag:$0x3], $0x80, s11, s22, $0xb8;
	[tilespmem:$0x1E800] =	vst v63  }
0x43: {  	_ =	swait.ge [sflag:s28], $0x4000  }
0x44: {  	[sflag:s28] =	ssyncset.done $0x0  }
0x45: {  	s13 =	simm.s32 $0x14A80;
	[sflag:s28] =	ssyncadd.s32 $0xFFFFC000  }
0x46: {  	[spmem:s1] =	stream.indirect.scatter.add.f32 [tilespmem:s25], [sflag:$0x4], $0x80, s13, s22, $0xb8;
	[tilespmem:$0x1E800] =	vst v63  }
0x47: {  	_ =	swait.ge [sflag:s30], $0x4000  }
0x48: {  	[sflag:s30] =	ssyncset.done $0x0  }
0x49: {  	s10 =	simm.s32 $0x14100;
	[sflag:s30] =	ssyncadd.s32 $0xFFFFC000  }
0x4a: {  	[tilespmem:s23], [sflag:$0x1] =	stream.indirect.gather [hbm4b:s4+s22], $0x80, s10, s22, $0xb8;
	[tilespmem:$0x1E800] =	vst v63  }
0x4b: {  	_ =	swait.ge [sflag:s0], $0x4000  }
0x4c: {  	[sflag:s0] =	ssyncset.done $0x0  }
0x4d: {  	s11 =	simm.s32 $0x14180;
	[sflag:s0] =	ssyncadd.s32 $0xFFFFC000  }
0x4e: {  	[tilespmem:s25], [sflag:$0x2] =	stream.indirect.gather [hbm4b:s4+s22], $0x80, s11, s22, $0xb8;
	[tilespmem:$0x1E800] =	vst v63  }
0x4f: {  	_ =	swait.ge [sflag:s26], $0x4000  }
0x50: {  	[sflag:s26] =	ssyncset.done $0x0  }
0x51: {  	s13 =	simm.s32 $0x14B00;
	[sflag:s26] =	ssyncadd.s32 $0xFFFFC000  }
0x52: {  	[spmem:s1] =	stream.indirect.scatter.add.f32 [tilespmem:s23], [sflag:$0x3], $0x80, s13, s22, $0xb8;
	[tilespmem:$0x1E800] =	vst v63  }
0x53: {  	_ =	swait.ge [sflag:s28], $0x4000  }
0x54: {  	[sflag:s28] =	ssyncset.done $0x0  }
0x55: {  	s10 =	simm.s32 $0x14B80;
	[sflag:s28] =	ssyncadd.s32 $0xFFFFC000  }
0x56: {  	[spmem:s1] =	stream.indirect.scatter.add.f32 [tilespmem:s25], [sflag:$0x4], $0x80, s10, s22, $0xb8;
	[tilespmem:$0x1E800] =	vst v63  }
0x57: {  	_ =	swait.ge [sflag:s30], $0x4000  }
0x58: {  	[sflag:s30] =	ssyncset.done $0x0  }
0x59: {  	s11 =	simm.s32 $0x14200;
	[sflag:s30] =	ssyncadd.s32 $0xFFFFC000  }
0x5a: {  	[tilespmem:s23], [sflag:$0x1] =	stream.indirect.gather [hbm4b:s4+s22], $0x80, s11, s22, $0xb8;
	[tilespmem:$0x1E800] =	vst v63  }
0x5b: {  	_ =	swait.ge [sflag:s0], $0x4000  }
0x5c: {  	[sflag:s0] =	ssyncset.done $0x0  }
0x5d: {  	s13 =	simm.s32 $0x14280;
	[sflag:s0] =	ssyncadd.s32 $0xFFFFC000  }
0x5e: {  	[tilespmem:s25], [sflag:$0x2] =	stream.indirect.gather [hbm4b:s4+s22], $0x80, s13, s22, $0xb8;
	[tilespmem:$0x1E800] =	vst v63  }
0x5f: {  	_ =	swait.ge [sflag:s26], $0x4000  }
0x60: {  	[sflag:s26] =	ssyncset.done $0x0  }
0x61: {  	s10 =	simm.s32 $0x14C00;
	[sflag:s26] =	ssyncadd.s32 $0xFFFFC000  }
0x62: {  	[spmem:s1] =	stream.indirect.scatter.add.f32 [tilespmem:s23], [sflag:$0x3], $0x80, s10, s22, $0xb8;
	[tilespmem:$0x1E800] =	vst v63  }
0x63: {  	_ =	swait.ge [sflag:s28], $0x4000  }
0x64: {  	[sflag:s28] =	ssyncset.done $0x0  }
0x65: {  	s11 =	simm.s32 $0x14C80;
	[sflag:s28] =	ssyncadd.s32 $0xFFFFC000  }
0x66: {  	[spmem:s1] =	stream.indirect.scatter.add.f32 [tilespmem:s25], [sflag:$0x4], $0x80, s11, s22, $0xb8;
	[tilespmem:$0x1E800] =	vst v63  }
0x67: {  	_ =	swait.ge [sflag:s30], $0x4000  }
0x68: {  	[sflag:s30] =	ssyncset.done $0x0  }
0x69: {  	s13 =	simm.s32 $0x14300;
	[sflag:s30] =	ssyncadd.s32 $0xFFFFC000  }
0x6a: {  	[tilespmem:s23], [sflag:$0x1] =	stream.indirect.gather [hbm4b:s4+s22], $0x80, s13, s22, $0xb8;
	[tilespmem:$0x1E800] =	vst v63  }
0x6b: {  	_ =	swait.ge [sflag:s0], $0x4000  }
0x6c: {  	[sflag:s0] =	ssyncset.done $0x0  }
0x6d: {  	s10 =	simm.s32 $0x14380;
	[sflag:s0] =	ssyncadd.s32 $0xFFFFC000  }
0x6e: {  	[tilespmem:s25], [sflag:$0x2] =	stream.indirect.gather [hbm4b:s4+s22], $0x80, s10, s22, $0xb8;
	[tilespmem:$0x1E800] =	vst v63  }
0x6f: {  	_ =	swait.ge [sflag:s26], $0x4000  }
0x70: {  	[sflag:s26] =	ssyncset.done $0x0  }
0x71: {  	s11 =	simm.s32 $0x14D00;
	[sflag:s26] =	ssyncadd.s32 $0xFFFFC000  }
0x72: {  	[spmem:s1] =	stream.indirect.scatter.add.f32 [tilespmem:s23], [sflag:$0x3], $0x80, s11, s22, $0xb8;
	[tilespmem:$0x1E800] =	vst v63  }
0x73: {  	_ =	swait.ge [sflag:s28], $0x4000  }
0x74: {  	[sflag:s28] =	ssyncset.done $0x0  }
0x75: {  	s13 =	simm.s32 $0x14D80;
	[sflag:s28] =	ssyncadd.s32 $0xFFFFC000  }
0x76: {  	[spmem:s1] =	stream.indirect.scatter.add.f32 [tilespmem:s25], [sflag:$0x4], $0x80, s13, s22, $0xb8;
	[tilespmem:$0x1E800] =	vst v63  }
0x77: {  	_ =	swait.ge [sflag:s30], $0x4000  }
0x78: {  	[sflag:s30] =	ssyncset.done $0x0  }
0x79: {  	s10 =	simm.s32 $0x14400;
	[sflag:s30] =	ssyncadd.s32 $0xFFFFC000  }
0x7a: {  	[tilespmem:s23], [sflag:$0x1] =	stream.indirect.gather [hbm4b:s4+s22], $0x80, s10, s22, $0xb8;
	[tilespmem:$0x1E800] =	vst v63  }
0x7b: {  	_ =	swait.ge [sflag:s0], $0x4000  }
0x7c: {  	[sflag:s0] =	ssyncset.done $0x0  }
0x7d: {  	s11 =	simm.s32 $0x14480;
	[sflag:s0] =	ssyncadd.s32 $0xFFFFC000  }
0x7e: {  	[tilespmem:s25], [sflag:$0x2] =	stream.indirect.gather [hbm4b:s4+s22], $0x80, s11, s22, $0xb8;
	[tilespmem:$0x1E800] =	vst v63  }
0x7f: {  	_ =	swait.ge [sflag:s26], $0x4000  }
0x80: {  	[sflag:s26] =	ssyncset.done $0x0  }
0x81: {  	s13 =	simm.s32 $0x14E00;
	[sflag:s26] =	ssyncadd.s32 $0xFFFFC000  }
0x82: {  	[spmem:s1] =	stream.indirect.scatter.add.f32 [tilespmem:s23], [sflag:$0x3], $0x80, s13, s22, $0xb8;
	[tilespmem:$0x1E800] =	vst v63  }
0x83: {  	_ =	swait.ge [sflag:s28], $0x4000  }
0x84: {  	[sflag:s28] =	ssyncset.done $0x0  }
0x85: {  	s10 =	simm.s32 $0x14E80;
	[sflag:s28] =	ssyncadd.s32 $0xFFFFC000  }
0x86: {  	[spmem:s1] =	stream.indirect.scatter.add.f32 [tilespmem:s25], [sflag:$0x4], $0x80, s10, s22, $0xb8;
	[tilespmem:$0x1E800] =	vst v63  }
0x87: {  	_ =	swait.ge [sflag:s30], $0x4000  }
0x88: {  	[sflag:s30] =	ssyncset.done $0x0  }
0x89: {  	s11 =	simm.s32 $0x14500;
	[sflag:s30] =	ssyncadd.s32 $0xFFFFC000  }
0x8a: {  	[tilespmem:s23], [sflag:$0x1] =	stream.indirect.gather [hbm4b:s4+s22], $0x80, s11, s22, $0xb8;
	[tilespmem:$0x1E800] =	vst v63  }
0x8b: {  	_ =	swait.ge [sflag:s0], $0x4000  }
0x8c: {  	[sflag:s0] =	ssyncset.done $0x0  }
0x8d: {  	s13 =	simm.s32 $0x14580;
	[sflag:s0] =	ssyncadd.s32 $0xFFFFC000  }
0x8e: {  	[tilespmem:s25], [sflag:$0x2] =	stream.indirect.gather [hbm4b:s4+s22], $0x80, s13, s22, $0xb8;
	[tilespmem:$0x1E800] =	vst v63  }
0x8f: {  	_ =	swait.ge [sflag:s26], $0x4000  }
0x90: {  	[sflag:s26] =	ssyncset.done $0x0  }
0x91: {  	s10 =	simm.s32 $0x14F00;
	[sflag:s26] =	ssyncadd.s32 $0xFFFFC000  }
0x92: {  	[spmem:s1] =	stream.indirect.scatter.add.f32 [tilespmem:s23], [sflag:$0x3], $0x80, s10, s22, $0xb8;
	[tilespmem:$0x1E800] =	vst v63  }
0x93: {  	_ =	swait.ge [sflag:s28], $0x4000  }
0x94: {  	[sflag:s28] =	ssyncset.done $0x0  }
0x95: {  	s11 =	simm.s32 $0x14F80;
	[sflag:s28] =	ssyncadd.s32 $0xFFFFC000  }
0x96: {  	[spmem:s1] =	stream.indirect.scatter.add.f32 [tilespmem:s25], [sflag:$0x4], $0x80, s11, s22, $0xb8;
	[tilespmem:$0x1E800] =	vst v63  }
0x97: {  	_ =	swait.ge [sflag:s30], $0x4000  }
0x98: {  	[sflag:s30] =	ssyncset.done $0x0  }
0x99: {  	s13 =	simm.s32 $0x14600;
	[sflag:s30] =	ssyncadd.s32 $0xFFFFC000  }
0x9a: {  	[tilespmem:s23], [sflag:$0x1] =	stream.indirect.gather [hbm4b:s4+s22], $0x80, s13, s22, $0xb8;
	[tilespmem:$0x1E800] =	vst v63  }
0x9b: {  	_ =	swait.ge [sflag:s0], $0x4000  }
0x9c: {  	[sflag:s0] =	ssyncset.done $0x0  }
0x9d: {  	s10 =	simm.s32 $0x14680;
	[sflag:s0] =	ssyncadd.s32 $0xFFFFC000  }
0x9e: {  	[tilespmem:s25], [sflag:$0x2] =	stream.indirect.gather [hbm4b:s4+s22], $0x80, s10, s22, $0xb8;
	[tilespmem:$0x1E800] =	vst v63  }
0x9f: {  	_ =	swait.ge [sflag:s26], $0x4000  }
0xa0: {  	[sflag:s26] =	ssyncset.done $0x0  }
0xa1: {  	s11 =	simm.s32 $0x15000;
	[sflag:s26] =	ssyncadd.s32 $0xFFFFC000  }
0xa2: {  	[spmem:s1] =	stream.indirect.scatter.add.f32 [tilespmem:s23], [sflag:$0x3], $0x80, s11, s22, $0xb8;
	[tilespmem:$0x1E800] =	vst v63  }
0xa3: {  	_ =	swait.ge [sflag:s28], $0x4000  }
0xa4: {  	[sflag:s28] =	ssyncset.done $0x0  }
0xa5: {  	s13 =	simm.s32 $0x15080;
	[sflag:s28] =	ssyncadd.s32 $0xFFFFC000  }
0xa6: {  	[spmem:s1] =	stream.indirect.scatter.add.f32 [tilespmem:s25], [sflag:$0x4], $0x80, s13, s22, $0xb8;
	[tilespmem:$0x1E800] =	vst v63  }
0xa7: {  	_ =	swait.ge [sflag:s30], $0x4000  }
0xa8: {  	[sflag:s30] =	ssyncset.done $0x0  }
0xa9: {  	s10 =	simm.s32 $0x14700;
	[sflag:s30] =	ssyncadd.s32 $0xFFFFC000  }
0xaa: {  	[tilespmem:s23], [sflag:$0x1] =	stream.indirect.gather [hbm4b:s4+s22], $0x80, s10, s22, $0xb8;
	[tilespmem:$0x1E800] =	vst v63  }
0xab: {  	_ =	swait.ge [sflag:s0], $0x4000  }
0xac: {  	[sflag:s0] =	ssyncset.done $0x0  }
0xad: {  	s11 =	simm.s32 $0x14780;
	[sflag:s0] =	ssyncadd.s32 $0xFFFFC000  }
0xae: {  	[tilespmem:s25], [sflag:$0x2] =	stream.indirect.gather [hbm4b:s4+s22], $0x80, s11, s22, $0xb8;
	[tilespmem:$0x1E800] =	vst v63  }
0xaf: {  	_ =	swait.ge [sflag:s26], $0x4000  }
0xb0: {  	[sflag:s26] =	ssyncset.done $0x0  }
0xb1: {  	s13 =	simm.s32 $0x15100;
	[sflag:s26] =	ssyncadd.s32 $0xFFFFC000  }
0xb2: {  	[spmem:s1] =	stream.indirect.scatter.add.f32 [tilespmem:s23], [sflag:$0x3], $0x80, s13, s22, $0xb8;
	[tilespmem:$0x1E800] =	vst v63  }
0xb3: {  	_ =	swait.ge [sflag:s28], $0x4000  }
0xb4: {  	[sflag:s28] =	ssyncset.done $0x0  }
0xb5: {  	s10 =	simm.s32 $0x15180;
	[sflag:s28] =	ssyncadd.s32 $0xFFFFC000  }
0xb6: {  	[spmem:s1] =	stream.indirect.scatter.add.f32 [tilespmem:s25], [sflag:$0x4], $0x80, s10, s22, $0xb8;
	[tilespmem:$0x1E800] =	vst v63  }
0xb7: {  	_ =	swait.ge [sflag:s30], $0x4000  }
0xb8: {  	[sflag:s30] =	ssyncset.done $0x0  }
0xb9: {  	s11 =	simm.s32 $0x14800;
	[sflag:s30] =	ssyncadd.s32 $0xFFFFC000  }
0xba: {  	[tilespmem:s23], [sflag:$0x1] =	stream.indirect.gather [hbm4b:s4+s22], $0x80, s11, s22, $0xb8;
	[tilespmem:$0x1E800] =	vst v63  }
0xbb: {  	_ =	swait.ge [sflag:s0], $0x4000  }
0xbc: {  	[sflag:s0] =	ssyncset.done $0x0  }
0xbd: {  	s13 =	simm.s32 $0x14880;
	[sflag:s0] =	ssyncadd.s32 $0xFFFFC000  }
0xbe: {  	[tilespmem:s25], [sflag:$0x2] =	stream.indirect.gather [hbm4b:s4+s22], $0x80, s13, s22, $0xb8;
	[tilespmem:$0x1E800] =	vst v63  }
0xbf: {  	_ =	swait.ge [sflag:s26], $0x4000  }
0xc0: {  	[sflag:s26] =	ssyncset.done $0x0  }
0xc1: {  	s10 =	simm.s32 $0x15200;
	[sflag:s26] =	ssyncadd.s32 $0xFFFFC000  }
0xc2: {  	[spmem:s1] =	stream.indirect.scatter.add.f32 [tilespmem:s23], [sflag:$0x3], $0x80, s10, s22, $0xb8;
	[tilespmem:$0x1E800] =	vst v63  }
0xc3: {  	_ =	swait.ge [sflag:s28], $0x4000  }
0xc4: {  	[sflag:s28] =	ssyncset.done $0x0  }
0xc5: {  	s11 =	simm.s32 $0x15280;
	[sflag:s28] =	ssyncadd.s32 $0xFFFFC000  }
0xc6: {  	[spmem:s1] =	stream.indirect.scatter.add.f32 [tilespmem:s25], [sflag:$0x4], $0x80, s11, s22, $0xb8;
	[tilespmem:$0x1E800] =	vst v63  }
0xc7: {  	_ =	swait.ge [sflag:s30], $0x4000  }
0xc8: {  	[sflag:s30] =	ssyncset.done $0x0  }
0xc9: {  	s13 =	simm.s32 $0x14900;
	[sflag:s30] =	ssyncadd.s32 $0xFFFFC000  }
0xca: {  	[tilespmem:s23], [sflag:$0x1] =	stream.indirect.gather [hbm4b:s4+s22], $0x80, s13, s22, $0xb8;
	[tilespmem:$0x1E800] =	vst v63  }
0xcb: {  	_ =	swait.ge [sflag:s0], $0x4000  }
0xcc: {  	[sflag:s0] =	ssyncset.done $0x0  }
0xcd: {  	s10 =	simm.s32 $0x14980;
	[sflag:s0] =	ssyncadd.s32 $0xFFFFC000  }
0xce: {  	[tilespmem:s25], [sflag:$0x2] =	stream.indirect.gather [hbm4b:s4+s22], $0x80, s10, s22, $0xb8;
	[tilespmem:$0x1E800] =	vst v63  }
0xcf: {  	_ =	swait.ge [sflag:s26], $0x4000  }
0xd0: {  	[sflag:s26] =	ssyncset.done $0x0  }
0xd1: {  	s11 =	simm.s32 $0x15300;
	[sflag:s26] =	ssyncadd.s32 $0xFFFFC000  }
0xd2: {  	[spmem:s1] =	stream.indirect.scatter.add.f32 [tilespmem:s23], [sflag:$0x3], $0x80, s11, s22, $0xb8;
	[tilespmem:$0x1E800] =	vst v63  }
0xd3: {  	_ =	swait.ge [sflag:s28], $0x4000  }
0xd4: {  	[sflag:s28] =	ssyncset.done $0x0  }
0xd5: {  	s13 =	simm.s32 $0x15380;
	[sflag:s28] =	ssyncadd.s32 $0xFFFFC000  }
0xd6: {  	[spmem:s1] =	stream.indirect.scatter.add.f32 [tilespmem:s25], [sflag:$0x4], $0x80, s13, s22, $0xb8;
	[tilespmem:$0x1E800] =	vst v63  }
0xd7: {  	_ =	swait.ge [sflag:s30], $0x4000  }
0xd8: {  	[sflag:s30] =	ssyncset.done $0x0  }
0xd9: {  	[sflag:s30] =	ssyncadd.s32 $0xFFFFC000  }
0xda: {  	_ =	swait.ge [sflag:s0], $0x4000  }
0xdb: {  	[sflag:s0] =	ssyncset.done $0x0  }
0xdc: {  	[sflag:s0] =	ssyncadd.s32 $0xFFFFC000  }
0xdd: {  	_ =	swait.ge [sflag:s12], $0xA00  }
0xde: {  	[sflag:s12] =	ssyncset.done $0x0  }
0xdf: {  	[sflag:s12] =	ssyncadd.s32 $0xFFFFF600  }
0xe0: {  	p0 =	seq.s32 s19, $0x780;
	_ =	swait.ge [sflag:s12], $0xA00  }
0xe1: {  	s8 =	simm.s32 @!p0 $0x14000;
	s10 =	sshrl.u32 @!p0 s9, $0x3;
	[sflag:s12] =	ssyncset.done $0x0  }
0xe2: {  	s11 =	sadd.s32 @!p0 s5, s10;
	s13 =	simm.s32 @!p0 $0x0;
	[sflag:s12] =	ssyncadd.s32 $0xFFFFF600  }
0xe3: {  	[tilespmem:s8], [sflag:$0x5] =	stream.linear.gather @!p0 [hbm4b:s11+s13], $0xA00, $0x38;
	[tilespmem:$0x1E800] =	vst v63  }
0xe4: {  	s8 =	sadd.s32 @!p0 s6, s10;
	s10 =	simm.s32 @!p0 $0x14A00  }
0xe5: {  	[tilespmem:s10], [sflag:$0x5] =	stream.linear.gather @!p0 [hbm4b:s8+s13], $0xA00, $0x38;
	[tilespmem:$0x1E800] =	vst v63  }
0xe6: {  	_ = 	snop  }
0xe7: {  	[tilespmem:s23], [sflag:$0x1] =	stream.indirect.gather [hbm4b:s4+s22], $0x80, s20, s22, $0xb8;
	[tilespmem:$0x1E800] =	vst v63  }
0xe8: {  	s10 =	simm.s32 $0x15480  }
0xe9: {  	[tilespmem:s25], [sflag:$0x2] =	stream.indirect.gather [hbm4b:s4+s22], $0x80, s10, s22, $0xb8;
	[tilespmem:$0x1E800] =	vst v63  }
0xea: {  	_ =	swait.ge [sflag:s26], $0x4000  }
0xeb: {  	[sflag:s26] =	ssyncset.done $0x0  }
0xec: {  	[sflag:s26] =	ssyncadd.s32 $0xFFFFC000  }
0xed: {  	[spmem:s1] =	stream.indirect.scatter.add.f32 [tilespmem:s23], [sflag:$0x3], $0x80, s21, s22, $0xb8;
	[tilespmem:$0x1E800] =	vst v63  }
0xee: {  	_ =	swait.ge [sflag:s28], $0x4000  }
0xef: {  	[sflag:s28] =	ssyncset.done $0x0  }
0xf0: {  	s11 =	simm.s32 $0x15E80;
	[sflag:s28] =	ssyncadd.s32 $0xFFFFC000  }
0xf1: {  	[spmem:s1] =	stream.indirect.scatter.add.f32 [tilespmem:s25], [sflag:$0x4], $0x80, s11, s22, $0xb8;
	[tilespmem:$0x1E800] =	vst v63  }
0xf2: {  	_ =	swait.ge [sflag:s30], $0x4000  }
0xf3: {  	[sflag:s30] =	ssyncset.done $0x0  }
0xf4: {  	s13 =	simm.s32 $0x15500;
	[sflag:s30] =	ssyncadd.s32 $0xFFFFC000  }
0xf5: {  	[tilespmem:s23], [sflag:$0x1] =	stream.indirect.gather [hbm4b:s4+s22], $0x80, s13, s22, $0xb8;
	[tilespmem:$0x1E800] =	vst v63  }
0xf6: {  	_ =	swait.ge [sflag:s0], $0x4000  }
0xf7: {  	[sflag:s0] =	ssyncset.done $0x0  }
0xf8: {  	s10 =	simm.s32 $0x15580;
	[sflag:s0] =	ssyncadd.s32 $0xFFFFC000  }
0xf9: {  	[tilespmem:s25], [sflag:$0x2] =	stream.indirect.gather [hbm4b:s4+s22], $0x80, s10, s22, $0xb8;
	[tilespmem:$0x1E800] =	vst v63  }
0xfa: {  	_ =	swait.ge [sflag:s26], $0x4000  }
0xfb: {  	[sflag:s26] =	ssyncset.done $0x0  }
0xfc: {  	s11 =	simm.s32 $0x15F00;
	[sflag:s26] =	ssyncadd.s32 $0xFFFFC000  }
0xfd: {  	[spmem:s1] =	stream.indirect.scatter.add.f32 [tilespmem:s23], [sflag:$0x3], $0x80, s11, s22, $0xb8;
	[tilespmem:$0x1E800] =	vst v63  }
0xfe: {  	_ =	swait.ge [sflag:s28], $0x4000  }
0xff: {  	[sflag:s28] =	ssyncset.done $0x0  }
0x100: {  	s13 =	simm.s32 $0x15F80;
	[sflag:s28] =	ssyncadd.s32 $0xFFFFC000  }
0x101: {  	[spmem:s1] =	stream.indirect.scatter.add.f32 [tilespmem:s25], [sflag:$0x4], $0x80, s13, s22, $0xb8;
	[tilespmem:$0x1E800] =	vst v63  }
0x102: {  	_ =	swait.ge [sflag:s30], $0x4000  }
0x103: {  	[sflag:s30] =	ssyncset.done $0x0  }
0x104: {  	s10 =	simm.s32 $0x15600;
	[sflag:s30] =	ssyncadd.s32 $0xFFFFC000  }
0x105: {  	[tilespmem:s23], [sflag:$0x1] =	stream.indirect.gather [hbm4b:s4+s22], $0x80, s10, s22, $0xb8;
	[tilespmem:$0x1E800] =	vst v63  }
0x106: {  	_ =	swait.ge [sflag:s0], $0x4000  }
0x107: {  	[sflag:s0] =	ssyncset.done $0x0  }
0x108: {  	s11 =	simm.s32 $0x15680;
	[sflag:s0] =	ssyncadd.s32 $0xFFFFC000  }
0x109: {  	[tilespmem:s25], [sflag:$0x2] =	stream.indirect.gather [hbm4b:s4+s22], $0x80, s11, s22, $0xb8;
	[tilespmem:$0x1E800] =	vst v63  }
0x10a: {  	_ =	swait.ge [sflag:s26], $0x4000  }
0x10b: {  	[sflag:s26] =	ssyncset.done $0x0  }
0x10c: {  	s13 =	simm.s32 $0x16000;
	[sflag:s26] =	ssyncadd.s32 $0xFFFFC000  }
0x10d: {  	[spmem:s1] =	stream.indirect.scatter.add.f32 [tilespmem:s23], [sflag:$0x3], $0x80, s13, s22, $0xb8;
	[tilespmem:$0x1E800] =	vst v63  }
0x10e: {  	_ =	swait.ge [sflag:s28], $0x4000  }
0x10f: {  	[sflag:s28] =	ssyncset.done $0x0  }
0x110: {  	s10 =	simm.s32 $0x16080;
	[sflag:s28] =	ssyncadd.s32 $0xFFFFC000  }
0x111: {  	[spmem:s1] =	stream.indirect.scatter.add.f32 [tilespmem:s25], [sflag:$0x4], $0x80, s10, s22, $0xb8;
	[tilespmem:$0x1E800] =	vst v63  }
0x112: {  	_ =	swait.ge [sflag:s30], $0x4000  }
0x113: {  	[sflag:s30] =	ssyncset.done $0x0  }
0x114: {  	s11 =	simm.s32 $0x15700;
	[sflag:s30] =	ssyncadd.s32 $0xFFFFC000  }
0x115: {  	[tilespmem:s23], [sflag:$0x1] =	stream.indirect.gather [hbm4b:s4+s22], $0x80, s11, s22, $0xb8;
	[tilespmem:$0x1E800] =	vst v63  }
0x116: {  	_ =	swait.ge [sflag:s0], $0x4000  }
0x117: {  	[sflag:s0] =	ssyncset.done $0x0  }
0x118: {  	s13 =	simm.s32 $0x15780;
	[sflag:s0] =	ssyncadd.s32 $0xFFFFC000  }
0x119: {  	[tilespmem:s25], [sflag:$0x2] =	stream.indirect.gather [hbm4b:s4+s22], $0x80, s13, s22, $0xb8;
	[tilespmem:$0x1E800] =	vst v63  }
0x11a: {  	_ =	swait.ge [sflag:s26], $0x4000  }
0x11b: {  	[sflag:s26] =	ssyncset.done $0x0  }
0x11c: {  	s10 =	simm.s32 $0x16100;
	[sflag:s26] =	ssyncadd.s32 $0xFFFFC000  }
0x11d: {  	[spmem:s1] =	stream.indirect.scatter.add.f32 [tilespmem:s23], [sflag:$0x3], $0x80, s10, s22, $0xb8;
	[tilespmem:$0x1E800] =	vst v63  }
0x11e: {  	_ =	swait.ge [sflag:s28], $0x4000  }
0x11f: {  	[sflag:s28] =	ssyncset.done $0x0  }
0x120: {  	s11 =	simm.s32 $0x16180;
	[sflag:s28] =	ssyncadd.s32 $0xFFFFC000  }
0x121: {  	[spmem:s1] =	stream.indirect.scatter.add.f32 [tilespmem:s25], [sflag:$0x4], $0x80, s11, s22, $0xb8;
	[tilespmem:$0x1E800] =	vst v63  }
0x122: {  	_ =	swait.ge [sflag:s30], $0x4000  }
0x123: {  	[sflag:s30] =	ssyncset.done $0x0  }
0x124: {  	s13 =	simm.s32 $0x15800;
	[sflag:s30] =	ssyncadd.s32 $0xFFFFC000  }
0x125: {  	[tilespmem:s23], [sflag:$0x1] =	stream.indirect.gather [hbm4b:s4+s22], $0x80, s13, s22, $0xb8;
	[tilespmem:$0x1E800] =	vst v63  }
0x126: {  	_ =	swait.ge [sflag:s0], $0x4000  }
0x127: {  	[sflag:s0] =	ssyncset.done $0x0  }
0x128: {  	s10 =	simm.s32 $0x15880;
	[sflag:s0] =	ssyncadd.s32 $0xFFFFC000  }
0x129: {  	[tilespmem:s25], [sflag:$0x2] =	stream.indirect.gather [hbm4b:s4+s22], $0x80, s10, s22, $0xb8;
	[tilespmem:$0x1E800] =	vst v63  }
0x12a: {  	_ =	swait.ge [sflag:s26], $0x4000  }
0x12b: {  	[sflag:s26] =	ssyncset.done $0x0  }
0x12c: {  	s11 =	simm.s32 $0x16200;
	[sflag:s26] =	ssyncadd.s32 $0xFFFFC000  }
0x12d: {  	[spmem:s1] =	stream.indirect.scatter.add.f32 [tilespmem:s23], [sflag:$0x3], $0x80, s11, s22, $0xb8;
	[tilespmem:$0x1E800] =	vst v63  }
0x12e: {  	_ =	swait.ge [sflag:s28], $0x4000  }
0x12f: {  	[sflag:s28] =	ssyncset.done $0x0  }
0x130: {  	s13 =	simm.s32 $0x16280;
	[sflag:s28] =	ssyncadd.s32 $0xFFFFC000  }
0x131: {  	[spmem:s1] =	stream.indirect.scatter.add.f32 [tilespmem:s25], [sflag:$0x4], $0x80, s13, s22, $0xb8;
	[tilespmem:$0x1E800] =	vst v63  }
0x132: {  	_ =	swait.ge [sflag:s30], $0x4000  }
0x133: {  	[sflag:s30] =	ssyncset.done $0x0  }
0x134: {  	s10 =	simm.s32 $0x15900;
	[sflag:s30] =	ssyncadd.s32 $0xFFFFC000  }
0x135: {  	[tilespmem:s23], [sflag:$0x1] =	stream.indirect.gather [hbm4b:s4+s22], $0x80, s10, s22, $0xb8;
	[tilespmem:$0x1E800] =	vst v63  }
0x136: {  	_ =	swait.ge [sflag:s0], $0x4000  }
0x137: {  	[sflag:s0] =	ssyncset.done $0x0  }
0x138: {  	s11 =	simm.s32 $0x15980;
	[sflag:s0] =	ssyncadd.s32 $0xFFFFC000  }
0x139: {  	[tilespmem:s25], [sflag:$0x2] =	stream.indirect.gather [hbm4b:s4+s22], $0x80, s11, s22, $0xb8;
	[tilespmem:$0x1E800] =	vst v63  }
0x13a: {  	_ =	swait.ge [sflag:s26], $0x4000  }
0x13b: {  	[sflag:s26] =	ssyncset.done $0x0  }
0x13c: {  	s13 =	simm.s32 $0x16300;
	[sflag:s26] =	ssyncadd.s32 $0xFFFFC000  }
0x13d: {  	[spmem:s1] =	stream.indirect.scatter.add.f32 [tilespmem:s23], [sflag:$0x3], $0x80, s13, s22, $0xb8;
	[tilespmem:$0x1E800] =	vst v63  }
0x13e: {  	_ =	swait.ge [sflag:s28], $0x4000  }
0x13f: {  	[sflag:s28] =	ssyncset.done $0x0  }
0x140: {  	s10 =	simm.s32 $0x16380;
	[sflag:s28] =	ssyncadd.s32 $0xFFFFC000  }
0x141: {  	[spmem:s1] =	stream.indirect.scatter.add.f32 [tilespmem:s25], [sflag:$0x4], $0x80, s10, s22, $0xb8;
	[tilespmem:$0x1E800] =	vst v63  }
0x142: {  	_ =	swait.ge [sflag:s30], $0x4000  }
0x143: {  	[sflag:s30] =	ssyncset.done $0x0  }
0x144: {  	s11 =	simm.s32 $0x15A00;
	[sflag:s30] =	ssyncadd.s32 $0xFFFFC000  }
0x145: {  	[tilespmem:s23], [sflag:$0x1] =	stream.indirect.gather [hbm4b:s4+s22], $0x80, s11, s22, $0xb8;
	[tilespmem:$0x1E800] =	vst v63  }
0x146: {  	_ =	swait.ge [sflag:s0], $0x4000  }
0x147: {  	[sflag:s0] =	ssyncset.done $0x0  }
0x148: {  	s13 =	simm.s32 $0x15A80;
	[sflag:s0] =	ssyncadd.s32 $0xFFFFC000  }
0x149: {  	[tilespmem:s25], [sflag:$0x2] =	stream.indirect.gather [hbm4b:s4+s22], $0x80, s13, s22, $0xb8;
	[tilespmem:$0x1E800] =	vst v63  }
0x14a: {  	_ =	swait.ge [sflag:s26], $0x4000  }
0x14b: {  	[sflag:s26] =	ssyncset.done $0x0  }
0x14c: {  	s10 =	simm.s32 $0x16400;
	[sflag:s26] =	ssyncadd.s32 $0xFFFFC000  }
0x14d: {  	[spmem:s1] =	stream.indirect.scatter.add.f32 [tilespmem:s23], [sflag:$0x3], $0x80, s10, s22, $0xb8;
	[tilespmem:$0x1E800] =	vst v63  }
0x14e: {  	_ =	swait.ge [sflag:s28], $0x4000  }
0x14f: {  	[sflag:s28] =	ssyncset.done $0x0  }
0x150: {  	s11 =	simm.s32 $0x16480;
	[sflag:s28] =	ssyncadd.s32 $0xFFFFC000  }
0x151: {  	[spmem:s1] =	stream.indirect.scatter.add.f32 [tilespmem:s25], [sflag:$0x4], $0x80, s11, s22, $0xb8;
	[tilespmem:$0x1E800] =	vst v63  }
0x152: {  	_ =	swait.ge [sflag:s30], $0x4000  }
0x153: {  	[sflag:s30] =	ssyncset.done $0x0  }
0x154: {  	s13 =	simm.s32 $0x15B00;
	[sflag:s30] =	ssyncadd.s32 $0xFFFFC000  }
0x155: {  	[tilespmem:s23], [sflag:$0x1] =	stream.indirect.gather [hbm4b:s4+s22], $0x80, s13, s22, $0xb8;
	[tilespmem:$0x1E800] =	vst v63  }
0x156: {  	_ =	swait.ge [sflag:s0], $0x4000  }
0x157: {  	[sflag:s0] =	ssyncset.done $0x0  }
0x158: {  	s10 =	simm.s32 $0x15B80;
	[sflag:s0] =	ssyncadd.s32 $0xFFFFC000  }
0x159: {  	[tilespmem:s25], [sflag:$0x2] =	stream.indirect.gather [hbm4b:s4+s22], $0x80, s10, s22, $0xb8;
	[tilespmem:$0x1E800] =	vst v63  }
0x15a: {  	_ =	swait.ge [sflag:s26], $0x4000  }
0x15b: {  	[sflag:s26] =	ssyncset.done $0x0  }
0x15c: {  	s11 =	simm.s32 $0x16500;
	[sflag:s26] =	ssyncadd.s32 $0xFFFFC000  }
0x15d: {  	[spmem:s1] =	stream.indirect.scatter.add.f32 [tilespmem:s23], [sflag:$0x3], $0x80, s11, s22, $0xb8;
	[tilespmem:$0x1E800] =	vst v63  }
0x15e: {  	_ =	swait.ge [sflag:s28], $0x4000  }
0x15f: {  	[sflag:s28] =	ssyncset.done $0x0  }
0x160: {  	s13 =	simm.s32 $0x16580;
	[sflag:s28] =	ssyncadd.s32 $0xFFFFC000  }
0x161: {  	[spmem:s1] =	stream.indirect.scatter.add.f32 [tilespmem:s25], [sflag:$0x4], $0x80, s13, s22, $0xb8;
	[tilespmem:$0x1E800] =	vst v63  }
0x162: {  	_ =	swait.ge [sflag:s30], $0x4000  }
0x163: {  	[sflag:s30] =	ssyncset.done $0x0  }
0x164: {  	[sflag:s30] =	ssyncadd.s32 $0xFFFFC000  }
0x165: {  	[tilespmem:s23], [sflag:$0x1] =	stream.indirect.gather [hbm4b:s4+s22], $0x80, s16, s22, $0xb8;
	[tilespmem:$0x1E800] =	vst v63  }
0x166: {  	_ =	swait.ge [sflag:s0], $0x4000  }
0x167: {  	[sflag:s0] =	ssyncset.done $0x0  }
0x168: {  	[sflag:s0] =	ssyncadd.s32 $0xFFFFC000  }
0x169: {  	[tilespmem:s25], [sflag:$0x2] =	stream.indirect.gather [hbm4b:s4+s22], $0x80, s17, s22, $0xb8;
	[tilespmem:$0x1E800] =	vst v63  }
0x16a: {  	_ =	swait.ge [sflag:s26], $0x4000  }
0x16b: {  	[sflag:s26] =	ssyncset.done $0x0  }
0x16c: {  	[sflag:s26] =	ssyncadd.s32 $0xFFFFC000  }
0x16d: {  	[spmem:s1] =	stream.indirect.scatter.add.f32 [tilespmem:s23], [sflag:$0x3], $0x80, s24, s22, $0xb8;
	[tilespmem:$0x1E800] =	vst v63  }
0x16e: {  	_ =	swait.ge [sflag:s28], $0x4000  }
0x16f: {  	[sflag:s28] =	ssyncset.done $0x0  }
0x170: {  	[sflag:s28] =	ssyncadd.s32 $0xFFFFC000  }
0x171: {  	[spmem:s1] =	stream.indirect.scatter.add.f32 [tilespmem:s25], [sflag:$0x4], $0x80, s29, s22, $0xb8;
	[tilespmem:$0x1E800] =	vst v63  }
0x172: {  	_ =	swait.ge [sflag:s30], $0x4000  }
0x173: {  	[sflag:s30] =	ssyncset.done $0x0  }
0x174: {  	[sflag:s30] =	ssyncadd.s32 $0xFFFFC000  }
0x175: {  	[tilespmem:s23], [sflag:$0x1] =	stream.indirect.gather [hbm4b:s4+s22], $0x80, s31, s22, $0xb8;
	[tilespmem:$0x1E800] =	vst v63  }
0x176: {  	_ =	swait.ge [sflag:s0], $0x4000  }
0x177: {  	[sflag:s0] =	ssyncset.done $0x0  }
0x178: {  	[sflag:s0] =	ssyncadd.s32 $0xFFFFC000  }
0x179: {  	[tilespmem:s25], [sflag:$0x2] =	stream.indirect.gather [hbm4b:s4+s22], $0x80, s2, s22, $0xb8;
	[tilespmem:$0x1E800] =	vst v63  }
0x17a: {  	_ =	swait.ge [sflag:s26], $0x4000  }
0x17b: {  	[sflag:s26] =	ssyncset.done $0x0  }
0x17c: {  	[sflag:s26] =	ssyncadd.s32 $0xFFFFC000  }
0x17d: {  	[spmem:s1] =	stream.indirect.scatter.add.f32 [tilespmem:s23], [sflag:$0x3], $0x80, s18, s22, $0xb8;
	[tilespmem:$0x1E800] =	vst v63  }
0x17e: {  	_ =	swait.ge [sflag:s28], $0x4000  }
0x17f: {  	[sflag:s28] =	ssyncset.done $0x0  }
0x180: {  	[sflag:s28] =	ssyncadd.s32 $0xFFFFC000  }
0x181: {  	[spmem:s1] =	stream.indirect.scatter.add.f32 [tilespmem:s25], [sflag:$0x4], $0x80, s7, s22, $0xb8;
	[tilespmem:$0x1E800] =	vst v63  }
0x182: {  	_ =	swait.ge [sflag:s30], $0x4000  }
.Ltmp2:
0x183: {  	[sflag:s30] =	ssyncset.done $0x0;
	(pc) =	sbr.rel @p0 .LBB2_4-.Ltmp2, $4  }
0x184: {  	[sflag:s30] =	ssyncadd.s32 $0xFFFFC000  }
0x185: {  	_ =	swait.ge [sflag:s0], $0x4000  }
0x186: {  	[sflag:s0] =	ssyncset.done $0x0  }
0x187: {  	[sflag:s0] =	ssyncadd.s32 $0xFFFFC000  }
0x188: {  	_ =	swait.ge [sflag:s12], $0xA00  }
.Ltmp3:
0x189: {  	[sflag:s12] =	ssyncset.done $0x0;
	(pc) =	sbr.rel .LBB2_2-.Ltmp3, $4  }
0x18a: {  	[sflag:s12] =	ssyncadd.s32 $0xFFFFF600  }
0x18b: {  	_ =	swait.ge [sflag:s12], $0xA00  }
0x18c: {  	[sflag:s12] =	ssyncset.done $0x0  }
0x18d: {  	s9 =	sadd.s32 $0x1400, s9;
	s19 =	sadd.s32 $0x280, s19;
	[sflag:s12] =	ssyncadd.s32 $0xFFFFF600  }
.LBB2_5:
0x18e: {  	_ =	sfence.sel $0x180000  }
0x18f: {  	[bflag:$0x0] =	sbarrier.arrive $0xFFFF  }
0x190: {  	_ =	strace $0x9000004A  }
0x191: {  	s0 =	stileid.u32;
	[bflag:$0x2] =	sbarrier.arrive $0xFFFF  }
0x192: {  	p0 =	sne.s32 s0, $0x0;
	s0 =	rddreg [dreg:$0x2]  }
0x193: {  	s0 =	sadd.s32 @!p0 $0x100000, s0  }
0x194: {  	[sflag:s0] =	ssyncadd.tile.s32 @!p0 $0x1;
	_ =	shalt  }
.Lfunc_end2:
_tile_overlayer_lowered:
.L_overlay_start_2:
0x195: {  	(tag) =	ssettag $0x2  }
0x196: {  	s0 =	rddreg [dreg:$0x0];
	s2 =	stileid.u32  }
0x197: {  	s1 =	rddreg [dreg:$0x1];
	p0 =	sne.s32 s2, $0x0  }
0x198: {  	s3 =	rddreg [dreg:$0x2];
	[bflag:$0x3] =	sbarrier.arrive $0xFFFF;
	s2 =	simm.s32 @!p0 $0x1C06  }
0x199: {  	[timem:s3], [sflag:s2] =	dma.local @!p0 [hbm:s0], s1  }
0x19a: {  	s0 =	simm.s32 @!p0 $0x6  }
0x19b: {  	_ =	swait.ge @!p0 [sflag:s0], s1  }
0x19c: {  	s1 =	ssub.s32 @!p0 $0x0, s1;
	[sflag:s0] =	ssyncset.done @!p0 $0x0  }
0x19d: {  	[sflag:s0] =	ssyncadd.s32 @!p0 s1  }
0x19e: {  	[bflag:$0x3] =	sbarrier.arrive $0xFFFF  }
0x19f: {  	_ =	shalt  }

// kernel: kernel.18.cloned.1.call-start
scs
__scs_entry_jumppad:
0x0: {  	(pc) =	sbr.rel $0x88, $3  }
0x1: {  	(tag) =	ssettag $0x0;
	lr =	simm.s32 $0x1  }
0x2: {  	[smem:$0x3F8C] =	sst lr;
	_ =	strace $0xD0000000  }
0x3: {  	_ = 	snop  }
0x4: {  	_ = 	snop  }
0x5: {  	_ = 	snop  }
0x6: {  	_ = 	snop  }
0x7: {  	_ = 	snop  }
__scs_overlays_trampoline_lowered:
0x8: {  	[smem:$0x3F9B] =	sst s0  }
0x9: {  	[smem:$0x3F9C] =	sst s1  }
0xa: {  	[smem:$0x3F9D] =	sst s2  }
0xb: {  	[smem:$0x3F9E] =	sst s3  }
0xc: {  	[smem:$0x3F9F] =	sst s4  }
0xd: {  	[smem:$0x3FA0] =	sst s5  }
0xe: {  	[smem:$0x3FA1] =	sst s6  }
0xf: {  	[smem:$0x3FA2] =	sst s7  }
0x10: {  	[smem:$0x3FA3] =	sst s8  }
0x11: {  	[smem:$0x3FA4] =	sst s9;
	s0 =	simm.s32 @!p0 $0x0  }
0x12: {  	s1 =	sld [smem:$0x3F8A];
	s0 =	simm.s32 @p0 $0x1  }
0x13: {  	[smem:$0x3FA5] =	sst s0;
	s0 =	simm.s32 @!p1 $0x0  }
0x14: {  	s2 =	sld [smem:$0x3F89];
	s0 =	simm.s32 @p1 $0x1  }
0x15: {  	[smem:$0x3FA6] =	sst s0;
	s0 =	simm.s32 @!p2 $0x0  }
0x16: {  	s3 =	sld [smem:$0x3FDB];
	s0 =	simm.s32 @p2 $0x1  }
0x17: {  	s4 =	simm.s32 $0x1BF5;
	[smem:$0x3FA8] =	sst s0  }
0x18: {  	s0 =	sld [smem:$0x3F8B];
	_ =	swait.ge [sflag:s4], $0x0  }
0x19: {  	s7 =	sld [smem:$0x3F8C]  }
0x1a: {  	s8 =	sadd.s32 $0xFFFFE003, lr  }
0x1b: {  	s9 =	sadd.s32 $0xFFFFFEF7, lr;
	s5 =	simm.s32 $0xFFFFFFFF;
	p2 =	slt.u32 s8, $0xFFFFF086  }
0x1c: {  	p1 =	slt.u32 s9, $0xF7A;
	s5 =	simm.s32 @!p2 $0x0  }
0x1d: {  	s5 =	simm.s32 @p1 $0x1;
	p0 =	seq.s32 s7, s2  }
0x1e: {  	s7 =	smul.u32 @!p0 $0xF7A, s2;
	p2 =	seq.s32 @!p0 s5, $0x0  }
0x1f: {  	s9 =	smul.u32 $0xF7A, s1;
	s8 =	simm.s32 @!p0 $0x1BF5;
	p2 =	por !p2, p0  }
0x20: {  	[sflag:s8] =	ssyncset.s32 @!p0 $0xFFFFF086;
	s6 =	sadd.s32 @!p0 s3, s7;
	s7 =	simm.s32 @!p0 $0x108  }
0x21: {  	s3 =	sadd.s32 s3, s9;
	s6 =	sadd.s32 @!p0 $0x88, s6;
	s7 =	simm.s32 @p2 $0x1082  }
0x22: {  	[simem:s7], [sflag:s8] =	dma.local @!p0 [hbm:s6], $0xF7A  }
0x23: {  	s9 =	sor.u32 $0xD0000000, s2;
	s6 =	simm.s32 $0x108;
	_ =	swait.ge @!p0 [sflag:s8], $0x0  }
0x24: {  	s3 =	sadd.s32 $0x88, s3;
	s6 =	simm.s32 @!p1 $0x1082;
	[sflag:s4] =	ssyncset.s32 $0xFFFFF086  }
0x25: {  	[simem:s6], [sflag:s4] =	dma.local [hbm:s3], $0xF7A  }
0x26: {  	[smem:$0x3F8C] =	sst s1;
	(tag) =	ssettag s2;
	_ =	strace s9  }
0x27: {  	s1 =	sld [smem:$0x3F9C]  }
0x28: {  	s2 =	sld [smem:$0x3F9D]  }
0x29: {  	s4 =	sld [smem:$0x3F9F]  }
0x2a: {  	p0 =	seq.s32 s5, $0x0;
	s5 =	sld [smem:$0x3FA0]  }
0x2b: {  	s6 =	sld [smem:$0x3FA1]  }
0x2c: {  	s7 =	sld [smem:$0x3FA2]  }
0x2d: {  	s3 =	simm.s32 $0x108;
	s8 =	sld [smem:$0x3FA3]  }
0x2e: {  	s3 =	simm.s32 @!p0 $0x1082;
	s9 =	sld [smem:$0x3FA4]  }
0x2f: {  	lr =	sadd.s32 s0, s3;
	s0 =	sld [smem:$0x3F9B]  }
0x30: {  	s3 =	sld [smem:$0x3F9E]  }
0x31: {  	[smem:$0x3FA7] =	sst s10  }
0x32: {  	s10 =	sld [smem:$0x3FA5];
	_ =	sdelay $0x3  }
0x33: {  	p0 =	seq.s32 s10, $0x1;
	s10 =	sld [smem:$0x3FA7];
	_ =	sdelay $0x3  }
0x34: {  	[smem:$0x3FA7] =	sst s10  }
0x35: {  	s10 =	sld [smem:$0x3FA6];
	_ =	sdelay $0x3  }
0x36: {  	p1 =	seq.s32 s10, $0x1;
	s10 =	sld [smem:$0x3FA7];
	_ =	sdelay $0x3  }
0x37: {  	[smem:$0x3FA7] =	sst s10  }
0x38: {  	s10 =	sld [smem:$0x3FA8]  }
0x39: {  	_ = 	snop;
	(pc) =	sbr.ind lr, $3  }
0x3a: {  	_ = 	snop  }
0x3b: {  	_ = 	snop  }
0x3c: {  	p2 =	seq.s32 s10, $0x1;
	s10 =	sld [smem:$0x3FA7]  }
0x3d: {  	_ =	shalt  }
0x3e: {  	_ =	shalt  }
0x3f: {  	_ =	shalt  }
0x40: {  	_ =	shalt  }
0x41: {  	_ =	shalt  }
0x42: {  	_ =	shalt  }
0x43: {  	_ =	shalt  }
0x44: {  	_ =	shalt  }
0x45: {  	_ =	shalt  }
0x46: {  	_ =	shalt  }
0x47: {  	_ =	shalt  }
0x48: {  	_ =	shalt  }
0x49: {  	_ =	shalt  }
0x4a: {  	_ =	shalt  }
0x4b: {  	_ =	shalt  }
0x4c: {  	_ =	shalt  }
0x4d: {  	_ =	shalt  }
0x4e: {  	_ =	shalt  }
0x4f: {  	_ =	shalt  }
0x50: {  	_ =	shalt  }
0x51: {  	_ =	shalt  }
0x52: {  	_ =	shalt  }
0x53: {  	_ =	shalt  }
0x54: {  	_ =	shalt  }
0x55: {  	_ =	shalt  }
0x56: {  	_ =	shalt  }
0x57: {  	_ =	shalt  }
0x58: {  	_ =	shalt  }
0x59: {  	_ =	shalt  }
0x5a: {  	_ =	shalt  }
0x5b: {  	_ =	shalt  }
0x5c: {  	_ =	shalt  }
0x5d: {  	_ =	shalt  }
0x5e: {  	_ =	shalt  }
0x5f: {  	_ =	shalt  }
0x60: {  	_ =	shalt  }
0x61: {  	_ =	shalt  }
0x62: {  	_ =	shalt  }
0x63: {  	_ =	shalt  }
0x64: {  	_ =	shalt  }
0x65: {  	_ =	shalt  }
0x66: {  	_ =	shalt  }
0x67: {  	_ =	shalt  }
0x68: {  	_ =	shalt  }
0x69: {  	_ =	shalt  }
0x6a: {  	_ =	shalt  }
0x6b: {  	_ =	shalt  }
0x6c: {  	_ =	shalt  }
0x6d: {  	_ =	shalt  }
0x6e: {  	_ =	shalt  }
0x6f: {  	_ =	shalt  }
0x70: {  	_ =	shalt  }
0x71: {  	_ =	shalt  }
0x72: {  	_ =	shalt  }
0x73: {  	_ =	shalt  }
0x74: {  	_ =	shalt  }
0x75: {  	_ =	shalt  }
0x76: {  	_ =	shalt  }
0x77: {  	_ =	shalt  }
0x78: {  	_ =	shalt  }
0x79: {  	_ =	shalt  }
0x7a: {  	_ =	shalt  }
0x7b: {  	_ =	shalt  }
0x7c: {  	_ =	shalt  }
0x7d: {  	_ =	shalt  }
0x7e: {  	_ =	shalt  }
0x7f: {  	_ =	shalt  }
0x80: {  	_ =	shalt  }
0x81: {  	_ =	shalt  }
0x82: {  	_ =	shalt  }
0x83: {  	_ =	shalt  }
0x84: {  	_ =	shalt  }
0x85: {  	_ =	shalt  }
0x86: {  	_ =	shalt  }
0x87: {  	_ =	shalt  }
.Lfunc_end0:
.L_simem_size_0:
called_computation.2_lowered:
.L_overlay_start_0:
0x88: {  	s2 =	sld [smem:$0x3FD9]  }
0x89: {  	s3 =	sld [smem:$0x3FFE];
	_ =	sdelay $0x1  }
0x8a: {  	s1 =	srdreg.scid  }
0x8b: {  	s0 =	sand.u32 $0x1, s1  }
0x8c: {  	s16 =	sshll.u32 s0, $0xA;
	s2 =	sadd.s32 s3, s2  }
0x8d: {  	s2 =	sadd.s32 s2, s16  }
0x8e: {  	[smem:$0x3FB3] =	sst s2  }
0x8f: {  	_ = 	snop  }
0x90: {  	(tm) =	ssettm $0x1  }
0x91: {  	s17 =	sld [smem:$0x3FFB];
	_ =	sdelay $0x3  }
0x92: {  	_ =	strace s17  }
0x93: {  	s2 =	sld [smem:$0x3FFC];
	_ =	sdelay $0x3  }
0x94: {  	_ =	strace s2  }
0x95: {  	s2 =	sld [smem:$0x3FFD];
	_ =	sdelay $0x3  }
0x96: {  	_ =	strace s2  }
0x97: {  	_ =	strace $0x8FFFFFFF  }
0x98: {  	s18 =	sld [smem:$0x3FDB];
	_ =	sdelay $0x1  }
0x99: {  	s19 =	simm.s32 $_scs_section_size  }
0x9a: {  	s4 =	simm.s32 $_size__tile_overlayer_lowered;
	s5 =	simm.s32 $_tile_overlayer_lowered  }
0x9b: {  	s22 =	simm.s32 $0x1BFF;
	s21 =	sshll.u32 s5, $0x1;
	s2 =	sadd.s32 s19, s18  }
0x9c: {  	s6 =	simm.s32 $0x0;
	s20 =	sshll.u32 s4, $0x1;
	s4 =	sadd.s32 s21, s2  }
0x9d: {  	[timem:s6], [sflag:s22] =	dma.local [hbm:s4], s20  }
0x9e: {  	_ =	swait.ge [sflag:s22], s20  }
0x9f: {  	s3 =	ssub.s32 $0x0, s20;
	[sflag:s22] =	ssyncset.done $0x0  }
0xa0: {  	[sflag:s22] =	ssyncadd.s32 s3;
	_ =	sdelay $0x1  }
0xa1: {  	s23 =	simm.s32 $0x1B8B  }
0xa2: {  	_ =	swait.ge [sflag:s23], $0x1  }
0xa3: {  	[sflag:s23] =	ssyncset.done $0x0  }
0xa4: {  	s25 =	simm.s32 $0x1B8E;
	s24 =	sld [smem:$0x3FFE];
	[sflag:s23] =	ssyncadd.s32 $0xFFFFFFFF  }
0xa5: {  	s26 =	simm.s32 $execute0_lowered;
	[smem:$0x3FD2] =	sst s25  }
0xa6: {  	s4 =	sshll.u32 s26, $0x1;
	_ =	strace $0x8000004C;
	[dreg:$0x1] =	wrdreg $0xFFFFFFFF  }
0xa7: {  	s28 =	simm.s32 $_size_execute0_lowered;
	s2 =	sadd.s32 s2, s4;
	[dreg:$0x0] =	wrdreg $0x0  }
0xa8: {  	s4 =	sshll.u32 s28, $0x1;
	[dreg:$0x2] =	wrdreg s2  }
0xa9: {  	[dreg:$0x3] =	wrdreg s4  }
0xaa: {  	[dreg:$0x4] =	wrdreg $0xC0  }
0xab: {  	_ =	task [dreg:s6], $0x5FFFF  }
0xac: {  	[dreg:$0x1] =	wrdreg $0xFFFFFFFF  }
0xad: {  	[dreg:$0x0] =	wrdreg $0x60  }
0xae: {  	[dreg:$0x2] =	wrdreg s24  }
0xaf: {  	[dreg:$0x3] =	wrdreg $0x0  }
0xb0: {  	[dreg:$0x4] =	wrdreg $0x9  }
0xb1: {  	_ =	task.clear_ibuf [dreg:s6], $0x5FFFF;
	_ =	strace $0x9000004C  }
0xb2: {  	s29 =	simm.s32 $0x9;
	_ =	strace $0x8000004E  }
0xb3: {  	_ =	swait.ge [sflag:s29], $0x1  }
0xb4: {  	[sflag:s29] =	ssyncadd.s32 $0xFFFFFFFF  }
0xb5: {  	_ =	strace $0x9000004E  }
0xb6: {  	_ =	sfence  }
0xb7: {  	s30 =	sld [smem:$0x0];
	_ =	sdelay $0x2  }
0xb8: {  	s31 =	sshll.u32 s1, $0xD;
	s1 =	sshrl.u32 s1, $0x2  }
0xb9: {  	s3 =	sand.u32 $0x4000, s31;
	s1 =	sadd.s32 s1, s30  }
0xba: {  	s0 =	sor.u32 s3, s0;
	s1 =	sshll.u32 s1, $0x11  }
0xbb: {  	s0 =	sor.u32 s1, s0  }
0xbc: {  	s0 =	sadd.s32 $0x8F2B, s0  }
0xbd: {  	[sflag:s0] =	ssyncadd.remote.s32 $0x1  }
0xbe: {  	_ =	sfence.sel $0xFFFF  }
0xbf: {  	[dreg:$0x0] =	wrdreg $0xFFFFFFFF;
	(pc) =	sbr.abs _section_cstart, $3  }
0xc0: {  	[dreg:$0x1] =	wrdreg $0xFFFFFFFF  }
0xc1: {  	_ =	task.clear_ibuf [dreg:s6], $0x2FFFF;
	_ =	strace $0x9FFFFFFF  }
0xc2: {  	(tm) =	ssettm $0x7FFFFFFF  }
0xc3: {  	_ =	shalt  }
tec
execute0_lowered:
.L_overlay_start_1:
0x0: {  	(tag) =	ssettag $0x1  }
0x1: {  	s0 =	rddreg [dreg:$0x0]  }
0x2: {  	s1 =	rddreg [dreg:$0x1]  }
0x3: {  	s2 =	srdreg.scid;
	s3 =	simm.s32 $0x0;
	s12 =	stileid.u32  }
0x4: {  	s28 =	simm.s32 $0x2;
	s30 =	simm.s32 $0x3;
	s16 =	simm.s32 $0x15C00  }
0x5: {  	s17 =	simm.s32 $0x15C80;
	s29 =	simm.s32 $0x16680;
	s31 =	simm.s32 $0x15D00  }
0x6: {  	s18 =	simm.s32 $0x16700;
	s2 =	sand.u32 $0x1, s2;
	s8 =	smul.u32 $0x280, s12  }
0x7: {  	[smem:$0x7FF] =	sst s3;
	s4 =	sadd.s32 $0x2CC00, s0;
	s9 =	smul.u32 $0x50000, s12  }
0x8: {  	s5 =	sadd.s32 $0x18C00, s0;
	s6 =	sadd.s32 $0x4C00, s0;
	s21 =	smul.u32 $0x5000, s12  }
0x9: {  	s22 =	sshll.u32 s12, $0x6;
	s7 =	smul.u32 $0x2800, s2;
	_ =	strace $0x8000004D  }
0xa: {  	s20 =	sshll.u32 s2, $0x4;
	s10 =	ssub.s32 $0x2, s2;
	s2 =	smul.u32 $0x50000, s2  }
0xb: {  	s13 =	sor.u32 $0x1C06, s22;
	s22 =	simm.s32 $0x80;
	s11 =	sshrl.u32 s10, $0x1  }
0xc: {  	s9 =	sshrl.u32 s9, $0x2;
	[dreg:$0x4] =	wrdreg s13;
	s7 =	sadd.s32 s8, s7  }
0xd: {  	s8 =	sor.u32 s12, s20;
	s10 =	ssub.s32 s10, s11;
	s9 =	sadd.s32 s9, s1  }
0xe: {  	s2 =	sadd.s32 s21, s2;
	s20 =	simm.s32 $0x15400;
	s21 =	simm.s32 $0x15E00  }
0xf: {  	s12 =	simm.s32 $0x5;
	s11 =	simm.s32 $0x0;
	s7 =	sshll.u32 s7, $0x4  }
0x10: {  	s8 =	smul.u32 $0x5000, s8;
	s25 =	sor.u32 $0xA00, s2;
	s26 =	smax.u32 s10, $0x1  }
0x11: {  	s2 =	sadd.s32 $0x1400, s2;
	s9 =	sshrl.u32 s9, $0x3;
	[dreg:$0x8] =	wrdreg s26  }
0x12: {  	s10 =	simm.s32 $0x6;
	s0 =	sadd.s32 s7, s0;
	[dreg:$0x9] =	wrdreg s2  }
0x13: {  	s7 =	sadd.s32 s4, s7;
	s26 =	simm.s32 $0x1;
	[dreg:$0xa] =	wrdreg s9  }
0x14: {  	s2 =	simm.s32 $0x15D80;
	[dreg:$0x3] =	wrdreg s7;
	s8 =	sshrl.u32 s8, $0x3  }
.Ltmp0:
0x15: {  	s0 =	sadd.s32 $0x7CC00, s0;
	s7 =	simm.s32 $0x16780;
	(pc) =	sbr.rel .LBB2_1-.Ltmp0, $4  }
0x16: {  	s23 =	sadd.s32 s5, s8;
	s24 =	sadd.s32 s6, s8;
	[dreg:$0x7] =	wrdreg s0  }
0x17: {  	s0 =	sshrl.u32 s25, $0x3;
	s25 =	simm.s32 $0x1A800;
	[dreg:$0x5] =	wrdreg s23  }
0x18: {  	[dreg:$0x6] =	wrdreg s24;
	s14 =	sadd.s32 s0, s6;
	s15 =	sadd.s32 s0, s5  }
0x19: {  	s23 =	simm.s32 $0x16800;
	s0 =	simm.s32 $0x4;
	s24 =	simm.s32 $0x16600  }
.LBB2_4:
0x1a: {  	[bflag:$0x0] =	sbarrier.arrive $0xFFFF  }
0x1b: {  	s13 =	rddreg [dreg:$0x4]  }
0x1c: {  	s8 =	rddreg [dreg:$0x7]  }
0x1d: {  	s10 =	simm.s32 $0x6;
	s9 =	rddreg [dreg:$0xa]  }
0x1e: {  	[hbm:s8], [sflag:s13] =	dma.local [spmem:s9], $0x2800  }
0x1f: {  	_ =	swait.ge [sflag:s10], $0x2800  }
0x20: {  	s11 =	rddreg [dreg:$0xb]  }
0x21: {  	s19 =	rddreg [dreg:$0x8];
	s11 =	sadd.s32 $0x1, s11  }
0x22: {  	p0 =	sne.s32 s11, s19  }
.Ltmp1:
0x23: {  	_ = 	snop;
	(pc) =	sbr.rel @!p0 .LBB2_5-.Ltmp1, $3  }
0x24: {  	_ =	sdelay $0x1  }
0x25: {  	[sflag:s10] =	ssyncset.done $0x0  }
0x26: {  	[sflag:s10] =	ssyncadd.s32 $0xFFFFD800  }
.LBB2_1:
0x27: {  	[dreg:$0xb] =	wrdreg s11  }
0x28: {  	s8 =	rddreg [dreg:$0x3]  }
0x29: {  	[spmem:s9], [sflag:s13] =	dma.local [hbm:s8], $0x2800  }
0x2a: {  	_ =	swait.ge [sflag:s10], $0x2800  }
0x2b: {  	[sflag:s10] =	ssyncset.done $0x0  }
0x2c: {  	[sflag:s10] =	ssyncadd.s32 $0xFFFFD800  }
0x2d: {  	[bflag:$0x0] =	sbarrier.arrive $0xFFFF  }
0x2e: {  	s11 =	simm.s32 $0x14000;
	s9 =	rddreg [dreg:$0x5]  }
0x2f: {  	[tilespmem:s11], [sflag:$0x6] =	stream.linear.gather [hbm4b:s9+s3], $0xA00, $0x38;
	[tilespmem:$0x1E800] =	vst v63  }
0x30: {  	_ =	swait.ge [sflag:s10], $0xA00  }
0x31: {  	[sflag:s10] =	ssyncset.done $0x0  }
0x32: {  	s19 =	simm.s32 $0x14A00;
	s13 =	rddreg [dreg:$0x6];
	[sflag:s10] =	ssyncadd.s32 $0xFFFFF600  }
0x33: {  	[tilespmem:s19], [sflag:$0x6] =	stream.linear.gather [hbm4b:s13+s3], $0xA00, $0x38;
	[tilespmem:$0x1E800] =	vst v63  }
0x34: {  	_ =	swait.ge [sflag:s10], $0xA00  }
0x35: {  	[sflag:s10] =	ssyncset.done $0x0  }
0x36: {  	s19 =	simm.s32 $0x0;
	s9 =	rddreg [dreg:$0x9];
	[sflag:s10] =	ssyncadd.s32 $0xFFFFF600  }
.LBB2_2:
0x37: {  	s10 =	sadd.s32 s19, s15  }
0x38: {  	[tilespmem:s20], [sflag:$0x5] =	stream.linear.gather [hbm4b:s10+s3], $0xA00, $0x38;
	[tilespmem:$0x1E800] =	vst v63  }
0x39: {  	s8 =	sadd.s32 s19, s14  }
0x3a: {  	[tilespmem:s21], [sflag:$0x5] =	stream.linear.gather [hbm4b:s8+s3], $0xA00, $0x38;
	[tilespmem:$0x1E800] =	vst v63  }
0x3b: {  	s8 =	simm.s32 $0x14000  }
0x3c: {  	[tilespmem:s23], [sflag:$0x1] =	stream.indirect.gather [hbm4b:s4+s22], $0x80, s8, s22, $0xb8;
	[tilespmem:$0x1E800] =	vst v63  }
0x3d: {  	s10 =	simm.s32 $0x14080  }
0x3e: {  	[tilespmem:s25], [sflag:$0x2] =	stream.indirect.gather [hbm4b:s4+s22], $0x80, s10, s22, $0xb8;
	[tilespmem:$0x1E800] =	vst v63  }
0x3f: {  	_ =	swait.ge [sflag:s26], $0x4000  }
0x40: {  	[sflag:s26] =	ssyncset.done $0x0  }
0x41: {  	s11 =	simm.s32 $0x14A00;
	[sflag:s26] =	ssyncadd.s32 $0xFFFFC000  }
0x42: {  	[spmem:s1] =	stream.indirect.scatter.add.f32 [tilespmem:s23], [sflag:$0x3], $0x80, s11, s22, $0xb8;
	[tilespmem:$0x1E800] =	vst v63  }
0x43: {  	_ =	swait.ge [sflag:s28], $0x4000  }
0x44: {  	[sflag:s28] =	ssyncset.done $0x0  }
0x45: {  	s13 =	simm.s32 $0x14A80;
	[sflag:s28] =	ssyncadd.s32 $0xFFFFC000  }
0x46: {  	[spmem:s1] =	stream.indirect.scatter.add.f32 [tilespmem:s25], [sflag:$0x4], $0x80, s13, s22, $0xb8;
	[tilespmem:$0x1E800] =	vst v63  }
0x47: {  	_ =	swait.ge [sflag:s30], $0x4000  }
0x48: {  	[sflag:s30] =	ssyncset.done $0x0  }
0x49: {  	s10 =	simm.s32 $0x14100;
	[sflag:s30] =	ssyncadd.s32 $0xFFFFC000  }
0x4a: {  	[tilespmem:s23], [sflag:$0x1] =	stream.indirect.gather [hbm4b:s4+s22], $0x80, s10, s22, $0xb8;
	[tilespmem:$0x1E800] =	vst v63  }
0x4b: {  	_ =	swait.ge [sflag:s0], $0x4000  }
0x4c: {  	[sflag:s0] =	ssyncset.done $0x0  }
0x4d: {  	s11 =	simm.s32 $0x14180;
	[sflag:s0] =	ssyncadd.s32 $0xFFFFC000  }
0x4e: {  	[tilespmem:s25], [sflag:$0x2] =	stream.indirect.gather [hbm4b:s4+s22], $0x80, s11, s22, $0xb8;
	[tilespmem:$0x1E800] =	vst v63  }
0x4f: {  	_ =	swait.ge [sflag:s26], $0x4000  }
0x50: {  	[sflag:s26] =	ssyncset.done $0x0  }
0x51: {  	s13 =	simm.s32 $0x14B00;
	[sflag:s26] =	ssyncadd.s32 $0xFFFFC000  }
0x52: {  	[spmem:s1] =	stream.indirect.scatter.add.f32 [tilespmem:s23], [sflag:$0x3], $0x80, s13, s22, $0xb8;
	[tilespmem:$0x1E800] =	vst v63  }
0x53: {  	_ =	swait.ge [sflag:s28], $0x4000  }
0x54: {  	[sflag:s28] =	ssyncset.done $0x0  }
0x55: {  	s10 =	simm.s32 $0x14B80;
	[sflag:s28] =	ssyncadd.s32 $0xFFFFC000  }
0x56: {  	[spmem:s1] =	stream.indirect.scatter.add.f32 [tilespmem:s25], [sflag:$0x4], $0x80, s10, s22, $0xb8;
	[tilespmem:$0x1E800] =	vst v63  }
0x57: {  	_ =	swait.ge [sflag:s30], $0x4000  }
0x58: {  	[sflag:s30] =	ssyncset.done $0x0  }
0x59: {  	s11 =	simm.s32 $0x14200;
	[sflag:s30] =	ssyncadd.s32 $0xFFFFC000  }
0x5a: {  	[tilespmem:s23], [sflag:$0x1] =	stream.indirect.gather [hbm4b:s4+s22], $0x80, s11, s22, $0xb8;
	[tilespmem:$0x1E800] =	vst v63  }
0x5b: {  	_ =	swait.ge [sflag:s0], $0x4000  }
0x5c: {  	[sflag:s0] =	ssyncset.done $0x0  }
0x5d: {  	s13 =	simm.s32 $0x14280;
	[sflag:s0] =	ssyncadd.s32 $0xFFFFC000  }
0x5e: {  	[tilespmem:s25], [sflag:$0x2] =	stream.indirect.gather [hbm4b:s4+s22], $0x80, s13, s22, $0xb8;
	[tilespmem:$0x1E800] =	vst v63  }
0x5f: {  	_ =	swait.ge [sflag:s26], $0x4000  }
0x60: {  	[sflag:s26] =	ssyncset.done $0x0  }
0x61: {  	s10 =	simm.s32 $0x14C00;
	[sflag:s26] =	ssyncadd.s32 $0xFFFFC000  }
0x62: {  	[spmem:s1] =	stream.indirect.scatter.add.f32 [tilespmem:s23], [sflag:$0x3], $0x80, s10, s22, $0xb8;
	[tilespmem:$0x1E800] =	vst v63  }
0x63: {  	_ =	swait.ge [sflag:s28], $0x4000  }
0x64: {  	[sflag:s28] =	ssyncset.done $0x0  }
0x65: {  	s11 =	simm.s32 $0x14C80;
	[sflag:s28] =	ssyncadd.s32 $0xFFFFC000  }
0x66: {  	[spmem:s1] =	stream.indirect.scatter.add.f32 [tilespmem:s25], [sflag:$0x4], $0x80, s11, s22, $0xb8;
	[tilespmem:$0x1E800] =	vst v63  }
0x67: {  	_ =	swait.ge [sflag:s30], $0x4000  }
0x68: {  	[sflag:s30] =	ssyncset.done $0x0  }
0x69: {  	s13 =	simm.s32 $0x14300;
	[sflag:s30] =	ssyncadd.s32 $0xFFFFC000  }
0x6a: {  	[tilespmem:s23], [sflag:$0x1] =	stream.indirect.gather [hbm4b:s4+s22], $0x80, s13, s22, $0xb8;
	[tilespmem:$0x1E800] =	vst v63  }
0x6b: {  	_ =	swait.ge [sflag:s0], $0x4000  }
0x6c: {  	[sflag:s0] =	ssyncset.done $0x0  }
0x6d: {  	s10 =	simm.s32 $0x14380;
	[sflag:s0] =	ssyncadd.s32 $0xFFFFC000  }
0x6e: {  	[tilespmem:s25], [sflag:$0x2] =	stream.indirect.gather [hbm4b:s4+s22], $0x80, s10, s22, $0xb8;
	[tilespmem:$0x1E800] =	vst v63  }
0x6f: {  	_ =	swait.ge [sflag:s26], $0x4000  }
0x70: {  	[sflag:s26] =	ssyncset.done $0x0  }
0x71: {  	s11 =	simm.s32 $0x14D00;
	[sflag:s26] =	ssyncadd.s32 $0xFFFFC000  }
0x72: {  	[spmem:s1] =	stream.indirect.scatter.add.f32 [tilespmem:s23], [sflag:$0x3], $0x80, s11, s22, $0xb8;
	[tilespmem:$0x1E800] =	vst v63  }
0x73: {  	_ =	swait.ge [sflag:s28], $0x4000  }
0x74: {  	[sflag:s28] =	ssyncset.done $0x0  }
0x75: {  	s13 =	simm.s32 $0x14D80;
	[sflag:s28] =	ssyncadd.s32 $0xFFFFC000  }
0x76: {  	[spmem:s1] =	stream.indirect.scatter.add.f32 [tilespmem:s25], [sflag:$0x4], $0x80, s13, s22, $0xb8;
	[tilespmem:$0x1E800] =	vst v63  }
0x77: {  	_ =	swait.ge [sflag:s30], $0x4000  }
0x78: {  	[sflag:s30] =	ssyncset.done $0x0  }
0x79: {  	s10 =	simm.s32 $0x14400;
	[sflag:s30] =	ssyncadd.s32 $0xFFFFC000  }
0x7a: {  	[tilespmem:s23], [sflag:$0x1] =	stream.indirect.gather [hbm4b:s4+s22], $0x80, s10, s22, $0xb8;
	[tilespmem:$0x1E800] =	vst v63  }
0x7b: {  	_ =	swait.ge [sflag:s0], $0x4000  }
0x7c: {  	[sflag:s0] =	ssyncset.done $0x0  }
0x7d: {  	s11 =	simm.s32 $0x14480;
	[sflag:s0] =	ssyncadd.s32 $0xFFFFC000  }
0x7e: {  	[tilespmem:s25], [sflag:$0x2] =	stream.indirect.gather [hbm4b:s4+s22], $0x80, s11, s22, $0xb8;
	[tilespmem:$0x1E800] =	vst v63  }
0x7f: {  	_ =	swait.ge [sflag:s26], $0x4000  }
0x80: {  	[sflag:s26] =	ssyncset.done $0x0  }
0x81: {  	s13 =	simm.s32 $0x14E00;
	[sflag:s26] =	ssyncadd.s32 $0xFFFFC000  }
0x82: {  	[spmem:s1] =	stream.indirect.scatter.add.f32 [tilespmem:s23], [sflag:$0x3], $0x80, s13, s22, $0xb8;
	[tilespmem:$0x1E800] =	vst v63  }
0x83: {  	_ =	swait.ge [sflag:s28], $0x4000  }
0x84: {  	[sflag:s28] =	ssyncset.done $0x0  }
0x85: {  	s10 =	simm.s32 $0x14E80;
	[sflag:s28] =	ssyncadd.s32 $0xFFFFC000  }
0x86: {  	[spmem:s1] =	stream.indirect.scatter.add.f32 [tilespmem:s25], [sflag:$0x4], $0x80, s10, s22, $0xb8;
	[tilespmem:$0x1E800] =	vst v63  }
0x87: {  	_ =	swait.ge [sflag:s30], $0x4000  }
0x88: {  	[sflag:s30] =	ssyncset.done $0x0  }
0x89: {  	s11 =	simm.s32 $0x14500;
	[sflag:s30] =	ssyncadd.s32 $0xFFFFC000  }
0x8a: {  	[tilespmem:s23], [sflag:$0x1] =	stream.indirect.gather [hbm4b:s4+s22], $0x80, s11, s22, $0xb8;
	[tilespmem:$0x1E800] =	vst v63  }
0x8b: {  	_ =	swait.ge [sflag:s0], $0x4000  }
0x8c: {  	[sflag:s0] =	ssyncset.done $0x0  }
0x8d: {  	s13 =	simm.s32 $0x14580;
	[sflag:s0] =	ssyncadd.s32 $0xFFFFC000  }
0x8e: {  	[tilespmem:s25], [sflag:$0x2] =	stream.indirect.gather [hbm4b:s4+s22], $0x80, s13, s22, $0xb8;
	[tilespmem:$0x1E800] =	vst v63  }
0x8f: {  	_ =	swait.ge [sflag:s26], $0x4000  }
0x90: {  	[sflag:s26] =	ssyncset.done $0x0  }
0x91: {  	s10 =	simm.s32 $0x14F00;
	[sflag:s26] =	ssyncadd.s32 $0xFFFFC000  }
0x92: {  	[spmem:s1] =	stream.indirect.scatter.add.f32 [tilespmem:s23], [sflag:$0x3], $0x80, s10, s22, $0xb8;
	[tilespmem:$0x1E800] =	vst v63  }
0x93: {  	_ =	swait.ge [sflag:s28], $0x4000  }
0x94: {  	[sflag:s28] =	ssyncset.done $0x0  }
0x95: {  	s11 =	simm.s32 $0x14F80;
	[sflag:s28] =	ssyncadd.s32 $0xFFFFC000  }
0x96: {  	[spmem:s1] =	stream.indirect.scatter.add.f32 [tilespmem:s25], [sflag:$0x4], $0x80, s11, s22, $0xb8;
	[tilespmem:$0x1E800] =	vst v63  }
0x97: {  	_ =	swait.ge [sflag:s30], $0x4000  }
0x98: {  	[sflag:s30] =	ssyncset.done $0x0  }
0x99: {  	s13 =	simm.s32 $0x14600;
	[sflag:s30] =	ssyncadd.s32 $0xFFFFC000  }
0x9a: {  	[tilespmem:s23], [sflag:$0x1] =	stream.indirect.gather [hbm4b:s4+s22], $0x80, s13, s22, $0xb8;
	[tilespmem:$0x1E800] =	vst v63  }
0x9b: {  	_ =	swait.ge [sflag:s0], $0x4000  }
0x9c: {  	[sflag:s0] =	ssyncset.done $0x0  }
0x9d: {  	s10 =	simm.s32 $0x14680;
	[sflag:s0] =	ssyncadd.s32 $0xFFFFC000  }
0x9e: {  	[tilespmem:s25], [sflag:$0x2] =	stream.indirect.gather [hbm4b:s4+s22], $0x80, s10, s22, $0xb8;
	[tilespmem:$0x1E800] =	vst v63  }
0x9f: {  	_ =	swait.ge [sflag:s26], $0x4000  }
0xa0: {  	[sflag:s26] =	ssyncset.done $0x0  }
0xa1: {  	s11 =	simm.s32 $0x15000;
	[sflag:s26] =	ssyncadd.s32 $0xFFFFC000  }
0xa2: {  	[spmem:s1] =	stream.indirect.scatter.add.f32 [tilespmem:s23], [sflag:$0x3], $0x80, s11, s22, $0xb8;
	[tilespmem:$0x1E800] =	vst v63  }
0xa3: {  	_ =	swait.ge [sflag:s28], $0x4000  }
0xa4: {  	[sflag:s28] =	ssyncset.done $0x0  }
0xa5: {  	s13 =	simm.s32 $0x15080;
	[sflag:s28] =	ssyncadd.s32 $0xFFFFC000  }
0xa6: {  	[spmem:s1] =	stream.indirect.scatter.add.f32 [tilespmem:s25], [sflag:$0x4], $0x80, s13, s22, $0xb8;
	[tilespmem:$0x1E800] =	vst v63  }
0xa7: {  	_ =	swait.ge [sflag:s30], $0x4000  }
0xa8: {  	[sflag:s30] =	ssyncset.done $0x0  }
0xa9: {  	s10 =	simm.s32 $0x14700;
	[sflag:s30] =	ssyncadd.s32 $0xFFFFC000  }
0xaa: {  	[tilespmem:s23], [sflag:$0x1] =	stream.indirect.gather [hbm4b:s4+s22], $0x80, s10, s22, $0xb8;
	[tilespmem:$0x1E800] =	vst v63  }
0xab: {  	_ =	swait.ge [sflag:s0], $0x4000  }
0xac: {  	[sflag:s0] =	ssyncset.done $0x0  }
0xad: {  	s11 =	simm.s32 $0x14780;
	[sflag:s0] =	ssyncadd.s32 $0xFFFFC000  }
0xae: {  	[tilespmem:s25], [sflag:$0x2] =	stream.indirect.gather [hbm4b:s4+s22], $0x80, s11, s22, $0xb8;
	[tilespmem:$0x1E800] =	vst v63  }
0xaf: {  	_ =	swait.ge [sflag:s26], $0x4000  }
0xb0: {  	[sflag:s26] =	ssyncset.done $0x0  }
0xb1: {  	s13 =	simm.s32 $0x15100;
	[sflag:s26] =	ssyncadd.s32 $0xFFFFC000  }
0xb2: {  	[spmem:s1] =	stream.indirect.scatter.add.f32 [tilespmem:s23], [sflag:$0x3], $0x80, s13, s22, $0xb8;
	[tilespmem:$0x1E800] =	vst v63  }
0xb3: {  	_ =	swait.ge [sflag:s28], $0x4000  }
0xb4: {  	[sflag:s28] =	ssyncset.done $0x0  }
0xb5: {  	s10 =	simm.s32 $0x15180;
	[sflag:s28] =	ssyncadd.s32 $0xFFFFC000  }
0xb6: {  	[spmem:s1] =	stream.indirect.scatter.add.f32 [tilespmem:s25], [sflag:$0x4], $0x80, s10, s22, $0xb8;
	[tilespmem:$0x1E800] =	vst v63  }
0xb7: {  	_ =	swait.ge [sflag:s30], $0x4000  }
0xb8: {  	[sflag:s30] =	ssyncset.done $0x0  }
0xb9: {  	s11 =	simm.s32 $0x14800;
	[sflag:s30] =	ssyncadd.s32 $0xFFFFC000  }
0xba: {  	[tilespmem:s23], [sflag:$0x1] =	stream.indirect.gather [hbm4b:s4+s22], $0x80, s11, s22, $0xb8;
	[tilespmem:$0x1E800] =	vst v63  }
0xbb: {  	_ =	swait.ge [sflag:s0], $0x4000  }
0xbc: {  	[sflag:s0] =	ssyncset.done $0x0  }
0xbd: {  	s13 =	simm.s32 $0x14880;
	[sflag:s0] =	ssyncadd.s32 $0xFFFFC000  }
0xbe: {  	[tilespmem:s25], [sflag:$0x2] =	stream.indirect.gather [hbm4b:s4+s22], $0x80, s13, s22, $0xb8;
	[tilespmem:$0x1E800] =	vst v63  }
0xbf: {  	_ =	swait.ge [sflag:s26], $0x4000  }
0xc0: {  	[sflag:s26] =	ssyncset.done $0x0  }
0xc1: {  	s10 =	simm.s32 $0x15200;
	[sflag:s26] =	ssyncadd.s32 $0xFFFFC000  }
0xc2: {  	[spmem:s1] =	stream.indirect.scatter.add.f32 [tilespmem:s23], [sflag:$0x3], $0x80, s10, s22, $0xb8;
	[tilespmem:$0x1E800] =	vst v63  }
0xc3: {  	_ =	swait.ge [sflag:s28], $0x4000  }
0xc4: {  	[sflag:s28] =	ssyncset.done $0x0  }
0xc5: {  	s11 =	simm.s32 $0x15280;
	[sflag:s28] =	ssyncadd.s32 $0xFFFFC000  }
0xc6: {  	[spmem:s1] =	stream.indirect.scatter.add.f32 [tilespmem:s25], [sflag:$0x4], $0x80, s11, s22, $0xb8;
	[tilespmem:$0x1E800] =	vst v63  }
0xc7: {  	_ =	swait.ge [sflag:s30], $0x4000  }
0xc8: {  	[sflag:s30] =	ssyncset.done $0x0  }
0xc9: {  	s13 =	simm.s32 $0x14900;
	[sflag:s30] =	ssyncadd.s32 $0xFFFFC000  }
0xca: {  	[tilespmem:s23], [sflag:$0x1] =	stream.indirect.gather [hbm4b:s4+s22], $0x80, s13, s22, $0xb8;
	[tilespmem:$0x1E800] =	vst v63  }
0xcb: {  	_ =	swait.ge [sflag:s0], $0x4000  }
0xcc: {  	[sflag:s0] =	ssyncset.done $0x0  }
0xcd: {  	s10 =	simm.s32 $0x14980;
	[sflag:s0] =	ssyncadd.s32 $0xFFFFC000  }
0xce: {  	[tilespmem:s25], [sflag:$0x2] =	stream.indirect.gather [hbm4b:s4+s22], $0x80, s10, s22, $0xb8;
	[tilespmem:$0x1E800] =	vst v63  }
0xcf: {  	_ =	swait.ge [sflag:s26], $0x4000  }
0xd0: {  	[sflag:s26] =	ssyncset.done $0x0  }
0xd1: {  	s11 =	simm.s32 $0x15300;
	[sflag:s26] =	ssyncadd.s32 $0xFFFFC000  }
0xd2: {  	[spmem:s1] =	stream.indirect.scatter.add.f32 [tilespmem:s23], [sflag:$0x3], $0x80, s11, s22, $0xb8;
	[tilespmem:$0x1E800] =	vst v63  }
0xd3: {  	_ =	swait.ge [sflag:s28], $0x4000  }
0xd4: {  	[sflag:s28] =	ssyncset.done $0x0  }
0xd5: {  	s13 =	simm.s32 $0x15380;
	[sflag:s28] =	ssyncadd.s32 $0xFFFFC000  }
0xd6: {  	[spmem:s1] =	stream.indirect.scatter.add.f32 [tilespmem:s25], [sflag:$0x4], $0x80, s13, s22, $0xb8;
	[tilespmem:$0x1E800] =	vst v63  }
0xd7: {  	_ =	swait.ge [sflag:s30], $0x4000  }
0xd8: {  	[sflag:s30] =	ssyncset.done $0x0  }
0xd9: {  	[sflag:s30] =	ssyncadd.s32 $0xFFFFC000  }
0xda: {  	_ =	swait.ge [sflag:s0], $0x4000  }
0xdb: {  	[sflag:s0] =	ssyncset.done $0x0  }
0xdc: {  	[sflag:s0] =	ssyncadd.s32 $0xFFFFC000  }
0xdd: {  	_ =	swait.ge [sflag:s12], $0xA00  }
0xde: {  	[sflag:s12] =	ssyncset.done $0x0  }
0xdf: {  	[sflag:s12] =	ssyncadd.s32 $0xFFFFF600  }
0xe0: {  	p0 =	seq.s32 s19, $0x780;
	_ =	swait.ge [sflag:s12], $0xA00  }
0xe1: {  	s8 =	simm.s32 @!p0 $0x14000;
	s10 =	sshrl.u32 @!p0 s9, $0x3;
	[sflag:s12] =	ssyncset.done $0x0  }
0xe2: {  	s11 =	sadd.s32 @!p0 s5, s10;
	s13 =	simm.s32 @!p0 $0x0;
	[sflag:s12] =	ssyncadd.s32 $0xFFFFF600  }
0xe3: {  	[tilespmem:s8], [sflag:$0x5] =	stream.linear.gather @!p0 [hbm4b:s11+s13], $0xA00, $0x38;
	[tilespmem:$0x1E800] =	vst v63  }
0xe4: {  	s8 =	sadd.s32 @!p0 s6, s10;
	s10 =	simm.s32 @!p0 $0x14A00  }
0xe5: {  	[tilespmem:s10], [sflag:$0x5] =	stream.linear.gather @!p0 [hbm4b:s8+s13], $0xA00, $0x38;
	[tilespmem:$0x1E800] =	vst v63  }
0xe6: {  	_ = 	snop  }
0xe7: {  	[tilespmem:s23], [sflag:$0x1] =	stream.indirect.gather [hbm4b:s4+s22], $0x80, s20, s22, $0xb8;
	[tilespmem:$0x1E800] =	vst v63  }
0xe8: {  	s10 =	simm.s32 $0x15480  }
0xe9: {  	[tilespmem:s25], [sflag:$0x2] =	stream.indirect.gather [hbm4b:s4+s22], $0x80, s10, s22, $0xb8;
	[tilespmem:$0x1E800] =	vst v63  }
0xea: {  	_ =	swait.ge [sflag:s26], $0x4000  }
0xeb: {  	[sflag:s26] =	ssyncset.done $0x0  }
0xec: {  	[sflag:s26] =	ssyncadd.s32 $0xFFFFC000  }
0xed: {  	[spmem:s1] =	stream.indirect.scatter.add.f32 [tilespmem:s23], [sflag:$0x3], $0x80, s21, s22, $0xb8;
	[tilespmem:$0x1E800] =	vst v63  }
0xee: {  	_ =	swait.ge [sflag:s28], $0x4000  }
0xef: {  	[sflag:s28] =	ssyncset.done $0x0  }
0xf0: {  	s11 =	simm.s32 $0x15E80;
	[sflag:s28] =	ssyncadd.s32 $0xFFFFC000  }
0xf1: {  	[spmem:s1] =	stream.indirect.scatter.add.f32 [tilespmem:s25], [sflag:$0x4], $0x80, s11, s22, $0xb8;
	[tilespmem:$0x1E800] =	vst v63  }
0xf2: {  	_ =	swait.ge [sflag:s30], $0x4000  }
0xf3: {  	[sflag:s30] =	ssyncset.done $0x0  }
0xf4: {  	s13 =	simm.s32 $0x15500;
	[sflag:s30] =	ssyncadd.s32 $0xFFFFC000  }
0xf5: {  	[tilespmem:s23], [sflag:$0x1] =	stream.indirect.gather [hbm4b:s4+s22], $0x80, s13, s22, $0xb8;
	[tilespmem:$0x1E800] =	vst v63  }
0xf6: {  	_ =	swait.ge [sflag:s0], $0x4000  }
0xf7: {  	[sflag:s0] =	ssyncset.done $0x0  }
0xf8: {  	s10 =	simm.s32 $0x15580;
	[sflag:s0] =	ssyncadd.s32 $0xFFFFC000  }
0xf9: {  	[tilespmem:s25], [sflag:$0x2] =	stream.indirect.gather [hbm4b:s4+s22], $0x80, s10, s22, $0xb8;
	[tilespmem:$0x1E800] =	vst v63  }
0xfa: {  	_ =	swait.ge [sflag:s26], $0x4000  }
0xfb: {  	[sflag:s26] =	ssyncset.done $0x0  }
0xfc: {  	s11 =	simm.s32 $0x15F00;
	[sflag:s26] =	ssyncadd.s32 $0xFFFFC000  }
0xfd: {  	[spmem:s1] =	stream.indirect.scatter.add.f32 [tilespmem:s23], [sflag:$0x3], $0x80, s11, s22, $0xb8;
	[tilespmem:$0x1E800] =	vst v63  }
0xfe: {  	_ =	swait.ge [sflag:s28], $0x4000  }
0xff: {  	[sflag:s28] =	ssyncset.done $0x0  }
0x100: {  	s13 =	simm.s32 $0x15F80;
	[sflag:s28] =	ssyncadd.s32 $0xFFFFC000  }
0x101: {  	[spmem:s1] =	stream.indirect.scatter.add.f32 [tilespmem:s25], [sflag:$0x4], $0x80, s13, s22, $0xb8;
	[tilespmem:$0x1E800] =	vst v63  }
0x102: {  	_ =	swait.ge [sflag:s30], $0x4000  }
0x103: {  	[sflag:s30] =	ssyncset.done $0x0  }
0x104: {  	s10 =	simm.s32 $0x15600;
	[sflag:s30] =	ssyncadd.s32 $0xFFFFC000  }
0x105: {  	[tilespmem:s23], [sflag:$0x1] =	stream.indirect.gather [hbm4b:s4+s22], $0x80, s10, s22, $0xb8;
	[tilespmem:$0x1E800] =	vst v63  }
0x106: {  	_ =	swait.ge [sflag:s0], $0x4000  }
0x107: {  	[sflag:s0] =	ssyncset.done $0x0  }
0x108: {  	s11 =	simm.s32 $0x15680;
	[sflag:s0] =	ssyncadd.s32 $0xFFFFC000  }
0x109: {  	[tilespmem:s25], [sflag:$0x2] =	stream.indirect.gather [hbm4b:s4+s22], $0x80, s11, s22, $0xb8;
	[tilespmem:$0x1E800] =	vst v63  }
0x10a: {  	_ =	swait.ge [sflag:s26], $0x4000  }
0x10b: {  	[sflag:s26] =	ssyncset.done $0x0  }
0x10c: {  	s13 =	simm.s32 $0x16000;
	[sflag:s26] =	ssyncadd.s32 $0xFFFFC000  }
0x10d: {  	[spmem:s1] =	stream.indirect.scatter.add.f32 [tilespmem:s23], [sflag:$0x3], $0x80, s13, s22, $0xb8;
	[tilespmem:$0x1E800] =	vst v63  }
0x10e: {  	_ =	swait.ge [sflag:s28], $0x4000  }
0x10f: {  	[sflag:s28] =	ssyncset.done $0x0  }
0x110: {  	s10 =	simm.s32 $0x16080;
	[sflag:s28] =	ssyncadd.s32 $0xFFFFC000  }
0x111: {  	[spmem:s1] =	stream.indirect.scatter.add.f32 [tilespmem:s25], [sflag:$0x4], $0x80, s10, s22, $0xb8;
	[tilespmem:$0x1E800] =	vst v63  }
0x112: {  	_ =	swait.ge [sflag:s30], $0x4000  }
0x113: {  	[sflag:s30] =	ssyncset.done $0x0  }
0x114: {  	s11 =	simm.s32 $0x15700;
	[sflag:s30] =	ssyncadd.s32 $0xFFFFC000  }
0x115: {  	[tilespmem:s23], [sflag:$0x1] =	stream.indirect.gather [hbm4b:s4+s22], $0x80, s11, s22, $0xb8;
	[tilespmem:$0x1E800] =	vst v63  }
0x116: {  	_ =	swait.ge [sflag:s0], $0x4000  }
0x117: {  	[sflag:s0] =	ssyncset.done $0x0  }
0x118: {  	s13 =	simm.s32 $0x15780;
	[sflag:s0] =	ssyncadd.s32 $0xFFFFC000  }
0x119: {  	[tilespmem:s25], [sflag:$0x2] =	stream.indirect.gather [hbm4b:s4+s22], $0x80, s13, s22, $0xb8;
	[tilespmem:$0x1E800] =	vst v63  }
0x11a: {  	_ =	swait.ge [sflag:s26], $0x4000  }
0x11b: {  	[sflag:s26] =	ssyncset.done $0x0  }
0x11c: {  	s10 =	simm.s32 $0x16100;
	[sflag:s26] =	ssyncadd.s32 $0xFFFFC000  }
0x11d: {  	[spmem:s1] =	stream.indirect.scatter.add.f32 [tilespmem:s23], [sflag:$0x3], $0x80, s10, s22, $0xb8;
	[tilespmem:$0x1E800] =	vst v63  }
0x11e: {  	_ =	swait.ge [sflag:s28], $0x4000  }
0x11f: {  	[sflag:s28] =	ssyncset.done $0x0  }
0x120: {  	s11 =	simm.s32 $0x16180;
	[sflag:s28] =	ssyncadd.s32 $0xFFFFC000  }
0x121: {  	[spmem:s1] =	stream.indirect.scatter.add.f32 [tilespmem:s25], [sflag:$0x4], $0x80, s11, s22, $0xb8;
	[tilespmem:$0x1E800] =	vst v63  }
0x122: {  	_ =	swait.ge [sflag:s30], $0x4000  }
0x123: {  	[sflag:s30] =	ssyncset.done $0x0  }
0x124: {  	s13 =	simm.s32 $0x15800;
	[sflag:s30] =	ssyncadd.s32 $0xFFFFC000  }
0x125: {  	[tilespmem:s23], [sflag:$0x1] =	stream.indirect.gather [hbm4b:s4+s22], $0x80, s13, s22, $0xb8;
	[tilespmem:$0x1E800] =	vst v63  }
0x126: {  	_ =	swait.ge [sflag:s0], $0x4000  }
0x127: {  	[sflag:s0] =	ssyncset.done $0x0  }
0x128: {  	s10 =	simm.s32 $0x15880;
	[sflag:s0] =	ssyncadd.s32 $0xFFFFC000  }
0x129: {  	[tilespmem:s25], [sflag:$0x2] =	stream.indirect.gather [hbm4b:s4+s22], $0x80, s10, s22, $0xb8;
	[tilespmem:$0x1E800] =	vst v63  }
0x12a: {  	_ =	swait.ge [sflag:s26], $0x4000  }
0x12b: {  	[sflag:s26] =	ssyncset.done $0x0  }
0x12c: {  	s11 =	simm.s32 $0x16200;
	[sflag:s26] =	ssyncadd.s32 $0xFFFFC000  }
0x12d: {  	[spmem:s1] =	stream.indirect.scatter.add.f32 [tilespmem:s23], [sflag:$0x3], $0x80, s11, s22, $0xb8;
	[tilespmem:$0x1E800] =	vst v63  }
0x12e: {  	_ =	swait.ge [sflag:s28], $0x4000  }
0x12f: {  	[sflag:s28] =	ssyncset.done $0x0  }
0x130: {  	s13 =	simm.s32 $0x16280;
	[sflag:s28] =	ssyncadd.s32 $0xFFFFC000  }
0x131: {  	[spmem:s1] =	stream.indirect.scatter.add.f32 [tilespmem:s25], [sflag:$0x4], $0x80, s13, s22, $0xb8;
	[tilespmem:$0x1E800] =	vst v63  }
0x132: {  	_ =	swait.ge [sflag:s30], $0x4000  }
0x133: {  	[sflag:s30] =	ssyncset.done $0x0  }
0x134: {  	s10 =	simm.s32 $0x15900;
	[sflag:s30] =	ssyncadd.s32 $0xFFFFC000  }
0x135: {  	[tilespmem:s23], [sflag:$0x1] =	stream.indirect.gather [hbm4b:s4+s22], $0x80, s10, s22, $0xb8;
	[tilespmem:$0x1E800] =	vst v63  }
0x136: {  	_ =	swait.ge [sflag:s0], $0x4000  }
0x137: {  	[sflag:s0] =	ssyncset.done $0x0  }
0x138: {  	s11 =	simm.s32 $0x15980;
	[sflag:s0] =	ssyncadd.s32 $0xFFFFC000  }
0x139: {  	[tilespmem:s25], [sflag:$0x2] =	stream.indirect.gather [hbm4b:s4+s22], $0x80, s11, s22, $0xb8;
	[tilespmem:$0x1E800] =	vst v63  }
0x13a: {  	_ =	swait.ge [sflag:s26], $0x4000  }
0x13b: {  	[sflag:s26] =	ssyncset.done $0x0  }
0x13c: {  	s13 =	simm.s32 $0x16300;
	[sflag:s26] =	ssyncadd.s32 $0xFFFFC000  }
0x13d: {  	[spmem:s1] =	stream.indirect.scatter.add.f32 [tilespmem:s23], [sflag:$0x3], $0x80, s13, s22, $0xb8;
	[tilespmem:$0x1E800] =	vst v63  }
0x13e: {  	_ =	swait.ge [sflag:s28], $0x4000  }
0x13f: {  	[sflag:s28] =	ssyncset.done $0x0  }
0x140: {  	s10 =	simm.s32 $0x16380;
	[sflag:s28] =	ssyncadd.s32 $0xFFFFC000  }
0x141: {  	[spmem:s1] =	stream.indirect.scatter.add.f32 [tilespmem:s25], [sflag:$0x4], $0x80, s10, s22, $0xb8;
	[tilespmem:$0x1E800] =	vst v63  }
0x142: {  	_ =	swait.ge [sflag:s30], $0x4000  }
0x143: {  	[sflag:s30] =	ssyncset.done $0x0  }
0x144: {  	s11 =	simm.s32 $0x15A00;
	[sflag:s30] =	ssyncadd.s32 $0xFFFFC000  }
0x145: {  	[tilespmem:s23], [sflag:$0x1] =	stream.indirect.gather [hbm4b:s4+s22], $0x80, s11, s22, $0xb8;
	[tilespmem:$0x1E800] =	vst v63  }
0x146: {  	_ =	swait.ge [sflag:s0], $0x4000  }
0x147: {  	[sflag:s0] =	ssyncset.done $0x0  }
0x148: {  	s13 =	simm.s32 $0x15A80;
	[sflag:s0] =	ssyncadd.s32 $0xFFFFC000  }
0x149: {  	[tilespmem:s25], [sflag:$0x2] =	stream.indirect.gather [hbm4b:s4+s22], $0x80, s13, s22, $0xb8;
	[tilespmem:$0x1E800] =	vst v63  }
0x14a: {  	_ =	swait.ge [sflag:s26], $0x4000  }
0x14b: {  	[sflag:s26] =	ssyncset.done $0x0  }
0x14c: {  	s10 =	simm.s32 $0x16400;
	[sflag:s26] =	ssyncadd.s32 $0xFFFFC000  }
0x14d: {  	[spmem:s1] =	stream.indirect.scatter.add.f32 [tilespmem:s23], [sflag:$0x3], $0x80, s10, s22, $0xb8;
	[tilespmem:$0x1E800] =	vst v63  }
0x14e: {  	_ =	swait.ge [sflag:s28], $0x4000  }
0x14f: {  	[sflag:s28] =	ssyncset.done $0x0  }
0x150: {  	s11 =	simm.s32 $0x16480;
	[sflag:s28] =	ssyncadd.s32 $0xFFFFC000  }
0x151: {  	[spmem:s1] =	stream.indirect.scatter.add.f32 [tilespmem:s25], [sflag:$0x4], $0x80, s11, s22, $0xb8;
	[tilespmem:$0x1E800] =	vst v63  }
0x152: {  	_ =	swait.ge [sflag:s30], $0x4000  }
0x153: {  	[sflag:s30] =	ssyncset.done $0x0  }
0x154: {  	s13 =	simm.s32 $0x15B00;
	[sflag:s30] =	ssyncadd.s32 $0xFFFFC000  }
0x155: {  	[tilespmem:s23], [sflag:$0x1] =	stream.indirect.gather [hbm4b:s4+s22], $0x80, s13, s22, $0xb8;
	[tilespmem:$0x1E800] =	vst v63  }
0x156: {  	_ =	swait.ge [sflag:s0], $0x4000  }
0x157: {  	[sflag:s0] =	ssyncset.done $0x0  }
0x158: {  	s10 =	simm.s32 $0x15B80;
	[sflag:s0] =	ssyncadd.s32 $0xFFFFC000  }
0x159: {  	[tilespmem:s25], [sflag:$0x2] =	stream.indirect.gather [hbm4b:s4+s22], $0x80, s10, s22, $0xb8;
	[tilespmem:$0x1E800] =	vst v63  }
0x15a: {  	_ =	swait.ge [sflag:s26], $0x4000  }
0x15b: {  	[sflag:s26] =	ssyncset.done $0x0  }
0x15c: {  	s11 =	simm.s32 $0x16500;
	[sflag:s26] =	ssyncadd.s32 $0xFFFFC000  }
0x15d: {  	[spmem:s1] =	stream.indirect.scatter.add.f32 [tilespmem:s23], [sflag:$0x3], $0x80, s11, s22, $0xb8;
	[tilespmem:$0x1E800] =	vst v63  }
0x15e: {  	_ =	swait.ge [sflag:s28], $0x4000  }
0x15f: {  	[sflag:s28] =	ssyncset.done $0x0  }
0x160: {  	s13 =	simm.s32 $0x16580;
	[sflag:s28] =	ssyncadd.s32 $0xFFFFC000  }
0x161: {  	[spmem:s1] =	stream.indirect.scatter.add.f32 [tilespmem:s25], [sflag:$0x4], $0x80, s13, s22, $0xb8;
	[tilespmem:$0x1E800] =	vst v63  }
0x162: {  	_ =	swait.ge [sflag:s30], $0x4000  }
0x163: {  	[sflag:s30] =	ssyncset.done $0x0  }
0x164: {  	[sflag:s30] =	ssyncadd.s32 $0xFFFFC000  }
0x165: {  	[tilespmem:s23], [sflag:$0x1] =	stream.indirect.gather [hbm4b:s4+s22], $0x80, s16, s22, $0xb8;
	[tilespmem:$0x1E800] =	vst v63  }
0x166: {  	_ =	swait.ge [sflag:s0], $0x4000  }
0x167: {  	[sflag:s0] =	ssyncset.done $0x0  }
0x168: {  	[sflag:s0] =	ssyncadd.s32 $0xFFFFC000  }
0x169: {  	[tilespmem:s25], [sflag:$0x2] =	stream.indirect.gather [hbm4b:s4+s22], $0x80, s17, s22, $0xb8;
	[tilespmem:$0x1E800] =	vst v63  }
0x16a: {  	_ =	swait.ge [sflag:s26], $0x4000  }
0x16b: {  	[sflag:s26] =	ssyncset.done $0x0  }
0x16c: {  	[sflag:s26] =	ssyncadd.s32 $0xFFFFC000  }
0x16d: {  	[spmem:s1] =	stream.indirect.scatter.add.f32 [tilespmem:s23], [sflag:$0x3], $0x80, s24, s22, $0xb8;
	[tilespmem:$0x1E800] =	vst v63  }
0x16e: {  	_ =	swait.ge [sflag:s28], $0x4000  }
0x16f: {  	[sflag:s28] =	ssyncset.done $0x0  }
0x170: {  	[sflag:s28] =	ssyncadd.s32 $0xFFFFC000  }
0x171: {  	[spmem:s1] =	stream.indirect.scatter.add.f32 [tilespmem:s25], [sflag:$0x4], $0x80, s29, s22, $0xb8;
	[tilespmem:$0x1E800] =	vst v63  }
0x172: {  	_ =	swait.ge [sflag:s30], $0x4000  }
0x173: {  	[sflag:s30] =	ssyncset.done $0x0  }
0x174: {  	[sflag:s30] =	ssyncadd.s32 $0xFFFFC000  }
0x175: {  	[tilespmem:s23], [sflag:$0x1] =	stream.indirect.gather [hbm4b:s4+s22], $0x80, s31, s22, $0xb8;
	[tilespmem:$0x1E800] =	vst v63  }
0x176: {  	_ =	swait.ge [sflag:s0], $0x4000  }
0x177: {  	[sflag:s0] =	ssyncset.done $0x0  }
0x178: {  	[sflag:s0] =	ssyncadd.s32 $0xFFFFC000  }
0x179: {  	[tilespmem:s25], [sflag:$0x2] =	stream.indirect.gather [hbm4b:s4+s22], $0x80, s2, s22, $0xb8;
	[tilespmem:$0x1E800] =	vst v63  }
0x17a: {  	_ =	swait.ge [sflag:s26], $0x4000  }
0x17b: {  	[sflag:s26] =	ssyncset.done $0x0  }
0x17c: {  	[sflag:s26] =	ssyncadd.s32 $0xFFFFC000  }
0x17d: {  	[spmem:s1] =	stream.indirect.scatter.add.f32 [tilespmem:s23], [sflag:$0x3], $0x80, s18, s22, $0xb8;
	[tilespmem:$0x1E800] =	vst v63  }
0x17e: {  	_ =	swait.ge [sflag:s28], $0x4000  }
0x17f: {  	[sflag:s28] =	ssyncset.done $0x0  }
0x180: {  	[sflag:s28] =	ssyncadd.s32 $0xFFFFC000  }
0x181: {  	[spmem:s1] =	stream.indirect.scatter.add.f32 [tilespmem:s25], [sflag:$0x4], $0x80, s7, s22, $0xb8;
	[tilespmem:$0x1E800] =	vst v63  }
0x182: {  	_ =	swait.ge [sflag:s30], $0x4000  }
.Ltmp2:
0x183: {  	[sflag:s30] =	ssyncset.done $0x0;
	(pc) =	sbr.rel @p0 .LBB2_4-.Ltmp2, $4  }
0x184: {  	[sflag:s30] =	ssyncadd.s32 $0xFFFFC000  }
0x185: {  	_ =	swait.ge [sflag:s0], $0x4000  }
0x186: {  	[sflag:s0] =	ssyncset.done $0x0  }
0x187: {  	[sflag:s0] =	ssyncadd.s32 $0xFFFFC000  }
0x188: {  	_ =	swait.ge [sflag:s12], $0xA00  }
.Ltmp3:
0x189: {  	[sflag:s12] =	ssyncset.done $0x0;
	(pc) =	sbr.rel .LBB2_2-.Ltmp3, $4  }
0x18a: {  	[sflag:s12] =	ssyncadd.s32 $0xFFFFF600  }
0x18b: {  	_ =	swait.ge [sflag:s12], $0xA00  }
0x18c: {  	[sflag:s12] =	ssyncset.done $0x0  }
0x18d: {  	s9 =	sadd.s32 $0x1400, s9;
	s19 =	sadd.s32 $0x280, s19;
	[sflag:s12] =	ssyncadd.s32 $0xFFFFF600  }
.LBB2_5:
0x18e: {  	_ =	sfence.sel $0x180000  }
0x18f: {  	[bflag:$0x0] =	sbarrier.arrive $0xFFFF  }
0x190: {  	_ =	strace $0x9000004D  }
0x191: {  	s0 =	stileid.u32;
	[bflag:$0x2] =	sbarrier.arrive $0xFFFF  }
0x192: {  	p0 =	sne.s32 s0, $0x0;
	s0 =	rddreg [dreg:$0x2]  }
0x193: {  	s0 =	sadd.s32 @!p0 $0x100000, s0  }
0x194: {  	[sflag:s0] =	ssyncadd.tile.s32 @!p0 $0x1;
	_ =	shalt  }
.Lfunc_end2:
_tile_overlayer_lowered:
.L_overlay_start_2:
0x195: {  	(tag) =	ssettag $0x2  }
0x196: {  	s0 =	rddreg [dreg:$0x0];
	s2 =	stileid.u32  }
0x197: {  	s1 =	rddreg [dreg:$0x1];
	p0 =	sne.s32 s2, $0x0  }
0x198: {  	s3 =	rddreg [dreg:$0x2];
	[bflag:$0x3] =	sbarrier.arrive $0xFFFF;
	s2 =	simm.s32 @!p0 $0x1C06  }
0x199: {  	[timem:s3], [sflag:s2] =	dma.local @!p0 [hbm:s0], s1  }
0x19a: {  	s0 =	simm.s32 @!p0 $0x6  }
0x19b: {  	_ =	swait.ge @!p0 [sflag:s0], s1  }
0x19c: {  	s1 =	ssub.s32 @!p0 $0x0, s1;
	[sflag:s0] =	ssyncset.done @!p0 $0x0  }
0x19d: {  	[sflag:s0] =	ssyncadd.s32 @!p0 s1  }
0x19e: {  	[bflag:$0x3] =	sbarrier.arrive $0xFFFF  }
0x19f: {  	_ =	shalt  }

// kernel: kernel.21.cloned.1.call-start
scs
__scs_entry_jumppad:
0x0: {  	(pc) =	sbr.rel $0x88, $3  }
0x1: {  	(tag) =	ssettag $0x0;
	lr =	simm.s32 $0x1  }
0x2: {  	[smem:$0x3F8C] =	sst lr;
	_ =	strace $0xD0000000  }
0x3: {  	_ = 	snop  }
0x4: {  	_ = 	snop  }
0x5: {  	_ = 	snop  }
0x6: {  	_ = 	snop  }
0x7: {  	_ = 	snop  }
__scs_overlays_trampoline_lowered:
0x8: {  	[smem:$0x3F9B] =	sst s0  }
0x9: {  	[smem:$0x3F9C] =	sst s1  }
0xa: {  	[smem:$0x3F9D] =	sst s2  }
0xb: {  	[smem:$0x3F9E] =	sst s3  }
0xc: {  	[smem:$0x3F9F] =	sst s4  }
0xd: {  	[smem:$0x3FA0] =	sst s5  }
0xe: {  	[smem:$0x3FA1] =	sst s6  }
0xf: {  	[smem:$0x3FA2] =	sst s7  }
0x10: {  	[smem:$0x3FA3] =	sst s8  }
0x11: {  	[smem:$0x3FA4] =	sst s9;
	s0 =	simm.s32 @!p0 $0x0  }
0x12: {  	s1 =	sld [smem:$0x3F8A];
	s0 =	simm.s32 @p0 $0x1  }
0x13: {  	[smem:$0x3FA5] =	sst s0;
	s0 =	simm.s32 @!p1 $0x0  }
0x14: {  	s2 =	sld [smem:$0x3F89];
	s0 =	simm.s32 @p1 $0x1  }
0x15: {  	[smem:$0x3FA6] =	sst s0;
	s0 =	simm.s32 @!p2 $0x0  }
0x16: {  	s3 =	sld [smem:$0x3FDB];
	s0 =	simm.s32 @p2 $0x1  }
0x17: {  	s4 =	simm.s32 $0x1BF5;
	[smem:$0x3FA8] =	sst s0  }
0x18: {  	s0 =	sld [smem:$0x3F8B];
	_ =	swait.ge [sflag:s4], $0x0  }
0x19: {  	s7 =	sld [smem:$0x3F8C]  }
0x1a: {  	s8 =	sadd.s32 $0xFFFFE003, lr  }
0x1b: {  	s9 =	sadd.s32 $0xFFFFFEF7, lr;
	s5 =	simm.s32 $0xFFFFFFFF;
	p2 =	slt.u32 s8, $0xFFFFF086  }
0x1c: {  	p1 =	slt.u32 s9, $0xF7A;
	s5 =	simm.s32 @!p2 $0x0  }
0x1d: {  	s5 =	simm.s32 @p1 $0x1;
	p0 =	seq.s32 s7, s2  }
0x1e: {  	s7 =	smul.u32 @!p0 $0xF7A, s2;
	p2 =	seq.s32 @!p0 s5, $0x0  }
0x1f: {  	s9 =	smul.u32 $0xF7A, s1;
	s8 =	simm.s32 @!p0 $0x1BF5;
	p2 =	por !p2, p0  }
0x20: {  	[sflag:s8] =	ssyncset.s32 @!p0 $0xFFFFF086;
	s6 =	sadd.s32 @!p0 s3, s7;
	s7 =	simm.s32 @!p0 $0x108  }
0x21: {  	s3 =	sadd.s32 s3, s9;
	s6 =	sadd.s32 @!p0 $0x88, s6;
	s7 =	simm.s32 @p2 $0x1082  }
0x22: {  	[simem:s7], [sflag:s8] =	dma.local @!p0 [hbm:s6], $0xF7A  }
0x23: {  	s9 =	sor.u32 $0xD0000000, s2;
	s6 =	simm.s32 $0x108;
	_ =	swait.ge @!p0 [sflag:s8], $0x0  }
0x24: {  	s3 =	sadd.s32 $0x88, s3;
	s6 =	simm.s32 @!p1 $0x1082;
	[sflag:s4] =	ssyncset.s32 $0xFFFFF086  }
0x25: {  	[simem:s6], [sflag:s4] =	dma.local [hbm:s3], $0xF7A  }
0x26: {  	[smem:$0x3F8C] =	sst s1;
	(tag) =	ssettag s2;
	_ =	strace s9  }
0x27: {  	s1 =	sld [smem:$0x3F9C]  }
0x28: {  	s2 =	sld [smem:$0x3F9D]  }
0x29: {  	s4 =	sld [smem:$0x3F9F]  }
0x2a: {  	p0 =	seq.s32 s5, $0x0;
	s5 =	sld [smem:$0x3FA0]  }
0x2b: {  	s6 =	sld [smem:$0x3FA1]  }
0x2c: {  	s7 =	sld [smem:$0x3FA2]  }
0x2d: {  	s3 =	simm.s32 $0x108;
	s8 =	sld [smem:$0x3FA3]  }
0x2e: {  	s3 =	simm.s32 @!p0 $0x1082;
	s9 =	sld [smem:$0x3FA4]  }
0x2f: {  	lr =	sadd.s32 s0, s3;
	s0 =	sld [smem:$0x3F9B]  }
0x30: {  	s3 =	sld [smem:$0x3F9E]  }
0x31: {  	[smem:$0x3FA7] =	sst s10  }
0x32: {  	s10 =	sld [smem:$0x3FA5];
	_ =	sdelay $0x3  }
0x33: {  	p0 =	seq.s32 s10, $0x1;
	s10 =	sld [smem:$0x3FA7];
	_ =	sdelay $0x3  }
0x34: {  	[smem:$0x3FA7] =	sst s10  }
0x35: {  	s10 =	sld [smem:$0x3FA6];
	_ =	sdelay $0x3  }
0x36: {  	p1 =	seq.s32 s10, $0x1;
	s10 =	sld [smem:$0x3FA7];
	_ =	sdelay $0x3  }
0x37: {  	[smem:$0x3FA7] =	sst s10  }
0x38: {  	s10 =	sld [smem:$0x3FA8]  }
0x39: {  	_ = 	snop;
	(pc) =	sbr.ind lr, $3  }
0x3a: {  	_ = 	snop  }
0x3b: {  	_ = 	snop  }
0x3c: {  	p2 =	seq.s32 s10, $0x1;
	s10 =	sld [smem:$0x3FA7]  }
0x3d: {  	_ =	shalt  }
0x3e: {  	_ =	shalt  }
0x3f: {  	_ =	shalt  }
0x40: {  	_ =	shalt  }
0x41: {  	_ =	shalt  }
0x42: {  	_ =	shalt  }
0x43: {  	_ =	shalt  }
0x44: {  	_ =	shalt  }
0x45: {  	_ =	shalt  }
0x46: {  	_ =	shalt  }
0x47: {  	_ =	shalt  }
0x48: {  	_ =	shalt  }
0x49: {  	_ =	shalt  }
0x4a: {  	_ =	shalt  }
0x4b: {  	_ =	shalt  }
0x4c: {  	_ =	shalt  }
0x4d: {  	_ =	shalt  }
0x4e: {  	_ =	shalt  }
0x4f: {  	_ =	shalt  }
0x50: {  	_ =	shalt  }
0x51: {  	_ =	shalt  }
0x52: {  	_ =	shalt  }
0x53: {  	_ =	shalt  }
0x54: {  	_ =	shalt  }
0x55: {  	_ =	shalt  }
0x56: {  	_ =	shalt  }
0x57: {  	_ =	shalt  }
0x58: {  	_ =	shalt  }
0x59: {  	_ =	shalt  }
0x5a: {  	_ =	shalt  }
0x5b: {  	_ =	shalt  }
0x5c: {  	_ =	shalt  }
0x5d: {  	_ =	shalt  }
0x5e: {  	_ =	shalt  }
0x5f: {  	_ =	shalt  }
0x60: {  	_ =	shalt  }
0x61: {  	_ =	shalt  }
0x62: {  	_ =	shalt  }
0x63: {  	_ =	shalt  }
0x64: {  	_ =	shalt  }
0x65: {  	_ =	shalt  }
0x66: {  	_ =	shalt  }
0x67: {  	_ =	shalt  }
0x68: {  	_ =	shalt  }
0x69: {  	_ =	shalt  }
0x6a: {  	_ =	shalt  }
0x6b: {  	_ =	shalt  }
0x6c: {  	_ =	shalt  }
0x6d: {  	_ =	shalt  }
0x6e: {  	_ =	shalt  }
0x6f: {  	_ =	shalt  }
0x70: {  	_ =	shalt  }
0x71: {  	_ =	shalt  }
0x72: {  	_ =	shalt  }
0x73: {  	_ =	shalt  }
0x74: {  	_ =	shalt  }
0x75: {  	_ =	shalt  }
0x76: {  	_ =	shalt  }
0x77: {  	_ =	shalt  }
0x78: {  	_ =	shalt  }
0x79: {  	_ =	shalt  }
0x7a: {  	_ =	shalt  }
0x7b: {  	_ =	shalt  }
0x7c: {  	_ =	shalt  }
0x7d: {  	_ =	shalt  }
0x7e: {  	_ =	shalt  }
0x7f: {  	_ =	shalt  }
0x80: {  	_ =	shalt  }
0x81: {  	_ =	shalt  }
0x82: {  	_ =	shalt  }
0x83: {  	_ =	shalt  }
0x84: {  	_ =	shalt  }
0x85: {  	_ =	shalt  }
0x86: {  	_ =	shalt  }
0x87: {  	_ =	shalt  }
.Lfunc_end0:
.L_simem_size_0:
called_computation.3_lowered:
.L_overlay_start_0:
0x88: {  	s2 =	sld [smem:$0x3FD9]  }
0x89: {  	s3 =	sld [smem:$0x3FFE];
	_ =	sdelay $0x1  }
0x8a: {  	s1 =	srdreg.scid  }
0x8b: {  	s0 =	sand.u32 $0x1, s1  }
0x8c: {  	s16 =	sshll.u32 s0, $0xA;
	s2 =	sadd.s32 s3, s2  }
0x8d: {  	s2 =	sadd.s32 s2, s16  }
0x8e: {  	[smem:$0x3FB3] =	sst s2  }
0x8f: {  	_ = 	snop  }
0x90: {  	(tm) =	ssettm $0x1  }
0x91: {  	s17 =	sld [smem:$0x3FFB];
	_ =	sdelay $0x3  }
0x92: {  	_ =	strace s17  }
0x93: {  	s2 =	sld [smem:$0x3FFC];
	_ =	sdelay $0x3  }
0x94: {  	_ =	strace s2  }
0x95: {  	s2 =	sld [smem:$0x3FFD];
	_ =	sdelay $0x3  }
0x96: {  	_ =	strace s2  }
0x97: {  	_ =	strace $0x8FFFFFFF  }
0x98: {  	s18 =	sld [smem:$0x3FDB];
	_ =	sdelay $0x1  }
0x99: {  	s19 =	simm.s32 $_scs_section_size  }
0x9a: {  	s4 =	simm.s32 $_size__tile_overlayer_lowered;
	s5 =	simm.s32 $_tile_overlayer_lowered  }
0x9b: {  	s22 =	simm.s32 $0x1BFF;
	s21 =	sshll.u32 s5, $0x1;
	s2 =	sadd.s32 s19, s18  }
0x9c: {  	s6 =	simm.s32 $0x0;
	s20 =	sshll.u32 s4, $0x1;
	s4 =	sadd.s32 s21, s2  }
0x9d: {  	[timem:s6], [sflag:s22] =	dma.local [hbm:s4], s20  }
0x9e: {  	_ =	swait.ge [sflag:s22], s20  }
0x9f: {  	s3 =	ssub.s32 $0x0, s20;
	[sflag:s22] =	ssyncset.done $0x0  }
0xa0: {  	[sflag:s22] =	ssyncadd.s32 s3;
	_ =	sdelay $0x1  }
0xa1: {  	s23 =	simm.s32 $0x1B8B  }
0xa2: {  	_ =	swait.ge [sflag:s23], $0x1  }
0xa3: {  	[sflag:s23] =	ssyncset.done $0x0  }
0xa4: {  	s25 =	simm.s32 $0x1B8E;
	s24 =	sld [smem:$0x3FFE];
	[sflag:s23] =	ssyncadd.s32 $0xFFFFFFFF  }
0xa5: {  	s26 =	simm.s32 $execute0_lowered;
	[smem:$0x3FD2] =	sst s25  }
0xa6: {  	s4 =	sshll.u32 s26, $0x1;
	_ =	strace $0x8000004F;
	[dreg:$0x1] =	wrdreg $0xFFFFFFFF  }
0xa7: {  	s28 =	simm.s32 $_size_execute0_lowered;
	s2 =	sadd.s32 s2, s4;
	[dreg:$0x0] =	wrdreg $0x0  }
0xa8: {  	s4 =	sshll.u32 s28, $0x1;
	[dreg:$0x2] =	wrdreg s2  }
0xa9: {  	[dreg:$0x3] =	wrdreg s4  }
0xaa: {  	[dreg:$0x4] =	wrdreg $0xC0  }
0xab: {  	_ =	task [dreg:s6], $0x5FFFF  }
0xac: {  	[dreg:$0x1] =	wrdreg $0xFFFFFFFF  }
0xad: {  	[dreg:$0x0] =	wrdreg $0x60  }
0xae: {  	[dreg:$0x2] =	wrdreg s24  }
0xaf: {  	[dreg:$0x3] =	wrdreg $0x0  }
0xb0: {  	[dreg:$0x4] =	wrdreg $0x9  }
0xb1: {  	_ =	task.clear_ibuf [dreg:s6], $0x5FFFF;
	_ =	strace $0x9000004F  }
0xb2: {  	s29 =	simm.s32 $0x9;
	_ =	strace $0x80000051  }
0xb3: {  	_ =	swait.ge [sflag:s29], $0x1  }
0xb4: {  	[sflag:s29] =	ssyncadd.s32 $0xFFFFFFFF  }
0xb5: {  	_ =	strace $0x90000051  }
0xb6: {  	_ =	sfence  }
0xb7: {  	s30 =	sld [smem:$0x0];
	_ =	sdelay $0x2  }
0xb8: {  	s31 =	sshll.u32 s1, $0xD;
	s1 =	sshrl.u32 s1, $0x2  }
0xb9: {  	s3 =	sand.u32 $0x4000, s31;
	s1 =	sadd.s32 s1, s30  }
0xba: {  	s0 =	sor.u32 s3, s0;
	s1 =	sshll.u32 s1, $0x11  }
0xbb: {  	s0 =	sor.u32 s1, s0  }
0xbc: {  	s0 =	sadd.s32 $0x8F2B, s0  }
0xbd: {  	[sflag:s0] =	ssyncadd.remote.s32 $0x1  }
0xbe: {  	_ =	sfence.sel $0xFFFF  }
0xbf: {  	[dreg:$0x0] =	wrdreg $0xFFFFFFFF;
	(pc) =	sbr.abs _section_cstart, $3  }
0xc0: {  	[dreg:$0x1] =	wrdreg $0xFFFFFFFF  }
0xc1: {  	_ =	task.clear_ibuf [dreg:s6], $0x2FFFF;
	_ =	strace $0x9FFFFFFF  }
0xc2: {  	(tm) =	ssettm $0x7FFFFFFF  }
0xc3: {  	_ =	shalt  }
tec
execute0_lowered:
.L_overlay_start_1:
0x0: {  	(tag) =	ssettag $0x1  }
0x1: {  	s0 =	rddreg [dreg:$0x0]  }
0x2: {  	s1 =	rddreg [dreg:$0x1]  }
0x3: {  	s2 =	srdreg.scid;
	s3 =	simm.s32 $0x0;
	s12 =	stileid.u32  }
0x4: {  	s28 =	simm.s32 $0x2;
	s30 =	simm.s32 $0x3;
	s16 =	simm.s32 $0x15C00  }
0x5: {  	s17 =	simm.s32 $0x15C80;
	s29 =	simm.s32 $0x16680;
	s31 =	simm.s32 $0x15D00  }
0x6: {  	s18 =	simm.s32 $0x16700;
	s2 =	sand.u32 $0x1, s2;
	s8 =	smul.u32 $0x280, s12  }
0x7: {  	[smem:$0x7FF] =	sst s3;
	s4 =	sadd.s32 $0x2CC00, s0;
	s9 =	smul.u32 $0x50000, s12  }
0x8: {  	s5 =	sadd.s32 $0x18C00, s0;
	s6 =	sadd.s32 $0x4C00, s0;
	s21 =	smul.u32 $0x5000, s12  }
0x9: {  	s22 =	sshll.u32 s12, $0x6;
	s7 =	smul.u32 $0x2800, s2;
	_ =	strace $0x80000050  }
0xa: {  	s20 =	sshll.u32 s2, $0x4;
	s10 =	ssub.s32 $0x2, s2;
	s2 =	smul.u32 $0x50000, s2  }
0xb: {  	s13 =	sor.u32 $0x1C06, s22;
	s22 =	simm.s32 $0x80;
	s11 =	sshrl.u32 s10, $0x1  }
0xc: {  	s9 =	sshrl.u32 s9, $0x2;
	[dreg:$0x4] =	wrdreg s13;
	s7 =	sadd.s32 s8, s7  }
0xd: {  	s8 =	sor.u32 s12, s20;
	s10 =	ssub.s32 s10, s11;
	s9 =	sadd.s32 s9, s1  }
0xe: {  	s2 =	sadd.s32 s21, s2;
	s20 =	simm.s32 $0x15400;
	s21 =	simm.s32 $0x15E00  }
0xf: {  	s12 =	simm.s32 $0x5;
	s11 =	simm.s32 $0x0;
	s7 =	sshll.u32 s7, $0x4  }
0x10: {  	s8 =	smul.u32 $0x5000, s8;
	s25 =	sor.u32 $0xA00, s2;
	s26 =	smax.u32 s10, $0x1  }
0x11: {  	s2 =	sadd.s32 $0x1400, s2;
	s9 =	sshrl.u32 s9, $0x3;
	[dreg:$0x8] =	wrdreg s26  }
0x12: {  	s10 =	simm.s32 $0x6;
	s0 =	sadd.s32 s7, s0;
	[dreg:$0x9] =	wrdreg s2  }
0x13: {  	s7 =	sadd.s32 s4, s7;
	s26 =	simm.s32 $0x1;
	[dreg:$0xa] =	wrdreg s9  }
0x14: {  	s2 =	simm.s32 $0x15D80;
	[dreg:$0x3] =	wrdreg s7;
	s8 =	sshrl.u32 s8, $0x3  }
.Ltmp0:
0x15: {  	s0 =	sadd.s32 $0x7CC00, s0;
	s7 =	simm.s32 $0x16780;
	(pc) =	sbr.rel .LBB2_1-.Ltmp0, $4  }
0x16: {  	s23 =	sadd.s32 s5, s8;
	s24 =	sadd.s32 s6, s8;
	[dreg:$0x7] =	wrdreg s0  }
0x17: {  	s0 =	sshrl.u32 s25, $0x3;
	s25 =	simm.s32 $0x1A800;
	[dreg:$0x5] =	wrdreg s23  }
0x18: {  	[dreg:$0x6] =	wrdreg s24;
	s14 =	sadd.s32 s0, s6;
	s15 =	sadd.s32 s0, s5  }
0x19: {  	s23 =	simm.s32 $0x16800;
	s0 =	simm.s32 $0x4;
	s24 =	simm.s32 $0x16600  }
.LBB2_4:
0x1a: {  	[bflag:$0x0] =	sbarrier.arrive $0xFFFF  }
0x1b: {  	s13 =	rddreg [dreg:$0x4]  }
0x1c: {  	s8 =	rddreg [dreg:$0x7]  }
0x1d: {  	s10 =	simm.s32 $0x6;
	s9 =	rddreg [dreg:$0xa]  }
0x1e: {  	[hbm:s8], [sflag:s13] =	dma.local [spmem:s9], $0x2800  }
0x1f: {  	_ =	swait.ge [sflag:s10], $0x2800  }
0x20: {  	s11 =	rddreg [dreg:$0xb]  }
0x21: {  	s19 =	rddreg [dreg:$0x8];
	s11 =	sadd.s32 $0x1, s11  }
0x22: {  	p0 =	sne.s32 s11, s19  }
.Ltmp1:
0x23: {  	_ = 	snop;
	(pc) =	sbr.rel @!p0 .LBB2_5-.Ltmp1, $3  }
0x24: {  	_ =	sdelay $0x1  }
0x25: {  	[sflag:s10] =	ssyncset.done $0x0  }
0x26: {  	[sflag:s10] =	ssyncadd.s32 $0xFFFFD800  }
.LBB2_1:
0x27: {  	[dreg:$0xb] =	wrdreg s11  }
0x28: {  	s8 =	rddreg [dreg:$0x3]  }
0x29: {  	[spmem:s9], [sflag:s13] =	dma.local [hbm:s8], $0x2800  }
0x2a: {  	_ =	swait.ge [sflag:s10], $0x2800  }
0x2b: {  	[sflag:s10] =	ssyncset.done $0x0  }
0x2c: {  	[sflag:s10] =	ssyncadd.s32 $0xFFFFD800  }
0x2d: {  	[bflag:$0x0] =	sbarrier.arrive $0xFFFF  }
0x2e: {  	s11 =	simm.s32 $0x14000;
	s9 =	rddreg [dreg:$0x5]  }
0x2f: {  	[tilespmem:s11], [sflag:$0x6] =	stream.linear.gather [hbm4b:s9+s3], $0xA00, $0x38;
	[tilespmem:$0x1E800] =	vst v63  }
0x30: {  	_ =	swait.ge [sflag:s10], $0xA00  }
0x31: {  	[sflag:s10] =	ssyncset.done $0x0  }
0x32: {  	s19 =	simm.s32 $0x14A00;
	s13 =	rddreg [dreg:$0x6];
	[sflag:s10] =	ssyncadd.s32 $0xFFFFF600  }
0x33: {  	[tilespmem:s19], [sflag:$0x6] =	stream.linear.gather [hbm4b:s13+s3], $0xA00, $0x38;
	[tilespmem:$0x1E800] =	vst v63  }
0x34: {  	_ =	swait.ge [sflag:s10], $0xA00  }
0x35: {  	[sflag:s10] =	ssyncset.done $0x0  }
0x36: {  	s19 =	simm.s32 $0x0;
	s9 =	rddreg [dreg:$0x9];
	[sflag:s10] =	ssyncadd.s32 $0xFFFFF600  }
.LBB2_2:
0x37: {  	s10 =	sadd.s32 s19, s15  }
0x38: {  	[tilespmem:s20], [sflag:$0x5] =	stream.linear.gather [hbm4b:s10+s3], $0xA00, $0x38;
	[tilespmem:$0x1E800] =	vst v63  }
0x39: {  	s8 =	sadd.s32 s19, s14  }
0x3a: {  	[tilespmem:s21], [sflag:$0x5] =	stream.linear.gather [hbm4b:s8+s3], $0xA00, $0x38;
	[tilespmem:$0x1E800] =	vst v63  }
0x3b: {  	s8 =	simm.s32 $0x14000  }
0x3c: {  	[tilespmem:s23], [sflag:$0x1] =	stream.indirect.gather [hbm4b:s4+s22], $0x80, s8, s22, $0xb8;
	[tilespmem:$0x1E800] =	vst v63  }
0x3d: {  	s10 =	simm.s32 $0x14080  }
0x3e: {  	[tilespmem:s25], [sflag:$0x2] =	stream.indirect.gather [hbm4b:s4+s22], $0x80, s10, s22, $0xb8;
	[tilespmem:$0x1E800] =	vst v63  }
0x3f: {  	_ =	swait.ge [sflag:s26], $0x4000  }
0x40: {  	[sflag:s26] =	ssyncset.done $0x0  }
0x41: {  	s11 =	simm.s32 $0x14A00;
	[sflag:s26] =	ssyncadd.s32 $0xFFFFC000  }
0x42: {  	[spmem:s1] =	stream.indirect.scatter.add.f32 [tilespmem:s23], [sflag:$0x3], $0x80, s11, s22, $0xb8;
	[tilespmem:$0x1E800] =	vst v63  }
0x43: {  	_ =	swait.ge [sflag:s28], $0x4000  }
0x44: {  	[sflag:s28] =	ssyncset.done $0x0  }
0x45: {  	s13 =	simm.s32 $0x14A80;
	[sflag:s28] =	ssyncadd.s32 $0xFFFFC000  }
0x46: {  	[spmem:s1] =	stream.indirect.scatter.add.f32 [tilespmem:s25], [sflag:$0x4], $0x80, s13, s22, $0xb8;
	[tilespmem:$0x1E800] =	vst v63  }
0x47: {  	_ =	swait.ge [sflag:s30], $0x4000  }
0x48: {  	[sflag:s30] =	ssyncset.done $0x0  }
0x49: {  	s10 =	simm.s32 $0x14100;
	[sflag:s30] =	ssyncadd.s32 $0xFFFFC000  }
0x4a: {  	[tilespmem:s23], [sflag:$0x1] =	stream.indirect.gather [hbm4b:s4+s22], $0x80, s10, s22, $0xb8;
	[tilespmem:$0x1E800] =	vst v63  }
0x4b: {  	_ =	swait.ge [sflag:s0], $0x4000  }
0x4c: {  	[sflag:s0] =	ssyncset.done $0x0  }
0x4d: {  	s11 =	simm.s32 $0x14180;
	[sflag:s0] =	ssyncadd.s32 $0xFFFFC000  }
0x4e: {  	[tilespmem:s25], [sflag:$0x2] =	stream.indirect.gather [hbm4b:s4+s22], $0x80, s11, s22, $0xb8;
	[tilespmem:$0x1E800] =	vst v63  }
0x4f: {  	_ =	swait.ge [sflag:s26], $0x4000  }
0x50: {  	[sflag:s26] =	ssyncset.done $0x0  }
0x51: {  	s13 =	simm.s32 $0x14B00;
	[sflag:s26] =	ssyncadd.s32 $0xFFFFC000  }
0x52: {  	[spmem:s1] =	stream.indirect.scatter.add.f32 [tilespmem:s23], [sflag:$0x3], $0x80, s13, s22, $0xb8;
	[tilespmem:$0x1E800] =	vst v63  }
0x53: {  	_ =	swait.ge [sflag:s28], $0x4000  }
0x54: {  	[sflag:s28] =	ssyncset.done $0x0  }
0x55: {  	s10 =	simm.s32 $0x14B80;
	[sflag:s28] =	ssyncadd.s32 $0xFFFFC000  }
0x56: {  	[spmem:s1] =	stream.indirect.scatter.add.f32 [tilespmem:s25], [sflag:$0x4], $0x80, s10, s22, $0xb8;
	[tilespmem:$0x1E800] =	vst v63  }
0x57: {  	_ =	swait.ge [sflag:s30], $0x4000  }
0x58: {  	[sflag:s30] =	ssyncset.done $0x0  }
0x59: {  	s11 =	simm.s32 $0x14200;
	[sflag:s30] =	ssyncadd.s32 $0xFFFFC000  }
0x5a: {  	[tilespmem:s23], [sflag:$0x1] =	stream.indirect.gather [hbm4b:s4+s22], $0x80, s11, s22, $0xb8;
	[tilespmem:$0x1E800] =	vst v63  }
0x5b: {  	_ =	swait.ge [sflag:s0], $0x4000  }
0x5c: {  	[sflag:s0] =	ssyncset.done $0x0  }
0x5d: {  	s13 =	simm.s32 $0x14280;
	[sflag:s0] =	ssyncadd.s32 $0xFFFFC000  }
0x5e: {  	[tilespmem:s25], [sflag:$0x2] =	stream.indirect.gather [hbm4b:s4+s22], $0x80, s13, s22, $0xb8;
	[tilespmem:$0x1E800] =	vst v63  }
0x5f: {  	_ =	swait.ge [sflag:s26], $0x4000  }
0x60: {  	[sflag:s26] =	ssyncset.done $0x0  }
0x61: {  	s10 =	simm.s32 $0x14C00;
	[sflag:s26] =	ssyncadd.s32 $0xFFFFC000  }
0x62: {  	[spmem:s1] =	stream.indirect.scatter.add.f32 [tilespmem:s23], [sflag:$0x3], $0x80, s10, s22, $0xb8;
	[tilespmem:$0x1E800] =	vst v63  }
0x63: {  	_ =	swait.ge [sflag:s28], $0x4000  }
0x64: {  	[sflag:s28] =	ssyncset.done $0x0  }
0x65: {  	s11 =	simm.s32 $0x14C80;
	[sflag:s28] =	ssyncadd.s32 $0xFFFFC000  }
0x66: {  	[spmem:s1] =	stream.indirect.scatter.add.f32 [tilespmem:s25], [sflag:$0x4], $0x80, s11, s22, $0xb8;
	[tilespmem:$0x1E800] =	vst v63  }
0x67: {  	_ =	swait.ge [sflag:s30], $0x4000  }
0x68: {  	[sflag:s30] =	ssyncset.done $0x0  }
0x69: {  	s13 =	simm.s32 $0x14300;
	[sflag:s30] =	ssyncadd.s32 $0xFFFFC000  }
0x6a: {  	[tilespmem:s23], [sflag:$0x1] =	stream.indirect.gather [hbm4b:s4+s22], $0x80, s13, s22, $0xb8;
	[tilespmem:$0x1E800] =	vst v63  }
0x6b: {  	_ =	swait.ge [sflag:s0], $0x4000  }
0x6c: {  	[sflag:s0] =	ssyncset.done $0x0  }
0x6d: {  	s10 =	simm.s32 $0x14380;
	[sflag:s0] =	ssyncadd.s32 $0xFFFFC000  }
0x6e: {  	[tilespmem:s25], [sflag:$0x2] =	stream.indirect.gather [hbm4b:s4+s22], $0x80, s10, s22, $0xb8;
	[tilespmem:$0x1E800] =	vst v63  }
0x6f: {  	_ =	swait.ge [sflag:s26], $0x4000  }
0x70: {  	[sflag:s26] =	ssyncset.done $0x0  }
0x71: {  	s11 =	simm.s32 $0x14D00;
	[sflag:s26] =	ssyncadd.s32 $0xFFFFC000  }
0x72: {  	[spmem:s1] =	stream.indirect.scatter.add.f32 [tilespmem:s23], [sflag:$0x3], $0x80, s11, s22, $0xb8;
	[tilespmem:$0x1E800] =	vst v63  }
0x73: {  	_ =	swait.ge [sflag:s28], $0x4000  }
0x74: {  	[sflag:s28] =	ssyncset.done $0x0  }
0x75: {  	s13 =	simm.s32 $0x14D80;
	[sflag:s28] =	ssyncadd.s32 $0xFFFFC000  }
0x76: {  	[spmem:s1] =	stream.indirect.scatter.add.f32 [tilespmem:s25], [sflag:$0x4], $0x80, s13, s22, $0xb8;
	[tilespmem:$0x1E800] =	vst v63  }
0x77: {  	_ =	swait.ge [sflag:s30], $0x4000  }
0x78: {  	[sflag:s30] =	ssyncset.done $0x0  }
0x79: {  	s10 =	simm.s32 $0x14400;
	[sflag:s30] =	ssyncadd.s32 $0xFFFFC000  }
0x7a: {  	[tilespmem:s23], [sflag:$0x1] =	stream.indirect.gather [hbm4b:s4+s22], $0x80, s10, s22, $0xb8;
	[tilespmem:$0x1E800] =	vst v63  }
0x7b: {  	_ =	swait.ge [sflag:s0], $0x4000  }
0x7c: {  	[sflag:s0] =	ssyncset.done $0x0  }
0x7d: {  	s11 =	simm.s32 $0x14480;
	[sflag:s0] =	ssyncadd.s32 $0xFFFFC000  }
0x7e: {  	[tilespmem:s25], [sflag:$0x2] =	stream.indirect.gather [hbm4b:s4+s22], $0x80, s11, s22, $0xb8;
	[tilespmem:$0x1E800] =	vst v63  }
0x7f: {  	_ =	swait.ge [sflag:s26], $0x4000  }
0x80: {  	[sflag:s26] =	ssyncset.done $0x0  }
0x81: {  	s13 =	simm.s32 $0x14E00;
	[sflag:s26] =	ssyncadd.s32 $0xFFFFC000  }
0x82: {  	[spmem:s1] =	stream.indirect.scatter.add.f32 [tilespmem:s23], [sflag:$0x3], $0x80, s13, s22, $0xb8;
	[tilespmem:$0x1E800] =	vst v63  }
0x83: {  	_ =	swait.ge [sflag:s28], $0x4000  }
0x84: {  	[sflag:s28] =	ssyncset.done $0x0  }
0x85: {  	s10 =	simm.s32 $0x14E80;
	[sflag:s28] =	ssyncadd.s32 $0xFFFFC000  }
0x86: {  	[spmem:s1] =	stream.indirect.scatter.add.f32 [tilespmem:s25], [sflag:$0x4], $0x80, s10, s22, $0xb8;
	[tilespmem:$0x1E800] =	vst v63  }
0x87: {  	_ =	swait.ge [sflag:s30], $0x4000  }
0x88: {  	[sflag:s30] =	ssyncset.done $0x0  }
0x89: {  	s11 =	simm.s32 $0x14500;
	[sflag:s30] =	ssyncadd.s32 $0xFFFFC000  }
0x8a: {  	[tilespmem:s23], [sflag:$0x1] =	stream.indirect.gather [hbm4b:s4+s22], $0x80, s11, s22, $0xb8;
	[tilespmem:$0x1E800] =	vst v63  }
0x8b: {  	_ =	swait.ge [sflag:s0], $0x4000  }
0x8c: {  	[sflag:s0] =	ssyncset.done $0x0  }
0x8d: {  	s13 =	simm.s32 $0x14580;
	[sflag:s0] =	ssyncadd.s32 $0xFFFFC000  }
0x8e: {  	[tilespmem:s25], [sflag:$0x2] =	stream.indirect.gather [hbm4b:s4+s22], $0x80, s13, s22, $0xb8;
	[tilespmem:$0x1E800] =	vst v63  }
0x8f: {  	_ =	swait.ge [sflag:s26], $0x4000  }
0x90: {  	[sflag:s26] =	ssyncset.done $0x0  }
0x91: {  	s10 =	simm.s32 $0x14F00;
	[sflag:s26] =	ssyncadd.s32 $0xFFFFC000  }
0x92: {  	[spmem:s1] =	stream.indirect.scatter.add.f32 [tilespmem:s23], [sflag:$0x3], $0x80, s10, s22, $0xb8;
	[tilespmem:$0x1E800] =	vst v63  }
0x93: {  	_ =	swait.ge [sflag:s28], $0x4000  }
0x94: {  	[sflag:s28] =	ssyncset.done $0x0  }
0x95: {  	s11 =	simm.s32 $0x14F80;
	[sflag:s28] =	ssyncadd.s32 $0xFFFFC000  }
0x96: {  	[spmem:s1] =	stream.indirect.scatter.add.f32 [tilespmem:s25], [sflag:$0x4], $0x80, s11, s22, $0xb8;
	[tilespmem:$0x1E800] =	vst v63  }
0x97: {  	_ =	swait.ge [sflag:s30], $0x4000  }
0x98: {  	[sflag:s30] =	ssyncset.done $0x0  }
0x99: {  	s13 =	simm.s32 $0x14600;
	[sflag:s30] =	ssyncadd.s32 $0xFFFFC000  }
0x9a: {  	[tilespmem:s23], [sflag:$0x1] =	stream.indirect.gather [hbm4b:s4+s22], $0x80, s13, s22, $0xb8;
	[tilespmem:$0x1E800] =	vst v63  }
0x9b: {  	_ =	swait.ge [sflag:s0], $0x4000  }
0x9c: {  	[sflag:s0] =	ssyncset.done $0x0  }
0x9d: {  	s10 =	simm.s32 $0x14680;
	[sflag:s0] =	ssyncadd.s32 $0xFFFFC000  }
0x9e: {  	[tilespmem:s25], [sflag:$0x2] =	stream.indirect.gather [hbm4b:s4+s22], $0x80, s10, s22, $0xb8;
	[tilespmem:$0x1E800] =	vst v63  }
0x9f: {  	_ =	swait.ge [sflag:s26], $0x4000  }
0xa0: {  	[sflag:s26] =	ssyncset.done $0x0  }
0xa1: {  	s11 =	simm.s32 $0x15000;
	[sflag:s26] =	ssyncadd.s32 $0xFFFFC000  }
0xa2: {  	[spmem:s1] =	stream.indirect.scatter.add.f32 [tilespmem:s23], [sflag:$0x3], $0x80, s11, s22, $0xb8;
	[tilespmem:$0x1E800] =	vst v63  }
0xa3: {  	_ =	swait.ge [sflag:s28], $0x4000  }
0xa4: {  	[sflag:s28] =	ssyncset.done $0x0  }
0xa5: {  	s13 =	simm.s32 $0x15080;
	[sflag:s28] =	ssyncadd.s32 $0xFFFFC000  }
0xa6: {  	[spmem:s1] =	stream.indirect.scatter.add.f32 [tilespmem:s25], [sflag:$0x4], $0x80, s13, s22, $0xb8;
	[tilespmem:$0x1E800] =	vst v63  }
0xa7: {  	_ =	swait.ge [sflag:s30], $0x4000  }
0xa8: {  	[sflag:s30] =	ssyncset.done $0x0  }
0xa9: {  	s10 =	simm.s32 $0x14700;
	[sflag:s30] =	ssyncadd.s32 $0xFFFFC000  }
0xaa: {  	[tilespmem:s23], [sflag:$0x1] =	stream.indirect.gather [hbm4b:s4+s22], $0x80, s10, s22, $0xb8;
	[tilespmem:$0x1E800] =	vst v63  }
0xab: {  	_ =	swait.ge [sflag:s0], $0x4000  }
0xac: {  	[sflag:s0] =	ssyncset.done $0x0  }
0xad: {  	s11 =	simm.s32 $0x14780;
	[sflag:s0] =	ssyncadd.s32 $0xFFFFC000  }
0xae: {  	[tilespmem:s25], [sflag:$0x2] =	stream.indirect.gather [hbm4b:s4+s22], $0x80, s11, s22, $0xb8;
	[tilespmem:$0x1E800] =	vst v63  }
0xaf: {  	_ =	swait.ge [sflag:s26], $0x4000  }
0xb0: {  	[sflag:s26] =	ssyncset.done $0x0  }
0xb1: {  	s13 =	simm.s32 $0x15100;
	[sflag:s26] =	ssyncadd.s32 $0xFFFFC000  }
0xb2: {  	[spmem:s1] =	stream.indirect.scatter.add.f32 [tilespmem:s23], [sflag:$0x3], $0x80, s13, s22, $0xb8;
	[tilespmem:$0x1E800] =	vst v63  }
0xb3: {  	_ =	swait.ge [sflag:s28], $0x4000  }
0xb4: {  	[sflag:s28] =	ssyncset.done $0x0  }
0xb5: {  	s10 =	simm.s32 $0x15180;
	[sflag:s28] =	ssyncadd.s32 $0xFFFFC000  }
0xb6: {  	[spmem:s1] =	stream.indirect.scatter.add.f32 [tilespmem:s25], [sflag:$0x4], $0x80, s10, s22, $0xb8;
	[tilespmem:$0x1E800] =	vst v63  }
0xb7: {  	_ =	swait.ge [sflag:s30], $0x4000  }
0xb8: {  	[sflag:s30] =	ssyncset.done $0x0  }
0xb9: {  	s11 =	simm.s32 $0x14800;
	[sflag:s30] =	ssyncadd.s32 $0xFFFFC000  }
0xba: {  	[tilespmem:s23], [sflag:$0x1] =	stream.indirect.gather [hbm4b:s4+s22], $0x80, s11, s22, $0xb8;
	[tilespmem:$0x1E800] =	vst v63  }
0xbb: {  	_ =	swait.ge [sflag:s0], $0x4000  }
0xbc: {  	[sflag:s0] =	ssyncset.done $0x0  }
0xbd: {  	s13 =	simm.s32 $0x14880;
	[sflag:s0] =	ssyncadd.s32 $0xFFFFC000  }
0xbe: {  	[tilespmem:s25], [sflag:$0x2] =	stream.indirect.gather [hbm4b:s4+s22], $0x80, s13, s22, $0xb8;
	[tilespmem:$0x1E800] =	vst v63  }
0xbf: {  	_ =	swait.ge [sflag:s26], $0x4000  }
0xc0: {  	[sflag:s26] =	ssyncset.done $0x0  }
0xc1: {  	s10 =	simm.s32 $0x15200;
	[sflag:s26] =	ssyncadd.s32 $0xFFFFC000  }
0xc2: {  	[spmem:s1] =	stream.indirect.scatter.add.f32 [tilespmem:s23], [sflag:$0x3], $0x80, s10, s22, $0xb8;
	[tilespmem:$0x1E800] =	vst v63  }
0xc3: {  	_ =	swait.ge [sflag:s28], $0x4000  }
0xc4: {  	[sflag:s28] =	ssyncset.done $0x0  }
0xc5: {  	s11 =	simm.s32 $0x15280;
	[sflag:s28] =	ssyncadd.s32 $0xFFFFC000  }
0xc6: {  	[spmem:s1] =	stream.indirect.scatter.add.f32 [tilespmem:s25], [sflag:$0x4], $0x80, s11, s22, $0xb8;
	[tilespmem:$0x1E800] =	vst v63  }
0xc7: {  	_ =	swait.ge [sflag:s30], $0x4000  }
0xc8: {  	[sflag:s30] =	ssyncset.done $0x0  }
0xc9: {  	s13 =	simm.s32 $0x14900;
	[sflag:s30] =	ssyncadd.s32 $0xFFFFC000  }
0xca: {  	[tilespmem:s23], [sflag:$0x1] =	stream.indirect.gather [hbm4b:s4+s22], $0x80, s13, s22, $0xb8;
	[tilespmem:$0x1E800] =	vst v63  }
0xcb: {  	_ =	swait.ge [sflag:s0], $0x4000  }
0xcc: {  	[sflag:s0] =	ssyncset.done $0x0  }
0xcd: {  	s10 =	simm.s32 $0x14980;
	[sflag:s0] =	ssyncadd.s32 $0xFFFFC000  }
0xce: {  	[tilespmem:s25], [sflag:$0x2] =	stream.indirect.gather [hbm4b:s4+s22], $0x80, s10, s22, $0xb8;
	[tilespmem:$0x1E800] =	vst v63  }
0xcf: {  	_ =	swait.ge [sflag:s26], $0x4000  }
0xd0: {  	[sflag:s26] =	ssyncset.done $0x0  }
0xd1: {  	s11 =	simm.s32 $0x15300;
	[sflag:s26] =	ssyncadd.s32 $0xFFFFC000  }
0xd2: {  	[spmem:s1] =	stream.indirect.scatter.add.f32 [tilespmem:s23], [sflag:$0x3], $0x80, s11, s22, $0xb8;
	[tilespmem:$0x1E800] =	vst v63  }
0xd3: {  	_ =	swait.ge [sflag:s28], $0x4000  }
0xd4: {  	[sflag:s28] =	ssyncset.done $0x0  }
0xd5: {  	s13 =	simm.s32 $0x15380;
	[sflag:s28] =	ssyncadd.s32 $0xFFFFC000  }
0xd6: {  	[spmem:s1] =	stream.indirect.scatter.add.f32 [tilespmem:s25], [sflag:$0x4], $0x80, s13, s22, $0xb8;
	[tilespmem:$0x1E800] =	vst v63  }
0xd7: {  	_ =	swait.ge [sflag:s30], $0x4000  }
0xd8: {  	[sflag:s30] =	ssyncset.done $0x0  }
0xd9: {  	[sflag:s30] =	ssyncadd.s32 $0xFFFFC000  }
0xda: {  	_ =	swait.ge [sflag:s0], $0x4000  }
0xdb: {  	[sflag:s0] =	ssyncset.done $0x0  }
0xdc: {  	[sflag:s0] =	ssyncadd.s32 $0xFFFFC000  }
0xdd: {  	_ =	swait.ge [sflag:s12], $0xA00  }
0xde: {  	[sflag:s12] =	ssyncset.done $0x0  }
0xdf: {  	[sflag:s12] =	ssyncadd.s32 $0xFFFFF600  }
0xe0: {  	p0 =	seq.s32 s19, $0x780;
	_ =	swait.ge [sflag:s12], $0xA00  }
0xe1: {  	s8 =	simm.s32 @!p0 $0x14000;
	s10 =	sshrl.u32 @!p0 s9, $0x3;
	[sflag:s12] =	ssyncset.done $0x0  }
0xe2: {  	s11 =	sadd.s32 @!p0 s5, s10;
	s13 =	simm.s32 @!p0 $0x0;
	[sflag:s12] =	ssyncadd.s32 $0xFFFFF600  }
0xe3: {  	[tilespmem:s8], [sflag:$0x5] =	stream.linear.gather @!p0 [hbm4b:s11+s13], $0xA00, $0x38;
	[tilespmem:$0x1E800] =	vst v63  }
0xe4: {  	s8 =	sadd.s32 @!p0 s6, s10;
	s10 =	simm.s32 @!p0 $0x14A00  }
0xe5: {  	[tilespmem:s10], [sflag:$0x5] =	stream.linear.gather @!p0 [hbm4b:s8+s13], $0xA00, $0x38;
	[tilespmem:$0x1E800] =	vst v63  }
0xe6: {  	_ = 	snop  }
0xe7: {  	[tilespmem:s23], [sflag:$0x1] =	stream.indirect.gather [hbm4b:s4+s22], $0x80, s20, s22, $0xb8;
	[tilespmem:$0x1E800] =	vst v63  }
0xe8: {  	s10 =	simm.s32 $0x15480  }
0xe9: {  	[tilespmem:s25], [sflag:$0x2] =	stream.indirect.gather [hbm4b:s4+s22], $0x80, s10, s22, $0xb8;
	[tilespmem:$0x1E800] =	vst v63  }
0xea: {  	_ =	swait.ge [sflag:s26], $0x4000  }
0xeb: {  	[sflag:s26] =	ssyncset.done $0x0  }
0xec: {  	[sflag:s26] =	ssyncadd.s32 $0xFFFFC000  }
0xed: {  	[spmem:s1] =	stream.indirect.scatter.add.f32 [tilespmem:s23], [sflag:$0x3], $0x80, s21, s22, $0xb8;
	[tilespmem:$0x1E800] =	vst v63  }
0xee: {  	_ =	swait.ge [sflag:s28], $0x4000  }
0xef: {  	[sflag:s28] =	ssyncset.done $0x0  }
0xf0: {  	s11 =	simm.s32 $0x15E80;
	[sflag:s28] =	ssyncadd.s32 $0xFFFFC000  }
0xf1: {  	[spmem:s1] =	stream.indirect.scatter.add.f32 [tilespmem:s25], [sflag:$0x4], $0x80, s11, s22, $0xb8;
	[tilespmem:$0x1E800] =	vst v63  }
0xf2: {  	_ =	swait.ge [sflag:s30], $0x4000  }
0xf3: {  	[sflag:s30] =	ssyncset.done $0x0  }
0xf4: {  	s13 =	simm.s32 $0x15500;
	[sflag:s30] =	ssyncadd.s32 $0xFFFFC000  }
0xf5: {  	[tilespmem:s23], [sflag:$0x1] =	stream.indirect.gather [hbm4b:s4+s22], $0x80, s13, s22, $0xb8;
	[tilespmem:$0x1E800] =	vst v63  }
0xf6: {  	_ =	swait.ge [sflag:s0], $0x4000  }
0xf7: {  	[sflag:s0] =	ssyncset.done $0x0  }
0xf8: {  	s10 =	simm.s32 $0x15580;
	[sflag:s0] =	ssyncadd.s32 $0xFFFFC000  }
0xf9: {  	[tilespmem:s25], [sflag:$0x2] =	stream.indirect.gather [hbm4b:s4+s22], $0x80, s10, s22, $0xb8;
	[tilespmem:$0x1E800] =	vst v63  }
0xfa: {  	_ =	swait.ge [sflag:s26], $0x4000  }
0xfb: {  	[sflag:s26] =	ssyncset.done $0x0  }
0xfc: {  	s11 =	simm.s32 $0x15F00;
	[sflag:s26] =	ssyncadd.s32 $0xFFFFC000  }
0xfd: {  	[spmem:s1] =	stream.indirect.scatter.add.f32 [tilespmem:s23], [sflag:$0x3], $0x80, s11, s22, $0xb8;
	[tilespmem:$0x1E800] =	vst v63  }
0xfe: {  	_ =	swait.ge [sflag:s28], $0x4000  }
0xff: {  	[sflag:s28] =	ssyncset.done $0x0  }
0x100: {  	s13 =	simm.s32 $0x15F80;
	[sflag:s28] =	ssyncadd.s32 $0xFFFFC000  }
0x101: {  	[spmem:s1] =	stream.indirect.scatter.add.f32 [tilespmem:s25], [sflag:$0x4], $0x80, s13, s22, $0xb8;
	[tilespmem:$0x1E800] =	vst v63  }
0x102: {  	_ =	swait.ge [sflag:s30], $0x4000  }
0x103: {  	[sflag:s30] =	ssyncset.done $0x0  }
0x104: {  	s10 =	simm.s32 $0x15600;
	[sflag:s30] =	ssyncadd.s32 $0xFFFFC000  }
0x105: {  	[tilespmem:s23], [sflag:$0x1] =	stream.indirect.gather [hbm4b:s4+s22], $0x80, s10, s22, $0xb8;
	[tilespmem:$0x1E800] =	vst v63  }
0x106: {  	_ =	swait.ge [sflag:s0], $0x4000  }
0x107: {  	[sflag:s0] =	ssyncset.done $0x0  }
0x108: {  	s11 =	simm.s32 $0x15680;
	[sflag:s0] =	ssyncadd.s32 $0xFFFFC000  }
0x109: {  	[tilespmem:s25], [sflag:$0x2] =	stream.indirect.gather [hbm4b:s4+s22], $0x80, s11, s22, $0xb8;
	[tilespmem:$0x1E800] =	vst v63  }
0x10a: {  	_ =	swait.ge [sflag:s26], $0x4000  }
0x10b: {  	[sflag:s26] =	ssyncset.done $0x0  }
0x10c: {  	s13 =	simm.s32 $0x16000;
	[sflag:s26] =	ssyncadd.s32 $0xFFFFC000  }
0x10d: {  	[spmem:s1] =	stream.indirect.scatter.add.f32 [tilespmem:s23], [sflag:$0x3], $0x80, s13, s22, $0xb8;
	[tilespmem:$0x1E800] =	vst v63  }
0x10e: {  	_ =	swait.ge [sflag:s28], $0x4000  }
0x10f: {  	[sflag:s28] =	ssyncset.done $0x0  }
0x110: {  	s10 =	simm.s32 $0x16080;
	[sflag:s28] =	ssyncadd.s32 $0xFFFFC000  }
0x111: {  	[spmem:s1] =	stream.indirect.scatter.add.f32 [tilespmem:s25], [sflag:$0x4], $0x80, s10, s22, $0xb8;
	[tilespmem:$0x1E800] =	vst v63  }
0x112: {  	_ =	swait.ge [sflag:s30], $0x4000  }
0x113: {  	[sflag:s30] =	ssyncset.done $0x0  }
0x114: {  	s11 =	simm.s32 $0x15700;
	[sflag:s30] =	ssyncadd.s32 $0xFFFFC000  }
0x115: {  	[tilespmem:s23], [sflag:$0x1] =	stream.indirect.gather [hbm4b:s4+s22], $0x80, s11, s22, $0xb8;
	[tilespmem:$0x1E800] =	vst v63  }
0x116: {  	_ =	swait.ge [sflag:s0], $0x4000  }
0x117: {  	[sflag:s0] =	ssyncset.done $0x0  }
0x118: {  	s13 =	simm.s32 $0x15780;
	[sflag:s0] =	ssyncadd.s32 $0xFFFFC000  }
0x119: {  	[tilespmem:s25], [sflag:$0x2] =	stream.indirect.gather [hbm4b:s4+s22], $0x80, s13, s22, $0xb8;
	[tilespmem:$0x1E800] =	vst v63  }
0x11a: {  	_ =	swait.ge [sflag:s26], $0x4000  }
0x11b: {  	[sflag:s26] =	ssyncset.done $0x0  }
0x11c: {  	s10 =	simm.s32 $0x16100;
	[sflag:s26] =	ssyncadd.s32 $0xFFFFC000  }
0x11d: {  	[spmem:s1] =	stream.indirect.scatter.add.f32 [tilespmem:s23], [sflag:$0x3], $0x80, s10, s22, $0xb8;
	[tilespmem:$0x1E800] =	vst v63  }
0x11e: {  	_ =	swait.ge [sflag:s28], $0x4000  }
0x11f: {  	[sflag:s28] =	ssyncset.done $0x0  }
0x120: {  	s11 =	simm.s32 $0x16180;
	[sflag:s28] =	ssyncadd.s32 $0xFFFFC000  }
0x121: {  	[spmem:s1] =	stream.indirect.scatter.add.f32 [tilespmem:s25], [sflag:$0x4], $0x80, s11, s22, $0xb8;
	[tilespmem:$0x1E800] =	vst v63  }
0x122: {  	_ =	swait.ge [sflag:s30], $0x4000  }
0x123: {  	[sflag:s30] =	ssyncset.done $0x0  }
0x124: {  	s13 =	simm.s32 $0x15800;
	[sflag:s30] =	ssyncadd.s32 $0xFFFFC000  }
0x125: {  	[tilespmem:s23], [sflag:$0x1] =	stream.indirect.gather [hbm4b:s4+s22], $0x80, s13, s22, $0xb8;
	[tilespmem:$0x1E800] =	vst v63  }
0x126: {  	_ =	swait.ge [sflag:s0], $0x4000  }
0x127: {  	[sflag:s0] =	ssyncset.done $0x0  }
0x128: {  	s10 =	simm.s32 $0x15880;
	[sflag:s0] =	ssyncadd.s32 $0xFFFFC000  }
0x129: {  	[tilespmem:s25], [sflag:$0x2] =	stream.indirect.gather [hbm4b:s4+s22], $0x80, s10, s22, $0xb8;
	[tilespmem:$0x1E800] =	vst v63  }
0x12a: {  	_ =	swait.ge [sflag:s26], $0x4000  }
0x12b: {  	[sflag:s26] =	ssyncset.done $0x0  }
0x12c: {  	s11 =	simm.s32 $0x16200;
	[sflag:s26] =	ssyncadd.s32 $0xFFFFC000  }
0x12d: {  	[spmem:s1] =	stream.indirect.scatter.add.f32 [tilespmem:s23], [sflag:$0x3], $0x80, s11, s22, $0xb8;
	[tilespmem:$0x1E800] =	vst v63  }
0x12e: {  	_ =	swait.ge [sflag:s28], $0x4000  }
0x12f: {  	[sflag:s28] =	ssyncset.done $0x0  }
0x130: {  	s13 =	simm.s32 $0x16280;
	[sflag:s28] =	ssyncadd.s32 $0xFFFFC000  }
0x131: {  	[spmem:s1] =	stream.indirect.scatter.add.f32 [tilespmem:s25], [sflag:$0x4], $0x80, s13, s22, $0xb8;
	[tilespmem:$0x1E800] =	vst v63  }
0x132: {  	_ =	swait.ge [sflag:s30], $0x4000  }
0x133: {  	[sflag:s30] =	ssyncset.done $0x0  }
0x134: {  	s10 =	simm.s32 $0x15900;
	[sflag:s30] =	ssyncadd.s32 $0xFFFFC000  }
0x135: {  	[tilespmem:s23], [sflag:$0x1] =	stream.indirect.gather [hbm4b:s4+s22], $0x80, s10, s22, $0xb8;
	[tilespmem:$0x1E800] =	vst v63  }
0x136: {  	_ =	swait.ge [sflag:s0], $0x4000  }
0x137: {  	[sflag:s0] =	ssyncset.done $0x0  }
0x138: {  	s11 =	simm.s32 $0x15980;
	[sflag:s0] =	ssyncadd.s32 $0xFFFFC000  }
0x139: {  	[tilespmem:s25], [sflag:$0x2] =	stream.indirect.gather [hbm4b:s4+s22], $0x80, s11, s22, $0xb8;
	[tilespmem:$0x1E800] =	vst v63  }
0x13a: {  	_ =	swait.ge [sflag:s26], $0x4000  }
0x13b: {  	[sflag:s26] =	ssyncset.done $0x0  }
0x13c: {  	s13 =	simm.s32 $0x16300;
	[sflag:s26] =	ssyncadd.s32 $0xFFFFC000  }
0x13d: {  	[spmem:s1] =	stream.indirect.scatter.add.f32 [tilespmem:s23], [sflag:$0x3], $0x80, s13, s22, $0xb8;
	[tilespmem:$0x1E800] =	vst v63  }
0x13e: {  	_ =	swait.ge [sflag:s28], $0x4000  }
0x13f: {  	[sflag:s28] =	ssyncset.done $0x0  }
0x140: {  	s10 =	simm.s32 $0x16380;
	[sflag:s28] =	ssyncadd.s32 $0xFFFFC000  }
0x141: {  	[spmem:s1] =	stream.indirect.scatter.add.f32 [tilespmem:s25], [sflag:$0x4], $0x80, s10, s22, $0xb8;
	[tilespmem:$0x1E800] =	vst v63  }
0x142: {  	_ =	swait.ge [sflag:s30], $0x4000  }
0x143: {  	[sflag:s30] =	ssyncset.done $0x0  }
0x144: {  	s11 =	simm.s32 $0x15A00;
	[sflag:s30] =	ssyncadd.s32 $0xFFFFC000  }
0x145: {  	[tilespmem:s23], [sflag:$0x1] =	stream.indirect.gather [hbm4b:s4+s22], $0x80, s11, s22, $0xb8;
	[tilespmem:$0x1E800] =	vst v63  }
0x146: {  	_ =	swait.ge [sflag:s0], $0x4000  }
0x147: {  	[sflag:s0] =	ssyncset.done $0x0  }
0x148: {  	s13 =	simm.s32 $0x15A80;
	[sflag:s0] =	ssyncadd.s32 $0xFFFFC000  }
0x149: {  	[tilespmem:s25], [sflag:$0x2] =	stream.indirect.gather [hbm4b:s4+s22], $0x80, s13, s22, $0xb8;
	[tilespmem:$0x1E800] =	vst v63  }
0x14a: {  	_ =	swait.ge [sflag:s26], $0x4000  }
0x14b: {  	[sflag:s26] =	ssyncset.done $0x0  }
0x14c: {  	s10 =	simm.s32 $0x16400;
	[sflag:s26] =	ssyncadd.s32 $0xFFFFC000  }
0x14d: {  	[spmem:s1] =	stream.indirect.scatter.add.f32 [tilespmem:s23], [sflag:$0x3], $0x80, s10, s22, $0xb8;
	[tilespmem:$0x1E800] =	vst v63  }
0x14e: {  	_ =	swait.ge [sflag:s28], $0x4000  }
0x14f: {  	[sflag:s28] =	ssyncset.done $0x0  }
0x150: {  	s11 =	simm.s32 $0x16480;
	[sflag:s28] =	ssyncadd.s32 $0xFFFFC000  }
0x151: {  	[spmem:s1] =	stream.indirect.scatter.add.f32 [tilespmem:s25], [sflag:$0x4], $0x80, s11, s22, $0xb8;
	[tilespmem:$0x1E800] =	vst v63  }
0x152: {  	_ =	swait.ge [sflag:s30], $0x4000  }
0x153: {  	[sflag:s30] =	ssyncset.done $0x0  }
0x154: {  	s13 =	simm.s32 $0x15B00;
	[sflag:s30] =	ssyncadd.s32 $0xFFFFC000  }
0x155: {  	[tilespmem:s23], [sflag:$0x1] =	stream.indirect.gather [hbm4b:s4+s22], $0x80, s13, s22, $0xb8;
	[tilespmem:$0x1E800] =	vst v63  }
0x156: {  	_ =	swait.ge [sflag:s0], $0x4000  }
0x157: {  	[sflag:s0] =	ssyncset.done $0x0  }
0x158: {  	s10 =	simm.s32 $0x15B80;
	[sflag:s0] =	ssyncadd.s32 $0xFFFFC000  }
0x159: {  	[tilespmem:s25], [sflag:$0x2] =	stream.indirect.gather [hbm4b:s4+s22], $0x80, s10, s22, $0xb8;
	[tilespmem:$0x1E800] =	vst v63  }
0x15a: {  	_ =	swait.ge [sflag:s26], $0x4000  }
0x15b: {  	[sflag:s26] =	ssyncset.done $0x0  }
0x15c: {  	s11 =	simm.s32 $0x16500;
	[sflag:s26] =	ssyncadd.s32 $0xFFFFC000  }
0x15d: {  	[spmem:s1] =	stream.indirect.scatter.add.f32 [tilespmem:s23], [sflag:$0x3], $0x80, s11, s22, $0xb8;
	[tilespmem:$0x1E800] =	vst v63  }
0x15e: {  	_ =	swait.ge [sflag:s28], $0x4000  }
0x15f: {  	[sflag:s28] =	ssyncset.done $0x0  }
0x160: {  	s13 =	simm.s32 $0x16580;
	[sflag:s28] =	ssyncadd.s32 $0xFFFFC000  }
0x161: {  	[spmem:s1] =	stream.indirect.scatter.add.f32 [tilespmem:s25], [sflag:$0x4], $0x80, s13, s22, $0xb8;
	[tilespmem:$0x1E800] =	vst v63  }
0x162: {  	_ =	swait.ge [sflag:s30], $0x4000  }
0x163: {  	[sflag:s30] =	ssyncset.done $0x0  }
0x164: {  	[sflag:s30] =	ssyncadd.s32 $0xFFFFC000  }
0x165: {  	[tilespmem:s23], [sflag:$0x1] =	stream.indirect.gather [hbm4b:s4+s22], $0x80, s16, s22, $0xb8;
	[tilespmem:$0x1E800] =	vst v63  }
0x166: {  	_ =	swait.ge [sflag:s0], $0x4000  }
0x167: {  	[sflag:s0] =	ssyncset.done $0x0  }
0x168: {  	[sflag:s0] =	ssyncadd.s32 $0xFFFFC000  }
0x169: {  	[tilespmem:s25], [sflag:$0x2] =	stream.indirect.gather [hbm4b:s4+s22], $0x80, s17, s22, $0xb8;
	[tilespmem:$0x1E800] =	vst v63  }
0x16a: {  	_ =	swait.ge [sflag:s26], $0x4000  }
0x16b: {  	[sflag:s26] =	ssyncset.done $0x0  }
0x16c: {  	[sflag:s26] =	ssyncadd.s32 $0xFFFFC000  }
0x16d: {  	[spmem:s1] =	stream.indirect.scatter.add.f32 [tilespmem:s23], [sflag:$0x3], $0x80, s24, s22, $0xb8;
	[tilespmem:$0x1E800] =	vst v63  }
0x16e: {  	_ =	swait.ge [sflag:s28], $0x4000  }
0x16f: {  	[sflag:s28] =	ssyncset.done $0x0  }
0x170: {  	[sflag:s28] =	ssyncadd.s32 $0xFFFFC000  }
0x171: {  	[spmem:s1] =	stream.indirect.scatter.add.f32 [tilespmem:s25], [sflag:$0x4], $0x80, s29, s22, $0xb8;
	[tilespmem:$0x1E800] =	vst v63  }
0x172: {  	_ =	swait.ge [sflag:s30], $0x4000  }
0x173: {  	[sflag:s30] =	ssyncset.done $0x0  }
0x174: {  	[sflag:s30] =	ssyncadd.s32 $0xFFFFC000  }
0x175: {  	[tilespmem:s23], [sflag:$0x1] =	stream.indirect.gather [hbm4b:s4+s22], $0x80, s31, s22, $0xb8;
	[tilespmem:$0x1E800] =	vst v63  }
0x176: {  	_ =	swait.ge [sflag:s0], $0x4000  }
0x177: {  	[sflag:s0] =	ssyncset.done $0x0  }
0x178: {  	[sflag:s0] =	ssyncadd.s32 $0xFFFFC000  }
0x179: {  	[tilespmem:s25], [sflag:$0x2] =	stream.indirect.gather [hbm4b:s4+s22], $0x80, s2, s22, $0xb8;
	[tilespmem:$0x1E800] =	vst v63  }
0x17a: {  	_ =	swait.ge [sflag:s26], $0x4000  }
0x17b: {  	[sflag:s26] =	ssyncset.done $0x0  }
0x17c: {  	[sflag:s26] =	ssyncadd.s32 $0xFFFFC000  }
0x17d: {  	[spmem:s1] =	stream.indirect.scatter.add.f32 [tilespmem:s23], [sflag:$0x3], $0x80, s18, s22, $0xb8;
	[tilespmem:$0x1E800] =	vst v63  }
0x17e: {  	_ =	swait.ge [sflag:s28], $0x4000  }
0x17f: {  	[sflag:s28] =	ssyncset.done $0x0  }
0x180: {  	[sflag:s28] =	ssyncadd.s32 $0xFFFFC000  }
0x181: {  	[spmem:s1] =	stream.indirect.scatter.add.f32 [tilespmem:s25], [sflag:$0x4], $0x80, s7, s22, $0xb8;
	[tilespmem:$0x1E800] =	vst v63  }
0x182: {  	_ =	swait.ge [sflag:s30], $0x4000  }
.Ltmp2:
0x183: {  	[sflag:s30] =	ssyncset.done $0x0;
	(pc) =	sbr.rel @p0 .LBB2_4-.Ltmp2, $4  }
0x184: {  	[sflag:s30] =	ssyncadd.s32 $0xFFFFC000  }
0x185: {  	_ =	swait.ge [sflag:s0], $0x4000  }
0x186: {  	[sflag:s0] =	ssyncset.done $0x0  }
0x187: {  	[sflag:s0] =	ssyncadd.s32 $0xFFFFC000  }
0x188: {  	_ =	swait.ge [sflag:s12], $0xA00  }
.Ltmp3:
0x189: {  	[sflag:s12] =	ssyncset.done $0x0;
	(pc) =	sbr.rel .LBB2_2-.Ltmp3, $4  }
0x18a: {  	[sflag:s12] =	ssyncadd.s32 $0xFFFFF600  }
0x18b: {  	_ =	swait.ge [sflag:s12], $0xA00  }
0x18c: {  	[sflag:s12] =	ssyncset.done $0x0  }
0x18d: {  	s9 =	sadd.s32 $0x1400, s9;
	s19 =	sadd.s32 $0x280, s19;
	[sflag:s12] =	ssyncadd.s32 $0xFFFFF600  }
.LBB2_5:
0x18e: {  	_ =	sfence.sel $0x180000  }
0x18f: {  	[bflag:$0x0] =	sbarrier.arrive $0xFFFF  }
0x190: {  	_ =	strace $0x90000050  }
0x191: {  	s0 =	stileid.u32;
	[bflag:$0x2] =	sbarrier.arrive $0xFFFF  }
0x192: {  	p0 =	sne.s32 s0, $0x0;
	s0 =	rddreg [dreg:$0x2]  }
0x193: {  	s0 =	sadd.s32 @!p0 $0x100000, s0  }
0x194: {  	[sflag:s0] =	ssyncadd.tile.s32 @!p0 $0x1;
	_ =	shalt  }
.Lfunc_end2:
_tile_overlayer_lowered:
.L_overlay_start_2:
0x195: {  	(tag) =	ssettag $0x2  }
0x196: {  	s0 =	rddreg [dreg:$0x0];
	s2 =	stileid.u32  }
0x197: {  	s1 =	rddreg [dreg:$0x1];
	p0 =	sne.s32 s2, $0x0  }
0x198: {  	s3 =	rddreg [dreg:$0x2];
	[bflag:$0x3] =	sbarrier.arrive $0xFFFF;
	s2 =	simm.s32 @!p0 $0x1C06  }
0x199: {  	[timem:s3], [sflag:s2] =	dma.local @!p0 [hbm:s0], s1  }
0x19a: {  	s0 =	simm.s32 @!p0 $0x6  }
0x19b: {  	_ =	swait.ge @!p0 [sflag:s0], s1  }
0x19c: {  	s1 =	ssub.s32 @!p0 $0x0, s1;
	[sflag:s0] =	ssyncset.done @!p0 $0x0  }
0x19d: {  	[sflag:s0] =	ssyncadd.s32 @!p0 s1  }
0x19e: {  	[bflag:$0x3] =	sbarrier.arrive $0xFFFF  }
0x19f: {  	_ =	shalt  }

</sc_bundles>
